<compile_context>
chip_gen: v7x
topology: tpu7x:2x2x1
jax: 0.10.2.dev20260603
libtpu: 0.0.44.dev20260713+nightly
codegen_flags: <defaults>
</compile_context>

<pallas_src>
import jax
import jax.numpy as jnp
from jax import lax
from jax.experimental import pallas as pl
from jax.experimental.pallas import tpu as pltpu
from jax.experimental.pallas import tpu_sc as plsc

D = 128
K = 16
NC, NS = 2, 16
NW = NC * NS
SB = 8
IDX = SB * K
NBUF = 4
SPG = 8
GN = SB * SPG


def _sc_gather_body(nodes_hbm, neig_hbm, feats_hbm, self_out, sum_out, *scr):
    sidx_v, nidx_v = scr[0], scr[1]
    nrows = scr[2:2 + NBUF]
    srows = scr[2 + NBUF:4 + NBUF]
    accs = scr[4 + NBUF:6 + NBUF]
    sgs = scr[6 + NBUF:6 + 2 * NBUF]
    sss = scr[6 + 2 * NBUF:8 + 2 * NBUF]
    sts = scr[8 + 2 * NBUF:10 + 2 * NBUF]
    bpw = self_out.shape[0] // NW
    steps = bpw // SB
    groups = bpw // GN
    last = steps - 1
    wid = lax.axis_index("s") * NC + lax.axis_index("c")
    base = wid * bpw

    pltpu.sync_copy(nodes_hbm.at[pl.ds(base, bpw)], sidx_v)
    pltpu.sync_copy(neig_hbm.at[pl.ds(base * K, bpw * K)], nidx_v)

    def fire_neigh(k, slot):
        kk = jnp.minimum(k, last)
        pltpu.make_async_copy(
            feats_hbm.at[nidx_v.at[pl.ds(kk * IDX, IDX)]],
            nrows[slot], sgs[slot]).start()

    def wait_neigh(slot):
        pltpu.make_async_copy(
            feats_hbm.at[nidx_v.at[pl.ds(0, IDX)]],
            nrows[slot], sgs[slot]).wait()

    def fire_self(g, p):
        pltpu.make_async_copy(
            feats_hbm.at[sidx_v.at[pl.ds(g * GN, GN)]],
            srows[p], sss[p]).start()

    def wait_self(p):
        pltpu.make_async_copy(
            feats_hbm.at[sidx_v.at[pl.ds(0, GN)]],
            srows[p], sss[p]).wait()

    def fire_store(g, p):
        gb = base + g * GN
        pltpu.make_async_copy(accs[p], sum_out.at[pl.ds(gb, GN)],
                              sts[p]).start()
        pltpu.make_async_copy(srows[p], self_out.at[pl.ds(gb, GN)],
                              sts[p]).start()

    def wait_store(p):
        pltpu.make_async_copy(accs[p], sum_out.at[pl.ds(0, GN)],
                              sts[p]).wait()
        pltpu.make_async_copy(srows[p], self_out.at[pl.ds(0, GN)],
                              sts[p]).wait()

    def compute_step(s, slot, p):
        nb = nrows[slot]
        ab = accs[p]

        def node(n, c0):
            row = n * K
            outr = s * SB + n

            def chunk(c, c1):
                v = nb[row, pl.ds(c * 16, 16)]
                for j in range(1, K):
                    v = v + nb[row + j, pl.ds(c * 16, 16)]
                ab[outr, pl.ds(c * 16, 16)] = v
                return c1
            return lax.fori_loop(0, D // 16, chunk, c0, unroll=False)
        lax.fori_loop(0, SB, node, 0, unroll=False)

    def run_group(g, p):
        def cycle(cyc, carry):
            for i in range(NBUF):
                wait_neigh(i)
                compute_step(cyc * NBUF + i, i, p)
                fire_neigh(g * SPG + cyc * NBUF + i + NBUF, i)
            return carry
        lax.fori_loop(0, SPG // NBUF, cycle, 0, unroll=False)
        wait_self(p)
        fire_store(g, p)

    for kk in range(NBUF):
        fire_neigh(kk, kk)
    fire_self(0, 0)
    fire_self(1, 1)
    for u in range(2):
        run_group(u, u)

    def pair_body(t, carry):
        for u in range(2):
            g = 2 * t + u
            wait_store(u)
            fire_self(g, u)
            run_group(g, u)
        return carry
    lax.fori_loop(1, groups // 2, pair_body, 0, unroll=False)

    for slot in range(NBUF):
        wait_neigh(slot)
    wait_store(0)
    wait_store(1)


def _make_sc_gather(b_pad):
    bpw = b_pad // NW
    mesh = plsc.VectorSubcoreMesh(core_axis_name="c", subcore_axis_name="s",
                                  num_cores=NC, num_subcores=NS)
    return pl.kernel(
        _sc_gather_body,
        out_type=[
            jax.ShapeDtypeStruct((b_pad, D), jnp.float32),
            jax.ShapeDtypeStruct((b_pad, D), jnp.float32),
        ],
        mesh=mesh,
        scratch_types=[
            pltpu.VMEM((bpw,), jnp.int32),
            pltpu.VMEM((bpw * K,), jnp.int32),
            *[pltpu.VMEM((IDX, D), jnp.float32) for _ in range(NBUF)],
            pltpu.VMEM((GN, D), jnp.float32),
            pltpu.VMEM((GN, D), jnp.float32),
            pltpu.VMEM((GN, D), jnp.float32),
            pltpu.VMEM((GN, D), jnp.float32),
            *([pltpu.SemaphoreType.DMA] * NBUF),
            pltpu.SemaphoreType.DMA,
            pltpu.SemaphoreType.DMA,
            pltpu.SemaphoreType.DMA,
            pltpu.SemaphoreType.DMA,
        ],
    )


def _mm_body(self_ref, sum_ref, ws_ref, wn_ref, out_ref):
    acc = jnp.dot(self_ref[...], ws_ref[...],
                  preferred_element_type=jnp.float32)
    acc += jnp.dot(sum_ref[...], wn_ref[...] * (1.0 / K),
                   preferred_element_type=jnp.float32)
    out_ref[...] = jnp.maximum(acc, 0.0)


def _mm(self_feats, neigh_sum, w_self, w_neigh, bm):
    b = self_feats.shape[0]
    return pl.pallas_call(
        _mm_body,
        grid=(b // bm,),
        in_specs=[
            pl.BlockSpec((bm, D), lambda i: (i, 0)),
            pl.BlockSpec((bm, D), lambda i: (i, 0)),
            pl.BlockSpec((D, D), lambda i: (0, 0)),
            pl.BlockSpec((D, D), lambda i: (0, 0)),
        ],
        out_specs=pl.BlockSpec((bm, D), lambda i: (i, 0)),
        out_shape=jax.ShapeDtypeStruct((b, D), jnp.float32),
    )(self_feats, neigh_sum, w_self, w_neigh)


@jax.jit
def kernel(nodes, neig_nodes, feats, W_self, W_neigh):
    b = nodes.shape[0]
    bm = 2048
    b_pad = -(-b // bm) * bm
    nodes_p = jnp.zeros((b_pad,), jnp.int32).at[:b].set(nodes.astype(jnp.int32))
    neig_p = jnp.zeros((b_pad * K,), jnp.int32).at[:b * K].set(
        neig_nodes.reshape(-1).astype(jnp.int32))
    self_feats, neigh_sum = _make_sc_gather(b_pad)(nodes_p, neig_p, feats)
    out = _mm(self_feats, neigh_sum, W_self, W_neigh, bm=bm)
    return out[:b]

# --- scband reference (transcript-rebuilt; emitter-appended) ---
"""Pipeline reference for scband-sagelayer-36490042147194 (READ-ONLY COPY).

The authoritative reference and input builder live on the scoring server;
editing this copy changes nothing except your own understanding.
"""

import jax, jax.numpy as jnp
import numpy as np


def setup_inputs(seed: int = 0) -> dict:
    key = jax.random.key(seed)
    k1, k2, k3, k4, k5 = jax.random.split(key, 5)
    nodes = jax.random.randint(k1, (20000,), 0, 100000)
    neig_nodes = jax.random.randint(k2, (20000, 16), 0, 100000)
    feats = jax.random.normal(k3, (100000, 128), dtype=jnp.float32)
    # MeanAggregator learned params: separate linear maps for self and neighbor-mean
    W_self = jax.random.normal(k4, (128, 128), dtype=jnp.float32) * 0.05
    W_neigh = jax.random.normal(k5, (128, 128), dtype=jnp.float32) * 0.05
    return {"nodes": nodes, "neig_nodes": neig_nodes, "feats": feats,
            "W_self": W_self, "W_neigh": W_neigh}


def reference(nodes, neig_nodes, feats, W_self, W_neigh):
    # The torch sub-batch loop just slices and re-concats along dim 0, so a
    # single full-batch pass is mathematically identical.
    # gather self features: (B, d)
    self_feats = jnp.take(feats, nodes, axis=0)
    # gather neighbor features: flatten then reshape, as in the torch code
    a, b = neig_nodes.shape
    flat = neig_nodes.reshape(-1)
    neighbor_feats = jnp.take(feats, flat, axis=0).reshape(a, b, -1)
    # MeanAggregator: mean over neighbors, two linear maps, sum (concat=False),
    # no bias, ReLU activation (activation=True)
    neigh_mean = jnp.mean(neighbor_feats, axis=1)
    out = self_feats @ W_self + neigh_mean @ W_neigh
    out = jax.nn.relu(out)
    return out

if __name__ == "__main__":
    import jax
    _d = setup_inputs()
    print(jax.jit(kernel)(*tuple(_d.values())))

</pallas_src>

<mosaic_0001>
#map = affine_map<(d0, d1) -> (0)>
#map1 = affine_map<(d0, d1) -> (0, 0)>
module attributes {stable_mosaic.version = 14 : i64} {
  func.func @_sc_gather_body(%arg0: i32, %arg1: i32, %arg2: memref<20480xi32, #tpu.memory_space<hbm>>, %arg3: memref<327680xi32, #tpu.memory_space<hbm>>, %arg4: memref<100000x128xf32, #tpu.memory_space<hbm>>, %arg5: memref<20480x128xf32, #tpu.memory_space<hbm>>, %arg6: memref<20480x128xf32, #tpu.memory_space<hbm>>, %arg7: memref<640xi32, #tpu.memory_space<vmem>>, %arg8: memref<10240xi32, #tpu.memory_space<vmem>>, %arg9: memref<128x128xf32, #tpu.memory_space<vmem>>, %arg10: memref<128x128xf32, #tpu.memory_space<vmem>>, %arg11: memref<128x128xf32, #tpu.memory_space<vmem>>, %arg12: memref<128x128xf32, #tpu.memory_space<vmem>>, %arg13: memref<64x128xf32, #tpu.memory_space<vmem>>, %arg14: memref<64x128xf32, #tpu.memory_space<vmem>>, %arg15: memref<64x128xf32, #tpu.memory_space<vmem>>, %arg16: memref<64x128xf32, #tpu.memory_space<vmem>>, %arg17: memref<!tpu.dma_semaphore, #tpu.memory_space<semaphore_mem>>, %arg18: memref<!tpu.dma_semaphore, #tpu.memory_space<semaphore_mem>>, %arg19: memref<!tpu.dma_semaphore, #tpu.memory_space<semaphore_mem>>, %arg20: memref<!tpu.dma_semaphore, #tpu.memory_space<semaphore_mem>>, %arg21: memref<!tpu.dma_semaphore, #tpu.memory_space<semaphore_mem>>, %arg22: memref<!tpu.dma_semaphore, #tpu.memory_space<semaphore_mem>>, %arg23: memref<!tpu.dma_semaphore, #tpu.memory_space<semaphore_mem>>, %arg24: memref<!tpu.dma_semaphore, #tpu.memory_space<semaphore_mem>>) attributes {dimension_semantics = [#tpu.dimension_semantics<core_parallel>, #tpu.dimension_semantics<subcore_parallel>], iteration_bounds = array<i64: 2, 16>, scalar_prefetch = 0 : i64, scratch_operands = 18 : i64, tpu.core_type = #tpu.core_type<sc_vector_subcore>, window_params = [{transform_indices = #map}, {transform_indices = #map}, {transform_indices = #map1}, {transform_indices = #map1}, {transform_indices = #map1}]} {
    %mul3A = arith.constant 2 : i32
    %mul3A_0 = arith.muli %arg1, %mul3A : i32
    %add3A = arith.addi %mul3A_0, %arg0 : i32
    %mul3A_1 = arith.constant 640 : i32
    %mul3A_2 = arith.muli %add3A, %mul3A_1 : i32
    "tpu.region"() ({
      %run_scoped3A = tpu.sem_alloc : memref<!tpu.dma_semaphore, #tpu.memory_space<semaphore_mem>>
      %dma_start3A_139 = tpu.memref_slice %arg2[%mul3A_2] : memref<20480xi32, #tpu.memory_space<hbm>> -> memref<640xi32, #tpu.memory_space<hbm>>
      %dma_start3A_140 = tpu.memref_slice %arg2[%mul3A_2] : memref<20480xi32, #tpu.memory_space<hbm>> -> memref<640xi32, #tpu.memory_space<hbm>>
      tpu.enqueue_dma source(%dma_start3A_140 : memref<640xi32, #tpu.memory_space<hbm>>) target(%arg7 : memref<640xi32, #tpu.memory_space<vmem>>) target_semaphore(%run_scoped3A : memref<!tpu.dma_semaphore, #tpu.memory_space<semaphore_mem>>)
      %dma_wait3A_141 = tpu.memref_slice %arg2[%mul3A_2] : memref<20480xi32, #tpu.memory_space<hbm>> -> memref<640xi32, #tpu.memory_space<hbm>>
      %dma_wait3A_142 = tpu.memref_slice %arg2[%mul3A_2] : memref<20480xi32, #tpu.memory_space<hbm>> -> memref<640xi32, #tpu.memory_space<hbm>>
      tpu.wait_dma2 semaphore(%run_scoped3A : memref<!tpu.dma_semaphore, #tpu.memory_space<semaphore_mem>>) src(%dma_wait3A_142 : memref<640xi32, #tpu.memory_space<hbm>>) dst(%arg7 : memref<640xi32, #tpu.memory_space<vmem>>)
      tpu.yield
    }) : () -> ()
    %mul3A_3 = arith.constant 16 : i32
    %mul3A_4 = arith.muli %mul3A_2, %mul3A_3 : i32
    "tpu.region"() ({
      %run_scoped3A = tpu.sem_alloc : memref<!tpu.dma_semaphore, #tpu.memory_space<semaphore_mem>>
      %dma_start3A_139 = tpu.memref_slice %arg3[%mul3A_4] : memref<327680xi32, #tpu.memory_space<hbm>> -> memref<10240xi32, #tpu.memory_space<hbm>>
      %dma_start3A_140 = tpu.memref_slice %arg3[%mul3A_4] : memref<327680xi32, #tpu.memory_space<hbm>> -> memref<10240xi32, #tpu.memory_space<hbm>>
      tpu.enqueue_dma source(%dma_start3A_140 : memref<10240xi32, #tpu.memory_space<hbm>>) target(%arg8 : memref<10240xi32, #tpu.memory_space<vmem>>) target_semaphore(%run_scoped3A : memref<!tpu.dma_semaphore, #tpu.memory_space<semaphore_mem>>)
      %dma_wait3A_141 = tpu.memref_slice %arg3[%mul3A_4] : memref<327680xi32, #tpu.memory_space<hbm>> -> memref<10240xi32, #tpu.memory_space<hbm>>
      %dma_wait3A_142 = tpu.memref_slice %arg3[%mul3A_4] : memref<327680xi32, #tpu.memory_space<hbm>> -> memref<10240xi32, #tpu.memory_space<hbm>>
      tpu.wait_dma2 semaphore(%run_scoped3A : memref<!tpu.dma_semaphore, #tpu.memory_space<semaphore_mem>>) src(%dma_wait3A_142 : memref<10240xi32, #tpu.memory_space<hbm>>) dst(%arg8 : memref<10240xi32, #tpu.memory_space<vmem>>)
      tpu.yield
    }) : () -> ()
    %min3A = arith.constant 0 : i32
    %min3A_5 = arith.constant 79 : i32
    %min3A_6 = arith.minsi %min3A, %min3A_5 : i32
    %mul3A_7 = arith.constant 128 : i32
    %mul3A_8 = arith.muli %min3A_6, %mul3A_7 : i32
    %dma_start3A = tpu.memref_slice %arg8[%mul3A_8] : memref<10240xi32, #tpu.memory_space<vmem>> -> memref<128xi32, #tpu.memory_space<vmem>>
    %dma_start3A_9 = arith.constant 0 : i32
    %dma_start3A_10 = arith.constant 0 : i32
    %dma_start3A_11 = tpu.memref_slice %arg4[%dma_start3A_9, %dma_start3A_10] : memref<100000x128xf32, #tpu.memory_space<hbm>> -> memref<100000x128xf32, #tpu.memory_space<hbm>>
    tpu.enqueue_indirect_dma source(%dma_start3A_11 : memref<100000x128xf32, #tpu.memory_space<hbm>>) target(%arg9 : memref<128x128xf32, #tpu.memory_space<vmem>>) offsets(%dma_start3A : memref<128xi32, #tpu.memory_space<vmem>>) semaphore(%arg17 : memref<!tpu.dma_semaphore, #tpu.memory_space<semaphore_mem>>)
    %min3A_12 = arith.constant 1 : i32
    %min3A_13 = arith.constant 79 : i32
    %min3A_14 = arith.minsi %min3A_12, %min3A_13 : i32
    %mul3A_15 = arith.constant 128 : i32
    %mul3A_16 = arith.muli %min3A_14, %mul3A_15 : i32
    %dma_start3A_17 = tpu.memref_slice %arg8[%mul3A_16] : memref<10240xi32, #tpu.memory_space<vmem>> -> memref<128xi32, #tpu.memory_space<vmem>>
    %dma_start3A_18 = arith.constant 0 : i32
    %dma_start3A_19 = arith.constant 0 : i32
    %dma_start3A_20 = tpu.memref_slice %arg4[%dma_start3A_18, %dma_start3A_19] : memref<100000x128xf32, #tpu.memory_space<hbm>> -> memref<100000x128xf32, #tpu.memory_space<hbm>>
    tpu.enqueue_indirect_dma source(%dma_start3A_20 : memref<100000x128xf32, #tpu.memory_space<hbm>>) target(%arg10 : memref<128x128xf32, #tpu.memory_space<vmem>>) offsets(%dma_start3A_17 : memref<128xi32, #tpu.memory_space<vmem>>) semaphore(%arg18 : memref<!tpu.dma_semaphore, #tpu.memory_space<semaphore_mem>>)
    %min3A_21 = arith.constant 2 : i32
    %min3A_22 = arith.constant 79 : i32
    %min3A_23 = arith.minsi %min3A_21, %min3A_22 : i32
    %mul3A_24 = arith.constant 128 : i32
    %mul3A_25 = arith.muli %min3A_23, %mul3A_24 : i32
    %dma_start3A_26 = tpu.memref_slice %arg8[%mul3A_25] : memref<10240xi32, #tpu.memory_space<vmem>> -> memref<128xi32, #tpu.memory_space<vmem>>
    %dma_start3A_27 = arith.constant 0 : i32
    %dma_start3A_28 = arith.constant 0 : i32
    %dma_start3A_29 = tpu.memref_slice %arg4[%dma_start3A_27, %dma_start3A_28] : memref<100000x128xf32, #tpu.memory_space<hbm>> -> memref<100000x128xf32, #tpu.memory_space<hbm>>
    tpu.enqueue_indirect_dma source(%dma_start3A_29 : memref<100000x128xf32, #tpu.memory_space<hbm>>) target(%arg11 : memref<128x128xf32, #tpu.memory_space<vmem>>) offsets(%dma_start3A_26 : memref<128xi32, #tpu.memory_space<vmem>>) semaphore(%arg19 : memref<!tpu.dma_semaphore, #tpu.memory_space<semaphore_mem>>)
    %min3A_30 = arith.constant 3 : i32
    %min3A_31 = arith.constant 79 : i32
    %min3A_32 = arith.minsi %min3A_30, %min3A_31 : i32
    %mul3A_33 = arith.constant 128 : i32
    %mul3A_34 = arith.muli %min3A_32, %mul3A_33 : i32
    %dma_start3A_35 = tpu.memref_slice %arg8[%mul3A_34] : memref<10240xi32, #tpu.memory_space<vmem>> -> memref<128xi32, #tpu.memory_space<vmem>>
    %dma_start3A_36 = arith.constant 0 : i32
    %dma_start3A_37 = arith.constant 0 : i32
    %dma_start3A_38 = tpu.memref_slice %arg4[%dma_start3A_36, %dma_start3A_37] : memref<100000x128xf32, #tpu.memory_space<hbm>> -> memref<100000x128xf32, #tpu.memory_space<hbm>>
    tpu.enqueue_indirect_dma source(%dma_start3A_38 : memref<100000x128xf32, #tpu.memory_space<hbm>>) target(%arg12 : memref<128x128xf32, #tpu.memory_space<vmem>>) offsets(%dma_start3A_35 : memref<128xi32, #tpu.memory_space<vmem>>) semaphore(%arg20 : memref<!tpu.dma_semaphore, #tpu.memory_space<semaphore_mem>>)
    %dma_start3A_39 = arith.constant 0 : i32
    %dma_start3A_40 = tpu.memref_slice %arg7[%dma_start3A_39] : memref<640xi32, #tpu.memory_space<vmem>> -> memref<64xi32, #tpu.memory_space<vmem>>
    %dma_start3A_41 = arith.constant 0 : i32
    %dma_start3A_42 = arith.constant 0 : i32
    %dma_start3A_43 = tpu.memref_slice %arg4[%dma_start3A_41, %dma_start3A_42] : memref<100000x128xf32, #tpu.memory_space<hbm>> -> memref<100000x128xf32, #tpu.memory_space<hbm>>
    tpu.enqueue_indirect_dma source(%dma_start3A_43 : memref<100000x128xf32, #tpu.memory_space<hbm>>) target(%arg13 : memref<64x128xf32, #tpu.memory_space<vmem>>) offsets(%dma_start3A_40 : memref<64xi32, #tpu.memory_space<vmem>>) semaphore(%arg21 : memref<!tpu.dma_semaphore, #tpu.memory_space<semaphore_mem>>)
    %dma_start3A_44 = arith.constant 64 : i32
    %dma_start3A_45 = tpu.memref_slice %arg7[%dma_start3A_44] : memref<640xi32, #tpu.memory_space<vmem>> -> memref<64xi32, #tpu.memory_space<vmem>>
    %dma_start3A_46 = arith.constant 0 : i32
    %dma_start3A_47 = arith.constant 0 : i32
    %dma_start3A_48 = tpu.memref_slice %arg4[%dma_start3A_46, %dma_start3A_47] : memref<100000x128xf32, #tpu.memory_space<hbm>> -> memref<100000x128xf32, #tpu.memory_space<hbm>>
    tpu.enqueue_indirect_dma source(%dma_start3A_48 : memref<100000x128xf32, #tpu.memory_space<hbm>>) target(%arg14 : memref<64x128xf32, #tpu.memory_space<vmem>>) offsets(%dma_start3A_45 : memref<64xi32, #tpu.memory_space<vmem>>) semaphore(%arg22 : memref<!tpu.dma_semaphore, #tpu.memory_space<semaphore_mem>>)
    %scan3A = arith.constant 0 : i32
    %scan3A_49 = arith.constant 0 : i32
    %scan3A_50 = arith.constant 2 : i32
    %scan3A_51 = arith.addi %scan3A_49, %scan3A_50 : i32
    %scan3A_52 = arith.constant 1 : i32
    scf.for %scan3A_139 = %scan3A_49 to %scan3A_51 step %scan3A_52  : i32 {
      %dma_wait3A_140 = arith.constant 0 : i32
      %dma_wait3A_141 = tpu.memref_slice %arg8[%dma_wait3A_140] : memref<10240xi32, #tpu.memory_space<vmem>> -> memref<128xi32, #tpu.memory_space<vmem>>
      %dma_wait3A_142 = arith.constant 0 : i32
      %dma_wait3A_143 = arith.constant 0 : i32
      %dma_wait3A_144 = tpu.memref_slice %arg4[%dma_wait3A_142, %dma_wait3A_143] : memref<100000x128xf32, #tpu.memory_space<hbm>> -> memref<100000x128xf32, #tpu.memory_space<hbm>>
      tpu.wait_indirect_dma semaphore(%arg17 : memref<!tpu.dma_semaphore, #tpu.memory_space<semaphore_mem>>) src(%dma_wait3A_144 : memref<100000x128xf32, #tpu.memory_space<hbm>>) dst(%arg9 : memref<128x128xf32, #tpu.memory_space<vmem>>)
      %mul3A_145 = arith.constant 4 : i32
      %mul3A_146 = arith.muli %scan3A_139, %mul3A_145 : i32
      %add3A_147 = arith.constant 0 : i32
      %add3A_148 = arith.addi %mul3A_146, %add3A_147 : i32
      %scan3A_149 = arith.constant 0 : i32
      %scan3A_150 = arith.constant 0 : i32
      %scan3A_151 = arith.constant 8 : i32
      %scan3A_152 = arith.addi %scan3A_150, %scan3A_151 : i32
      %scan3A_153 = arith.constant 1 : i32
      scf.for %scan3A_264 = %scan3A_150 to %scan3A_152 step %scan3A_153  : i32 {
        %mul3A_265 = arith.constant 16 : i32
        %mul3A_266 = arith.muli %scan3A_264, %mul3A_265 : i32
        %mul3A_267 = arith.constant 8 : i32
        %mul3A_268 = arith.muli %add3A_148, %mul3A_267 : i32
        %add3A_269 = arith.addi %mul3A_268, %scan3A_264 : i32
        %scan3A_270 = arith.constant 0 : i32
        %scan3A_271 = arith.constant 8 : i32
        %scan3A_272 = arith.addi %scan3A_270, %scan3A_271 : i32
        %scan3A_273 = arith.constant 1 : i32
        scf.for %scan3A_275 = %scan3A_270 to %scan3A_272 step %scan3A_273  : i32 {
          %mul3A_276 = arith.constant 16 : i32
          %mul3A_277 = arith.muli %scan3A_275, %mul3A_276 : i32
          %get3A = arith.index_cast %mul3A_266 : i32 to index
          %get3A_278 = arith.index_cast %mul3A_277 : i32 to index
          %get3A_279 = tpu.vector_load %arg9[%get3A, %get3A_278] {strides = array<i32>} : memref<128x128xf32, #tpu.memory_space<vmem>>, vector<1x16xf32>,
          %get3A_280 = vector.shape_cast %get3A_279 : vector<1x16xf32> to vector<16xf32>
          %add3A_281 = arith.constant 1 : i32
          %add3A_282 = arith.addi %mul3A_266, %add3A_281 : i32
          %mul3A_283 = arith.constant 16 : i32
          %mul3A_284 = arith.muli %scan3A_275, %mul3A_283 : i32
          %get3A_285 = arith.index_cast %add3A_282 : i32 to index
          %get3A_286 = arith.index_cast %mul3A_284 : i32 to index
          %get3A_287 = tpu.vector_load %arg9[%get3A_285, %get3A_286] {strides = array<i32>} : memref<128x128xf32, #tpu.memory_space<vmem>>, vector<1x16xf32>,
          %get3A_288 = vector.shape_cast %get3A_287 : vector<1x16xf32> to vector<16xf32>
          %add3A_289 = arith.addf %get3A_280, %get3A_288 : vector<16xf32>
          %add3A_290 = arith.constant 2 : i32
          %add3A_291 = arith.addi %mul3A_266, %add3A_290 : i32
          %mul3A_292 = arith.constant 16 : i32
          %mul3A_293 = arith.muli %scan3A_275, %mul3A_292 : i32
          %get3A_294 = arith.index_cast %add3A_291 : i32 to index
          %get3A_295 = arith.index_cast %mul3A_293 : i32 to index
          %get3A_296 = tpu.vector_load %arg9[%get3A_294, %get3A_295] {strides = array<i32>} : memref<128x128xf32, #tpu.memory_space<vmem>>, vector<1x16xf32>,
          %get3A_297 = vector.shape_cast %get3A_296 : vector<1x16xf32> to vector<16xf32>
          %add3A_298 = arith.addf %add3A_289, %get3A_297 : vector<16xf32>
          %add3A_299 = arith.constant 3 : i32
          %add3A_300 = arith.addi %mul3A_266, %add3A_299 : i32
          %mul3A_301 = arith.constant 16 : i32
          %mul3A_302 = arith.muli %scan3A_275, %mul3A_301 : i32
          %get3A_303 = arith.index_cast %add3A_300 : i32 to index
          %get3A_304 = arith.index_cast %mul3A_302 : i32 to index
          %get3A_305 = tpu.vector_load %arg9[%get3A_303, %get3A_304] {strides = array<i32>} : memref<128x128xf32, #tpu.memory_space<vmem>>, vector<1x16xf32>,
          %get3A_306 = vector.shape_cast %get3A_305 : vector<1x16xf32> to vector<16xf32>
          %add3A_307 = arith.addf %add3A_298, %get3A_306 : vector<16xf32>
          %add3A_308 = arith.constant 4 : i32
          %add3A_309 = arith.addi %mul3A_266, %add3A_308 : i32
          %mul3A_310 = arith.constant 16 : i32
          %mul3A_311 = arith.muli %scan3A_275, %mul3A_310 : i32
          %get3A_312 = arith.index_cast %add3A_309 : i32 to index
          %get3A_313 = arith.index_cast %mul3A_311 : i32 to index
          %get3A_314 = tpu.vector_load %arg9[%get3A_312, %get3A_313] {strides = array<i32>} : memref<128x128xf32, #tpu.memory_space<vmem>>, vector<1x16xf32>,
          %get3A_315 = vector.shape_cast %get3A_314 : vector<1x16xf32> to vector<16xf32>
          %add3A_316 = arith.addf %add3A_307, %get3A_315 : vector<16xf32>
          %add3A_317 = arith.constant 5 : i32
          %add3A_318 = arith.addi %mul3A_266, %add3A_317 : i32
          %mul3A_319 = arith.constant 16 : i32
          %mul3A_320 = arith.muli %scan3A_275, %mul3A_319 : i32
          %get3A_321 = arith.index_cast %add3A_318 : i32 to index
          %get3A_322 = arith.index_cast %mul3A_320 : i32 to index
          %get3A_323 = tpu.vector_load %arg9[%get3A_321, %get3A_322] {strides = array<i32>} : memref<128x128xf32, #tpu.memory_space<vmem>>, vector<1x16xf32>,
          %get3A_324 = vector.shape_cast %get3A_323 : vector<1x16xf32> to vector<16xf32>
          %add3A_325 = arith.addf %add3A_316, %get3A_324 : vector<16xf32>
          %add3A_326 = arith.constant 6 : i32
          %add3A_327 = arith.addi %mul3A_266, %add3A_326 : i32
          %mul3A_328 = arith.constant 16 : i32
          %mul3A_329 = arith.muli %scan3A_275, %mul3A_328 : i32
          %get3A_330 = arith.index_cast %add3A_327 : i32 to index
          %get3A_331 = arith.index_cast %mul3A_329 : i32 to index
          %get3A_332 = tpu.vector_load %arg9[%get3A_330, %get3A_331] {strides = array<i32>} : memref<128x128xf32, #tpu.memory_space<vmem>>, vector<1x16xf32>,
          %get3A_333 = vector.shape_cast %get3A_332 : vector<1x16xf32> to vector<16xf32>
          %add3A_334 = arith.addf %add3A_325, %get3A_333 : vector<16xf32>
          %add3A_335 = arith.constant 7 : i32
          %add3A_336 = arith.addi %mul3A_266, %add3A_335 : i32
          %mul3A_337 = arith.constant 16 : i32
          %mul3A_338 = arith.muli %scan3A_275, %mul3A_337 : i32
          %get3A_339 = arith.index_cast %add3A_336 : i32 to index
          %get3A_340 = arith.index_cast %mul3A_338 : i32 to index
          %get3A_341 = tpu.vector_load %arg9[%get3A_339, %get3A_340] {strides = array<i32>} : memref<128x128xf32, #tpu.memory_space<vmem>>, vector<1x16xf32>,
          %get3A_342 = vector.shape_cast %get3A_341 : vector<1x16xf32> to vector<16xf32>
          %add3A_343 = arith.addf %add3A_334, %get3A_342 : vector<16xf32>
          %add3A_344 = arith.constant 8 : i32
          %add3A_345 = arith.addi %mul3A_266, %add3A_344 : i32
          %mul3A_346 = arith.constant 16 : i32
          %mul3A_347 = arith.muli %scan3A_275, %mul3A_346 : i32
          %get3A_348 = arith.index_cast %add3A_345 : i32 to index
          %get3A_349 = arith.index_cast %mul3A_347 : i32 to index
          %get3A_350 = tpu.vector_load %arg9[%get3A_348, %get3A_349] {strides = array<i32>} : memref<128x128xf32, #tpu.memory_space<vmem>>, vector<1x16xf32>,
          %get3A_351 = vector.shape_cast %get3A_350 : vector<1x16xf32> to vector<16xf32>
          %add3A_352 = arith.addf %add3A_343, %get3A_351 : vector<16xf32>
          %add3A_353 = arith.constant 9 : i32
          %add3A_354 = arith.addi %mul3A_266, %add3A_353 : i32
          %mul3A_355 = arith.constant 16 : i32
          %mul3A_356 = arith.muli %scan3A_275, %mul3A_355 : i32
          %get3A_357 = arith.index_cast %add3A_354 : i32 to index
          %get3A_358 = arith.index_cast %mul3A_356 : i32 to index
          %get3A_359 = tpu.vector_load %arg9[%get3A_357, %get3A_358] {strides = array<i32>} : memref<128x128xf32, #tpu.memory_space<vmem>>, vector<1x16xf32>,
          %get3A_360 = vector.shape_cast %get3A_359 : vector<1x16xf32> to vector<16xf32>
          %add3A_361 = arith.addf %add3A_352, %get3A_360 : vector<16xf32>
          %add3A_362 = arith.constant 10 : i32
          %add3A_363 = arith.addi %mul3A_266, %add3A_362 : i32
          %mul3A_364 = arith.constant 16 : i32
          %mul3A_365 = arith.muli %scan3A_275, %mul3A_364 : i32
          %get3A_366 = arith.index_cast %add3A_363 : i32 to index
          %get3A_367 = arith.index_cast %mul3A_365 : i32 to index
          %get3A_368 = tpu.vector_load %arg9[%get3A_366, %get3A_367] {strides = array<i32>} : memref<128x128xf32, #tpu.memory_space<vmem>>, vector<1x16xf32>,
          %get3A_369 = vector.shape_cast %get3A_368 : vector<1x16xf32> to vector<16xf32>
          %add3A_370 = arith.addf %add3A_361, %get3A_369 : vector<16xf32>
          %add3A_371 = arith.constant 11 : i32
          %add3A_372 = arith.addi %mul3A_266, %add3A_371 : i32
          %mul3A_373 = arith.constant 16 : i32
          %mul3A_374 = arith.muli %scan3A_275, %mul3A_373 : i32
          %get3A_375 = arith.index_cast %add3A_372 : i32 to index
          %get3A_376 = arith.index_cast %mul3A_374 : i32 to index
          %get3A_377 = tpu.vector_load %arg9[%get3A_375, %get3A_376] {strides = array<i32>} : memref<128x128xf32, #tpu.memory_space<vmem>>, vector<1x16xf32>,
          %get3A_378 = vector.shape_cast %get3A_377 : vector<1x16xf32> to vector<16xf32>
          %add3A_379 = arith.addf %add3A_370, %get3A_378 : vector<16xf32>
          %add3A_380 = arith.constant 12 : i32
          %add3A_381 = arith.addi %mul3A_266, %add3A_380 : i32
          %mul3A_382 = arith.constant 16 : i32
          %mul3A_383 = arith.muli %scan3A_275, %mul3A_382 : i32
          %get3A_384 = arith.index_cast %add3A_381 : i32 to index
          %get3A_385 = arith.index_cast %mul3A_383 : i32 to index
          %get3A_386 = tpu.vector_load %arg9[%get3A_384, %get3A_385] {strides = array<i32>} : memref<128x128xf32, #tpu.memory_space<vmem>>, vector<1x16xf32>,
          %get3A_387 = vector.shape_cast %get3A_386 : vector<1x16xf32> to vector<16xf32>
          %add3A_388 = arith.addf %add3A_379, %get3A_387 : vector<16xf32>
          %add3A_389 = arith.constant 13 : i32
          %add3A_390 = arith.addi %mul3A_266, %add3A_389 : i32
          %mul3A_391 = arith.constant 16 : i32
          %mul3A_392 = arith.muli %scan3A_275, %mul3A_391 : i32
          %get3A_393 = arith.index_cast %add3A_390 : i32 to index
          %get3A_394 = arith.index_cast %mul3A_392 : i32 to index
          %get3A_395 = tpu.vector_load %arg9[%get3A_393, %get3A_394] {strides = array<i32>} : memref<128x128xf32, #tpu.memory_space<vmem>>, vector<1x16xf32>,
          %get3A_396 = vector.shape_cast %get3A_395 : vector<1x16xf32> to vector<16xf32>
          %add3A_397 = arith.addf %add3A_388, %get3A_396 : vector<16xf32>
          %add3A_398 = arith.constant 14 : i32
          %add3A_399 = arith.addi %mul3A_266, %add3A_398 : i32
          %mul3A_400 = arith.constant 16 : i32
          %mul3A_401 = arith.muli %scan3A_275, %mul3A_400 : i32
          %get3A_402 = arith.index_cast %add3A_399 : i32 to index
          %get3A_403 = arith.index_cast %mul3A_401 : i32 to index
          %get3A_404 = tpu.vector_load %arg9[%get3A_402, %get3A_403] {strides = array<i32>} : memref<128x128xf32, #tpu.memory_space<vmem>>, vector<1x16xf32>,
          %get3A_405 = vector.shape_cast %get3A_404 : vector<1x16xf32> to vector<16xf32>
          %add3A_406 = arith.addf %add3A_397, %get3A_405 : vector<16xf32>
          %add3A_407 = arith.constant 15 : i32
          %add3A_408 = arith.addi %mul3A_266, %add3A_407 : i32
          %mul3A_409 = arith.constant 16 : i32
          %mul3A_410 = arith.muli %scan3A_275, %mul3A_409 : i32
          %get3A_411 = arith.index_cast %add3A_408 : i32 to index
          %get3A_412 = arith.index_cast %mul3A_410 : i32 to index
          %get3A_413 = tpu.vector_load %arg9[%get3A_411, %get3A_412] {strides = array<i32>} : memref<128x128xf32, #tpu.memory_space<vmem>>, vector<1x16xf32>,
          %get3A_414 = vector.shape_cast %get3A_413 : vector<1x16xf32> to vector<16xf32>
          %add3A_415 = arith.addf %add3A_406, %get3A_414 : vector<16xf32>
          %mul3A_416 = arith.constant 16 : i32
          %mul3A_417 = arith.muli %scan3A_275, %mul3A_416 : i32
          %swap3A = arith.index_cast %add3A_269 : i32 to index
          %swap3A_418 = arith.index_cast %mul3A_417 : i32 to index
          %swap3A_419 = tpu.vector_load %arg15[%swap3A, %swap3A_418] {strides = array<i32>} : memref<64x128xf32, #tpu.memory_space<vmem>>, vector<1x16xf32>,
          %swap3A_420 = vector.shape_cast %swap3A_419 : vector<1x16xf32> to vector<16xf32>
          %swap3A_421 = vector.shape_cast %add3A_415 : vector<16xf32> to vector<1x16xf32>
          tpu.vector_store %arg15[%swap3A, %swap3A_418], %swap3A_421 {strides = array<i32>} : memref<64x128xf32, #tpu.memory_space<vmem>>, vector<1x16xf32>,
        }
        %scan3A_274 = arith.constant 8 : i32
      }
      %scan3A_154 = arith.constant 8 : i32
      %mul3A_155 = arith.constant 4 : i32
      %mul3A_156 = arith.muli %scan3A_139, %mul3A_155 : i32
      %add3A_157 = arith.constant 0 : i32
      %add3A_158 = arith.addi %add3A_157, %mul3A_156 : i32
      %add3A_159 = arith.constant 0 : i32
      %add3A_160 = arith.addi %add3A_158, %add3A_159 : i32
      %add3A_161 = arith.constant 4 : i32
      %add3A_162 = arith.addi %add3A_160, %add3A_161 : i32
      %min3A_163 = arith.constant 79 : i32
      %min3A_164 = arith.minsi %add3A_162, %min3A_163 : i32
      %mul3A_165 = arith.constant 128 : i32
      %mul3A_166 = arith.muli %min3A_164, %mul3A_165 : i32
      %dma_start3A_167 = tpu.memref_slice %arg8[%mul3A_166] : memref<10240xi32, #tpu.memory_space<vmem>> -> memref<128xi32, #tpu.memory_space<vmem>>
      %dma_start3A_168 = arith.constant 0 : i32
      %dma_start3A_169 = arith.constant 0 : i32
      %dma_start3A_170 = tpu.memref_slice %arg4[%dma_start3A_168, %dma_start3A_169] : memref<100000x128xf32, #tpu.memory_space<hbm>> -> memref<100000x128xf32, #tpu.memory_space<hbm>>
      tpu.enqueue_indirect_dma source(%dma_start3A_170 : memref<100000x128xf32, #tpu.memory_space<hbm>>) target(%arg9 : memref<128x128xf32, #tpu.memory_space<vmem>>) offsets(%dma_start3A_167 : memref<128xi32, #tpu.memory_space<vmem>>) semaphore(%arg17 : memref<!tpu.dma_semaphore, #tpu.memory_space<semaphore_mem>>)
      %dma_wait3A_171 = arith.constant 0 : i32
      %dma_wait3A_172 = tpu.memref_slice %arg8[%dma_wait3A_171] : memref<10240xi32, #tpu.memory_space<vmem>> -> memref<128xi32, #tpu.memory_space<vmem>>
      %dma_wait3A_173 = arith.constant 0 : i32
      %dma_wait3A_174 = arith.constant 0 : i32
      %dma_wait3A_175 = tpu.memref_slice %arg4[%dma_wait3A_173, %dma_wait3A_174] : memref<100000x128xf32, #tpu.memory_space<hbm>> -> memref<100000x128xf32, #tpu.memory_space<hbm>>
      tpu.wait_indirect_dma semaphore(%arg18 : memref<!tpu.dma_semaphore, #tpu.memory_space<semaphore_mem>>) src(%dma_wait3A_175 : memref<100000x128xf32, #tpu.memory_space<hbm>>) dst(%arg10 : memref<128x128xf32, #tpu.memory_space<vmem>>)
      %mul3A_176 = arith.constant 4 : i32
      %mul3A_177 = arith.muli %scan3A_139, %mul3A_176 : i32
      %add3A_178 = arith.constant 1 : i32
      %add3A_179 = arith.addi %mul3A_177, %add3A_178 : i32
      %scan3A_180 = arith.constant 0 : i32
      %scan3A_181 = arith.constant 0 : i32
      %scan3A_182 = arith.constant 8 : i32
      %scan3A_183 = arith.addi %scan3A_181, %scan3A_182 : i32
      %scan3A_184 = arith.constant 1 : i32
      scf.for %scan3A_264 = %scan3A_181 to %scan3A_183 step %scan3A_184  : i32 {
        %mul3A_265 = arith.constant 16 : i32
        %mul3A_266 = arith.muli %scan3A_264, %mul3A_265 : i32
        %mul3A_267 = arith.constant 8 : i32
        %mul3A_268 = arith.muli %add3A_179, %mul3A_267 : i32
        %add3A_269 = arith.addi %mul3A_268, %scan3A_264 : i32
        %scan3A_270 = arith.constant 0 : i32
        %scan3A_271 = arith.constant 8 : i32
        %scan3A_272 = arith.addi %scan3A_270, %scan3A_271 : i32
        %scan3A_273 = arith.constant 1 : i32
        scf.for %scan3A_275 = %scan3A_270 to %scan3A_272 step %scan3A_273  : i32 {
          %mul3A_276 = arith.constant 16 : i32
          %mul3A_277 = arith.muli %scan3A_275, %mul3A_276 : i32
          %get3A = arith.index_cast %mul3A_266 : i32 to index
          %get3A_278 = arith.index_cast %mul3A_277 : i32 to index
          %get3A_279 = tpu.vector_load %arg10[%get3A, %get3A_278] {strides = array<i32>} : memref<128x128xf32, #tpu.memory_space<vmem>>, vector<1x16xf32>,
          %get3A_280 = vector.shape_cast %get3A_279 : vector<1x16xf32> to vector<16xf32>
          %add3A_281 = arith.constant 1 : i32
          %add3A_282 = arith.addi %mul3A_266, %add3A_281 : i32
          %mul3A_283 = arith.constant 16 : i32
          %mul3A_284 = arith.muli %scan3A_275, %mul3A_283 : i32
          %get3A_285 = arith.index_cast %add3A_282 : i32 to index
          %get3A_286 = arith.index_cast %mul3A_284 : i32 to index
          %get3A_287 = tpu.vector_load %arg10[%get3A_285, %get3A_286] {strides = array<i32>} : memref<128x128xf32, #tpu.memory_space<vmem>>, vector<1x16xf32>,
          %get3A_288 = vector.shape_cast %get3A_287 : vector<1x16xf32> to vector<16xf32>
          %add3A_289 = arith.addf %get3A_280, %get3A_288 : vector<16xf32>
          %add3A_290 = arith.constant 2 : i32
          %add3A_291 = arith.addi %mul3A_266, %add3A_290 : i32
          %mul3A_292 = arith.constant 16 : i32
          %mul3A_293 = arith.muli %scan3A_275, %mul3A_292 : i32
          %get3A_294 = arith.index_cast %add3A_291 : i32 to index
          %get3A_295 = arith.index_cast %mul3A_293 : i32 to index
          %get3A_296 = tpu.vector_load %arg10[%get3A_294, %get3A_295] {strides = array<i32>} : memref<128x128xf32, #tpu.memory_space<vmem>>, vector<1x16xf32>,
          %get3A_297 = vector.shape_cast %get3A_296 : vector<1x16xf32> to vector<16xf32>
          %add3A_298 = arith.addf %add3A_289, %get3A_297 : vector<16xf32>
          %add3A_299 = arith.constant 3 : i32
          %add3A_300 = arith.addi %mul3A_266, %add3A_299 : i32
          %mul3A_301 = arith.constant 16 : i32
          %mul3A_302 = arith.muli %scan3A_275, %mul3A_301 : i32
          %get3A_303 = arith.index_cast %add3A_300 : i32 to index
          %get3A_304 = arith.index_cast %mul3A_302 : i32 to index
          %get3A_305 = tpu.vector_load %arg10[%get3A_303, %get3A_304] {strides = array<i32>} : memref<128x128xf32, #tpu.memory_space<vmem>>, vector<1x16xf32>,
          %get3A_306 = vector.shape_cast %get3A_305 : vector<1x16xf32> to vector<16xf32>
          %add3A_307 = arith.addf %add3A_298, %get3A_306 : vector<16xf32>
          %add3A_308 = arith.constant 4 : i32
          %add3A_309 = arith.addi %mul3A_266, %add3A_308 : i32
          %mul3A_310 = arith.constant 16 : i32
          %mul3A_311 = arith.muli %scan3A_275, %mul3A_310 : i32
          %get3A_312 = arith.index_cast %add3A_309 : i32 to index
          %get3A_313 = arith.index_cast %mul3A_311 : i32 to index
          %get3A_314 = tpu.vector_load %arg10[%get3A_312, %get3A_313] {strides = array<i32>} : memref<128x128xf32, #tpu.memory_space<vmem>>, vector<1x16xf32>,
          %get3A_315 = vector.shape_cast %get3A_314 : vector<1x16xf32> to vector<16xf32>
          %add3A_316 = arith.addf %add3A_307, %get3A_315 : vector<16xf32>
          %add3A_317 = arith.constant 5 : i32
          %add3A_318 = arith.addi %mul3A_266, %add3A_317 : i32
          %mul3A_319 = arith.constant 16 : i32
          %mul3A_320 = arith.muli %scan3A_275, %mul3A_319 : i32
          %get3A_321 = arith.index_cast %add3A_318 : i32 to index
          %get3A_322 = arith.index_cast %mul3A_320 : i32 to index
          %get3A_323 = tpu.vector_load %arg10[%get3A_321, %get3A_322] {strides = array<i32>} : memref<128x128xf32, #tpu.memory_space<vmem>>, vector<1x16xf32>,
          %get3A_324 = vector.shape_cast %get3A_323 : vector<1x16xf32> to vector<16xf32>
          %add3A_325 = arith.addf %add3A_316, %get3A_324 : vector<16xf32>
          %add3A_326 = arith.constant 6 : i32
          %add3A_327 = arith.addi %mul3A_266, %add3A_326 : i32
          %mul3A_328 = arith.constant 16 : i32
          %mul3A_329 = arith.muli %scan3A_275, %mul3A_328 : i32
          %get3A_330 = arith.index_cast %add3A_327 : i32 to index
          %get3A_331 = arith.index_cast %mul3A_329 : i32 to index
          %get3A_332 = tpu.vector_load %arg10[%get3A_330, %get3A_331] {strides = array<i32>} : memref<128x128xf32, #tpu.memory_space<vmem>>, vector<1x16xf32>,
          %get3A_333 = vector.shape_cast %get3A_332 : vector<1x16xf32> to vector<16xf32>
          %add3A_334 = arith.addf %add3A_325, %get3A_333 : vector<16xf32>
          %add3A_335 = arith.constant 7 : i32
          %add3A_336 = arith.addi %mul3A_266, %add3A_335 : i32
          %mul3A_337 = arith.constant 16 : i32
          %mul3A_338 = arith.muli %scan3A_275, %mul3A_337 : i32
          %get3A_339 = arith.index_cast %add3A_336 : i32 to index
          %get3A_340 = arith.index_cast %mul3A_338 : i32 to index
          %get3A_341 = tpu.vector_load %arg10[%get3A_339, %get3A_340] {strides = array<i32>} : memref<128x128xf32, #tpu.memory_space<vmem>>, vector<1x16xf32>,
          %get3A_342 = vector.shape_cast %get3A_341 : vector<1x16xf32> to vector<16xf32>
          %add3A_343 = arith.addf %add3A_334, %get3A_342 : vector<16xf32>
          %add3A_344 = arith.constant 8 : i32
          %add3A_345 = arith.addi %mul3A_266, %add3A_344 : i32
          %mul3A_346 = arith.constant 16 : i32
          %mul3A_347 = arith.muli %scan3A_275, %mul3A_346 : i32
          %get3A_348 = arith.index_cast %add3A_345 : i32 to index
          %get3A_349 = arith.index_cast %mul3A_347 : i32 to index
          %get3A_350 = tpu.vector_load %arg10[%get3A_348, %get3A_349] {strides = array<i32>} : memref<128x128xf32, #tpu.memory_space<vmem>>, vector<1x16xf32>,
          %get3A_351 = vector.shape_cast %get3A_350 : vector<1x16xf32> to vector<16xf32>
          %add3A_352 = arith.addf %add3A_343, %get3A_351 : vector<16xf32>
          %add3A_353 = arith.constant 9 : i32
          %add3A_354 = arith.addi %mul3A_266, %add3A_353 : i32
          %mul3A_355 = arith.constant 16 : i32
          %mul3A_356 = arith.muli %scan3A_275, %mul3A_355 : i32
          %get3A_357 = arith.index_cast %add3A_354 : i32 to index
          %get3A_358 = arith.index_cast %mul3A_356 : i32 to index
          %get3A_359 = tpu.vector_load %arg10[%get3A_357, %get3A_358] {strides = array<i32>} : memref<128x128xf32, #tpu.memory_space<vmem>>, vector<1x16xf32>,
          %get3A_360 = vector.shape_cast %get3A_359 : vector<1x16xf32> to vector<16xf32>
          %add3A_361 = arith.addf %add3A_352, %get3A_360 : vector<16xf32>
          %add3A_362 = arith.constant 10 : i32
          %add3A_363 = arith.addi %mul3A_266, %add3A_362 : i32
          %mul3A_364 = arith.constant 16 : i32
          %mul3A_365 = arith.muli %scan3A_275, %mul3A_364 : i32
          %get3A_366 = arith.index_cast %add3A_363 : i32 to index
          %get3A_367 = arith.index_cast %mul3A_365 : i32 to index
          %get3A_368 = tpu.vector_load %arg10[%get3A_366, %get3A_367] {strides = array<i32>} : memref<128x128xf32, #tpu.memory_space<vmem>>, vector<1x16xf32>,
          %get3A_369 = vector.shape_cast %get3A_368 : vector<1x16xf32> to vector<16xf32>
          %add3A_370 = arith.addf %add3A_361, %get3A_369 : vector<16xf32>
          %add3A_371 = arith.constant 11 : i32
          %add3A_372 = arith.addi %mul3A_266, %add3A_371 : i32
          %mul3A_373 = arith.constant 16 : i32
          %mul3A_374 = arith.muli %scan3A_275, %mul3A_373 : i32
          %get3A_375 = arith.index_cast %add3A_372 : i32 to index
          %get3A_376 = arith.index_cast %mul3A_374 : i32 to index
          %get3A_377 = tpu.vector_load %arg10[%get3A_375, %get3A_376] {strides = array<i32>} : memref<128x128xf32, #tpu.memory_space<vmem>>, vector<1x16xf32>,
          %get3A_378 = vector.shape_cast %get3A_377 : vector<1x16xf32> to vector<16xf32>
          %add3A_379 = arith.addf %add3A_370, %get3A_378 : vector<16xf32>
          %add3A_380 = arith.constant 12 : i32
          %add3A_381 = arith.addi %mul3A_266, %add3A_380 : i32
          %mul3A_382 = arith.constant 16 : i32
          %mul3A_383 = arith.muli %scan3A_275, %mul3A_382 : i32
          %get3A_384 = arith.index_cast %add3A_381 : i32 to index
          %get3A_385 = arith.index_cast %mul3A_383 : i32 to index
          %get3A_386 = tpu.vector_load %arg10[%get3A_384, %get3A_385] {strides = array<i32>} : memref<128x128xf32, #tpu.memory_space<vmem>>, vector<1x16xf32>,
          %get3A_387 = vector.shape_cast %get3A_386 : vector<1x16xf32> to vector<16xf32>
          %add3A_388 = arith.addf %add3A_379, %get3A_387 : vector<16xf32>
          %add3A_389 = arith.constant 13 : i32
          %add3A_390 = arith.addi %mul3A_266, %add3A_389 : i32
          %mul3A_391 = arith.constant 16 : i32
          %mul3A_392 = arith.muli %scan3A_275, %mul3A_391 : i32
          %get3A_393 = arith.index_cast %add3A_390 : i32 to index
          %get3A_394 = arith.index_cast %mul3A_392 : i32 to index
          %get3A_395 = tpu.vector_load %arg10[%get3A_393, %get3A_394] {strides = array<i32>} : memref<128x128xf32, #tpu.memory_space<vmem>>, vector<1x16xf32>,
          %get3A_396 = vector.shape_cast %get3A_395 : vector<1x16xf32> to vector<16xf32>
          %add3A_397 = arith.addf %add3A_388, %get3A_396 : vector<16xf32>
          %add3A_398 = arith.constant 14 : i32
          %add3A_399 = arith.addi %mul3A_266, %add3A_398 : i32
          %mul3A_400 = arith.constant 16 : i32
          %mul3A_401 = arith.muli %scan3A_275, %mul3A_400 : i32
          %get3A_402 = arith.index_cast %add3A_399 : i32 to index
          %get3A_403 = arith.index_cast %mul3A_401 : i32 to index
          %get3A_404 = tpu.vector_load %arg10[%get3A_402, %get3A_403] {strides = array<i32>} : memref<128x128xf32, #tpu.memory_space<vmem>>, vector<1x16xf32>,
          %get3A_405 = vector.shape_cast %get3A_404 : vector<1x16xf32> to vector<16xf32>
          %add3A_406 = arith.addf %add3A_397, %get3A_405 : vector<16xf32>
          %add3A_407 = arith.constant 15 : i32
          %add3A_408 = arith.addi %mul3A_266, %add3A_407 : i32
          %mul3A_409 = arith.constant 16 : i32
          %mul3A_410 = arith.muli %scan3A_275, %mul3A_409 : i32
          %get3A_411 = arith.index_cast %add3A_408 : i32 to index
          %get3A_412 = arith.index_cast %mul3A_410 : i32 to index
          %get3A_413 = tpu.vector_load %arg10[%get3A_411, %get3A_412] {strides = array<i32>} : memref<128x128xf32, #tpu.memory_space<vmem>>, vector<1x16xf32>,
          %get3A_414 = vector.shape_cast %get3A_413 : vector<1x16xf32> to vector<16xf32>
          %add3A_415 = arith.addf %add3A_406, %get3A_414 : vector<16xf32>
          %mul3A_416 = arith.constant 16 : i32
          %mul3A_417 = arith.muli %scan3A_275, %mul3A_416 : i32
          %swap3A = arith.index_cast %add3A_269 : i32 to index
          %swap3A_418 = arith.index_cast %mul3A_417 : i32 to index
          %swap3A_419 = tpu.vector_load %arg15[%swap3A, %swap3A_418] {strides = array<i32>} : memref<64x128xf32, #tpu.memory_space<vmem>>, vector<1x16xf32>,
          %swap3A_420 = vector.shape_cast %swap3A_419 : vector<1x16xf32> to vector<16xf32>
          %swap3A_421 = vector.shape_cast %add3A_415 : vector<16xf32> to vector<1x16xf32>
          tpu.vector_store %arg15[%swap3A, %swap3A_418], %swap3A_421 {strides = array<i32>} : memref<64x128xf32, #tpu.memory_space<vmem>>, vector<1x16xf32>,
        }
        %scan3A_274 = arith.constant 8 : i32
      }
      %scan3A_185 = arith.constant 8 : i32
      %mul3A_186 = arith.constant 4 : i32
      %mul3A_187 = arith.muli %scan3A_139, %mul3A_186 : i32
      %add3A_188 = arith.constant 0 : i32
      %add3A_189 = arith.addi %add3A_188, %mul3A_187 : i32
      %add3A_190 = arith.constant 1 : i32
      %add3A_191 = arith.addi %add3A_189, %add3A_190 : i32
      %add3A_192 = arith.constant 4 : i32
      %add3A_193 = arith.addi %add3A_191, %add3A_192 : i32
      %min3A_194 = arith.constant 79 : i32
      %min3A_195 = arith.minsi %add3A_193, %min3A_194 : i32
      %mul3A_196 = arith.constant 128 : i32
      %mul3A_197 = arith.muli %min3A_195, %mul3A_196 : i32
      %dma_start3A_198 = tpu.memref_slice %arg8[%mul3A_197] : memref<10240xi32, #tpu.memory_space<vmem>> -> memref<128xi32, #tpu.memory_space<vmem>>
      %dma_start3A_199 = arith.constant 0 : i32
      %dma_start3A_200 = arith.constant 0 : i32
      %dma_start3A_201 = tpu.memref_slice %arg4[%dma_start3A_199, %dma_start3A_200] : memref<100000x128xf32, #tpu.memory_space<hbm>> -> memref<100000x128xf32, #tpu.memory_space<hbm>>
      tpu.enqueue_indirect_dma source(%dma_start3A_201 : memref<100000x128xf32, #tpu.memory_space<hbm>>) target(%arg10 : memref<128x128xf32, #tpu.memory_space<vmem>>) offsets(%dma_start3A_198 : memref<128xi32, #tpu.memory_space<vmem>>) semaphore(%arg18 : memref<!tpu.dma_semaphore, #tpu.memory_space<semaphore_mem>>)
      %dma_wait3A_202 = arith.constant 0 : i32
      %dma_wait3A_203 = tpu.memref_slice %arg8[%dma_wait3A_202] : memref<10240xi32, #tpu.memory_space<vmem>> -> memref<128xi32, #tpu.memory_space<vmem>>
      %dma_wait3A_204 = arith.constant 0 : i32
      %dma_wait3A_205 = arith.constant 0 : i32
      %dma_wait3A_206 = tpu.memref_slice %arg4[%dma_wait3A_204, %dma_wait3A_205] : memref<100000x128xf32, #tpu.memory_space<hbm>> -> memref<100000x128xf32, #tpu.memory_space<hbm>>
      tpu.wait_indirect_dma semaphore(%arg19 : memref<!tpu.dma_semaphore, #tpu.memory_space<semaphore_mem>>) src(%dma_wait3A_206 : memref<100000x128xf32, #tpu.memory_space<hbm>>) dst(%arg11 : memref<128x128xf32, #tpu.memory_space<vmem>>)
      %mul3A_207 = arith.constant 4 : i32
      %mul3A_208 = arith.muli %scan3A_139, %mul3A_207 : i32
      %add3A_209 = arith.constant 2 : i32
      %add3A_210 = arith.addi %mul3A_208, %add3A_209 : i32
      %scan3A_211 = arith.constant 0 : i32
      %scan3A_212 = arith.constant 0 : i32
      %scan3A_213 = arith.constant 8 : i32
      %scan3A_214 = arith.addi %scan3A_212, %scan3A_213 : i32
      %scan3A_215 = arith.constant 1 : i32
      scf.for %scan3A_264 = %scan3A_212 to %scan3A_214 step %scan3A_215  : i32 {
        %mul3A_265 = arith.constant 16 : i32
        %mul3A_266 = arith.muli %scan3A_264, %mul3A_265 : i32
        %mul3A_267 = arith.constant 8 : i32
        %mul3A_268 = arith.muli %add3A_210, %mul3A_267 : i32
        %add3A_269 = arith.addi %mul3A_268, %scan3A_264 : i32
        %scan3A_270 = arith.constant 0 : i32
        %scan3A_271 = arith.constant 8 : i32
        %scan3A_272 = arith.addi %scan3A_270, %scan3A_271 : i32
        %scan3A_273 = arith.constant 1 : i32
        scf.for %scan3A_275 = %scan3A_270 to %scan3A_272 step %scan3A_273  : i32 {
          %mul3A_276 = arith.constant 16 : i32
          %mul3A_277 = arith.muli %scan3A_275, %mul3A_276 : i32
          %get3A = arith.index_cast %mul3A_266 : i32 to index
          %get3A_278 = arith.index_cast %mul3A_277 : i32 to index
          %get3A_279 = tpu.vector_load %arg11[%get3A, %get3A_278] {strides = array<i32>} : memref<128x128xf32, #tpu.memory_space<vmem>>, vector<1x16xf32>,
          %get3A_280 = vector.shape_cast %get3A_279 : vector<1x16xf32> to vector<16xf32>
          %add3A_281 = arith.constant 1 : i32
          %add3A_282 = arith.addi %mul3A_266, %add3A_281 : i32
          %mul3A_283 = arith.constant 16 : i32
          %mul3A_284 = arith.muli %scan3A_275, %mul3A_283 : i32
          %get3A_285 = arith.index_cast %add3A_282 : i32 to index
          %get3A_286 = arith.index_cast %mul3A_284 : i32 to index
          %get3A_287 = tpu.vector_load %arg11[%get3A_285, %get3A_286] {strides = array<i32>} : memref<128x128xf32, #tpu.memory_space<vmem>>, vector<1x16xf32>,
          %get3A_288 = vector.shape_cast %get3A_287 : vector<1x16xf32> to vector<16xf32>
          %add3A_289 = arith.addf %get3A_280, %get3A_288 : vector<16xf32>
          %add3A_290 = arith.constant 2 : i32
          %add3A_291 = arith.addi %mul3A_266, %add3A_290 : i32
          %mul3A_292 = arith.constant 16 : i32
          %mul3A_293 = arith.muli %scan3A_275, %mul3A_292 : i32
          %get3A_294 = arith.index_cast %add3A_291 : i32 to index
          %get3A_295 = arith.index_cast %mul3A_293 : i32 to index
          %get3A_296 = tpu.vector_load %arg11[%get3A_294, %get3A_295] {strides = array<i32>} : memref<128x128xf32, #tpu.memory_space<vmem>>, vector<1x16xf32>,
          %get3A_297 = vector.shape_cast %get3A_296 : vector<1x16xf32> to vector<16xf32>
          %add3A_298 = arith.addf %add3A_289, %get3A_297 : vector<16xf32>
          %add3A_299 = arith.constant 3 : i32
          %add3A_300 = arith.addi %mul3A_266, %add3A_299 : i32
          %mul3A_301 = arith.constant 16 : i32
          %mul3A_302 = arith.muli %scan3A_275, %mul3A_301 : i32
          %get3A_303 = arith.index_cast %add3A_300 : i32 to index
          %get3A_304 = arith.index_cast %mul3A_302 : i32 to index
          %get3A_305 = tpu.vector_load %arg11[%get3A_303, %get3A_304] {strides = array<i32>} : memref<128x128xf32, #tpu.memory_space<vmem>>, vector<1x16xf32>,
          %get3A_306 = vector.shape_cast %get3A_305 : vector<1x16xf32> to vector<16xf32>
          %add3A_307 = arith.addf %add3A_298, %get3A_306 : vector<16xf32>
          %add3A_308 = arith.constant 4 : i32
          %add3A_309 = arith.addi %mul3A_266, %add3A_308 : i32
          %mul3A_310 = arith.constant 16 : i32
          %mul3A_311 = arith.muli %scan3A_275, %mul3A_310 : i32
          %get3A_312 = arith.index_cast %add3A_309 : i32 to index
          %get3A_313 = arith.index_cast %mul3A_311 : i32 to index
          %get3A_314 = tpu.vector_load %arg11[%get3A_312, %get3A_313] {strides = array<i32>} : memref<128x128xf32, #tpu.memory_space<vmem>>, vector<1x16xf32>,
          %get3A_315 = vector.shape_cast %get3A_314 : vector<1x16xf32> to vector<16xf32>
          %add3A_316 = arith.addf %add3A_307, %get3A_315 : vector<16xf32>
          %add3A_317 = arith.constant 5 : i32
          %add3A_318 = arith.addi %mul3A_266, %add3A_317 : i32
          %mul3A_319 = arith.constant 16 : i32
          %mul3A_320 = arith.muli %scan3A_275, %mul3A_319 : i32
          %get3A_321 = arith.index_cast %add3A_318 : i32 to index
          %get3A_322 = arith.index_cast %mul3A_320 : i32 to index
          %get3A_323 = tpu.vector_load %arg11[%get3A_321, %get3A_322] {strides = array<i32>} : memref<128x128xf32, #tpu.memory_space<vmem>>, vector<1x16xf32>,
          %get3A_324 = vector.shape_cast %get3A_323 : vector<1x16xf32> to vector<16xf32>
          %add3A_325 = arith.addf %add3A_316, %get3A_324 : vector<16xf32>
          %add3A_326 = arith.constant 6 : i32
          %add3A_327 = arith.addi %mul3A_266, %add3A_326 : i32
          %mul3A_328 = arith.constant 16 : i32
          %mul3A_329 = arith.muli %scan3A_275, %mul3A_328 : i32
          %get3A_330 = arith.index_cast %add3A_327 : i32 to index
          %get3A_331 = arith.index_cast %mul3A_329 : i32 to index
          %get3A_332 = tpu.vector_load %arg11[%get3A_330, %get3A_331] {strides = array<i32>} : memref<128x128xf32, #tpu.memory_space<vmem>>, vector<1x16xf32>,
          %get3A_333 = vector.shape_cast %get3A_332 : vector<1x16xf32> to vector<16xf32>
          %add3A_334 = arith.addf %add3A_325, %get3A_333 : vector<16xf32>
          %add3A_335 = arith.constant 7 : i32
          %add3A_336 = arith.addi %mul3A_266, %add3A_335 : i32
          %mul3A_337 = arith.constant 16 : i32
          %mul3A_338 = arith.muli %scan3A_275, %mul3A_337 : i32
          %get3A_339 = arith.index_cast %add3A_336 : i32 to index
          %get3A_340 = arith.index_cast %mul3A_338 : i32 to index
          %get3A_341 = tpu.vector_load %arg11[%get3A_339, %get3A_340] {strides = array<i32>} : memref<128x128xf32, #tpu.memory_space<vmem>>, vector<1x16xf32>,
          %get3A_342 = vector.shape_cast %get3A_341 : vector<1x16xf32> to vector<16xf32>
          %add3A_343 = arith.addf %add3A_334, %get3A_342 : vector<16xf32>
          %add3A_344 = arith.constant 8 : i32
          %add3A_345 = arith.addi %mul3A_266, %add3A_344 : i32
          %mul3A_346 = arith.constant 16 : i32
          %mul3A_347 = arith.muli %scan3A_275, %mul3A_346 : i32
          %get3A_348 = arith.index_cast %add3A_345 : i32 to index
          %get3A_349 = arith.index_cast %mul3A_347 : i32 to index
          %get3A_350 = tpu.vector_load %arg11[%get3A_348, %get3A_349] {strides = array<i32>} : memref<128x128xf32, #tpu.memory_space<vmem>>, vector<1x16xf32>,
          %get3A_351 = vector.shape_cast %get3A_350 : vector<1x16xf32> to vector<16xf32>
          %add3A_352 = arith.addf %add3A_343, %get3A_351 : vector<16xf32>
          %add3A_353 = arith.constant 9 : i32
          %add3A_354 = arith.addi %mul3A_266, %add3A_353 : i32
          %mul3A_355 = arith.constant 16 : i32
          %mul3A_356 = arith.muli %scan3A_275, %mul3A_355 : i32
          %get3A_357 = arith.index_cast %add3A_354 : i32 to index
          %get3A_358 = arith.index_cast %mul3A_356 : i32 to index
          %get3A_359 = tpu.vector_load %arg11[%get3A_357, %get3A_358] {strides = array<i32>} : memref<128x128xf32, #tpu.memory_space<vmem>>, vector<1x16xf32>,
          %get3A_360 = vector.shape_cast %get3A_359 : vector<1x16xf32> to vector<16xf32>
          %add3A_361 = arith.addf %add3A_352, %get3A_360 : vector<16xf32>
          %add3A_362 = arith.constant 10 : i32
          %add3A_363 = arith.addi %mul3A_266, %add3A_362 : i32
          %mul3A_364 = arith.constant 16 : i32
          %mul3A_365 = arith.muli %scan3A_275, %mul3A_364 : i32
          %get3A_366 = arith.index_cast %add3A_363 : i32 to index
          %get3A_367 = arith.index_cast %mul3A_365 : i32 to index
          %get3A_368 = tpu.vector_load %arg11[%get3A_366, %get3A_367] {strides = array<i32>} : memref<128x128xf32, #tpu.memory_space<vmem>>, vector<1x16xf32>,
          %get3A_369 = vector.shape_cast %get3A_368 : vector<1x16xf32> to vector<16xf32>
          %add3A_370 = arith.addf %add3A_361, %get3A_369 : vector<16xf32>
          %add3A_371 = arith.constant 11 : i32
          %add3A_372 = arith.addi %mul3A_266, %add3A_371 : i32
          %mul3A_373 = arith.constant 16 : i32
          %mul3A_374 = arith.muli %scan3A_275, %mul3A_373 : i32
          %get3A_375 = arith.index_cast %add3A_372 : i32 to index
          %get3A_376 = arith.index_cast %mul3A_374 : i32 to index
          %get3A_377 = tpu.vector_load %arg11[%get3A_375, %get3A_376] {strides = array<i32>} : memref<128x128xf32, #tpu.memory_space<vmem>>, vector<1x16xf32>,
          %get3A_378 = vector.shape_cast %get3A_377 : vector<1x16xf32> to vector<16xf32>
          %add3A_379 = arith.addf %add3A_370, %get3A_378 : vector<16xf32>
          %add3A_380 = arith.constant 12 : i32
          %add3A_381 = arith.addi %mul3A_266, %add3A_380 : i32
          %mul3A_382 = arith.constant 16 : i32
          %mul3A_383 = arith.muli %scan3A_275, %mul3A_382 : i32
          %get3A_384 = arith.index_cast %add3A_381 : i32 to index
          %get3A_385 = arith.index_cast %mul3A_383 : i32 to index
          %get3A_386 = tpu.vector_load %arg11[%get3A_384, %get3A_385] {strides = array<i32>} : memref<128x128xf32, #tpu.memory_space<vmem>>, vector<1x16xf32>,
          %get3A_387 = vector.shape_cast %get3A_386 : vector<1x16xf32> to vector<16xf32>
          %add3A_388 = arith.addf %add3A_379, %get3A_387 : vector<16xf32>
          %add3A_389 = arith.constant 13 : i32
          %add3A_390 = arith.addi %mul3A_266, %add3A_389 : i32
          %mul3A_391 = arith.constant 16 : i32
          %mul3A_392 = arith.muli %scan3A_275, %mul3A_391 : i32
          %get3A_393 = arith.index_cast %add3A_390 : i32 to index
          %get3A_394 = arith.index_cast %mul3A_392 : i32 to index
          %get3A_395 = tpu.vector_load %arg11[%get3A_393, %get3A_394] {strides = array<i32>} : memref<128x128xf32, #tpu.memory_space<vmem>>, vector<1x16xf32>,
          %get3A_396 = vector.shape_cast %get3A_395 : vector<1x16xf32> to vector<16xf32>
          %add3A_397 = arith.addf %add3A_388, %get3A_396 : vector<16xf32>
          %add3A_398 = arith.constant 14 : i32
          %add3A_399 = arith.addi %mul3A_266, %add3A_398 : i32
          %mul3A_400 = arith.constant 16 : i32
          %mul3A_401 = arith.muli %scan3A_275, %mul3A_400 : i32
          %get3A_402 = arith.index_cast %add3A_399 : i32 to index
          %get3A_403 = arith.index_cast %mul3A_401 : i32 to index
          %get3A_404 = tpu.vector_load %arg11[%get3A_402, %get3A_403] {strides = array<i32>} : memref<128x128xf32, #tpu.memory_space<vmem>>, vector<1x16xf32>,
          %get3A_405 = vector.shape_cast %get3A_404 : vector<1x16xf32> to vector<16xf32>
          %add3A_406 = arith.addf %add3A_397, %get3A_405 : vector<16xf32>
          %add3A_407 = arith.constant 15 : i32
          %add3A_408 = arith.addi %mul3A_266, %add3A_407 : i32
          %mul3A_409 = arith.constant 16 : i32
          %mul3A_410 = arith.muli %scan3A_275, %mul3A_409 : i32
          %get3A_411 = arith.index_cast %add3A_408 : i32 to index
          %get3A_412 = arith.index_cast %mul3A_410 : i32 to index
          %get3A_413 = tpu.vector_load %arg11[%get3A_411, %get3A_412] {strides = array<i32>} : memref<128x128xf32, #tpu.memory_space<vmem>>, vector<1x16xf32>,
          %get3A_414 = vector.shape_cast %get3A_413 : vector<1x16xf32> to vector<16xf32>
          %add3A_415 = arith.addf %add3A_406, %get3A_414 : vector<16xf32>
          %mul3A_416 = arith.constant 16 : i32
          %mul3A_417 = arith.muli %scan3A_275, %mul3A_416 : i32
          %swap3A = arith.index_cast %add3A_269 : i32 to index
          %swap3A_418 = arith.index_cast %mul3A_417 : i32 to index
          %swap3A_419 = tpu.vector_load %arg15[%swap3A, %swap3A_418] {strides = array<i32>} : memref<64x128xf32, #tpu.memory_space<vmem>>, vector<1x16xf32>,
          %swap3A_420 = vector.shape_cast %swap3A_419 : vector<1x16xf32> to vector<16xf32>
          %swap3A_421 = vector.shape_cast %add3A_415 : vector<16xf32> to vector<1x16xf32>
          tpu.vector_store %arg15[%swap3A, %swap3A_418], %swap3A_421 {strides = array<i32>} : memref<64x128xf32, #tpu.memory_space<vmem>>, vector<1x16xf32>,
        }
        %scan3A_274 = arith.constant 8 : i32
      }
      %scan3A_216 = arith.constant 8 : i32
      %mul3A_217 = arith.constant 4 : i32
      %mul3A_218 = arith.muli %scan3A_139, %mul3A_217 : i32
      %add3A_219 = arith.constant 0 : i32
      %add3A_220 = arith.addi %add3A_219, %mul3A_218 : i32
      %add3A_221 = arith.constant 2 : i32
      %add3A_222 = arith.addi %add3A_220, %add3A_221 : i32
      %add3A_223 = arith.constant 4 : i32
      %add3A_224 = arith.addi %add3A_222, %add3A_223 : i32
      %min3A_225 = arith.constant 79 : i32
      %min3A_226 = arith.minsi %add3A_224, %min3A_225 : i32
      %mul3A_227 = arith.constant 128 : i32
      %mul3A_228 = arith.muli %min3A_226, %mul3A_227 : i32
      %dma_start3A_229 = tpu.memref_slice %arg8[%mul3A_228] : memref<10240xi32, #tpu.memory_space<vmem>> -> memref<128xi32, #tpu.memory_space<vmem>>
      %dma_start3A_230 = arith.constant 0 : i32
      %dma_start3A_231 = arith.constant 0 : i32
      %dma_start3A_232 = tpu.memref_slice %arg4[%dma_start3A_230, %dma_start3A_231] : memref<100000x128xf32, #tpu.memory_space<hbm>> -> memref<100000x128xf32, #tpu.memory_space<hbm>>
      tpu.enqueue_indirect_dma source(%dma_start3A_232 : memref<100000x128xf32, #tpu.memory_space<hbm>>) target(%arg11 : memref<128x128xf32, #tpu.memory_space<vmem>>) offsets(%dma_start3A_229 : memref<128xi32, #tpu.memory_space<vmem>>) semaphore(%arg19 : memref<!tpu.dma_semaphore, #tpu.memory_space<semaphore_mem>>)
      %dma_wait3A_233 = arith.constant 0 : i32
      %dma_wait3A_234 = tpu.memref_slice %arg8[%dma_wait3A_233] : memref<10240xi32, #tpu.memory_space<vmem>> -> memref<128xi32, #tpu.memory_space<vmem>>
      %dma_wait3A_235 = arith.constant 0 : i32
      %dma_wait3A_236 = arith.constant 0 : i32
      %dma_wait3A_237 = tpu.memref_slice %arg4[%dma_wait3A_235, %dma_wait3A_236] : memref<100000x128xf32, #tpu.memory_space<hbm>> -> memref<100000x128xf32, #tpu.memory_space<hbm>>
      tpu.wait_indirect_dma semaphore(%arg20 : memref<!tpu.dma_semaphore, #tpu.memory_space<semaphore_mem>>) src(%dma_wait3A_237 : memref<100000x128xf32, #tpu.memory_space<hbm>>) dst(%arg12 : memref<128x128xf32, #tpu.memory_space<vmem>>)
      %mul3A_238 = arith.constant 4 : i32
      %mul3A_239 = arith.muli %scan3A_139, %mul3A_238 : i32
      %add3A_240 = arith.constant 3 : i32
      %add3A_241 = arith.addi %mul3A_239, %add3A_240 : i32
      %scan3A_242 = arith.constant 0 : i32
      %scan3A_243 = arith.constant 0 : i32
      %scan3A_244 = arith.constant 8 : i32
      %scan3A_245 = arith.addi %scan3A_243, %scan3A_244 : i32
      %scan3A_246 = arith.constant 1 : i32
      scf.for %scan3A_264 = %scan3A_243 to %scan3A_245 step %scan3A_246  : i32 {
        %mul3A_265 = arith.constant 16 : i32
        %mul3A_266 = arith.muli %scan3A_264, %mul3A_265 : i32
        %mul3A_267 = arith.constant 8 : i32
        %mul3A_268 = arith.muli %add3A_241, %mul3A_267 : i32
        %add3A_269 = arith.addi %mul3A_268, %scan3A_264 : i32
        %scan3A_270 = arith.constant 0 : i32
        %scan3A_271 = arith.constant 8 : i32
        %scan3A_272 = arith.addi %scan3A_270, %scan3A_271 : i32
        %scan3A_273 = arith.constant 1 : i32
        scf.for %scan3A_275 = %scan3A_270 to %scan3A_272 step %scan3A_273  : i32 {
          %mul3A_276 = arith.constant 16 : i32
          %mul3A_277 = arith.muli %scan3A_275, %mul3A_276 : i32
          %get3A = arith.index_cast %mul3A_266 : i32 to index
          %get3A_278 = arith.index_cast %mul3A_277 : i32 to index
          %get3A_279 = tpu.vector_load %arg12[%get3A, %get3A_278] {strides = array<i32>} : memref<128x128xf32, #tpu.memory_space<vmem>>, vector<1x16xf32>,
          %get3A_280 = vector.shape_cast %get3A_279 : vector<1x16xf32> to vector<16xf32>
          %add3A_281 = arith.constant 1 : i32
          %add3A_282 = arith.addi %mul3A_266, %add3A_281 : i32
          %mul3A_283 = arith.constant 16 : i32
          %mul3A_284 = arith.muli %scan3A_275, %mul3A_283 : i32
          %get3A_285 = arith.index_cast %add3A_282 : i32 to index
          %get3A_286 = arith.index_cast %mul3A_284 : i32 to index
          %get3A_287 = tpu.vector_load %arg12[%get3A_285, %get3A_286] {strides = array<i32>} : memref<128x128xf32, #tpu.memory_space<vmem>>, vector<1x16xf32>,
          %get3A_288 = vector.shape_cast %get3A_287 : vector<1x16xf32> to vector<16xf32>
          %add3A_289 = arith.addf %get3A_280, %get3A_288 : vector<16xf32>
          %add3A_290 = arith.constant 2 : i32
          %add3A_291 = arith.addi %mul3A_266, %add3A_290 : i32
          %mul3A_292 = arith.constant 16 : i32
          %mul3A_293 = arith.muli %scan3A_275, %mul3A_292 : i32
          %get3A_294 = arith.index_cast %add3A_291 : i32 to index
          %get3A_295 = arith.index_cast %mul3A_293 : i32 to index
          %get3A_296 = tpu.vector_load %arg12[%get3A_294, %get3A_295] {strides = array<i32>} : memref<128x128xf32, #tpu.memory_space<vmem>>, vector<1x16xf32>,
          %get3A_297 = vector.shape_cast %get3A_296 : vector<1x16xf32> to vector<16xf32>
          %add3A_298 = arith.addf %add3A_289, %get3A_297 : vector<16xf32>
          %add3A_299 = arith.constant 3 : i32
          %add3A_300 = arith.addi %mul3A_266, %add3A_299 : i32
          %mul3A_301 = arith.constant 16 : i32
          %mul3A_302 = arith.muli %scan3A_275, %mul3A_301 : i32
          %get3A_303 = arith.index_cast %add3A_300 : i32 to index
          %get3A_304 = arith.index_cast %mul3A_302 : i32 to index
          %get3A_305 = tpu.vector_load %arg12[%get3A_303, %get3A_304] {strides = array<i32>} : memref<128x128xf32, #tpu.memory_space<vmem>>, vector<1x16xf32>,
          %get3A_306 = vector.shape_cast %get3A_305 : vector<1x16xf32> to vector<16xf32>
          %add3A_307 = arith.addf %add3A_298, %get3A_306 : vector<16xf32>
          %add3A_308 = arith.constant 4 : i32
          %add3A_309 = arith.addi %mul3A_266, %add3A_308 : i32
          %mul3A_310 = arith.constant 16 : i32
          %mul3A_311 = arith.muli %scan3A_275, %mul3A_310 : i32
          %get3A_312 = arith.index_cast %add3A_309 : i32 to index
          %get3A_313 = arith.index_cast %mul3A_311 : i32 to index
          %get3A_314 = tpu.vector_load %arg12[%get3A_312, %get3A_313] {strides = array<i32>} : memref<128x128xf32, #tpu.memory_space<vmem>>, vector<1x16xf32>,
          %get3A_315 = vector.shape_cast %get3A_314 : vector<1x16xf32> to vector<16xf32>
          %add3A_316 = arith.addf %add3A_307, %get3A_315 : vector<16xf32>
          %add3A_317 = arith.constant 5 : i32
          %add3A_318 = arith.addi %mul3A_266, %add3A_317 : i32
          %mul3A_319 = arith.constant 16 : i32
          %mul3A_320 = arith.muli %scan3A_275, %mul3A_319 : i32
          %get3A_321 = arith.index_cast %add3A_318 : i32 to index
          %get3A_322 = arith.index_cast %mul3A_320 : i32 to index
          %get3A_323 = tpu.vector_load %arg12[%get3A_321, %get3A_322] {strides = array<i32>} : memref<128x128xf32, #tpu.memory_space<vmem>>, vector<1x16xf32>,
          %get3A_324 = vector.shape_cast %get3A_323 : vector<1x16xf32> to vector<16xf32>
          %add3A_325 = arith.addf %add3A_316, %get3A_324 : vector<16xf32>
          %add3A_326 = arith.constant 6 : i32
          %add3A_327 = arith.addi %mul3A_266, %add3A_326 : i32
          %mul3A_328 = arith.constant 16 : i32
          %mul3A_329 = arith.muli %scan3A_275, %mul3A_328 : i32
          %get3A_330 = arith.index_cast %add3A_327 : i32 to index
          %get3A_331 = arith.index_cast %mul3A_329 : i32 to index
          %get3A_332 = tpu.vector_load %arg12[%get3A_330, %get3A_331] {strides = array<i32>} : memref<128x128xf32, #tpu.memory_space<vmem>>, vector<1x16xf32>,
          %get3A_333 = vector.shape_cast %get3A_332 : vector<1x16xf32> to vector<16xf32>
          %add3A_334 = arith.addf %add3A_325, %get3A_333 : vector<16xf32>
          %add3A_335 = arith.constant 7 : i32
          %add3A_336 = arith.addi %mul3A_266, %add3A_335 : i32
          %mul3A_337 = arith.constant 16 : i32
          %mul3A_338 = arith.muli %scan3A_275, %mul3A_337 : i32
          %get3A_339 = arith.index_cast %add3A_336 : i32 to index
          %get3A_340 = arith.index_cast %mul3A_338 : i32 to index
          %get3A_341 = tpu.vector_load %arg12[%get3A_339, %get3A_340] {strides = array<i32>} : memref<128x128xf32, #tpu.memory_space<vmem>>, vector<1x16xf32>,
          %get3A_342 = vector.shape_cast %get3A_341 : vector<1x16xf32> to vector<16xf32>
          %add3A_343 = arith.addf %add3A_334, %get3A_342 : vector<16xf32>
          %add3A_344 = arith.constant 8 : i32
          %add3A_345 = arith.addi %mul3A_266, %add3A_344 : i32
          %mul3A_346 = arith.constant 16 : i32
          %mul3A_347 = arith.muli %scan3A_275, %mul3A_346 : i32
          %get3A_348 = arith.index_cast %add3A_345 : i32 to index
          %get3A_349 = arith.index_cast %mul3A_347 : i32 to index
          %get3A_350 = tpu.vector_load %arg12[%get3A_348, %get3A_349] {strides = array<i32>} : memref<128x128xf32, #tpu.memory_space<vmem>>, vector<1x16xf32>,
          %get3A_351 = vector.shape_cast %get3A_350 : vector<1x16xf32> to vector<16xf32>
          %add3A_352 = arith.addf %add3A_343, %get3A_351 : vector<16xf32>
          %add3A_353 = arith.constant 9 : i32
          %add3A_354 = arith.addi %mul3A_266, %add3A_353 : i32
          %mul3A_355 = arith.constant 16 : i32
          %mul3A_356 = arith.muli %scan3A_275, %mul3A_355 : i32
          %get3A_357 = arith.index_cast %add3A_354 : i32 to index
          %get3A_358 = arith.index_cast %mul3A_356 : i32 to index
          %get3A_359 = tpu.vector_load %arg12[%get3A_357, %get3A_358] {strides = array<i32>} : memref<128x128xf32, #tpu.memory_space<vmem>>, vector<1x16xf32>,
          %get3A_360 = vector.shape_cast %get3A_359 : vector<1x16xf32> to vector<16xf32>
          %add3A_361 = arith.addf %add3A_352, %get3A_360 : vector<16xf32>
          %add3A_362 = arith.constant 10 : i32
          %add3A_363 = arith.addi %mul3A_266, %add3A_362 : i32
          %mul3A_364 = arith.constant 16 : i32
          %mul3A_365 = arith.muli %scan3A_275, %mul3A_364 : i32
          %get3A_366 = arith.index_cast %add3A_363 : i32 to index
          %get3A_367 = arith.index_cast %mul3A_365 : i32 to index
          %get3A_368 = tpu.vector_load %arg12[%get3A_366, %get3A_367] {strides = array<i32>} : memref<128x128xf32, #tpu.memory_space<vmem>>, vector<1x16xf32>,
          %get3A_369 = vector.shape_cast %get3A_368 : vector<1x16xf32> to vector<16xf32>
          %add3A_370 = arith.addf %add3A_361, %get3A_369 : vector<16xf32>
          %add3A_371 = arith.constant 11 : i32
          %add3A_372 = arith.addi %mul3A_266, %add3A_371 : i32
          %mul3A_373 = arith.constant 16 : i32
          %mul3A_374 = arith.muli %scan3A_275, %mul3A_373 : i32
          %get3A_375 = arith.index_cast %add3A_372 : i32 to index
          %get3A_376 = arith.index_cast %mul3A_374 : i32 to index
          %get3A_377 = tpu.vector_load %arg12[%get3A_375, %get3A_376] {strides = array<i32>} : memref<128x128xf32, #tpu.memory_space<vmem>>, vector<1x16xf32>,
          %get3A_378 = vector.shape_cast %get3A_377 : vector<1x16xf32> to vector<16xf32>
          %add3A_379 = arith.addf %add3A_370, %get3A_378 : vector<16xf32>
          %add3A_380 = arith.constant 12 : i32
          %add3A_381 = arith.addi %mul3A_266, %add3A_380 : i32
          %mul3A_382 = arith.constant 16 : i32
          %mul3A_383 = arith.muli %scan3A_275, %mul3A_382 : i32
          %get3A_384 = arith.index_cast %add3A_381 : i32 to index
          %get3A_385 = arith.index_cast %mul3A_383 : i32 to index
          %get3A_386 = tpu.vector_load %arg12[%get3A_384, %get3A_385] {strides = array<i32>} : memref<128x128xf32, #tpu.memory_space<vmem>>, vector<1x16xf32>,
          %get3A_387 = vector.shape_cast %get3A_386 : vector<1x16xf32> to vector<16xf32>
          %add3A_388 = arith.addf %add3A_379, %get3A_387 : vector<16xf32>
          %add3A_389 = arith.constant 13 : i32
          %add3A_390 = arith.addi %mul3A_266, %add3A_389 : i32
          %mul3A_391 = arith.constant 16 : i32
          %mul3A_392 = arith.muli %scan3A_275, %mul3A_391 : i32
          %get3A_393 = arith.index_cast %add3A_390 : i32 to index
          %get3A_394 = arith.index_cast %mul3A_392 : i32 to index
          %get3A_395 = tpu.vector_load %arg12[%get3A_393, %get3A_394] {strides = array<i32>} : memref<128x128xf32, #tpu.memory_space<vmem>>, vector<1x16xf32>,
          %get3A_396 = vector.shape_cast %get3A_395 : vector<1x16xf32> to vector<16xf32>
          %add3A_397 = arith.addf %add3A_388, %get3A_396 : vector<16xf32>
          %add3A_398 = arith.constant 14 : i32
          %add3A_399 = arith.addi %mul3A_266, %add3A_398 : i32
          %mul3A_400 = arith.constant 16 : i32
          %mul3A_401 = arith.muli %scan3A_275, %mul3A_400 : i32
          %get3A_402 = arith.index_cast %add3A_399 : i32 to index
          %get3A_403 = arith.index_cast %mul3A_401 : i32 to index
          %get3A_404 = tpu.vector_load %arg12[%get3A_402, %get3A_403] {strides = array<i32>} : memref<128x128xf32, #tpu.memory_space<vmem>>, vector<1x16xf32>,
          %get3A_405 = vector.shape_cast %get3A_404 : vector<1x16xf32> to vector<16xf32>
          %add3A_406 = arith.addf %add3A_397, %get3A_405 : vector<16xf32>
          %add3A_407 = arith.constant 15 : i32
          %add3A_408 = arith.addi %mul3A_266, %add3A_407 : i32
          %mul3A_409 = arith.constant 16 : i32
          %mul3A_410 = arith.muli %scan3A_275, %mul3A_409 : i32
          %get3A_411 = arith.index_cast %add3A_408 : i32 to index
          %get3A_412 = arith.index_cast %mul3A_410 : i32 to index
          %get3A_413 = tpu.vector_load %arg12[%get3A_411, %get3A_412] {strides = array<i32>} : memref<128x128xf32, #tpu.memory_space<vmem>>, vector<1x16xf32>,
          %get3A_414 = vector.shape_cast %get3A_413 : vector<1x16xf32> to vector<16xf32>
          %add3A_415 = arith.addf %add3A_406, %get3A_414 : vector<16xf32>
          %mul3A_416 = arith.constant 16 : i32
          %mul3A_417 = arith.muli %scan3A_275, %mul3A_416 : i32
          %swap3A = arith.index_cast %add3A_269 : i32 to index
          %swap3A_418 = arith.index_cast %mul3A_417 : i32 to index
          %swap3A_419 = tpu.vector_load %arg15[%swap3A, %swap3A_418] {strides = array<i32>} : memref<64x128xf32, #tpu.memory_space<vmem>>, vector<1x16xf32>,
          %swap3A_420 = vector.shape_cast %swap3A_419 : vector<1x16xf32> to vector<16xf32>
          %swap3A_421 = vector.shape_cast %add3A_415 : vector<16xf32> to vector<1x16xf32>
          tpu.vector_store %arg15[%swap3A, %swap3A_418], %swap3A_421 {strides = array<i32>} : memref<64x128xf32, #tpu.memory_space<vmem>>, vector<1x16xf32>,
        }
        %scan3A_274 = arith.constant 8 : i32
      }
      %scan3A_247 = arith.constant 8 : i32
      %mul3A_248 = arith.constant 4 : i32
      %mul3A_249 = arith.muli %scan3A_139, %mul3A_248 : i32
      %add3A_250 = arith.constant 0 : i32
      %add3A_251 = arith.addi %add3A_250, %mul3A_249 : i32
      %add3A_252 = arith.constant 3 : i32
      %add3A_253 = arith.addi %add3A_251, %add3A_252 : i32
      %add3A_254 = arith.constant 4 : i32
      %add3A_255 = arith.addi %add3A_253, %add3A_254 : i32
      %min3A_256 = arith.constant 79 : i32
      %min3A_257 = arith.minsi %add3A_255, %min3A_256 : i32
      %mul3A_258 = arith.constant 128 : i32
      %mul3A_259 = arith.muli %min3A_257, %mul3A_258 : i32
      %dma_start3A_260 = tpu.memref_slice %arg8[%mul3A_259] : memref<10240xi32, #tpu.memory_space<vmem>> -> memref<128xi32, #tpu.memory_space<vmem>>
      %dma_start3A_261 = arith.constant 0 : i32
      %dma_start3A_262 = arith.constant 0 : i32
      %dma_start3A_263 = tpu.memref_slice %arg4[%dma_start3A_261, %dma_start3A_262] : memref<100000x128xf32, #tpu.memory_space<hbm>> -> memref<100000x128xf32, #tpu.memory_space<hbm>>
      tpu.enqueue_indirect_dma source(%dma_start3A_263 : memref<100000x128xf32, #tpu.memory_space<hbm>>) target(%arg12 : memref<128x128xf32, #tpu.memory_space<vmem>>) offsets(%dma_start3A_260 : memref<128xi32, #tpu.memory_space<vmem>>) semaphore(%arg20 : memref<!tpu.dma_semaphore, #tpu.memory_space<semaphore_mem>>)
    }
    %scan3A_53 = arith.constant 2 : i32
    %dma_wait3A = arith.constant 0 : i32
    %dma_wait3A_54 = tpu.memref_slice %arg7[%dma_wait3A] : memref<640xi32, #tpu.memory_space<vmem>> -> memref<64xi32, #tpu.memory_space<vmem>>
    %dma_wait3A_55 = arith.constant 0 : i32
    %dma_wait3A_56 = arith.constant 0 : i32
    %dma_wait3A_57 = tpu.memref_slice %arg4[%dma_wait3A_55, %dma_wait3A_56] : memref<100000x128xf32, #tpu.memory_space<hbm>> -> memref<100000x128xf32, #tpu.memory_space<hbm>>
    tpu.wait_indirect_dma semaphore(%arg21 : memref<!tpu.dma_semaphore, #tpu.memory_space<semaphore_mem>>) src(%dma_wait3A_57 : memref<100000x128xf32, #tpu.memory_space<hbm>>) dst(%arg13 : memref<64x128xf32, #tpu.memory_space<vmem>>)
    %add3A_58 = arith.constant 0 : i32
    %add3A_59 = arith.addi %mul3A_2, %add3A_58 : i32
    %dma_start3A_60 = arith.constant 0 : i32
    %dma_start3A_61 = tpu.memref_slice %arg6[%add3A_59, %dma_start3A_60] : memref<20480x128xf32, #tpu.memory_space<hbm>> -> memref<64x128xf32, #tpu.memory_space<hbm>>
    %dma_start3A_62 = arith.constant 0 : i32
    %dma_start3A_63 = tpu.memref_slice %arg6[%add3A_59, %dma_start3A_62] : memref<20480x128xf32, #tpu.memory_space<hbm>> -> memref<64x128xf32, #tpu.memory_space<hbm>>
    tpu.enqueue_dma source(%arg15 : memref<64x128xf32, #tpu.memory_space<vmem>>) target(%dma_start3A_63 : memref<64x128xf32, #tpu.memory_space<hbm>>) target_semaphore(%arg23 : memref<!tpu.dma_semaphore, #tpu.memory_space<semaphore_mem>>)
    %dma_start3A_64 = arith.constant 0 : i32
    %dma_start3A_65 = tpu.memref_slice %arg5[%add3A_59, %dma_start3A_64] : memref<20480x128xf32, #tpu.memory_space<hbm>> -> memref<64x128xf32, #tpu.memory_space<hbm>>
    %dma_start3A_66 = arith.constant 0 : i32
    %dma_start3A_67 = tpu.memref_slice %arg5[%add3A_59, %dma_start3A_66] : memref<20480x128xf32, #tpu.memory_space<hbm>> -> memref<64x128xf32, #tpu.memory_space<hbm>>
    tpu.enqueue_dma source(%arg13 : memref<64x128xf32, #tpu.memory_space<vmem>>) target(%dma_start3A_67 : memref<64x128xf32, #tpu.memory_space<hbm>>) target_semaphore(%arg23 : memref<!tpu.dma_semaphore, #tpu.memory_space<semaphore_mem>>)
    %scan3A_68 = arith.constant 0 : i32
    %scan3A_69 = arith.constant 0 : i32
    %scan3A_70 = arith.constant 2 : i32
    %scan3A_71 = arith.addi %scan3A_69, %scan3A_70 : i32
    %scan3A_72 = arith.constant 1 : i32
    scf.for %scan3A_139 = %scan3A_69 to %scan3A_71 step %scan3A_72  : i32 {
      %dma_wait3A_140 = arith.constant 0 : i32
      %dma_wait3A_141 = tpu.memref_slice %arg8[%dma_wait3A_140] : memref<10240xi32, #tpu.memory_space<vmem>> -> memref<128xi32, #tpu.memory_space<vmem>>
      %dma_wait3A_142 = arith.constant 0 : i32
      %dma_wait3A_143 = arith.constant 0 : i32
      %dma_wait3A_144 = tpu.memref_slice %arg4[%dma_wait3A_142, %dma_wait3A_143] : memref<100000x128xf32, #tpu.memory_space<hbm>> -> memref<100000x128xf32, #tpu.memory_space<hbm>>
      tpu.wait_indirect_dma semaphore(%arg17 : memref<!tpu.dma_semaphore, #tpu.memory_space<semaphore_mem>>) src(%dma_wait3A_144 : memref<100000x128xf32, #tpu.memory_space<hbm>>) dst(%arg9 : memref<128x128xf32, #tpu.memory_space<vmem>>)
      %mul3A_145 = arith.constant 4 : i32
      %mul3A_146 = arith.muli %scan3A_139, %mul3A_145 : i32
      %add3A_147 = arith.constant 0 : i32
      %add3A_148 = arith.addi %mul3A_146, %add3A_147 : i32
      %scan3A_149 = arith.constant 0 : i32
      %scan3A_150 = arith.constant 0 : i32
      %scan3A_151 = arith.constant 8 : i32
      %scan3A_152 = arith.addi %scan3A_150, %scan3A_151 : i32
      %scan3A_153 = arith.constant 1 : i32
      scf.for %scan3A_264 = %scan3A_150 to %scan3A_152 step %scan3A_153  : i32 {
        %mul3A_265 = arith.constant 16 : i32
        %mul3A_266 = arith.muli %scan3A_264, %mul3A_265 : i32
        %mul3A_267 = arith.constant 8 : i32
        %mul3A_268 = arith.muli %add3A_148, %mul3A_267 : i32
        %add3A_269 = arith.addi %mul3A_268, %scan3A_264 : i32
        %scan3A_270 = arith.constant 0 : i32
        %scan3A_271 = arith.constant 8 : i32
        %scan3A_272 = arith.addi %scan3A_270, %scan3A_271 : i32
        %scan3A_273 = arith.constant 1 : i32
        scf.for %scan3A_275 = %scan3A_270 to %scan3A_272 step %scan3A_273  : i32 {
          %mul3A_276 = arith.constant 16 : i32
          %mul3A_277 = arith.muli %scan3A_275, %mul3A_276 : i32
          %get3A = arith.index_cast %mul3A_266 : i32 to index
          %get3A_278 = arith.index_cast %mul3A_277 : i32 to index
          %get3A_279 = tpu.vector_load %arg9[%get3A, %get3A_278] {strides = array<i32>} : memref<128x128xf32, #tpu.memory_space<vmem>>, vector<1x16xf32>,
          %get3A_280 = vector.shape_cast %get3A_279 : vector<1x16xf32> to vector<16xf32>
          %add3A_281 = arith.constant 1 : i32
          %add3A_282 = arith.addi %mul3A_266, %add3A_281 : i32
          %mul3A_283 = arith.constant 16 : i32
          %mul3A_284 = arith.muli %scan3A_275, %mul3A_283 : i32
          %get3A_285 = arith.index_cast %add3A_282 : i32 to index
          %get3A_286 = arith.index_cast %mul3A_284 : i32 to index
          %get3A_287 = tpu.vector_load %arg9[%get3A_285, %get3A_286] {strides = array<i32>} : memref<128x128xf32, #tpu.memory_space<vmem>>, vector<1x16xf32>,
          %get3A_288 = vector.shape_cast %get3A_287 : vector<1x16xf32> to vector<16xf32>
          %add3A_289 = arith.addf %get3A_280, %get3A_288 : vector<16xf32>
          %add3A_290 = arith.constant 2 : i32
          %add3A_291 = arith.addi %mul3A_266, %add3A_290 : i32
          %mul3A_292 = arith.constant 16 : i32
          %mul3A_293 = arith.muli %scan3A_275, %mul3A_292 : i32
          %get3A_294 = arith.index_cast %add3A_291 : i32 to index
          %get3A_295 = arith.index_cast %mul3A_293 : i32 to index
          %get3A_296 = tpu.vector_load %arg9[%get3A_294, %get3A_295] {strides = array<i32>} : memref<128x128xf32, #tpu.memory_space<vmem>>, vector<1x16xf32>,
          %get3A_297 = vector.shape_cast %get3A_296 : vector<1x16xf32> to vector<16xf32>
          %add3A_298 = arith.addf %add3A_289, %get3A_297 : vector<16xf32>
          %add3A_299 = arith.constant 3 : i32
          %add3A_300 = arith.addi %mul3A_266, %add3A_299 : i32
          %mul3A_301 = arith.constant 16 : i32
          %mul3A_302 = arith.muli %scan3A_275, %mul3A_301 : i32
          %get3A_303 = arith.index_cast %add3A_300 : i32 to index
          %get3A_304 = arith.index_cast %mul3A_302 : i32 to index
          %get3A_305 = tpu.vector_load %arg9[%get3A_303, %get3A_304] {strides = array<i32>} : memref<128x128xf32, #tpu.memory_space<vmem>>, vector<1x16xf32>,
          %get3A_306 = vector.shape_cast %get3A_305 : vector<1x16xf32> to vector<16xf32>
          %add3A_307 = arith.addf %add3A_298, %get3A_306 : vector<16xf32>
          %add3A_308 = arith.constant 4 : i32
          %add3A_309 = arith.addi %mul3A_266, %add3A_308 : i32
          %mul3A_310 = arith.constant 16 : i32
          %mul3A_311 = arith.muli %scan3A_275, %mul3A_310 : i32
          %get3A_312 = arith.index_cast %add3A_309 : i32 to index
          %get3A_313 = arith.index_cast %mul3A_311 : i32 to index
          %get3A_314 = tpu.vector_load %arg9[%get3A_312, %get3A_313] {strides = array<i32>} : memref<128x128xf32, #tpu.memory_space<vmem>>, vector<1x16xf32>,
          %get3A_315 = vector.shape_cast %get3A_314 : vector<1x16xf32> to vector<16xf32>
          %add3A_316 = arith.addf %add3A_307, %get3A_315 : vector<16xf32>
          %add3A_317 = arith.constant 5 : i32
          %add3A_318 = arith.addi %mul3A_266, %add3A_317 : i32
          %mul3A_319 = arith.constant 16 : i32
          %mul3A_320 = arith.muli %scan3A_275, %mul3A_319 : i32
          %get3A_321 = arith.index_cast %add3A_318 : i32 to index
          %get3A_322 = arith.index_cast %mul3A_320 : i32 to index
          %get3A_323 = tpu.vector_load %arg9[%get3A_321, %get3A_322] {strides = array<i32>} : memref<128x128xf32, #tpu.memory_space<vmem>>, vector<1x16xf32>,
          %get3A_324 = vector.shape_cast %get3A_323 : vector<1x16xf32> to vector<16xf32>
          %add3A_325 = arith.addf %add3A_316, %get3A_324 : vector<16xf32>
          %add3A_326 = arith.constant 6 : i32
          %add3A_327 = arith.addi %mul3A_266, %add3A_326 : i32
          %mul3A_328 = arith.constant 16 : i32
          %mul3A_329 = arith.muli %scan3A_275, %mul3A_328 : i32
          %get3A_330 = arith.index_cast %add3A_327 : i32 to index
          %get3A_331 = arith.index_cast %mul3A_329 : i32 to index
          %get3A_332 = tpu.vector_load %arg9[%get3A_330, %get3A_331] {strides = array<i32>} : memref<128x128xf32, #tpu.memory_space<vmem>>, vector<1x16xf32>,
          %get3A_333 = vector.shape_cast %get3A_332 : vector<1x16xf32> to vector<16xf32>
          %add3A_334 = arith.addf %add3A_325, %get3A_333 : vector<16xf32>
          %add3A_335 = arith.constant 7 : i32
          %add3A_336 = arith.addi %mul3A_266, %add3A_335 : i32
          %mul3A_337 = arith.constant 16 : i32
          %mul3A_338 = arith.muli %scan3A_275, %mul3A_337 : i32
          %get3A_339 = arith.index_cast %add3A_336 : i32 to index
          %get3A_340 = arith.index_cast %mul3A_338 : i32 to index
          %get3A_341 = tpu.vector_load %arg9[%get3A_339, %get3A_340] {strides = array<i32>} : memref<128x128xf32, #tpu.memory_space<vmem>>, vector<1x16xf32>,
          %get3A_342 = vector.shape_cast %get3A_341 : vector<1x16xf32> to vector<16xf32>
          %add3A_343 = arith.addf %add3A_334, %get3A_342 : vector<16xf32>
          %add3A_344 = arith.constant 8 : i32
          %add3A_345 = arith.addi %mul3A_266, %add3A_344 : i32
          %mul3A_346 = arith.constant 16 : i32
          %mul3A_347 = arith.muli %scan3A_275, %mul3A_346 : i32
          %get3A_348 = arith.index_cast %add3A_345 : i32 to index
          %get3A_349 = arith.index_cast %mul3A_347 : i32 to index
          %get3A_350 = tpu.vector_load %arg9[%get3A_348, %get3A_349] {strides = array<i32>} : memref<128x128xf32, #tpu.memory_space<vmem>>, vector<1x16xf32>,
          %get3A_351 = vector.shape_cast %get3A_350 : vector<1x16xf32> to vector<16xf32>
          %add3A_352 = arith.addf %add3A_343, %get3A_351 : vector<16xf32>
          %add3A_353 = arith.constant 9 : i32
          %add3A_354 = arith.addi %mul3A_266, %add3A_353 : i32
          %mul3A_355 = arith.constant 16 : i32
          %mul3A_356 = arith.muli %scan3A_275, %mul3A_355 : i32
          %get3A_357 = arith.index_cast %add3A_354 : i32 to index
          %get3A_358 = arith.index_cast %mul3A_356 : i32 to index
          %get3A_359 = tpu.vector_load %arg9[%get3A_357, %get3A_358] {strides = array<i32>} : memref<128x128xf32, #tpu.memory_space<vmem>>, vector<1x16xf32>,
          %get3A_360 = vector.shape_cast %get3A_359 : vector<1x16xf32> to vector<16xf32>
          %add3A_361 = arith.addf %add3A_352, %get3A_360 : vector<16xf32>
          %add3A_362 = arith.constant 10 : i32
          %add3A_363 = arith.addi %mul3A_266, %add3A_362 : i32
          %mul3A_364 = arith.constant 16 : i32
          %mul3A_365 = arith.muli %scan3A_275, %mul3A_364 : i32
          %get3A_366 = arith.index_cast %add3A_363 : i32 to index
          %get3A_367 = arith.index_cast %mul3A_365 : i32 to index
          %get3A_368 = tpu.vector_load %arg9[%get3A_366, %get3A_367] {strides = array<i32>} : memref<128x128xf32, #tpu.memory_space<vmem>>, vector<1x16xf32>,
          %get3A_369 = vector.shape_cast %get3A_368 : vector<1x16xf32> to vector<16xf32>
          %add3A_370 = arith.addf %add3A_361, %get3A_369 : vector<16xf32>
          %add3A_371 = arith.constant 11 : i32
          %add3A_372 = arith.addi %mul3A_266, %add3A_371 : i32
          %mul3A_373 = arith.constant 16 : i32
          %mul3A_374 = arith.muli %scan3A_275, %mul3A_373 : i32
          %get3A_375 = arith.index_cast %add3A_372 : i32 to index
          %get3A_376 = arith.index_cast %mul3A_374 : i32 to index
          %get3A_377 = tpu.vector_load %arg9[%get3A_375, %get3A_376] {strides = array<i32>} : memref<128x128xf32, #tpu.memory_space<vmem>>, vector<1x16xf32>,
          %get3A_378 = vector.shape_cast %get3A_377 : vector<1x16xf32> to vector<16xf32>
          %add3A_379 = arith.addf %add3A_370, %get3A_378 : vector<16xf32>
          %add3A_380 = arith.constant 12 : i32
          %add3A_381 = arith.addi %mul3A_266, %add3A_380 : i32
          %mul3A_382 = arith.constant 16 : i32
          %mul3A_383 = arith.muli %scan3A_275, %mul3A_382 : i32
          %get3A_384 = arith.index_cast %add3A_381 : i32 to index
          %get3A_385 = arith.index_cast %mul3A_383 : i32 to index
          %get3A_386 = tpu.vector_load %arg9[%get3A_384, %get3A_385] {strides = array<i32>} : memref<128x128xf32, #tpu.memory_space<vmem>>, vector<1x16xf32>,
          %get3A_387 = vector.shape_cast %get3A_386 : vector<1x16xf32> to vector<16xf32>
          %add3A_388 = arith.addf %add3A_379, %get3A_387 : vector<16xf32>
          %add3A_389 = arith.constant 13 : i32
          %add3A_390 = arith.addi %mul3A_266, %add3A_389 : i32
          %mul3A_391 = arith.constant 16 : i32
          %mul3A_392 = arith.muli %scan3A_275, %mul3A_391 : i32
          %get3A_393 = arith.index_cast %add3A_390 : i32 to index
          %get3A_394 = arith.index_cast %mul3A_392 : i32 to index
          %get3A_395 = tpu.vector_load %arg9[%get3A_393, %get3A_394] {strides = array<i32>} : memref<128x128xf32, #tpu.memory_space<vmem>>, vector<1x16xf32>,
          %get3A_396 = vector.shape_cast %get3A_395 : vector<1x16xf32> to vector<16xf32>
          %add3A_397 = arith.addf %add3A_388, %get3A_396 : vector<16xf32>
          %add3A_398 = arith.constant 14 : i32
          %add3A_399 = arith.addi %mul3A_266, %add3A_398 : i32
          %mul3A_400 = arith.constant 16 : i32
          %mul3A_401 = arith.muli %scan3A_275, %mul3A_400 : i32
          %get3A_402 = arith.index_cast %add3A_399 : i32 to index
          %get3A_403 = arith.index_cast %mul3A_401 : i32 to index
          %get3A_404 = tpu.vector_load %arg9[%get3A_402, %get3A_403] {strides = array<i32>} : memref<128x128xf32, #tpu.memory_space<vmem>>, vector<1x16xf32>,
          %get3A_405 = vector.shape_cast %get3A_404 : vector<1x16xf32> to vector<16xf32>
          %add3A_406 = arith.addf %add3A_397, %get3A_405 : vector<16xf32>
          %add3A_407 = arith.constant 15 : i32
          %add3A_408 = arith.addi %mul3A_266, %add3A_407 : i32
          %mul3A_409 = arith.constant 16 : i32
          %mul3A_410 = arith.muli %scan3A_275, %mul3A_409 : i32
          %get3A_411 = arith.index_cast %add3A_408 : i32 to index
          %get3A_412 = arith.index_cast %mul3A_410 : i32 to index
          %get3A_413 = tpu.vector_load %arg9[%get3A_411, %get3A_412] {strides = array<i32>} : memref<128x128xf32, #tpu.memory_space<vmem>>, vector<1x16xf32>,
          %get3A_414 = vector.shape_cast %get3A_413 : vector<1x16xf32> to vector<16xf32>
          %add3A_415 = arith.addf %add3A_406, %get3A_414 : vector<16xf32>
          %mul3A_416 = arith.constant 16 : i32
          %mul3A_417 = arith.muli %scan3A_275, %mul3A_416 : i32
          %swap3A = arith.index_cast %add3A_269 : i32 to index
          %swap3A_418 = arith.index_cast %mul3A_417 : i32 to index
          %swap3A_419 = tpu.vector_load %arg16[%swap3A, %swap3A_418] {strides = array<i32>} : memref<64x128xf32, #tpu.memory_space<vmem>>, vector<1x16xf32>,
          %swap3A_420 = vector.shape_cast %swap3A_419 : vector<1x16xf32> to vector<16xf32>
          %swap3A_421 = vector.shape_cast %add3A_415 : vector<16xf32> to vector<1x16xf32>
          tpu.vector_store %arg16[%swap3A, %swap3A_418], %swap3A_421 {strides = array<i32>} : memref<64x128xf32, #tpu.memory_space<vmem>>, vector<1x16xf32>,
        }
        %scan3A_274 = arith.constant 8 : i32
      }
      %scan3A_154 = arith.constant 8 : i32
      %mul3A_155 = arith.constant 4 : i32
      %mul3A_156 = arith.muli %scan3A_139, %mul3A_155 : i32
      %add3A_157 = arith.constant 8 : i32
      %add3A_158 = arith.addi %add3A_157, %mul3A_156 : i32
      %add3A_159 = arith.constant 0 : i32
      %add3A_160 = arith.addi %add3A_158, %add3A_159 : i32
      %add3A_161 = arith.constant 4 : i32
      %add3A_162 = arith.addi %add3A_160, %add3A_161 : i32
      %min3A_163 = arith.constant 79 : i32
      %min3A_164 = arith.minsi %add3A_162, %min3A_163 : i32
      %mul3A_165 = arith.constant 128 : i32
      %mul3A_166 = arith.muli %min3A_164, %mul3A_165 : i32
      %dma_start3A_167 = tpu.memref_slice %arg8[%mul3A_166] : memref<10240xi32, #tpu.memory_space<vmem>> -> memref<128xi32, #tpu.memory_space<vmem>>
      %dma_start3A_168 = arith.constant 0 : i32
      %dma_start3A_169 = arith.constant 0 : i32
      %dma_start3A_170 = tpu.memref_slice %arg4[%dma_start3A_168, %dma_start3A_169] : memref<100000x128xf32, #tpu.memory_space<hbm>> -> memref<100000x128xf32, #tpu.memory_space<hbm>>
      tpu.enqueue_indirect_dma source(%dma_start3A_170 : memref<100000x128xf32, #tpu.memory_space<hbm>>) target(%arg9 : memref<128x128xf32, #tpu.memory_space<vmem>>) offsets(%dma_start3A_167 : memref<128xi32, #tpu.memory_space<vmem>>) semaphore(%arg17 : memref<!tpu.dma_semaphore, #tpu.memory_space<semaphore_mem>>)
      %dma_wait3A_171 = arith.constant 0 : i32
      %dma_wait3A_172 = tpu.memref_slice %arg8[%dma_wait3A_171] : memref<10240xi32, #tpu.memory_space<vmem>> -> memref<128xi32, #tpu.memory_space<vmem>>
      %dma_wait3A_173 = arith.constant 0 : i32
      %dma_wait3A_174 = arith.constant 0 : i32
      %dma_wait3A_175 = tpu.memref_slice %arg4[%dma_wait3A_173, %dma_wait3A_174] : memref<100000x128xf32, #tpu.memory_space<hbm>> -> memref<100000x128xf32, #tpu.memory_space<hbm>>
      tpu.wait_indirect_dma semaphore(%arg18 : memref<!tpu.dma_semaphore, #tpu.memory_space<semaphore_mem>>) src(%dma_wait3A_175 : memref<100000x128xf32, #tpu.memory_space<hbm>>) dst(%arg10 : memref<128x128xf32, #tpu.memory_space<vmem>>)
      %mul3A_176 = arith.constant 4 : i32
      %mul3A_177 = arith.muli %scan3A_139, %mul3A_176 : i32
      %add3A_178 = arith.constant 1 : i32
      %add3A_179 = arith.addi %mul3A_177, %add3A_178 : i32
      %scan3A_180 = arith.constant 0 : i32
      %scan3A_181 = arith.constant 0 : i32
      %scan3A_182 = arith.constant 8 : i32
      %scan3A_183 = arith.addi %scan3A_181, %scan3A_182 : i32
      %scan3A_184 = arith.constant 1 : i32
      scf.for %scan3A_264 = %scan3A_181 to %scan3A_183 step %scan3A_184  : i32 {
        %mul3A_265 = arith.constant 16 : i32
        %mul3A_266 = arith.muli %scan3A_264, %mul3A_265 : i32
        %mul3A_267 = arith.constant 8 : i32
        %mul3A_268 = arith.muli %add3A_179, %mul3A_267 : i32
        %add3A_269 = arith.addi %mul3A_268, %scan3A_264 : i32
        %scan3A_270 = arith.constant 0 : i32
        %scan3A_271 = arith.constant 8 : i32
        %scan3A_272 = arith.addi %scan3A_270, %scan3A_271 : i32
        %scan3A_273 = arith.constant 1 : i32
        scf.for %scan3A_275 = %scan3A_270 to %scan3A_272 step %scan3A_273  : i32 {
          %mul3A_276 = arith.constant 16 : i32
          %mul3A_277 = arith.muli %scan3A_275, %mul3A_276 : i32
          %get3A = arith.index_cast %mul3A_266 : i32 to index
          %get3A_278 = arith.index_cast %mul3A_277 : i32 to index
          %get3A_279 = tpu.vector_load %arg10[%get3A, %get3A_278] {strides = array<i32>} : memref<128x128xf32, #tpu.memory_space<vmem>>, vector<1x16xf32>,
          %get3A_280 = vector.shape_cast %get3A_279 : vector<1x16xf32> to vector<16xf32>
          %add3A_281 = arith.constant 1 : i32
          %add3A_282 = arith.addi %mul3A_266, %add3A_281 : i32
          %mul3A_283 = arith.constant 16 : i32
          %mul3A_284 = arith.muli %scan3A_275, %mul3A_283 : i32
          %get3A_285 = arith.index_cast %add3A_282 : i32 to index
          %get3A_286 = arith.index_cast %mul3A_284 : i32 to index
          %get3A_287 = tpu.vector_load %arg10[%get3A_285, %get3A_286] {strides = array<i32>} : memref<128x128xf32, #tpu.memory_space<vmem>>, vector<1x16xf32>,
          %get3A_288 = vector.shape_cast %get3A_287 : vector<1x16xf32> to vector<16xf32>
          %add3A_289 = arith.addf %get3A_280, %get3A_288 : vector<16xf32>
          %add3A_290 = arith.constant 2 : i32
          %add3A_291 = arith.addi %mul3A_266, %add3A_290 : i32
          %mul3A_292 = arith.constant 16 : i32
          %mul3A_293 = arith.muli %scan3A_275, %mul3A_292 : i32
          %get3A_294 = arith.index_cast %add3A_291 : i32 to index
          %get3A_295 = arith.index_cast %mul3A_293 : i32 to index
          %get3A_296 = tpu.vector_load %arg10[%get3A_294, %get3A_295] {strides = array<i32>} : memref<128x128xf32, #tpu.memory_space<vmem>>, vector<1x16xf32>,
          %get3A_297 = vector.shape_cast %get3A_296 : vector<1x16xf32> to vector<16xf32>
          %add3A_298 = arith.addf %add3A_289, %get3A_297 : vector<16xf32>
          %add3A_299 = arith.constant 3 : i32
          %add3A_300 = arith.addi %mul3A_266, %add3A_299 : i32
          %mul3A_301 = arith.constant 16 : i32
          %mul3A_302 = arith.muli %scan3A_275, %mul3A_301 : i32
          %get3A_303 = arith.index_cast %add3A_300 : i32 to index
          %get3A_304 = arith.index_cast %mul3A_302 : i32 to index
          %get3A_305 = tpu.vector_load %arg10[%get3A_303, %get3A_304] {strides = array<i32>} : memref<128x128xf32, #tpu.memory_space<vmem>>, vector<1x16xf32>,
          %get3A_306 = vector.shape_cast %get3A_305 : vector<1x16xf32> to vector<16xf32>
          %add3A_307 = arith.addf %add3A_298, %get3A_306 : vector<16xf32>
          %add3A_308 = arith.constant 4 : i32
          %add3A_309 = arith.addi %mul3A_266, %add3A_308 : i32
          %mul3A_310 = arith.constant 16 : i32
          %mul3A_311 = arith.muli %scan3A_275, %mul3A_310 : i32
          %get3A_312 = arith.index_cast %add3A_309 : i32 to index
          %get3A_313 = arith.index_cast %mul3A_311 : i32 to index
          %get3A_314 = tpu.vector_load %arg10[%get3A_312, %get3A_313] {strides = array<i32>} : memref<128x128xf32, #tpu.memory_space<vmem>>, vector<1x16xf32>,
          %get3A_315 = vector.shape_cast %get3A_314 : vector<1x16xf32> to vector<16xf32>
          %add3A_316 = arith.addf %add3A_307, %get3A_315 : vector<16xf32>
          %add3A_317 = arith.constant 5 : i32
          %add3A_318 = arith.addi %mul3A_266, %add3A_317 : i32
          %mul3A_319 = arith.constant 16 : i32
          %mul3A_320 = arith.muli %scan3A_275, %mul3A_319 : i32
          %get3A_321 = arith.index_cast %add3A_318 : i32 to index
          %get3A_322 = arith.index_cast %mul3A_320 : i32 to index
          %get3A_323 = tpu.vector_load %arg10[%get3A_321, %get3A_322] {strides = array<i32>} : memref<128x128xf32, #tpu.memory_space<vmem>>, vector<1x16xf32>,
          %get3A_324 = vector.shape_cast %get3A_323 : vector<1x16xf32> to vector<16xf32>
          %add3A_325 = arith.addf %add3A_316, %get3A_324 : vector<16xf32>
          %add3A_326 = arith.constant 6 : i32
          %add3A_327 = arith.addi %mul3A_266, %add3A_326 : i32
          %mul3A_328 = arith.constant 16 : i32
          %mul3A_329 = arith.muli %scan3A_275, %mul3A_328 : i32
          %get3A_330 = arith.index_cast %add3A_327 : i32 to index
          %get3A_331 = arith.index_cast %mul3A_329 : i32 to index
          %get3A_332 = tpu.vector_load %arg10[%get3A_330, %get3A_331] {strides = array<i32>} : memref<128x128xf32, #tpu.memory_space<vmem>>, vector<1x16xf32>,
          %get3A_333 = vector.shape_cast %get3A_332 : vector<1x16xf32> to vector<16xf32>
          %add3A_334 = arith.addf %add3A_325, %get3A_333 : vector<16xf32>
          %add3A_335 = arith.constant 7 : i32
          %add3A_336 = arith.addi %mul3A_266, %add3A_335 : i32
          %mul3A_337 = arith.constant 16 : i32
          %mul3A_338 = arith.muli %scan3A_275, %mul3A_337 : i32
          %get3A_339 = arith.index_cast %add3A_336 : i32 to index
          %get3A_340 = arith.index_cast %mul3A_338 : i32 to index
          %get3A_341 = tpu.vector_load %arg10[%get3A_339, %get3A_340] {strides = array<i32>} : memref<128x128xf32, #tpu.memory_space<vmem>>, vector<1x16xf32>,
          %get3A_342 = vector.shape_cast %get3A_341 : vector<1x16xf32> to vector<16xf32>
          %add3A_343 = arith.addf %add3A_334, %get3A_342 : vector<16xf32>
          %add3A_344 = arith.constant 8 : i32
          %add3A_345 = arith.addi %mul3A_266, %add3A_344 : i32
          %mul3A_346 = arith.constant 16 : i32
          %mul3A_347 = arith.muli %scan3A_275, %mul3A_346 : i32
          %get3A_348 = arith.index_cast %add3A_345 : i32 to index
          %get3A_349 = arith.index_cast %mul3A_347 : i32 to index
          %get3A_350 = tpu.vector_load %arg10[%get3A_348, %get3A_349] {strides = array<i32>} : memref<128x128xf32, #tpu.memory_space<vmem>>, vector<1x16xf32>,
          %get3A_351 = vector.shape_cast %get3A_350 : vector<1x16xf32> to vector<16xf32>
          %add3A_352 = arith.addf %add3A_343, %get3A_351 : vector<16xf32>
          %add3A_353 = arith.constant 9 : i32
          %add3A_354 = arith.addi %mul3A_266, %add3A_353 : i32
          %mul3A_355 = arith.constant 16 : i32
          %mul3A_356 = arith.muli %scan3A_275, %mul3A_355 : i32
          %get3A_357 = arith.index_cast %add3A_354 : i32 to index
          %get3A_358 = arith.index_cast %mul3A_356 : i32 to index
          %get3A_359 = tpu.vector_load %arg10[%get3A_357, %get3A_358] {strides = array<i32>} : memref<128x128xf32, #tpu.memory_space<vmem>>, vector<1x16xf32>,
          %get3A_360 = vector.shape_cast %get3A_359 : vector<1x16xf32> to vector<16xf32>
          %add3A_361 = arith.addf %add3A_352, %get3A_360 : vector<16xf32>
          %add3A_362 = arith.constant 10 : i32
          %add3A_363 = arith.addi %mul3A_266, %add3A_362 : i32
          %mul3A_364 = arith.constant 16 : i32
          %mul3A_365 = arith.muli %scan3A_275, %mul3A_364 : i32
          %get3A_366 = arith.index_cast %add3A_363 : i32 to index
          %get3A_367 = arith.index_cast %mul3A_365 : i32 to index
          %get3A_368 = tpu.vector_load %arg10[%get3A_366, %get3A_367] {strides = array<i32>} : memref<128x128xf32, #tpu.memory_space<vmem>>, vector<1x16xf32>,
          %get3A_369 = vector.shape_cast %get3A_368 : vector<1x16xf32> to vector<16xf32>
          %add3A_370 = arith.addf %add3A_361, %get3A_369 : vector<16xf32>
          %add3A_371 = arith.constant 11 : i32
          %add3A_372 = arith.addi %mul3A_266, %add3A_371 : i32
          %mul3A_373 = arith.constant 16 : i32
          %mul3A_374 = arith.muli %scan3A_275, %mul3A_373 : i32
          %get3A_375 = arith.index_cast %add3A_372 : i32 to index
          %get3A_376 = arith.index_cast %mul3A_374 : i32 to index
          %get3A_377 = tpu.vector_load %arg10[%get3A_375, %get3A_376] {strides = array<i32>} : memref<128x128xf32, #tpu.memory_space<vmem>>, vector<1x16xf32>,
          %get3A_378 = vector.shape_cast %get3A_377 : vector<1x16xf32> to vector<16xf32>
          %add3A_379 = arith.addf %add3A_370, %get3A_378 : vector<16xf32>
          %add3A_380 = arith.constant 12 : i32
          %add3A_381 = arith.addi %mul3A_266, %add3A_380 : i32
          %mul3A_382 = arith.constant 16 : i32
          %mul3A_383 = arith.muli %scan3A_275, %mul3A_382 : i32
          %get3A_384 = arith.index_cast %add3A_381 : i32 to index
          %get3A_385 = arith.index_cast %mul3A_383 : i32 to index
          %get3A_386 = tpu.vector_load %arg10[%get3A_384, %get3A_385] {strides = array<i32>} : memref<128x128xf32, #tpu.memory_space<vmem>>, vector<1x16xf32>,
          %get3A_387 = vector.shape_cast %get3A_386 : vector<1x16xf32> to vector<16xf32>
          %add3A_388 = arith.addf %add3A_379, %get3A_387 : vector<16xf32>
          %add3A_389 = arith.constant 13 : i32
          %add3A_390 = arith.addi %mul3A_266, %add3A_389 : i32
          %mul3A_391 = arith.constant 16 : i32
          %mul3A_392 = arith.muli %scan3A_275, %mul3A_391 : i32
          %get3A_393 = arith.index_cast %add3A_390 : i32 to index
          %get3A_394 = arith.index_cast %mul3A_392 : i32 to index
          %get3A_395 = tpu.vector_load %arg10[%get3A_393, %get3A_394] {strides = array<i32>} : memref<128x128xf32, #tpu.memory_space<vmem>>, vector<1x16xf32>,
          %get3A_396 = vector.shape_cast %get3A_395 : vector<1x16xf32> to vector<16xf32>
          %add3A_397 = arith.addf %add3A_388, %get3A_396 : vector<16xf32>
          %add3A_398 = arith.constant 14 : i32
          %add3A_399 = arith.addi %mul3A_266, %add3A_398 : i32
          %mul3A_400 = arith.constant 16 : i32
          %mul3A_401 = arith.muli %scan3A_275, %mul3A_400 : i32
          %get3A_402 = arith.index_cast %add3A_399 : i32 to index
          %get3A_403 = arith.index_cast %mul3A_401 : i32 to index
          %get3A_404 = tpu.vector_load %arg10[%get3A_402, %get3A_403] {strides = array<i32>} : memref<128x128xf32, #tpu.memory_space<vmem>>, vector<1x16xf32>,
          %get3A_405 = vector.shape_cast %get3A_404 : vector<1x16xf32> to vector<16xf32>
          %add3A_406 = arith.addf %add3A_397, %get3A_405 : vector<16xf32>
          %add3A_407 = arith.constant 15 : i32
          %add3A_408 = arith.addi %mul3A_266, %add3A_407 : i32
          %mul3A_409 = arith.constant 16 : i32
          %mul3A_410 = arith.muli %scan3A_275, %mul3A_409 : i32
          %get3A_411 = arith.index_cast %add3A_408 : i32 to index
          %get3A_412 = arith.index_cast %mul3A_410 : i32 to index
          %get3A_413 = tpu.vector_load %arg10[%get3A_411, %get3A_412] {strides = array<i32>} : memref<128x128xf32, #tpu.memory_space<vmem>>, vector<1x16xf32>,
          %get3A_414 = vector.shape_cast %get3A_413 : vector<1x16xf32> to vector<16xf32>
          %add3A_415 = arith.addf %add3A_406, %get3A_414 : vector<16xf32>
          %mul3A_416 = arith.constant 16 : i32
          %mul3A_417 = arith.muli %scan3A_275, %mul3A_416 : i32
          %swap3A = arith.index_cast %add3A_269 : i32 to index
          %swap3A_418 = arith.index_cast %mul3A_417 : i32 to index
          %swap3A_419 = tpu.vector_load %arg16[%swap3A, %swap3A_418] {strides = array<i32>} : memref<64x128xf32, #tpu.memory_space<vmem>>, vector<1x16xf32>,
          %swap3A_420 = vector.shape_cast %swap3A_419 : vector<1x16xf32> to vector<16xf32>
          %swap3A_421 = vector.shape_cast %add3A_415 : vector<16xf32> to vector<1x16xf32>
          tpu.vector_store %arg16[%swap3A, %swap3A_418], %swap3A_421 {strides = array<i32>} : memref<64x128xf32, #tpu.memory_space<vmem>>, vector<1x16xf32>,
        }
        %scan3A_274 = arith.constant 8 : i32
      }
      %scan3A_185 = arith.constant 8 : i32
      %mul3A_186 = arith.constant 4 : i32
      %mul3A_187 = arith.muli %scan3A_139, %mul3A_186 : i32
      %add3A_188 = arith.constant 8 : i32
      %add3A_189 = arith.addi %add3A_188, %mul3A_187 : i32
      %add3A_190 = arith.constant 1 : i32
      %add3A_191 = arith.addi %add3A_189, %add3A_190 : i32
      %add3A_192 = arith.constant 4 : i32
      %add3A_193 = arith.addi %add3A_191, %add3A_192 : i32
      %min3A_194 = arith.constant 79 : i32
      %min3A_195 = arith.minsi %add3A_193, %min3A_194 : i32
      %mul3A_196 = arith.constant 128 : i32
      %mul3A_197 = arith.muli %min3A_195, %mul3A_196 : i32
      %dma_start3A_198 = tpu.memref_slice %arg8[%mul3A_197] : memref<10240xi32, #tpu.memory_space<vmem>> -> memref<128xi32, #tpu.memory_space<vmem>>
      %dma_start3A_199 = arith.constant 0 : i32
      %dma_start3A_200 = arith.constant 0 : i32
      %dma_start3A_201 = tpu.memref_slice %arg4[%dma_start3A_199, %dma_start3A_200] : memref<100000x128xf32, #tpu.memory_space<hbm>> -> memref<100000x128xf32, #tpu.memory_space<hbm>>
      tpu.enqueue_indirect_dma source(%dma_start3A_201 : memref<100000x128xf32, #tpu.memory_space<hbm>>) target(%arg10 : memref<128x128xf32, #tpu.memory_space<vmem>>) offsets(%dma_start3A_198 : memref<128xi32, #tpu.memory_space<vmem>>) semaphore(%arg18 : memref<!tpu.dma_semaphore, #tpu.memory_space<semaphore_mem>>)
      %dma_wait3A_202 = arith.constant 0 : i32
      %dma_wait3A_203 = tpu.memref_slice %arg8[%dma_wait3A_202] : memref<10240xi32, #tpu.memory_space<vmem>> -> memref<128xi32, #tpu.memory_space<vmem>>
      %dma_wait3A_204 = arith.constant 0 : i32
      %dma_wait3A_205 = arith.constant 0 : i32
      %dma_wait3A_206 = tpu.memref_slice %arg4[%dma_wait3A_204, %dma_wait3A_205] : memref<100000x128xf32, #tpu.memory_space<hbm>> -> memref<100000x128xf32, #tpu.memory_space<hbm>>
      tpu.wait_indirect_dma semaphore(%arg19 : memref<!tpu.dma_semaphore, #tpu.memory_space<semaphore_mem>>) src(%dma_wait3A_206 : memref<100000x128xf32, #tpu.memory_space<hbm>>) dst(%arg11 : memref<128x128xf32, #tpu.memory_space<vmem>>)
      %mul3A_207 = arith.constant 4 : i32
      %mul3A_208 = arith.muli %scan3A_139, %mul3A_207 : i32
      %add3A_209 = arith.constant 2 : i32
      %add3A_210 = arith.addi %mul3A_208, %add3A_209 : i32
      %scan3A_211 = arith.constant 0 : i32
      %scan3A_212 = arith.constant 0 : i32
      %scan3A_213 = arith.constant 8 : i32
      %scan3A_214 = arith.addi %scan3A_212, %scan3A_213 : i32
      %scan3A_215 = arith.constant 1 : i32
      scf.for %scan3A_264 = %scan3A_212 to %scan3A_214 step %scan3A_215  : i32 {
        %mul3A_265 = arith.constant 16 : i32
        %mul3A_266 = arith.muli %scan3A_264, %mul3A_265 : i32
        %mul3A_267 = arith.constant 8 : i32
        %mul3A_268 = arith.muli %add3A_210, %mul3A_267 : i32
        %add3A_269 = arith.addi %mul3A_268, %scan3A_264 : i32
        %scan3A_270 = arith.constant 0 : i32
        %scan3A_271 = arith.constant 8 : i32
        %scan3A_272 = arith.addi %scan3A_270, %scan3A_271 : i32
        %scan3A_273 = arith.constant 1 : i32
        scf.for %scan3A_275 = %scan3A_270 to %scan3A_272 step %scan3A_273  : i32 {
          %mul3A_276 = arith.constant 16 : i32
          %mul3A_277 = arith.muli %scan3A_275, %mul3A_276 : i32
          %get3A = arith.index_cast %mul3A_266 : i32 to index
          %get3A_278 = arith.index_cast %mul3A_277 : i32 to index
          %get3A_279 = tpu.vector_load %arg11[%get3A, %get3A_278] {strides = array<i32>} : memref<128x128xf32, #tpu.memory_space<vmem>>, vector<1x16xf32>,
          %get3A_280 = vector.shape_cast %get3A_279 : vector<1x16xf32> to vector<16xf32>
          %add3A_281 = arith.constant 1 : i32
          %add3A_282 = arith.addi %mul3A_266, %add3A_281 : i32
          %mul3A_283 = arith.constant 16 : i32
          %mul3A_284 = arith.muli %scan3A_275, %mul3A_283 : i32
          %get3A_285 = arith.index_cast %add3A_282 : i32 to index
          %get3A_286 = arith.index_cast %mul3A_284 : i32 to index
          %get3A_287 = tpu.vector_load %arg11[%get3A_285, %get3A_286] {strides = array<i32>} : memref<128x128xf32, #tpu.memory_space<vmem>>, vector<1x16xf32>,
          %get3A_288 = vector.shape_cast %get3A_287 : vector<1x16xf32> to vector<16xf32>
          %add3A_289 = arith.addf %get3A_280, %get3A_288 : vector<16xf32>
          %add3A_290 = arith.constant 2 : i32
          %add3A_291 = arith.addi %mul3A_266, %add3A_290 : i32
          %mul3A_292 = arith.constant 16 : i32
          %mul3A_293 = arith.muli %scan3A_275, %mul3A_292 : i32
          %get3A_294 = arith.index_cast %add3A_291 : i32 to index
          %get3A_295 = arith.index_cast %mul3A_293 : i32 to index
          %get3A_296 = tpu.vector_load %arg11[%get3A_294, %get3A_295] {strides = array<i32>} : memref<128x128xf32, #tpu.memory_space<vmem>>, vector<1x16xf32>,
          %get3A_297 = vector.shape_cast %get3A_296 : vector<1x16xf32> to vector<16xf32>
          %add3A_298 = arith.addf %add3A_289, %get3A_297 : vector<16xf32>
          %add3A_299 = arith.constant 3 : i32
          %add3A_300 = arith.addi %mul3A_266, %add3A_299 : i32
          %mul3A_301 = arith.constant 16 : i32
          %mul3A_302 = arith.muli %scan3A_275, %mul3A_301 : i32
          %get3A_303 = arith.index_cast %add3A_300 : i32 to index
          %get3A_304 = arith.index_cast %mul3A_302 : i32 to index
          %get3A_305 = tpu.vector_load %arg11[%get3A_303, %get3A_304] {strides = array<i32>} : memref<128x128xf32, #tpu.memory_space<vmem>>, vector<1x16xf32>,
          %get3A_306 = vector.shape_cast %get3A_305 : vector<1x16xf32> to vector<16xf32>
          %add3A_307 = arith.addf %add3A_298, %get3A_306 : vector<16xf32>
          %add3A_308 = arith.constant 4 : i32
          %add3A_309 = arith.addi %mul3A_266, %add3A_308 : i32
          %mul3A_310 = arith.constant 16 : i32
          %mul3A_311 = arith.muli %scan3A_275, %mul3A_310 : i32
          %get3A_312 = arith.index_cast %add3A_309 : i32 to index
          %get3A_313 = arith.index_cast %mul3A_311 : i32 to index
          %get3A_314 = tpu.vector_load %arg11[%get3A_312, %get3A_313] {strides = array<i32>} : memref<128x128xf32, #tpu.memory_space<vmem>>, vector<1x16xf32>,
          %get3A_315 = vector.shape_cast %get3A_314 : vector<1x16xf32> to vector<16xf32>
          %add3A_316 = arith.addf %add3A_307, %get3A_315 : vector<16xf32>
          %add3A_317 = arith.constant 5 : i32
          %add3A_318 = arith.addi %mul3A_266, %add3A_317 : i32
          %mul3A_319 = arith.constant 16 : i32
          %mul3A_320 = arith.muli %scan3A_275, %mul3A_319 : i32
          %get3A_321 = arith.index_cast %add3A_318 : i32 to index
          %get3A_322 = arith.index_cast %mul3A_320 : i32 to index
          %get3A_323 = tpu.vector_load %arg11[%get3A_321, %get3A_322] {strides = array<i32>} : memref<128x128xf32, #tpu.memory_space<vmem>>, vector<1x16xf32>,
          %get3A_324 = vector.shape_cast %get3A_323 : vector<1x16xf32> to vector<16xf32>
          %add3A_325 = arith.addf %add3A_316, %get3A_324 : vector<16xf32>
          %add3A_326 = arith.constant 6 : i32
          %add3A_327 = arith.addi %mul3A_266, %add3A_326 : i32
          %mul3A_328 = arith.constant 16 : i32
          %mul3A_329 = arith.muli %scan3A_275, %mul3A_328 : i32
          %get3A_330 = arith.index_cast %add3A_327 : i32 to index
          %get3A_331 = arith.index_cast %mul3A_329 : i32 to index
          %get3A_332 = tpu.vector_load %arg11[%get3A_330, %get3A_331] {strides = array<i32>} : memref<128x128xf32, #tpu.memory_space<vmem>>, vector<1x16xf32>,
          %get3A_333 = vector.shape_cast %get3A_332 : vector<1x16xf32> to vector<16xf32>
          %add3A_334 = arith.addf %add3A_325, %get3A_333 : vector<16xf32>
          %add3A_335 = arith.constant 7 : i32
          %add3A_336 = arith.addi %mul3A_266, %add3A_335 : i32
          %mul3A_337 = arith.constant 16 : i32
          %mul3A_338 = arith.muli %scan3A_275, %mul3A_337 : i32
          %get3A_339 = arith.index_cast %add3A_336 : i32 to index
          %get3A_340 = arith.index_cast %mul3A_338 : i32 to index
          %get3A_341 = tpu.vector_load %arg11[%get3A_339, %get3A_340] {strides = array<i32>} : memref<128x128xf32, #tpu.memory_space<vmem>>, vector<1x16xf32>,
          %get3A_342 = vector.shape_cast %get3A_341 : vector<1x16xf32> to vector<16xf32>
          %add3A_343 = arith.addf %add3A_334, %get3A_342 : vector<16xf32>
          %add3A_344 = arith.constant 8 : i32
          %add3A_345 = arith.addi %mul3A_266, %add3A_344 : i32
          %mul3A_346 = arith.constant 16 : i32
          %mul3A_347 = arith.muli %scan3A_275, %mul3A_346 : i32
          %get3A_348 = arith.index_cast %add3A_345 : i32 to index
          %get3A_349 = arith.index_cast %mul3A_347 : i32 to index
          %get3A_350 = tpu.vector_load %arg11[%get3A_348, %get3A_349] {strides = array<i32>} : memref<128x128xf32, #tpu.memory_space<vmem>>, vector<1x16xf32>,
          %get3A_351 = vector.shape_cast %get3A_350 : vector<1x16xf32> to vector<16xf32>
          %add3A_352 = arith.addf %add3A_343, %get3A_351 : vector<16xf32>
          %add3A_353 = arith.constant 9 : i32
          %add3A_354 = arith.addi %mul3A_266, %add3A_353 : i32
          %mul3A_355 = arith.constant 16 : i32
          %mul3A_356 = arith.muli %scan3A_275, %mul3A_355 : i32
          %get3A_357 = arith.index_cast %add3A_354 : i32 to index
          %get3A_358 = arith.index_cast %mul3A_356 : i32 to index
          %get3A_359 = tpu.vector_load %arg11[%get3A_357, %get3A_358] {strides = array<i32>} : memref<128x128xf32, #tpu.memory_space<vmem>>, vector<1x16xf32>,
          %get3A_360 = vector.shape_cast %get3A_359 : vector<1x16xf32> to vector<16xf32>
          %add3A_361 = arith.addf %add3A_352, %get3A_360 : vector<16xf32>
          %add3A_362 = arith.constant 10 : i32
          %add3A_363 = arith.addi %mul3A_266, %add3A_362 : i32
          %mul3A_364 = arith.constant 16 : i32
          %mul3A_365 = arith.muli %scan3A_275, %mul3A_364 : i32
          %get3A_366 = arith.index_cast %add3A_363 : i32 to index
          %get3A_367 = arith.index_cast %mul3A_365 : i32 to index
          %get3A_368 = tpu.vector_load %arg11[%get3A_366, %get3A_367] {strides = array<i32>} : memref<128x128xf32, #tpu.memory_space<vmem>>, vector<1x16xf32>,
          %get3A_369 = vector.shape_cast %get3A_368 : vector<1x16xf32> to vector<16xf32>
          %add3A_370 = arith.addf %add3A_361, %get3A_369 : vector<16xf32>
          %add3A_371 = arith.constant 11 : i32
          %add3A_372 = arith.addi %mul3A_266, %add3A_371 : i32
          %mul3A_373 = arith.constant 16 : i32
          %mul3A_374 = arith.muli %scan3A_275, %mul3A_373 : i32
          %get3A_375 = arith.index_cast %add3A_372 : i32 to index
          %get3A_376 = arith.index_cast %mul3A_374 : i32 to index
          %get3A_377 = tpu.vector_load %arg11[%get3A_375, %get3A_376] {strides = array<i32>} : memref<128x128xf32, #tpu.memory_space<vmem>>, vector<1x16xf32>,
          %get3A_378 = vector.shape_cast %get3A_377 : vector<1x16xf32> to vector<16xf32>
          %add3A_379 = arith.addf %add3A_370, %get3A_378 : vector<16xf32>
          %add3A_380 = arith.constant 12 : i32
          %add3A_381 = arith.addi %mul3A_266, %add3A_380 : i32
          %mul3A_382 = arith.constant 16 : i32
          %mul3A_383 = arith.muli %scan3A_275, %mul3A_382 : i32
          %get3A_384 = arith.index_cast %add3A_381 : i32 to index
          %get3A_385 = arith.index_cast %mul3A_383 : i32 to index
          %get3A_386 = tpu.vector_load %arg11[%get3A_384, %get3A_385] {strides = array<i32>} : memref<128x128xf32, #tpu.memory_space<vmem>>, vector<1x16xf32>,
          %get3A_387 = vector.shape_cast %get3A_386 : vector<1x16xf32> to vector<16xf32>
          %add3A_388 = arith.addf %add3A_379, %get3A_387 : vector<16xf32>
          %add3A_389 = arith.constant 13 : i32
          %add3A_390 = arith.addi %mul3A_266, %add3A_389 : i32
          %mul3A_391 = arith.constant 16 : i32
          %mul3A_392 = arith.muli %scan3A_275, %mul3A_391 : i32
          %get3A_393 = arith.index_cast %add3A_390 : i32 to index
          %get3A_394 = arith.index_cast %mul3A_392 : i32 to index
          %get3A_395 = tpu.vector_load %arg11[%get3A_393, %get3A_394] {strides = array<i32>} : memref<128x128xf32, #tpu.memory_space<vmem>>, vector<1x16xf32>,
          %get3A_396 = vector.shape_cast %get3A_395 : vector<1x16xf32> to vector<16xf32>
          %add3A_397 = arith.addf %add3A_388, %get3A_396 : vector<16xf32>
          %add3A_398 = arith.constant 14 : i32
          %add3A_399 = arith.addi %mul3A_266, %add3A_398 : i32
          %mul3A_400 = arith.constant 16 : i32
          %mul3A_401 = arith.muli %scan3A_275, %mul3A_400 : i32
          %get3A_402 = arith.index_cast %add3A_399 : i32 to index
          %get3A_403 = arith.index_cast %mul3A_401 : i32 to index
          %get3A_404 = tpu.vector_load %arg11[%get3A_402, %get3A_403] {strides = array<i32>} : memref<128x128xf32, #tpu.memory_space<vmem>>, vector<1x16xf32>,
          %get3A_405 = vector.shape_cast %get3A_404 : vector<1x16xf32> to vector<16xf32>
          %add3A_406 = arith.addf %add3A_397, %get3A_405 : vector<16xf32>
          %add3A_407 = arith.constant 15 : i32
          %add3A_408 = arith.addi %mul3A_266, %add3A_407 : i32
          %mul3A_409 = arith.constant 16 : i32
          %mul3A_410 = arith.muli %scan3A_275, %mul3A_409 : i32
          %get3A_411 = arith.index_cast %add3A_408 : i32 to index
          %get3A_412 = arith.index_cast %mul3A_410 : i32 to index
          %get3A_413 = tpu.vector_load %arg11[%get3A_411, %get3A_412] {strides = array<i32>} : memref<128x128xf32, #tpu.memory_space<vmem>>, vector<1x16xf32>,
          %get3A_414 = vector.shape_cast %get3A_413 : vector<1x16xf32> to vector<16xf32>
          %add3A_415 = arith.addf %add3A_406, %get3A_414 : vector<16xf32>
          %mul3A_416 = arith.constant 16 : i32
          %mul3A_417 = arith.muli %scan3A_275, %mul3A_416 : i32
          %swap3A = arith.index_cast %add3A_269 : i32 to index
          %swap3A_418 = arith.index_cast %mul3A_417 : i32 to index
          %swap3A_419 = tpu.vector_load %arg16[%swap3A, %swap3A_418] {strides = array<i32>} : memref<64x128xf32, #tpu.memory_space<vmem>>, vector<1x16xf32>,
          %swap3A_420 = vector.shape_cast %swap3A_419 : vector<1x16xf32> to vector<16xf32>
          %swap3A_421 = vector.shape_cast %add3A_415 : vector<16xf32> to vector<1x16xf32>
          tpu.vector_store %arg16[%swap3A, %swap3A_418], %swap3A_421 {strides = array<i32>} : memref<64x128xf32, #tpu.memory_space<vmem>>, vector<1x16xf32>,
        }
        %scan3A_274 = arith.constant 8 : i32
      }
      %scan3A_216 = arith.constant 8 : i32
      %mul3A_217 = arith.constant 4 : i32
      %mul3A_218 = arith.muli %scan3A_139, %mul3A_217 : i32
      %add3A_219 = arith.constant 8 : i32
      %add3A_220 = arith.addi %add3A_219, %mul3A_218 : i32
      %add3A_221 = arith.constant 2 : i32
      %add3A_222 = arith.addi %add3A_220, %add3A_221 : i32
      %add3A_223 = arith.constant 4 : i32
      %add3A_224 = arith.addi %add3A_222, %add3A_223 : i32
      %min3A_225 = arith.constant 79 : i32
      %min3A_226 = arith.minsi %add3A_224, %min3A_225 : i32
      %mul3A_227 = arith.constant 128 : i32
      %mul3A_228 = arith.muli %min3A_226, %mul3A_227 : i32
      %dma_start3A_229 = tpu.memref_slice %arg8[%mul3A_228] : memref<10240xi32, #tpu.memory_space<vmem>> -> memref<128xi32, #tpu.memory_space<vmem>>
      %dma_start3A_230 = arith.constant 0 : i32
      %dma_start3A_231 = arith.constant 0 : i32
      %dma_start3A_232 = tpu.memref_slice %arg4[%dma_start3A_230, %dma_start3A_231] : memref<100000x128xf32, #tpu.memory_space<hbm>> -> memref<100000x128xf32, #tpu.memory_space<hbm>>
      tpu.enqueue_indirect_dma source(%dma_start3A_232 : memref<100000x128xf32, #tpu.memory_space<hbm>>) target(%arg11 : memref<128x128xf32, #tpu.memory_space<vmem>>) offsets(%dma_start3A_229 : memref<128xi32, #tpu.memory_space<vmem>>) semaphore(%arg19 : memref<!tpu.dma_semaphore, #tpu.memory_space<semaphore_mem>>)
      %dma_wait3A_233 = arith.constant 0 : i32
      %dma_wait3A_234 = tpu.memref_slice %arg8[%dma_wait3A_233] : memref<10240xi32, #tpu.memory_space<vmem>> -> memref<128xi32, #tpu.memory_space<vmem>>
      %dma_wait3A_235 = arith.constant 0 : i32
      %dma_wait3A_236 = arith.constant 0 : i32
      %dma_wait3A_237 = tpu.memref_slice %arg4[%dma_wait3A_235, %dma_wait3A_236] : memref<100000x128xf32, #tpu.memory_space<hbm>> -> memref<100000x128xf32, #tpu.memory_space<hbm>>
      tpu.wait_indirect_dma semaphore(%arg20 : memref<!tpu.dma_semaphore, #tpu.memory_space<semaphore_mem>>) src(%dma_wait3A_237 : memref<100000x128xf32, #tpu.memory_space<hbm>>) dst(%arg12 : memref<128x128xf32, #tpu.memory_space<vmem>>)
      %mul3A_238 = arith.constant 4 : i32
      %mul3A_239 = arith.muli %scan3A_139, %mul3A_238 : i32
      %add3A_240 = arith.constant 3 : i32
      %add3A_241 = arith.addi %mul3A_239, %add3A_240 : i32
      %scan3A_242 = arith.constant 0 : i32
      %scan3A_243 = arith.constant 0 : i32
      %scan3A_244 = arith.constant 8 : i32
      %scan3A_245 = arith.addi %scan3A_243, %scan3A_244 : i32
      %scan3A_246 = arith.constant 1 : i32
      scf.for %scan3A_264 = %scan3A_243 to %scan3A_245 step %scan3A_246  : i32 {
        %mul3A_265 = arith.constant 16 : i32
        %mul3A_266 = arith.muli %scan3A_264, %mul3A_265 : i32
        %mul3A_267 = arith.constant 8 : i32
        %mul3A_268 = arith.muli %add3A_241, %mul3A_267 : i32
        %add3A_269 = arith.addi %mul3A_268, %scan3A_264 : i32
        %scan3A_270 = arith.constant 0 : i32
        %scan3A_271 = arith.constant 8 : i32
        %scan3A_272 = arith.addi %scan3A_270, %scan3A_271 : i32
        %scan3A_273 = arith.constant 1 : i32
        scf.for %scan3A_275 = %scan3A_270 to %scan3A_272 step %scan3A_273  : i32 {
          %mul3A_276 = arith.constant 16 : i32
          %mul3A_277 = arith.muli %scan3A_275, %mul3A_276 : i32
          %get3A = arith.index_cast %mul3A_266 : i32 to index
          %get3A_278 = arith.index_cast %mul3A_277 : i32 to index
          %get3A_279 = tpu.vector_load %arg12[%get3A, %get3A_278] {strides = array<i32>} : memref<128x128xf32, #tpu.memory_space<vmem>>, vector<1x16xf32>,
          %get3A_280 = vector.shape_cast %get3A_279 : vector<1x16xf32> to vector<16xf32>
          %add3A_281 = arith.constant 1 : i32
          %add3A_282 = arith.addi %mul3A_266, %add3A_281 : i32
          %mul3A_283 = arith.constant 16 : i32
          %mul3A_284 = arith.muli %scan3A_275, %mul3A_283 : i32
          %get3A_285 = arith.index_cast %add3A_282 : i32 to index
          %get3A_286 = arith.index_cast %mul3A_284 : i32 to index
          %get3A_287 = tpu.vector_load %arg12[%get3A_285, %get3A_286] {strides = array<i32>} : memref<128x128xf32, #tpu.memory_space<vmem>>, vector<1x16xf32>,
          %get3A_288 = vector.shape_cast %get3A_287 : vector<1x16xf32> to vector<16xf32>
          %add3A_289 = arith.addf %get3A_280, %get3A_288 : vector<16xf32>
          %add3A_290 = arith.constant 2 : i32
          %add3A_291 = arith.addi %mul3A_266, %add3A_290 : i32
          %mul3A_292 = arith.constant 16 : i32
          %mul3A_293 = arith.muli %scan3A_275, %mul3A_292 : i32
          %get3A_294 = arith.index_cast %add3A_291 : i32 to index
          %get3A_295 = arith.index_cast %mul3A_293 : i32 to index
          %get3A_296 = tpu.vector_load %arg12[%get3A_294, %get3A_295] {strides = array<i32>} : memref<128x128xf32, #tpu.memory_space<vmem>>, vector<1x16xf32>,
          %get3A_297 = vector.shape_cast %get3A_296 : vector<1x16xf32> to vector<16xf32>
          %add3A_298 = arith.addf %add3A_289, %get3A_297 : vector<16xf32>
          %add3A_299 = arith.constant 3 : i32
          %add3A_300 = arith.addi %mul3A_266, %add3A_299 : i32
          %mul3A_301 = arith.constant 16 : i32
          %mul3A_302 = arith.muli %scan3A_275, %mul3A_301 : i32
          %get3A_303 = arith.index_cast %add3A_300 : i32 to index
          %get3A_304 = arith.index_cast %mul3A_302 : i32 to index
          %get3A_305 = tpu.vector_load %arg12[%get3A_303, %get3A_304] {strides = array<i32>} : memref<128x128xf32, #tpu.memory_space<vmem>>, vector<1x16xf32>,
          %get3A_306 = vector.shape_cast %get3A_305 : vector<1x16xf32> to vector<16xf32>
          %add3A_307 = arith.addf %add3A_298, %get3A_306 : vector<16xf32>
          %add3A_308 = arith.constant 4 : i32
          %add3A_309 = arith.addi %mul3A_266, %add3A_308 : i32
          %mul3A_310 = arith.constant 16 : i32
          %mul3A_311 = arith.muli %scan3A_275, %mul3A_310 : i32
          %get3A_312 = arith.index_cast %add3A_309 : i32 to index
          %get3A_313 = arith.index_cast %mul3A_311 : i32 to index
          %get3A_314 = tpu.vector_load %arg12[%get3A_312, %get3A_313] {strides = array<i32>} : memref<128x128xf32, #tpu.memory_space<vmem>>, vector<1x16xf32>,
          %get3A_315 = vector.shape_cast %get3A_314 : vector<1x16xf32> to vector<16xf32>
          %add3A_316 = arith.addf %add3A_307, %get3A_315 : vector<16xf32>
          %add3A_317 = arith.constant 5 : i32
          %add3A_318 = arith.addi %mul3A_266, %add3A_317 : i32
          %mul3A_319 = arith.constant 16 : i32
          %mul3A_320 = arith.muli %scan3A_275, %mul3A_319 : i32
          %get3A_321 = arith.index_cast %add3A_318 : i32 to index
          %get3A_322 = arith.index_cast %mul3A_320 : i32 to index
          %get3A_323 = tpu.vector_load %arg12[%get3A_321, %get3A_322] {strides = array<i32>} : memref<128x128xf32, #tpu.memory_space<vmem>>, vector<1x16xf32>,
          %get3A_324 = vector.shape_cast %get3A_323 : vector<1x16xf32> to vector<16xf32>
          %add3A_325 = arith.addf %add3A_316, %get3A_324 : vector<16xf32>
          %add3A_326 = arith.constant 6 : i32
          %add3A_327 = arith.addi %mul3A_266, %add3A_326 : i32
          %mul3A_328 = arith.constant 16 : i32
          %mul3A_329 = arith.muli %scan3A_275, %mul3A_328 : i32
          %get3A_330 = arith.index_cast %add3A_327 : i32 to index
          %get3A_331 = arith.index_cast %mul3A_329 : i32 to index
          %get3A_332 = tpu.vector_load %arg12[%get3A_330, %get3A_331] {strides = array<i32>} : memref<128x128xf32, #tpu.memory_space<vmem>>, vector<1x16xf32>,
          %get3A_333 = vector.shape_cast %get3A_332 : vector<1x16xf32> to vector<16xf32>
          %add3A_334 = arith.addf %add3A_325, %get3A_333 : vector<16xf32>
          %add3A_335 = arith.constant 7 : i32
          %add3A_336 = arith.addi %mul3A_266, %add3A_335 : i32
          %mul3A_337 = arith.constant 16 : i32
          %mul3A_338 = arith.muli %scan3A_275, %mul3A_337 : i32
          %get3A_339 = arith.index_cast %add3A_336 : i32 to index
          %get3A_340 = arith.index_cast %mul3A_338 : i32 to index
          %get3A_341 = tpu.vector_load %arg12[%get3A_339, %get3A_340] {strides = array<i32>} : memref<128x128xf32, #tpu.memory_space<vmem>>, vector<1x16xf32>,
          %get3A_342 = vector.shape_cast %get3A_341 : vector<1x16xf32> to vector<16xf32>
          %add3A_343 = arith.addf %add3A_334, %get3A_342 : vector<16xf32>
          %add3A_344 = arith.constant 8 : i32
          %add3A_345 = arith.addi %mul3A_266, %add3A_344 : i32
          %mul3A_346 = arith.constant 16 : i32
          %mul3A_347 = arith.muli %scan3A_275, %mul3A_346 : i32
          %get3A_348 = arith.index_cast %add3A_345 : i32 to index
          %get3A_349 = arith.index_cast %mul3A_347 : i32 to index
          %get3A_350 = tpu.vector_load %arg12[%get3A_348, %get3A_349] {strides = array<i32>} : memref<128x128xf32, #tpu.memory_space<vmem>>, vector<1x16xf32>,
          %get3A_351 = vector.shape_cast %get3A_350 : vector<1x16xf32> to vector<16xf32>
          %add3A_352 = arith.addf %add3A_343, %get3A_351 : vector<16xf32>
          %add3A_353 = arith.constant 9 : i32
          %add3A_354 = arith.addi %mul3A_266, %add3A_353 : i32
          %mul3A_355 = arith.constant 16 : i32
          %mul3A_356 = arith.muli %scan3A_275, %mul3A_355 : i32
          %get3A_357 = arith.index_cast %add3A_354 : i32 to index
          %get3A_358 = arith.index_cast %mul3A_356 : i32 to index
          %get3A_359 = tpu.vector_load %arg12[%get3A_357, %get3A_358] {strides = array<i32>} : memref<128x128xf32, #tpu.memory_space<vmem>>, vector<1x16xf32>,
          %get3A_360 = vector.shape_cast %get3A_359 : vector<1x16xf32> to vector<16xf32>
          %add3A_361 = arith.addf %add3A_352, %get3A_360 : vector<16xf32>
          %add3A_362 = arith.constant 10 : i32
          %add3A_363 = arith.addi %mul3A_266, %add3A_362 : i32
          %mul3A_364 = arith.constant 16 : i32
          %mul3A_365 = arith.muli %scan3A_275, %mul3A_364 : i32
          %get3A_366 = arith.index_cast %add3A_363 : i32 to index
          %get3A_367 = arith.index_cast %mul3A_365 : i32 to index
          %get3A_368 = tpu.vector_load %arg12[%get3A_366, %get3A_367] {strides = array<i32>} : memref<128x128xf32, #tpu.memory_space<vmem>>, vector<1x16xf32>,
          %get3A_369 = vector.shape_cast %get3A_368 : vector<1x16xf32> to vector<16xf32>
          %add3A_370 = arith.addf %add3A_361, %get3A_369 : vector<16xf32>
          %add3A_371 = arith.constant 11 : i32
          %add3A_372 = arith.addi %mul3A_266, %add3A_371 : i32
          %mul3A_373 = arith.constant 16 : i32
          %mul3A_374 = arith.muli %scan3A_275, %mul3A_373 : i32
          %get3A_375 = arith.index_cast %add3A_372 : i32 to index
          %get3A_376 = arith.index_cast %mul3A_374 : i32 to index
          %get3A_377 = tpu.vector_load %arg12[%get3A_375, %get3A_376] {strides = array<i32>} : memref<128x128xf32, #tpu.memory_space<vmem>>, vector<1x16xf32>,
          %get3A_378 = vector.shape_cast %get3A_377 : vector<1x16xf32> to vector<16xf32>
          %add3A_379 = arith.addf %add3A_370, %get3A_378 : vector<16xf32>
          %add3A_380 = arith.constant 12 : i32
          %add3A_381 = arith.addi %mul3A_266, %add3A_380 : i32
          %mul3A_382 = arith.constant 16 : i32
          %mul3A_383 = arith.muli %scan3A_275, %mul3A_382 : i32
          %get3A_384 = arith.index_cast %add3A_381 : i32 to index
          %get3A_385 = arith.index_cast %mul3A_383 : i32 to index
          %get3A_386 = tpu.vector_load %arg12[%get3A_384, %get3A_385] {strides = array<i32>} : memref<128x128xf32, #tpu.memory_space<vmem>>, vector<1x16xf32>,
          %get3A_387 = vector.shape_cast %get3A_386 : vector<1x16xf32> to vector<16xf32>
          %add3A_388 = arith.addf %add3A_379, %get3A_387 : vector<16xf32>
          %add3A_389 = arith.constant 13 : i32
          %add3A_390 = arith.addi %mul3A_266, %add3A_389 : i32
          %mul3A_391 = arith.constant 16 : i32
          %mul3A_392 = arith.muli %scan3A_275, %mul3A_391 : i32
          %get3A_393 = arith.index_cast %add3A_390 : i32 to index
          %get3A_394 = arith.index_cast %mul3A_392 : i32 to index
          %get3A_395 = tpu.vector_load %arg12[%get3A_393, %get3A_394] {strides = array<i32>} : memref<128x128xf32, #tpu.memory_space<vmem>>, vector<1x16xf32>,
          %get3A_396 = vector.shape_cast %get3A_395 : vector<1x16xf32> to vector<16xf32>
          %add3A_397 = arith.addf %add3A_388, %get3A_396 : vector<16xf32>
          %add3A_398 = arith.constant 14 : i32
          %add3A_399 = arith.addi %mul3A_266, %add3A_398 : i32
          %mul3A_400 = arith.constant 16 : i32
          %mul3A_401 = arith.muli %scan3A_275, %mul3A_400 : i32
          %get3A_402 = arith.index_cast %add3A_399 : i32 to index
          %get3A_403 = arith.index_cast %mul3A_401 : i32 to index
          %get3A_404 = tpu.vector_load %arg12[%get3A_402, %get3A_403] {strides = array<i32>} : memref<128x128xf32, #tpu.memory_space<vmem>>, vector<1x16xf32>,
          %get3A_405 = vector.shape_cast %get3A_404 : vector<1x16xf32> to vector<16xf32>
          %add3A_406 = arith.addf %add3A_397, %get3A_405 : vector<16xf32>
          %add3A_407 = arith.constant 15 : i32
          %add3A_408 = arith.addi %mul3A_266, %add3A_407 : i32
          %mul3A_409 = arith.constant 16 : i32
          %mul3A_410 = arith.muli %scan3A_275, %mul3A_409 : i32
          %get3A_411 = arith.index_cast %add3A_408 : i32 to index
          %get3A_412 = arith.index_cast %mul3A_410 : i32 to index
          %get3A_413 = tpu.vector_load %arg12[%get3A_411, %get3A_412] {strides = array<i32>} : memref<128x128xf32, #tpu.memory_space<vmem>>, vector<1x16xf32>,
          %get3A_414 = vector.shape_cast %get3A_413 : vector<1x16xf32> to vector<16xf32>
          %add3A_415 = arith.addf %add3A_406, %get3A_414 : vector<16xf32>
          %mul3A_416 = arith.constant 16 : i32
          %mul3A_417 = arith.muli %scan3A_275, %mul3A_416 : i32
          %swap3A = arith.index_cast %add3A_269 : i32 to index
          %swap3A_418 = arith.index_cast %mul3A_417 : i32 to index
          %swap3A_419 = tpu.vector_load %arg16[%swap3A, %swap3A_418] {strides = array<i32>} : memref<64x128xf32, #tpu.memory_space<vmem>>, vector<1x16xf32>,
          %swap3A_420 = vector.shape_cast %swap3A_419 : vector<1x16xf32> to vector<16xf32>
          %swap3A_421 = vector.shape_cast %add3A_415 : vector<16xf32> to vector<1x16xf32>
          tpu.vector_store %arg16[%swap3A, %swap3A_418], %swap3A_421 {strides = array<i32>} : memref<64x128xf32, #tpu.memory_space<vmem>>, vector<1x16xf32>,
        }
        %scan3A_274 = arith.constant 8 : i32
      }
      %scan3A_247 = arith.constant 8 : i32
      %mul3A_248 = arith.constant 4 : i32
      %mul3A_249 = arith.muli %scan3A_139, %mul3A_248 : i32
      %add3A_250 = arith.constant 8 : i32
      %add3A_251 = arith.addi %add3A_250, %mul3A_249 : i32
      %add3A_252 = arith.constant 3 : i32
      %add3A_253 = arith.addi %add3A_251, %add3A_252 : i32
      %add3A_254 = arith.constant 4 : i32
      %add3A_255 = arith.addi %add3A_253, %add3A_254 : i32
      %min3A_256 = arith.constant 79 : i32
      %min3A_257 = arith.minsi %add3A_255, %min3A_256 : i32
      %mul3A_258 = arith.constant 128 : i32
      %mul3A_259 = arith.muli %min3A_257, %mul3A_258 : i32
      %dma_start3A_260 = tpu.memref_slice %arg8[%mul3A_259] : memref<10240xi32, #tpu.memory_space<vmem>> -> memref<128xi32, #tpu.memory_space<vmem>>
      %dma_start3A_261 = arith.constant 0 : i32
      %dma_start3A_262 = arith.constant 0 : i32
      %dma_start3A_263 = tpu.memref_slice %arg4[%dma_start3A_261, %dma_start3A_262] : memref<100000x128xf32, #tpu.memory_space<hbm>> -> memref<100000x128xf32, #tpu.memory_space<hbm>>
      tpu.enqueue_indirect_dma source(%dma_start3A_263 : memref<100000x128xf32, #tpu.memory_space<hbm>>) target(%arg12 : memref<128x128xf32, #tpu.memory_space<vmem>>) offsets(%dma_start3A_260 : memref<128xi32, #tpu.memory_space<vmem>>) semaphore(%arg20 : memref<!tpu.dma_semaphore, #tpu.memory_space<semaphore_mem>>)
    }
    %scan3A_73 = arith.constant 2 : i32
    %dma_wait3A_74 = arith.constant 0 : i32
    %dma_wait3A_75 = tpu.memref_slice %arg7[%dma_wait3A_74] : memref<640xi32, #tpu.memory_space<vmem>> -> memref<64xi32, #tpu.memory_space<vmem>>
    %dma_wait3A_76 = arith.constant 0 : i32
    %dma_wait3A_77 = arith.constant 0 : i32
    %dma_wait3A_78 = tpu.memref_slice %arg4[%dma_wait3A_76, %dma_wait3A_77] : memref<100000x128xf32, #tpu.memory_space<hbm>> -> memref<100000x128xf32, #tpu.memory_space<hbm>>
    tpu.wait_indirect_dma semaphore(%arg22 : memref<!tpu.dma_semaphore, #tpu.memory_space<semaphore_mem>>) src(%dma_wait3A_78 : memref<100000x128xf32, #tpu.memory_space<hbm>>) dst(%arg14 : memref<64x128xf32, #tpu.memory_space<vmem>>)
    %add3A_79 = arith.constant 64 : i32
    %add3A_80 = arith.addi %mul3A_2, %add3A_79 : i32
    %dma_start3A_81 = arith.constant 0 : i32
    %dma_start3A_82 = tpu.memref_slice %arg6[%add3A_80, %dma_start3A_81] : memref<20480x128xf32, #tpu.memory_space<hbm>> -> memref<64x128xf32, #tpu.memory_space<hbm>>
    %dma_start3A_83 = arith.constant 0 : i32
    %dma_start3A_84 = tpu.memref_slice %arg6[%add3A_80, %dma_start3A_83] : memref<20480x128xf32, #tpu.memory_space<hbm>> -> memref<64x128xf32, #tpu.memory_space<hbm>>
    tpu.enqueue_dma source(%arg16 : memref<64x128xf32, #tpu.memory_space<vmem>>) target(%dma_start3A_84 : memref<64x128xf32, #tpu.memory_space<hbm>>) target_semaphore(%arg24 : memref<!tpu.dma_semaphore, #tpu.memory_space<semaphore_mem>>)
    %dma_start3A_85 = arith.constant 0 : i32
    %dma_start3A_86 = tpu.memref_slice %arg5[%add3A_80, %dma_start3A_85] : memref<20480x128xf32, #tpu.memory_space<hbm>> -> memref<64x128xf32, #tpu.memory_space<hbm>>
    %dma_start3A_87 = arith.constant 0 : i32
    %dma_start3A_88 = tpu.memref_slice %arg5[%add3A_80, %dma_start3A_87] : memref<20480x128xf32, #tpu.memory_space<hbm>> -> memref<64x128xf32, #tpu.memory_space<hbm>>
    tpu.enqueue_dma source(%arg14 : memref<64x128xf32, #tpu.memory_space<vmem>>) target(%dma_start3A_88 : memref<64x128xf32, #tpu.memory_space<hbm>>) target_semaphore(%arg24 : memref<!tpu.dma_semaphore, #tpu.memory_space<semaphore_mem>>)
    %scan3A_89 = arith.constant 0 : i32
    %scan3A_90 = arith.constant 1 : i32
    %scan3A_91 = arith.constant 4 : i32
    %scan3A_92 = arith.addi %scan3A_90, %scan3A_91 : i32
    %scan3A_93 = arith.constant 1 : i32
    scf.for %scan3A_139 = %scan3A_90 to %scan3A_92 step %scan3A_93  : i32 {
      %mul3A_140 = arith.constant 2 : i32
      %mul3A_141 = arith.muli %mul3A_140, %scan3A_139 : i32
      %add3A_142 = arith.constant 0 : i32
      %add3A_143 = arith.addi %mul3A_141, %add3A_142 : i32
      %dma_wait3A_144 = arith.constant 0 : i32
      %dma_wait3A_145 = arith.constant 0 : i32
      %dma_wait3A_146 = tpu.memref_slice %arg6[%dma_wait3A_144, %dma_wait3A_145] : memref<20480x128xf32, #tpu.memory_space<hbm>> -> memref<64x128xf32, #tpu.memory_space<hbm>>
      %dma_wait3A_147 = arith.constant 0 : i32
      %dma_wait3A_148 = arith.constant 0 : i32
      %dma_wait3A_149 = tpu.memref_slice %arg6[%dma_wait3A_147, %dma_wait3A_148] : memref<20480x128xf32, #tpu.memory_space<hbm>> -> memref<64x128xf32, #tpu.memory_space<hbm>>
      tpu.wait_dma2 semaphore(%arg23 : memref<!tpu.dma_semaphore, #tpu.memory_space<semaphore_mem>>) src(%arg15 : memref<64x128xf32, #tpu.memory_space<vmem>>) dst(%dma_wait3A_149 : memref<64x128xf32, #tpu.memory_space<hbm>>)
      %dma_wait3A_150 = arith.constant 0 : i32
      %dma_wait3A_151 = arith.constant 0 : i32
      %dma_wait3A_152 = tpu.memref_slice %arg5[%dma_wait3A_150, %dma_wait3A_151] : memref<20480x128xf32, #tpu.memory_space<hbm>> -> memref<64x128xf32, #tpu.memory_space<hbm>>
      %dma_wait3A_153 = arith.constant 0 : i32
      %dma_wait3A_154 = arith.constant 0 : i32
      %dma_wait3A_155 = tpu.memref_slice %arg5[%dma_wait3A_153, %dma_wait3A_154] : memref<20480x128xf32, #tpu.memory_space<hbm>> -> memref<64x128xf32, #tpu.memory_space<hbm>>
      tpu.wait_dma2 semaphore(%arg23 : memref<!tpu.dma_semaphore, #tpu.memory_space<semaphore_mem>>) src(%arg13 : memref<64x128xf32, #tpu.memory_space<vmem>>) dst(%dma_wait3A_155 : memref<64x128xf32, #tpu.memory_space<hbm>>)
      %mul3A_156 = arith.constant 64 : i32
      %mul3A_157 = arith.muli %add3A_143, %mul3A_156 : i32
      %dma_start3A_158 = tpu.memref_slice %arg7[%mul3A_157] : memref<640xi32, #tpu.memory_space<vmem>> -> memref<64xi32, #tpu.memory_space<vmem>>
      %dma_start3A_159 = arith.constant 0 : i32
      %dma_start3A_160 = arith.constant 0 : i32
      %dma_start3A_161 = tpu.memref_slice %arg4[%dma_start3A_159, %dma_start3A_160] : memref<100000x128xf32, #tpu.memory_space<hbm>> -> memref<100000x128xf32, #tpu.memory_space<hbm>>
      tpu.enqueue_indirect_dma source(%dma_start3A_161 : memref<100000x128xf32, #tpu.memory_space<hbm>>) target(%arg13 : memref<64x128xf32, #tpu.memory_space<vmem>>) offsets(%dma_start3A_158 : memref<64xi32, #tpu.memory_space<vmem>>) semaphore(%arg21 : memref<!tpu.dma_semaphore, #tpu.memory_space<semaphore_mem>>)
      %scan3A_162 = arith.constant 0 : i32
      %scan3A_163 = arith.constant 0 : i32
      %scan3A_164 = arith.constant 2 : i32
      %scan3A_165 = arith.addi %scan3A_163, %scan3A_164 : i32
      %scan3A_166 = arith.constant 1 : i32
      scf.for %scan3A_228 = %scan3A_163 to %scan3A_165 step %scan3A_166  : i32 {
        %dma_wait3A_229 = arith.constant 0 : i32
        %dma_wait3A_230 = tpu.memref_slice %arg8[%dma_wait3A_229] : memref<10240xi32, #tpu.memory_space<vmem>> -> memref<128xi32, #tpu.memory_space<vmem>>
        %dma_wait3A_231 = arith.constant 0 : i32
        %dma_wait3A_232 = arith.constant 0 : i32
        %dma_wait3A_233 = tpu.memref_slice %arg4[%dma_wait3A_231, %dma_wait3A_232] : memref<100000x128xf32, #tpu.memory_space<hbm>> -> memref<100000x128xf32, #tpu.memory_space<hbm>>
        tpu.wait_indirect_dma semaphore(%arg17 : memref<!tpu.dma_semaphore, #tpu.memory_space<semaphore_mem>>) src(%dma_wait3A_233 : memref<100000x128xf32, #tpu.memory_space<hbm>>) dst(%arg9 : memref<128x128xf32, #tpu.memory_space<vmem>>)
        %mul3A_234 = arith.constant 4 : i32
        %mul3A_235 = arith.muli %scan3A_228, %mul3A_234 : i32
        %add3A_236 = arith.constant 0 : i32
        %add3A_237 = arith.addi %mul3A_235, %add3A_236 : i32
        %scan3A_238 = arith.constant 0 : i32
        %scan3A_239 = arith.constant 0 : i32
        %scan3A_240 = arith.constant 8 : i32
        %scan3A_241 = arith.addi %scan3A_239, %scan3A_240 : i32
        %scan3A_242 = arith.constant 1 : i32
        scf.for %scan3A_357 = %scan3A_239 to %scan3A_241 step %scan3A_242  : i32 {
          %mul3A_358 = arith.constant 16 : i32
          %mul3A_359 = arith.muli %scan3A_357, %mul3A_358 : i32
          %mul3A_360 = arith.constant 8 : i32
          %mul3A_361 = arith.muli %add3A_237, %mul3A_360 : i32
          %add3A_362 = arith.addi %mul3A_361, %scan3A_357 : i32
          %scan3A_363 = arith.constant 0 : i32
          %scan3A_364 = arith.constant 8 : i32
          %scan3A_365 = arith.addi %scan3A_363, %scan3A_364 : i32
          %scan3A_366 = arith.constant 1 : i32
          scf.for %scan3A_368 = %scan3A_363 to %scan3A_365 step %scan3A_366  : i32 {
            %mul3A_369 = arith.constant 16 : i32
            %mul3A_370 = arith.muli %scan3A_368, %mul3A_369 : i32
            %get3A = arith.index_cast %mul3A_359 : i32 to index
            %get3A_371 = arith.index_cast %mul3A_370 : i32 to index
            %get3A_372 = tpu.vector_load %arg9[%get3A, %get3A_371] {strides = array<i32>} : memref<128x128xf32, #tpu.memory_space<vmem>>, vector<1x16xf32>,
            %get3A_373 = vector.shape_cast %get3A_372 : vector<1x16xf32> to vector<16xf32>
            %add3A_374 = arith.constant 1 : i32
            %add3A_375 = arith.addi %mul3A_359, %add3A_374 : i32
            %mul3A_376 = arith.constant 16 : i32
            %mul3A_377 = arith.muli %scan3A_368, %mul3A_376 : i32
            %get3A_378 = arith.index_cast %add3A_375 : i32 to index
            %get3A_379 = arith.index_cast %mul3A_377 : i32 to index
            %get3A_380 = tpu.vector_load %arg9[%get3A_378, %get3A_379] {strides = array<i32>} : memref<128x128xf32, #tpu.memory_space<vmem>>, vector<1x16xf32>,
            %get3A_381 = vector.shape_cast %get3A_380 : vector<1x16xf32> to vector<16xf32>
            %add3A_382 = arith.addf %get3A_373, %get3A_381 : vector<16xf32>
            %add3A_383 = arith.constant 2 : i32
            %add3A_384 = arith.addi %mul3A_359, %add3A_383 : i32
            %mul3A_385 = arith.constant 16 : i32
            %mul3A_386 = arith.muli %scan3A_368, %mul3A_385 : i32
            %get3A_387 = arith.index_cast %add3A_384 : i32 to index
            %get3A_388 = arith.index_cast %mul3A_386 : i32 to index
            %get3A_389 = tpu.vector_load %arg9[%get3A_387, %get3A_388] {strides = array<i32>} : memref<128x128xf32, #tpu.memory_space<vmem>>, vector<1x16xf32>,
            %get3A_390 = vector.shape_cast %get3A_389 : vector<1x16xf32> to vector<16xf32>
            %add3A_391 = arith.addf %add3A_382, %get3A_390 : vector<16xf32>
            %add3A_392 = arith.constant 3 : i32
            %add3A_393 = arith.addi %mul3A_359, %add3A_392 : i32
            %mul3A_394 = arith.constant 16 : i32
            %mul3A_395 = arith.muli %scan3A_368, %mul3A_394 : i32
            %get3A_396 = arith.index_cast %add3A_393 : i32 to index
            %get3A_397 = arith.index_cast %mul3A_395 : i32 to index
            %get3A_398 = tpu.vector_load %arg9[%get3A_396, %get3A_397] {strides = array<i32>} : memref<128x128xf32, #tpu.memory_space<vmem>>, vector<1x16xf32>,
            %get3A_399 = vector.shape_cast %get3A_398 : vector<1x16xf32> to vector<16xf32>
            %add3A_400 = arith.addf %add3A_391, %get3A_399 : vector<16xf32>
            %add3A_401 = arith.constant 4 : i32
            %add3A_402 = arith.addi %mul3A_359, %add3A_401 : i32
            %mul3A_403 = arith.constant 16 : i32
            %mul3A_404 = arith.muli %scan3A_368, %mul3A_403 : i32
            %get3A_405 = arith.index_cast %add3A_402 : i32 to index
            %get3A_406 = arith.index_cast %mul3A_404 : i32 to index
            %get3A_407 = tpu.vector_load %arg9[%get3A_405, %get3A_406] {strides = array<i32>} : memref<128x128xf32, #tpu.memory_space<vmem>>, vector<1x16xf32>,
            %get3A_408 = vector.shape_cast %get3A_407 : vector<1x16xf32> to vector<16xf32>
            %add3A_409 = arith.addf %add3A_400, %get3A_408 : vector<16xf32>
            %add3A_410 = arith.constant 5 : i32
            %add3A_411 = arith.addi %mul3A_359, %add3A_410 : i32
            %mul3A_412 = arith.constant 16 : i32
            %mul3A_413 = arith.muli %scan3A_368, %mul3A_412 : i32
            %get3A_414 = arith.index_cast %add3A_411 : i32 to index
            %get3A_415 = arith.index_cast %mul3A_413 : i32 to index
            %get3A_416 = tpu.vector_load %arg9[%get3A_414, %get3A_415] {strides = array<i32>} : memref<128x128xf32, #tpu.memory_space<vmem>>, vector<1x16xf32>,
            %get3A_417 = vector.shape_cast %get3A_416 : vector<1x16xf32> to vector<16xf32>
            %add3A_418 = arith.addf %add3A_409, %get3A_417 : vector<16xf32>
            %add3A_419 = arith.constant 6 : i32
            %add3A_420 = arith.addi %mul3A_359, %add3A_419 : i32
            %mul3A_421 = arith.constant 16 : i32
            %mul3A_422 = arith.muli %scan3A_368, %mul3A_421 : i32
            %get3A_423 = arith.index_cast %add3A_420 : i32 to index
            %get3A_424 = arith.index_cast %mul3A_422 : i32 to index
            %get3A_425 = tpu.vector_load %arg9[%get3A_423, %get3A_424] {strides = array<i32>} : memref<128x128xf32, #tpu.memory_space<vmem>>, vector<1x16xf32>,
            %get3A_426 = vector.shape_cast %get3A_425 : vector<1x16xf32> to vector<16xf32>
            %add3A_427 = arith.addf %add3A_418, %get3A_426 : vector<16xf32>
            %add3A_428 = arith.constant 7 : i32
            %add3A_429 = arith.addi %mul3A_359, %add3A_428 : i32
            %mul3A_430 = arith.constant 16 : i32
            %mul3A_431 = arith.muli %scan3A_368, %mul3A_430 : i32
            %get3A_432 = arith.index_cast %add3A_429 : i32 to index
            %get3A_433 = arith.index_cast %mul3A_431 : i32 to index
            %get3A_434 = tpu.vector_load %arg9[%get3A_432, %get3A_433] {strides = array<i32>} : memref<128x128xf32, #tpu.memory_space<vmem>>, vector<1x16xf32>,
            %get3A_435 = vector.shape_cast %get3A_434 : vector<1x16xf32> to vector<16xf32>
            %add3A_436 = arith.addf %add3A_427, %get3A_435 : vector<16xf32>
            %add3A_437 = arith.constant 8 : i32
            %add3A_438 = arith.addi %mul3A_359, %add3A_437 : i32
            %mul3A_439 = arith.constant 16 : i32
            %mul3A_440 = arith.muli %scan3A_368, %mul3A_439 : i32
            %get3A_441 = arith.index_cast %add3A_438 : i32 to index
            %get3A_442 = arith.index_cast %mul3A_440 : i32 to index
            %get3A_443 = tpu.vector_load %arg9[%get3A_441, %get3A_442] {strides = array<i32>} : memref<128x128xf32, #tpu.memory_space<vmem>>, vector<1x16xf32>,
            %get3A_444 = vector.shape_cast %get3A_443 : vector<1x16xf32> to vector<16xf32>
            %add3A_445 = arith.addf %add3A_436, %get3A_444 : vector<16xf32>
            %add3A_446 = arith.constant 9 : i32
            %add3A_447 = arith.addi %mul3A_359, %add3A_446 : i32
            %mul3A_448 = arith.constant 16 : i32
            %mul3A_449 = arith.muli %scan3A_368, %mul3A_448 : i32
            %get3A_450 = arith.index_cast %add3A_447 : i32 to index
            %get3A_451 = arith.index_cast %mul3A_449 : i32 to index
            %get3A_452 = tpu.vector_load %arg9[%get3A_450, %get3A_451] {strides = array<i32>} : memref<128x128xf32, #tpu.memory_space<vmem>>, vector<1x16xf32>,
            %get3A_453 = vector.shape_cast %get3A_452 : vector<1x16xf32> to vector<16xf32>
            %add3A_454 = arith.addf %add3A_445, %get3A_453 : vector<16xf32>
            %add3A_455 = arith.constant 10 : i32
            %add3A_456 = arith.addi %mul3A_359, %add3A_455 : i32
            %mul3A_457 = arith.constant 16 : i32
            %mul3A_458 = arith.muli %scan3A_368, %mul3A_457 : i32
            %get3A_459 = arith.index_cast %add3A_456 : i32 to index
            %get3A_460 = arith.index_cast %mul3A_458 : i32 to index
            %get3A_461 = tpu.vector_load %arg9[%get3A_459, %get3A_460] {strides = array<i32>} : memref<128x128xf32, #tpu.memory_space<vmem>>, vector<1x16xf32>,
            %get3A_462 = vector.shape_cast %get3A_461 : vector<1x16xf32> to vector<16xf32>
            %add3A_463 = arith.addf %add3A_454, %get3A_462 : vector<16xf32>
            %add3A_464 = arith.constant 11 : i32
            %add3A_465 = arith.addi %mul3A_359, %add3A_464 : i32
            %mul3A_466 = arith.constant 16 : i32
            %mul3A_467 = arith.muli %scan3A_368, %mul3A_466 : i32
            %get3A_468 = arith.index_cast %add3A_465 : i32 to index
            %get3A_469 = arith.index_cast %mul3A_467 : i32 to index
            %get3A_470 = tpu.vector_load %arg9[%get3A_468, %get3A_469] {strides = array<i32>} : memref<128x128xf32, #tpu.memory_space<vmem>>, vector<1x16xf32>,
            %get3A_471 = vector.shape_cast %get3A_470 : vector<1x16xf32> to vector<16xf32>
            %add3A_472 = arith.addf %add3A_463, %get3A_471 : vector<16xf32>
            %add3A_473 = arith.constant 12 : i32
            %add3A_474 = arith.addi %mul3A_359, %add3A_473 : i32
            %mul3A_475 = arith.constant 16 : i32
            %mul3A_476 = arith.muli %scan3A_368, %mul3A_475 : i32
            %get3A_477 = arith.index_cast %add3A_474 : i32 to index
            %get3A_478 = arith.index_cast %mul3A_476 : i32 to index
            %get3A_479 = tpu.vector_load %arg9[%get3A_477, %get3A_478] {strides = array<i32>} : memref<128x128xf32, #tpu.memory_space<vmem>>, vector<1x16xf32>,
            %get3A_480 = vector.shape_cast %get3A_479 : vector<1x16xf32> to vector<16xf32>
            %add3A_481 = arith.addf %add3A_472, %get3A_480 : vector<16xf32>
            %add3A_482 = arith.constant 13 : i32
            %add3A_483 = arith.addi %mul3A_359, %add3A_482 : i32
            %mul3A_484 = arith.constant 16 : i32
            %mul3A_485 = arith.muli %scan3A_368, %mul3A_484 : i32
            %get3A_486 = arith.index_cast %add3A_483 : i32 to index
            %get3A_487 = arith.index_cast %mul3A_485 : i32 to index
            %get3A_488 = tpu.vector_load %arg9[%get3A_486, %get3A_487] {strides = array<i32>} : memref<128x128xf32, #tpu.memory_space<vmem>>, vector<1x16xf32>,
            %get3A_489 = vector.shape_cast %get3A_488 : vector<1x16xf32> to vector<16xf32>
            %add3A_490 = arith.addf %add3A_481, %get3A_489 : vector<16xf32>
            %add3A_491 = arith.constant 14 : i32
            %add3A_492 = arith.addi %mul3A_359, %add3A_491 : i32
            %mul3A_493 = arith.constant 16 : i32
            %mul3A_494 = arith.muli %scan3A_368, %mul3A_493 : i32
            %get3A_495 = arith.index_cast %add3A_492 : i32 to index
            %get3A_496 = arith.index_cast %mul3A_494 : i32 to index
            %get3A_497 = tpu.vector_load %arg9[%get3A_495, %get3A_496] {strides = array<i32>} : memref<128x128xf32, #tpu.memory_space<vmem>>, vector<1x16xf32>,
            %get3A_498 = vector.shape_cast %get3A_497 : vector<1x16xf32> to vector<16xf32>
            %add3A_499 = arith.addf %add3A_490, %get3A_498 : vector<16xf32>
            %add3A_500 = arith.constant 15 : i32
            %add3A_501 = arith.addi %mul3A_359, %add3A_500 : i32
            %mul3A_502 = arith.constant 16 : i32
            %mul3A_503 = arith.muli %scan3A_368, %mul3A_502 : i32
            %get3A_504 = arith.index_cast %add3A_501 : i32 to index
            %get3A_505 = arith.index_cast %mul3A_503 : i32 to index
            %get3A_506 = tpu.vector_load %arg9[%get3A_504, %get3A_505] {strides = array<i32>} : memref<128x128xf32, #tpu.memory_space<vmem>>, vector<1x16xf32>,
            %get3A_507 = vector.shape_cast %get3A_506 : vector<1x16xf32> to vector<16xf32>
            %add3A_508 = arith.addf %add3A_499, %get3A_507 : vector<16xf32>
            %mul3A_509 = arith.constant 16 : i32
            %mul3A_510 = arith.muli %scan3A_368, %mul3A_509 : i32
            %swap3A = arith.index_cast %add3A_362 : i32 to index
            %swap3A_511 = arith.index_cast %mul3A_510 : i32 to index
            %swap3A_512 = tpu.vector_load %arg15[%swap3A, %swap3A_511] {strides = array<i32>} : memref<64x128xf32, #tpu.memory_space<vmem>>, vector<1x16xf32>,
            %swap3A_513 = vector.shape_cast %swap3A_512 : vector<1x16xf32> to vector<16xf32>
            %swap3A_514 = vector.shape_cast %add3A_508 : vector<16xf32> to vector<1x16xf32>
            tpu.vector_store %arg15[%swap3A, %swap3A_511], %swap3A_514 {strides = array<i32>} : memref<64x128xf32, #tpu.memory_space<vmem>>, vector<1x16xf32>,
          }
          %scan3A_367 = arith.constant 8 : i32
        }
        %scan3A_243 = arith.constant 8 : i32
        %mul3A_244 = arith.constant 8 : i32
        %mul3A_245 = arith.muli %add3A_143, %mul3A_244 : i32
        %mul3A_246 = arith.constant 4 : i32
        %mul3A_247 = arith.muli %scan3A_228, %mul3A_246 : i32
        %add3A_248 = arith.addi %mul3A_245, %mul3A_247 : i32
        %add3A_249 = arith.constant 0 : i32
        %add3A_250 = arith.addi %add3A_248, %add3A_249 : i32
        %add3A_251 = arith.constant 4 : i32
        %add3A_252 = arith.addi %add3A_250, %add3A_251 : i32
        %min3A_253 = arith.constant 79 : i32
        %min3A_254 = arith.minsi %add3A_252, %min3A_253 : i32
        %mul3A_255 = arith.constant 128 : i32
        %mul3A_256 = arith.muli %min3A_254, %mul3A_255 : i32
        %dma_start3A_257 = tpu.memref_slice %arg8[%mul3A_256] : memref<10240xi32, #tpu.memory_space<vmem>> -> memref<128xi32, #tpu.memory_space<vmem>>
        %dma_start3A_258 = arith.constant 0 : i32
        %dma_start3A_259 = arith.constant 0 : i32
        %dma_start3A_260 = tpu.memref_slice %arg4[%dma_start3A_258, %dma_start3A_259] : memref<100000x128xf32, #tpu.memory_space<hbm>> -> memref<100000x128xf32, #tpu.memory_space<hbm>>
        tpu.enqueue_indirect_dma source(%dma_start3A_260 : memref<100000x128xf32, #tpu.memory_space<hbm>>) target(%arg9 : memref<128x128xf32, #tpu.memory_space<vmem>>) offsets(%dma_start3A_257 : memref<128xi32, #tpu.memory_space<vmem>>) semaphore(%arg17 : memref<!tpu.dma_semaphore, #tpu.memory_space<semaphore_mem>>)
        %dma_wait3A_261 = arith.constant 0 : i32
        %dma_wait3A_262 = tpu.memref_slice %arg8[%dma_wait3A_261] : memref<10240xi32, #tpu.memory_space<vmem>> -> memref<128xi32, #tpu.memory_space<vmem>>
        %dma_wait3A_263 = arith.constant 0 : i32
        %dma_wait3A_264 = arith.constant 0 : i32
        %dma_wait3A_265 = tpu.memref_slice %arg4[%dma_wait3A_263, %dma_wait3A_264] : memref<100000x128xf32, #tpu.memory_space<hbm>> -> memref<100000x128xf32, #tpu.memory_space<hbm>>
        tpu.wait_indirect_dma semaphore(%arg18 : memref<!tpu.dma_semaphore, #tpu.memory_space<semaphore_mem>>) src(%dma_wait3A_265 : memref<100000x128xf32, #tpu.memory_space<hbm>>) dst(%arg10 : memref<128x128xf32, #tpu.memory_space<vmem>>)
        %mul3A_266 = arith.constant 4 : i32
        %mul3A_267 = arith.muli %scan3A_228, %mul3A_266 : i32
        %add3A_268 = arith.constant 1 : i32
        %add3A_269 = arith.addi %mul3A_267, %add3A_268 : i32
        %scan3A_270 = arith.constant 0 : i32
        %scan3A_271 = arith.constant 0 : i32
        %scan3A_272 = arith.constant 8 : i32
        %scan3A_273 = arith.addi %scan3A_271, %scan3A_272 : i32
        %scan3A_274 = arith.constant 1 : i32
        scf.for %scan3A_357 = %scan3A_271 to %scan3A_273 step %scan3A_274  : i32 {
          %mul3A_358 = arith.constant 16 : i32
          %mul3A_359 = arith.muli %scan3A_357, %mul3A_358 : i32
          %mul3A_360 = arith.constant 8 : i32
          %mul3A_361 = arith.muli %add3A_269, %mul3A_360 : i32
          %add3A_362 = arith.addi %mul3A_361, %scan3A_357 : i32
          %scan3A_363 = arith.constant 0 : i32
          %scan3A_364 = arith.constant 8 : i32
          %scan3A_365 = arith.addi %scan3A_363, %scan3A_364 : i32
          %scan3A_366 = arith.constant 1 : i32
          scf.for %scan3A_368 = %scan3A_363 to %scan3A_365 step %scan3A_366  : i32 {
            %mul3A_369 = arith.constant 16 : i32
            %mul3A_370 = arith.muli %scan3A_368, %mul3A_369 : i32
            %get3A = arith.index_cast %mul3A_359 : i32 to index
            %get3A_371 = arith.index_cast %mul3A_370 : i32 to index
            %get3A_372 = tpu.vector_load %arg10[%get3A, %get3A_371] {strides = array<i32>} : memref<128x128xf32, #tpu.memory_space<vmem>>, vector<1x16xf32>,
            %get3A_373 = vector.shape_cast %get3A_372 : vector<1x16xf32> to vector<16xf32>
            %add3A_374 = arith.constant 1 : i32
            %add3A_375 = arith.addi %mul3A_359, %add3A_374 : i32
            %mul3A_376 = arith.constant 16 : i32
            %mul3A_377 = arith.muli %scan3A_368, %mul3A_376 : i32
            %get3A_378 = arith.index_cast %add3A_375 : i32 to index
            %get3A_379 = arith.index_cast %mul3A_377 : i32 to index
            %get3A_380 = tpu.vector_load %arg10[%get3A_378, %get3A_379] {strides = array<i32>} : memref<128x128xf32, #tpu.memory_space<vmem>>, vector<1x16xf32>,
            %get3A_381 = vector.shape_cast %get3A_380 : vector<1x16xf32> to vector<16xf32>
            %add3A_382 = arith.addf %get3A_373, %get3A_381 : vector<16xf32>
            %add3A_383 = arith.constant 2 : i32
            %add3A_384 = arith.addi %mul3A_359, %add3A_383 : i32
            %mul3A_385 = arith.constant 16 : i32
            %mul3A_386 = arith.muli %scan3A_368, %mul3A_385 : i32
            %get3A_387 = arith.index_cast %add3A_384 : i32 to index
            %get3A_388 = arith.index_cast %mul3A_386 : i32 to index
            %get3A_389 = tpu.vector_load %arg10[%get3A_387, %get3A_388] {strides = array<i32>} : memref<128x128xf32, #tpu.memory_space<vmem>>, vector<1x16xf32>,
            %get3A_390 = vector.shape_cast %get3A_389 : vector<1x16xf32> to vector<16xf32>
            %add3A_391 = arith.addf %add3A_382, %get3A_390 : vector<16xf32>
            %add3A_392 = arith.constant 3 : i32
            %add3A_393 = arith.addi %mul3A_359, %add3A_392 : i32
            %mul3A_394 = arith.constant 16 : i32
            %mul3A_395 = arith.muli %scan3A_368, %mul3A_394 : i32
            %get3A_396 = arith.index_cast %add3A_393 : i32 to index
            %get3A_397 = arith.index_cast %mul3A_395 : i32 to index
            %get3A_398 = tpu.vector_load %arg10[%get3A_396, %get3A_397] {strides = array<i32>} : memref<128x128xf32, #tpu.memory_space<vmem>>, vector<1x16xf32>,
            %get3A_399 = vector.shape_cast %get3A_398 : vector<1x16xf32> to vector<16xf32>
            %add3A_400 = arith.addf %add3A_391, %get3A_399 : vector<16xf32>
            %add3A_401 = arith.constant 4 : i32
            %add3A_402 = arith.addi %mul3A_359, %add3A_401 : i32
            %mul3A_403 = arith.constant 16 : i32
            %mul3A_404 = arith.muli %scan3A_368, %mul3A_403 : i32
            %get3A_405 = arith.index_cast %add3A_402 : i32 to index
            %get3A_406 = arith.index_cast %mul3A_404 : i32 to index
            %get3A_407 = tpu.vector_load %arg10[%get3A_405, %get3A_406] {strides = array<i32>} : memref<128x128xf32, #tpu.memory_space<vmem>>, vector<1x16xf32>,
            %get3A_408 = vector.shape_cast %get3A_407 : vector<1x16xf32> to vector<16xf32>
            %add3A_409 = arith.addf %add3A_400, %get3A_408 : vector<16xf32>
            %add3A_410 = arith.constant 5 : i32
            %add3A_411 = arith.addi %mul3A_359, %add3A_410 : i32
            %mul3A_412 = arith.constant 16 : i32
            %mul3A_413 = arith.muli %scan3A_368, %mul3A_412 : i32
            %get3A_414 = arith.index_cast %add3A_411 : i32 to index
            %get3A_415 = arith.index_cast %mul3A_413 : i32 to index
            %get3A_416 = tpu.vector_load %arg10[%get3A_414, %get3A_415] {strides = array<i32>} : memref<128x128xf32, #tpu.memory_space<vmem>>, vector<1x16xf32>,
            %get3A_417 = vector.shape_cast %get3A_416 : vector<1x16xf32> to vector<16xf32>
            %add3A_418 = arith.addf %add3A_409, %get3A_417 : vector<16xf32>
            %add3A_419 = arith.constant 6 : i32
            %add3A_420 = arith.addi %mul3A_359, %add3A_419 : i32
            %mul3A_421 = arith.constant 16 : i32
            %mul3A_422 = arith.muli %scan3A_368, %mul3A_421 : i32
            %get3A_423 = arith.index_cast %add3A_420 : i32 to index
            %get3A_424 = arith.index_cast %mul3A_422 : i32 to index
            %get3A_425 = tpu.vector_load %arg10[%get3A_423, %get3A_424] {strides = array<i32>} : memref<128x128xf32, #tpu.memory_space<vmem>>, vector<1x16xf32>,
            %get3A_426 = vector.shape_cast %get3A_425 : vector<1x16xf32> to vector<16xf32>
            %add3A_427 = arith.addf %add3A_418, %get3A_426 : vector<16xf32>
            %add3A_428 = arith.constant 7 : i32
            %add3A_429 = arith.addi %mul3A_359, %add3A_428 : i32
            %mul3A_430 = arith.constant 16 : i32
            %mul3A_431 = arith.muli %scan3A_368, %mul3A_430 : i32
            %get3A_432 = arith.index_cast %add3A_429 : i32 to index
            %get3A_433 = arith.index_cast %mul3A_431 : i32 to index
            %get3A_434 = tpu.vector_load %arg10[%get3A_432, %get3A_433] {strides = array<i32>} : memref<128x128xf32, #tpu.memory_space<vmem>>, vector<1x16xf32>,
            %get3A_435 = vector.shape_cast %get3A_434 : vector<1x16xf32> to vector<16xf32>
            %add3A_436 = arith.addf %add3A_427, %get3A_435 : vector<16xf32>
            %add3A_437 = arith.constant 8 : i32
            %add3A_438 = arith.addi %mul3A_359, %add3A_437 : i32
            %mul3A_439 = arith.constant 16 : i32
            %mul3A_440 = arith.muli %scan3A_368, %mul3A_439 : i32
            %get3A_441 = arith.index_cast %add3A_438 : i32 to index
            %get3A_442 = arith.index_cast %mul3A_440 : i32 to index
            %get3A_443 = tpu.vector_load %arg10[%get3A_441, %get3A_442] {strides = array<i32>} : memref<128x128xf32, #tpu.memory_space<vmem>>, vector<1x16xf32>,
            %get3A_444 = vector.shape_cast %get3A_443 : vector<1x16xf32> to vector<16xf32>
            %add3A_445 = arith.addf %add3A_436, %get3A_444 : vector<16xf32>
            %add3A_446 = arith.constant 9 : i32
            %add3A_447 = arith.addi %mul3A_359, %add3A_446 : i32
            %mul3A_448 = arith.constant 16 : i32
            %mul3A_449 = arith.muli %scan3A_368, %mul3A_448 : i32
            %get3A_450 = arith.index_cast %add3A_447 : i32 to index
            %get3A_451 = arith.index_cast %mul3A_449 : i32 to index
            %get3A_452 = tpu.vector_load %arg10[%get3A_450, %get3A_451] {strides = array<i32>} : memref<128x128xf32, #tpu.memory_space<vmem>>, vector<1x16xf32>,
            %get3A_453 = vector.shape_cast %get3A_452 : vector<1x16xf32> to vector<16xf32>
            %add3A_454 = arith.addf %add3A_445, %get3A_453 : vector<16xf32>
            %add3A_455 = arith.constant 10 : i32
            %add3A_456 = arith.addi %mul3A_359, %add3A_455 : i32
            %mul3A_457 = arith.constant 16 : i32
            %mul3A_458 = arith.muli %scan3A_368, %mul3A_457 : i32
            %get3A_459 = arith.index_cast %add3A_456 : i32 to index
            %get3A_460 = arith.index_cast %mul3A_458 : i32 to index
            %get3A_461 = tpu.vector_load %arg10[%get3A_459, %get3A_460] {strides = array<i32>} : memref<128x128xf32, #tpu.memory_space<vmem>>, vector<1x16xf32>,
            %get3A_462 = vector.shape_cast %get3A_461 : vector<1x16xf32> to vector<16xf32>
            %add3A_463 = arith.addf %add3A_454, %get3A_462 : vector<16xf32>
            %add3A_464 = arith.constant 11 : i32
            %add3A_465 = arith.addi %mul3A_359, %add3A_464 : i32
            %mul3A_466 = arith.constant 16 : i32
            %mul3A_467 = arith.muli %scan3A_368, %mul3A_466 : i32
            %get3A_468 = arith.index_cast %add3A_465 : i32 to index
            %get3A_469 = arith.index_cast %mul3A_467 : i32 to index
            %get3A_470 = tpu.vector_load %arg10[%get3A_468, %get3A_469] {strides = array<i32>} : memref<128x128xf32, #tpu.memory_space<vmem>>, vector<1x16xf32>,
            %get3A_471 = vector.shape_cast %get3A_470 : vector<1x16xf32> to vector<16xf32>
            %add3A_472 = arith.addf %add3A_463, %get3A_471 : vector<16xf32>
            %add3A_473 = arith.constant 12 : i32
            %add3A_474 = arith.addi %mul3A_359, %add3A_473 : i32
            %mul3A_475 = arith.constant 16 : i32
            %mul3A_476 = arith.muli %scan3A_368, %mul3A_475 : i32
            %get3A_477 = arith.index_cast %add3A_474 : i32 to index
            %get3A_478 = arith.index_cast %mul3A_476 : i32 to index
            %get3A_479 = tpu.vector_load %arg10[%get3A_477, %get3A_478] {strides = array<i32>} : memref<128x128xf32, #tpu.memory_space<vmem>>, vector<1x16xf32>,
            %get3A_480 = vector.shape_cast %get3A_479 : vector<1x16xf32> to vector<16xf32>
            %add3A_481 = arith.addf %add3A_472, %get3A_480 : vector<16xf32>
            %add3A_482 = arith.constant 13 : i32
            %add3A_483 = arith.addi %mul3A_359, %add3A_482 : i32
            %mul3A_484 = arith.constant 16 : i32
            %mul3A_485 = arith.muli %scan3A_368, %mul3A_484 : i32
            %get3A_486 = arith.index_cast %add3A_483 : i32 to index
            %get3A_487 = arith.index_cast %mul3A_485 : i32 to index
            %get3A_488 = tpu.vector_load %arg10[%get3A_486, %get3A_487] {strides = array<i32>} : memref<128x128xf32, #tpu.memory_space<vmem>>, vector<1x16xf32>,
            %get3A_489 = vector.shape_cast %get3A_488 : vector<1x16xf32> to vector<16xf32>
            %add3A_490 = arith.addf %add3A_481, %get3A_489 : vector<16xf32>
            %add3A_491 = arith.constant 14 : i32
            %add3A_492 = arith.addi %mul3A_359, %add3A_491 : i32
            %mul3A_493 = arith.constant 16 : i32
            %mul3A_494 = arith.muli %scan3A_368, %mul3A_493 : i32
            %get3A_495 = arith.index_cast %add3A_492 : i32 to index
            %get3A_496 = arith.index_cast %mul3A_494 : i32 to index
            %get3A_497 = tpu.vector_load %arg10[%get3A_495, %get3A_496] {strides = array<i32>} : memref<128x128xf32, #tpu.memory_space<vmem>>, vector<1x16xf32>,
            %get3A_498 = vector.shape_cast %get3A_497 : vector<1x16xf32> to vector<16xf32>
            %add3A_499 = arith.addf %add3A_490, %get3A_498 : vector<16xf32>
            %add3A_500 = arith.constant 15 : i32
            %add3A_501 = arith.addi %mul3A_359, %add3A_500 : i32
            %mul3A_502 = arith.constant 16 : i32
            %mul3A_503 = arith.muli %scan3A_368, %mul3A_502 : i32
            %get3A_504 = arith.index_cast %add3A_501 : i32 to index
            %get3A_505 = arith.index_cast %mul3A_503 : i32 to index
            %get3A_506 = tpu.vector_load %arg10[%get3A_504, %get3A_505] {strides = array<i32>} : memref<128x128xf32, #tpu.memory_space<vmem>>, vector<1x16xf32>,
            %get3A_507 = vector.shape_cast %get3A_506 : vector<1x16xf32> to vector<16xf32>
            %add3A_508 = arith.addf %add3A_499, %get3A_507 : vector<16xf32>
            %mul3A_509 = arith.constant 16 : i32
            %mul3A_510 = arith.muli %scan3A_368, %mul3A_509 : i32
            %swap3A = arith.index_cast %add3A_362 : i32 to index
            %swap3A_511 = arith.index_cast %mul3A_510 : i32 to index
            %swap3A_512 = tpu.vector_load %arg15[%swap3A, %swap3A_511] {strides = array<i32>} : memref<64x128xf32, #tpu.memory_space<vmem>>, vector<1x16xf32>,
            %swap3A_513 = vector.shape_cast %swap3A_512 : vector<1x16xf32> to vector<16xf32>
            %swap3A_514 = vector.shape_cast %add3A_508 : vector<16xf32> to vector<1x16xf32>
            tpu.vector_store %arg15[%swap3A, %swap3A_511], %swap3A_514 {strides = array<i32>} : memref<64x128xf32, #tpu.memory_space<vmem>>, vector<1x16xf32>,
          }
          %scan3A_367 = arith.constant 8 : i32
        }
        %scan3A_275 = arith.constant 8 : i32
        %mul3A_276 = arith.constant 8 : i32
        %mul3A_277 = arith.muli %add3A_143, %mul3A_276 : i32
        %mul3A_278 = arith.constant 4 : i32
        %mul3A_279 = arith.muli %scan3A_228, %mul3A_278 : i32
        %add3A_280 = arith.addi %mul3A_277, %mul3A_279 : i32
        %add3A_281 = arith.constant 1 : i32
        %add3A_282 = arith.addi %add3A_280, %add3A_281 : i32
        %add3A_283 = arith.constant 4 : i32
        %add3A_284 = arith.addi %add3A_282, %add3A_283 : i32
        %min3A_285 = arith.constant 79 : i32
        %min3A_286 = arith.minsi %add3A_284, %min3A_285 : i32
        %mul3A_287 = arith.constant 128 : i32
        %mul3A_288 = arith.muli %min3A_286, %mul3A_287 : i32
        %dma_start3A_289 = tpu.memref_slice %arg8[%mul3A_288] : memref<10240xi32, #tpu.memory_space<vmem>> -> memref<128xi32, #tpu.memory_space<vmem>>
        %dma_start3A_290 = arith.constant 0 : i32
        %dma_start3A_291 = arith.constant 0 : i32
        %dma_start3A_292 = tpu.memref_slice %arg4[%dma_start3A_290, %dma_start3A_291] : memref<100000x128xf32, #tpu.memory_space<hbm>> -> memref<100000x128xf32, #tpu.memory_space<hbm>>
        tpu.enqueue_indirect_dma source(%dma_start3A_292 : memref<100000x128xf32, #tpu.memory_space<hbm>>) target(%arg10 : memref<128x128xf32, #tpu.memory_space<vmem>>) offsets(%dma_start3A_289 : memref<128xi32, #tpu.memory_space<vmem>>) semaphore(%arg18 : memref<!tpu.dma_semaphore, #tpu.memory_space<semaphore_mem>>)
        %dma_wait3A_293 = arith.constant 0 : i32
        %dma_wait3A_294 = tpu.memref_slice %arg8[%dma_wait3A_293] : memref<10240xi32, #tpu.memory_space<vmem>> -> memref<128xi32, #tpu.memory_space<vmem>>
        %dma_wait3A_295 = arith.constant 0 : i32
        %dma_wait3A_296 = arith.constant 0 : i32
        %dma_wait3A_297 = tpu.memref_slice %arg4[%dma_wait3A_295, %dma_wait3A_296] : memref<100000x128xf32, #tpu.memory_space<hbm>> -> memref<100000x128xf32, #tpu.memory_space<hbm>>
        tpu.wait_indirect_dma semaphore(%arg19 : memref<!tpu.dma_semaphore, #tpu.memory_space<semaphore_mem>>) src(%dma_wait3A_297 : memref<100000x128xf32, #tpu.memory_space<hbm>>) dst(%arg11 : memref<128x128xf32, #tpu.memory_space<vmem>>)
        %mul3A_298 = arith.constant 4 : i32
        %mul3A_299 = arith.muli %scan3A_228, %mul3A_298 : i32
        %add3A_300 = arith.constant 2 : i32
        %add3A_301 = arith.addi %mul3A_299, %add3A_300 : i32
        %scan3A_302 = arith.constant 0 : i32
        %scan3A_303 = arith.constant 0 : i32
        %scan3A_304 = arith.constant 8 : i32
        %scan3A_305 = arith.addi %scan3A_303, %scan3A_304 : i32
        %scan3A_306 = arith.constant 1 : i32
        scf.for %scan3A_357 = %scan3A_303 to %scan3A_305 step %scan3A_306  : i32 {
          %mul3A_358 = arith.constant 16 : i32
          %mul3A_359 = arith.muli %scan3A_357, %mul3A_358 : i32
          %mul3A_360 = arith.constant 8 : i32
          %mul3A_361 = arith.muli %add3A_301, %mul3A_360 : i32
          %add3A_362 = arith.addi %mul3A_361, %scan3A_357 : i32
          %scan3A_363 = arith.constant 0 : i32
          %scan3A_364 = arith.constant 8 : i32
          %scan3A_365 = arith.addi %scan3A_363, %scan3A_364 : i32
          %scan3A_366 = arith.constant 1 : i32
          scf.for %scan3A_368 = %scan3A_363 to %scan3A_365 step %scan3A_366  : i32 {
            %mul3A_369 = arith.constant 16 : i32
            %mul3A_370 = arith.muli %scan3A_368, %mul3A_369 : i32
            %get3A = arith.index_cast %mul3A_359 : i32 to index
            %get3A_371 = arith.index_cast %mul3A_370 : i32 to index
            %get3A_372 = tpu.vector_load %arg11[%get3A, %get3A_371] {strides = array<i32>} : memref<128x128xf32, #tpu.memory_space<vmem>>, vector<1x16xf32>,
            %get3A_373 = vector.shape_cast %get3A_372 : vector<1x16xf32> to vector<16xf32>
            %add3A_374 = arith.constant 1 : i32
            %add3A_375 = arith.addi %mul3A_359, %add3A_374 : i32
            %mul3A_376 = arith.constant 16 : i32
            %mul3A_377 = arith.muli %scan3A_368, %mul3A_376 : i32
            %get3A_378 = arith.index_cast %add3A_375 : i32 to index
            %get3A_379 = arith.index_cast %mul3A_377 : i32 to index
            %get3A_380 = tpu.vector_load %arg11[%get3A_378, %get3A_379] {strides = array<i32>} : memref<128x128xf32, #tpu.memory_space<vmem>>, vector<1x16xf32>,
            %get3A_381 = vector.shape_cast %get3A_380 : vector<1x16xf32> to vector<16xf32>
            %add3A_382 = arith.addf %get3A_373, %get3A_381 : vector<16xf32>
            %add3A_383 = arith.constant 2 : i32
            %add3A_384 = arith.addi %mul3A_359, %add3A_383 : i32
            %mul3A_385 = arith.constant 16 : i32
            %mul3A_386 = arith.muli %scan3A_368, %mul3A_385 : i32
            %get3A_387 = arith.index_cast %add3A_384 : i32 to index
            %get3A_388 = arith.index_cast %mul3A_386 : i32 to index
            %get3A_389 = tpu.vector_load %arg11[%get3A_387, %get3A_388] {strides = array<i32>} : memref<128x128xf32, #tpu.memory_space<vmem>>, vector<1x16xf32>,
            %get3A_390 = vector.shape_cast %get3A_389 : vector<1x16xf32> to vector<16xf32>
            %add3A_391 = arith.addf %add3A_382, %get3A_390 : vector<16xf32>
            %add3A_392 = arith.constant 3 : i32
            %add3A_393 = arith.addi %mul3A_359, %add3A_392 : i32
            %mul3A_394 = arith.constant 16 : i32
            %mul3A_395 = arith.muli %scan3A_368, %mul3A_394 : i32
            %get3A_396 = arith.index_cast %add3A_393 : i32 to index
            %get3A_397 = arith.index_cast %mul3A_395 : i32 to index
            %get3A_398 = tpu.vector_load %arg11[%get3A_396, %get3A_397] {strides = array<i32>} : memref<128x128xf32, #tpu.memory_space<vmem>>, vector<1x16xf32>,
            %get3A_399 = vector.shape_cast %get3A_398 : vector<1x16xf32> to vector<16xf32>
            %add3A_400 = arith.addf %add3A_391, %get3A_399 : vector<16xf32>
            %add3A_401 = arith.constant 4 : i32
            %add3A_402 = arith.addi %mul3A_359, %add3A_401 : i32
            %mul3A_403 = arith.constant 16 : i32
            %mul3A_404 = arith.muli %scan3A_368, %mul3A_403 : i32
            %get3A_405 = arith.index_cast %add3A_402 : i32 to index
            %get3A_406 = arith.index_cast %mul3A_404 : i32 to index
            %get3A_407 = tpu.vector_load %arg11[%get3A_405, %get3A_406] {strides = array<i32>} : memref<128x128xf32, #tpu.memory_space<vmem>>, vector<1x16xf32>,
            %get3A_408 = vector.shape_cast %get3A_407 : vector<1x16xf32> to vector<16xf32>
            %add3A_409 = arith.addf %add3A_400, %get3A_408 : vector<16xf32>
            %add3A_410 = arith.constant 5 : i32
            %add3A_411 = arith.addi %mul3A_359, %add3A_410 : i32
            %mul3A_412 = arith.constant 16 : i32
            %mul3A_413 = arith.muli %scan3A_368, %mul3A_412 : i32
            %get3A_414 = arith.index_cast %add3A_411 : i32 to index
            %get3A_415 = arith.index_cast %mul3A_413 : i32 to index
            %get3A_416 = tpu.vector_load %arg11[%get3A_414, %get3A_415] {strides = array<i32>} : memref<128x128xf32, #tpu.memory_space<vmem>>, vector<1x16xf32>,
            %get3A_417 = vector.shape_cast %get3A_416 : vector<1x16xf32> to vector<16xf32>
            %add3A_418 = arith.addf %add3A_409, %get3A_417 : vector<16xf32>
            %add3A_419 = arith.constant 6 : i32
            %add3A_420 = arith.addi %mul3A_359, %add3A_419 : i32
            %mul3A_421 = arith.constant 16 : i32
            %mul3A_422 = arith.muli %scan3A_368, %mul3A_421 : i32
            %get3A_423 = arith.index_cast %add3A_420 : i32 to index
            %get3A_424 = arith.index_cast %mul3A_422 : i32 to index
            %get3A_425 = tpu.vector_load %arg11[%get3A_423, %get3A_424] {strides = array<i32>} : memref<128x128xf32, #tpu.memory_space<vmem>>, vector<1x16xf32>,
            %get3A_426 = vector.shape_cast %get3A_425 : vector<1x16xf32> to vector<16xf32>
            %add3A_427 = arith.addf %add3A_418, %get3A_426 : vector<16xf32>
            %add3A_428 = arith.constant 7 : i32
            %add3A_429 = arith.addi %mul3A_359, %add3A_428 : i32
            %mul3A_430 = arith.constant 16 : i32
            %mul3A_431 = arith.muli %scan3A_368, %mul3A_430 : i32
            %get3A_432 = arith.index_cast %add3A_429 : i32 to index
            %get3A_433 = arith.index_cast %mul3A_431 : i32 to index
            %get3A_434 = tpu.vector_load %arg11[%get3A_432, %get3A_433] {strides = array<i32>} : memref<128x128xf32, #tpu.memory_space<vmem>>, vector<1x16xf32>,
            %get3A_435 = vector.shape_cast %get3A_434 : vector<1x16xf32> to vector<16xf32>
            %add3A_436 = arith.addf %add3A_427, %get3A_435 : vector<16xf32>
            %add3A_437 = arith.constant 8 : i32
            %add3A_438 = arith.addi %mul3A_359, %add3A_437 : i32
            %mul3A_439 = arith.constant 16 : i32
            %mul3A_440 = arith.muli %scan3A_368, %mul3A_439 : i32
            %get3A_441 = arith.index_cast %add3A_438 : i32 to index
            %get3A_442 = arith.index_cast %mul3A_440 : i32 to index
            %get3A_443 = tpu.vector_load %arg11[%get3A_441, %get3A_442] {strides = array<i32>} : memref<128x128xf32, #tpu.memory_space<vmem>>, vector<1x16xf32>,
            %get3A_444 = vector.shape_cast %get3A_443 : vector<1x16xf32> to vector<16xf32>
            %add3A_445 = arith.addf %add3A_436, %get3A_444 : vector<16xf32>
            %add3A_446 = arith.constant 9 : i32
            %add3A_447 = arith.addi %mul3A_359, %add3A_446 : i32
            %mul3A_448 = arith.constant 16 : i32
            %mul3A_449 = arith.muli %scan3A_368, %mul3A_448 : i32
            %get3A_450 = arith.index_cast %add3A_447 : i32 to index
            %get3A_451 = arith.index_cast %mul3A_449 : i32 to index
            %get3A_452 = tpu.vector_load %arg11[%get3A_450, %get3A_451] {strides = array<i32>} : memref<128x128xf32, #tpu.memory_space<vmem>>, vector<1x16xf32>,
            %get3A_453 = vector.shape_cast %get3A_452 : vector<1x16xf32> to vector<16xf32>
            %add3A_454 = arith.addf %add3A_445, %get3A_453 : vector<16xf32>
            %add3A_455 = arith.constant 10 : i32
            %add3A_456 = arith.addi %mul3A_359, %add3A_455 : i32
            %mul3A_457 = arith.constant 16 : i32
            %mul3A_458 = arith.muli %scan3A_368, %mul3A_457 : i32
            %get3A_459 = arith.index_cast %add3A_456 : i32 to index
            %get3A_460 = arith.index_cast %mul3A_458 : i32 to index
            %get3A_461 = tpu.vector_load %arg11[%get3A_459, %get3A_460] {strides = array<i32>} : memref<128x128xf32, #tpu.memory_space<vmem>>, vector<1x16xf32>,
            %get3A_462 = vector.shape_cast %get3A_461 : vector<1x16xf32> to vector<16xf32>
            %add3A_463 = arith.addf %add3A_454, %get3A_462 : vector<16xf32>
            %add3A_464 = arith.constant 11 : i32
            %add3A_465 = arith.addi %mul3A_359, %add3A_464 : i32
            %mul3A_466 = arith.constant 16 : i32
            %mul3A_467 = arith.muli %scan3A_368, %mul3A_466 : i32
            %get3A_468 = arith.index_cast %add3A_465 : i32 to index
            %get3A_469 = arith.index_cast %mul3A_467 : i32 to index
            %get3A_470 = tpu.vector_load %arg11[%get3A_468, %get3A_469] {strides = array<i32>} : memref<128x128xf32, #tpu.memory_space<vmem>>, vector<1x16xf32>,
            %get3A_471 = vector.shape_cast %get3A_470 : vector<1x16xf32> to vector<16xf32>
            %add3A_472 = arith.addf %add3A_463, %get3A_471 : vector<16xf32>
            %add3A_473 = arith.constant 12 : i32
            %add3A_474 = arith.addi %mul3A_359, %add3A_473 : i32
            %mul3A_475 = arith.constant 16 : i32
            %mul3A_476 = arith.muli %scan3A_368, %mul3A_475 : i32
            %get3A_477 = arith.index_cast %add3A_474 : i32 to index
            %get3A_478 = arith.index_cast %mul3A_476 : i32 to index
            %get3A_479 = tpu.vector_load %arg11[%get3A_477, %get3A_478] {strides = array<i32>} : memref<128x128xf32, #tpu.memory_space<vmem>>, vector<1x16xf32>,
            %get3A_480 = vector.shape_cast %get3A_479 : vector<1x16xf32> to vector<16xf32>
            %add3A_481 = arith.addf %add3A_472, %get3A_480 : vector<16xf32>
            %add3A_482 = arith.constant 13 : i32
            %add3A_483 = arith.addi %mul3A_359, %add3A_482 : i32
            %mul3A_484 = arith.constant 16 : i32
            %mul3A_485 = arith.muli %scan3A_368, %mul3A_484 : i32
            %get3A_486 = arith.index_cast %add3A_483 : i32 to index
            %get3A_487 = arith.index_cast %mul3A_485 : i32 to index
            %get3A_488 = tpu.vector_load %arg11[%get3A_486, %get3A_487] {strides = array<i32>} : memref<128x128xf32, #tpu.memory_space<vmem>>, vector<1x16xf32>,
            %get3A_489 = vector.shape_cast %get3A_488 : vector<1x16xf32> to vector<16xf32>
            %add3A_490 = arith.addf %add3A_481, %get3A_489 : vector<16xf32>
            %add3A_491 = arith.constant 14 : i32
            %add3A_492 = arith.addi %mul3A_359, %add3A_491 : i32
            %mul3A_493 = arith.constant 16 : i32
            %mul3A_494 = arith.muli %scan3A_368, %mul3A_493 : i32
            %get3A_495 = arith.index_cast %add3A_492 : i32 to index
            %get3A_496 = arith.index_cast %mul3A_494 : i32 to index
            %get3A_497 = tpu.vector_load %arg11[%get3A_495, %get3A_496] {strides = array<i32>} : memref<128x128xf32, #tpu.memory_space<vmem>>, vector<1x16xf32>,
            %get3A_498 = vector.shape_cast %get3A_497 : vector<1x16xf32> to vector<16xf32>
            %add3A_499 = arith.addf %add3A_490, %get3A_498 : vector<16xf32>
            %add3A_500 = arith.constant 15 : i32
            %add3A_501 = arith.addi %mul3A_359, %add3A_500 : i32
            %mul3A_502 = arith.constant 16 : i32
            %mul3A_503 = arith.muli %scan3A_368, %mul3A_502 : i32
            %get3A_504 = arith.index_cast %add3A_501 : i32 to index
            %get3A_505 = arith.index_cast %mul3A_503 : i32 to index
            %get3A_506 = tpu.vector_load %arg11[%get3A_504, %get3A_505] {strides = array<i32>} : memref<128x128xf32, #tpu.memory_space<vmem>>, vector<1x16xf32>,
            %get3A_507 = vector.shape_cast %get3A_506 : vector<1x16xf32> to vector<16xf32>
            %add3A_508 = arith.addf %add3A_499, %get3A_507 : vector<16xf32>
            %mul3A_509 = arith.constant 16 : i32
            %mul3A_510 = arith.muli %scan3A_368, %mul3A_509 : i32
            %swap3A = arith.index_cast %add3A_362 : i32 to index
            %swap3A_511 = arith.index_cast %mul3A_510 : i32 to index
            %swap3A_512 = tpu.vector_load %arg15[%swap3A, %swap3A_511] {strides = array<i32>} : memref<64x128xf32, #tpu.memory_space<vmem>>, vector<1x16xf32>,
            %swap3A_513 = vector.shape_cast %swap3A_512 : vector<1x16xf32> to vector<16xf32>
            %swap3A_514 = vector.shape_cast %add3A_508 : vector<16xf32> to vector<1x16xf32>
            tpu.vector_store %arg15[%swap3A, %swap3A_511], %swap3A_514 {strides = array<i32>} : memref<64x128xf32, #tpu.memory_space<vmem>>, vector<1x16xf32>,
          }
          %scan3A_367 = arith.constant 8 : i32
        }
        %scan3A_307 = arith.constant 8 : i32
        %mul3A_308 = arith.constant 8 : i32
        %mul3A_309 = arith.muli %add3A_143, %mul3A_308 : i32
        %mul3A_310 = arith.constant 4 : i32
        %mul3A_311 = arith.muli %scan3A_228, %mul3A_310 : i32
        %add3A_312 = arith.addi %mul3A_309, %mul3A_311 : i32
        %add3A_313 = arith.constant 2 : i32
        %add3A_314 = arith.addi %add3A_312, %add3A_313 : i32
        %add3A_315 = arith.constant 4 : i32
        %add3A_316 = arith.addi %add3A_314, %add3A_315 : i32
        %min3A_317 = arith.constant 79 : i32
        %min3A_318 = arith.minsi %add3A_316, %min3A_317 : i32
        %mul3A_319 = arith.constant 128 : i32
        %mul3A_320 = arith.muli %min3A_318, %mul3A_319 : i32
        %dma_start3A_321 = tpu.memref_slice %arg8[%mul3A_320] : memref<10240xi32, #tpu.memory_space<vmem>> -> memref<128xi32, #tpu.memory_space<vmem>>
        %dma_start3A_322 = arith.constant 0 : i32
        %dma_start3A_323 = arith.constant 0 : i32
        %dma_start3A_324 = tpu.memref_slice %arg4[%dma_start3A_322, %dma_start3A_323] : memref<100000x128xf32, #tpu.memory_space<hbm>> -> memref<100000x128xf32, #tpu.memory_space<hbm>>
        tpu.enqueue_indirect_dma source(%dma_start3A_324 : memref<100000x128xf32, #tpu.memory_space<hbm>>) target(%arg11 : memref<128x128xf32, #tpu.memory_space<vmem>>) offsets(%dma_start3A_321 : memref<128xi32, #tpu.memory_space<vmem>>) semaphore(%arg19 : memref<!tpu.dma_semaphore, #tpu.memory_space<semaphore_mem>>)
        %dma_wait3A_325 = arith.constant 0 : i32
        %dma_wait3A_326 = tpu.memref_slice %arg8[%dma_wait3A_325] : memref<10240xi32, #tpu.memory_space<vmem>> -> memref<128xi32, #tpu.memory_space<vmem>>
        %dma_wait3A_327 = arith.constant 0 : i32
        %dma_wait3A_328 = arith.constant 0 : i32
        %dma_wait3A_329 = tpu.memref_slice %arg4[%dma_wait3A_327, %dma_wait3A_328] : memref<100000x128xf32, #tpu.memory_space<hbm>> -> memref<100000x128xf32, #tpu.memory_space<hbm>>
        tpu.wait_indirect_dma semaphore(%arg20 : memref<!tpu.dma_semaphore, #tpu.memory_space<semaphore_mem>>) src(%dma_wait3A_329 : memref<100000x128xf32, #tpu.memory_space<hbm>>) dst(%arg12 : memref<128x128xf32, #tpu.memory_space<vmem>>)
        %mul3A_330 = arith.constant 4 : i32
        %mul3A_331 = arith.muli %scan3A_228, %mul3A_330 : i32
        %add3A_332 = arith.constant 3 : i32
        %add3A_333 = arith.addi %mul3A_331, %add3A_332 : i32
        %scan3A_334 = arith.constant 0 : i32
        %scan3A_335 = arith.constant 0 : i32
        %scan3A_336 = arith.constant 8 : i32
        %scan3A_337 = arith.addi %scan3A_335, %scan3A_336 : i32
        %scan3A_338 = arith.constant 1 : i32
        scf.for %scan3A_357 = %scan3A_335 to %scan3A_337 step %scan3A_338  : i32 {
          %mul3A_358 = arith.constant 16 : i32
          %mul3A_359 = arith.muli %scan3A_357, %mul3A_358 : i32
          %mul3A_360 = arith.constant 8 : i32
          %mul3A_361 = arith.muli %add3A_333, %mul3A_360 : i32
          %add3A_362 = arith.addi %mul3A_361, %scan3A_357 : i32
          %scan3A_363 = arith.constant 0 : i32
          %scan3A_364 = arith.constant 8 : i32
          %scan3A_365 = arith.addi %scan3A_363, %scan3A_364 : i32
          %scan3A_366 = arith.constant 1 : i32
          scf.for %scan3A_368 = %scan3A_363 to %scan3A_365 step %scan3A_366  : i32 {
            %mul3A_369 = arith.constant 16 : i32
            %mul3A_370 = arith.muli %scan3A_368, %mul3A_369 : i32
            %get3A = arith.index_cast %mul3A_359 : i32 to index
            %get3A_371 = arith.index_cast %mul3A_370 : i32 to index
            %get3A_372 = tpu.vector_load %arg12[%get3A, %get3A_371] {strides = array<i32>} : memref<128x128xf32, #tpu.memory_space<vmem>>, vector<1x16xf32>,
            %get3A_373 = vector.shape_cast %get3A_372 : vector<1x16xf32> to vector<16xf32>
            %add3A_374 = arith.constant 1 : i32
            %add3A_375 = arith.addi %mul3A_359, %add3A_374 : i32
            %mul3A_376 = arith.constant 16 : i32
            %mul3A_377 = arith.muli %scan3A_368, %mul3A_376 : i32
            %get3A_378 = arith.index_cast %add3A_375 : i32 to index
            %get3A_379 = arith.index_cast %mul3A_377 : i32 to index
            %get3A_380 = tpu.vector_load %arg12[%get3A_378, %get3A_379] {strides = array<i32>} : memref<128x128xf32, #tpu.memory_space<vmem>>, vector<1x16xf32>,
            %get3A_381 = vector.shape_cast %get3A_380 : vector<1x16xf32> to vector<16xf32>
            %add3A_382 = arith.addf %get3A_373, %get3A_381 : vector<16xf32>
            %add3A_383 = arith.constant 2 : i32
            %add3A_384 = arith.addi %mul3A_359, %add3A_383 : i32
            %mul3A_385 = arith.constant 16 : i32
            %mul3A_386 = arith.muli %scan3A_368, %mul3A_385 : i32
            %get3A_387 = arith.index_cast %add3A_384 : i32 to index
            %get3A_388 = arith.index_cast %mul3A_386 : i32 to index
            %get3A_389 = tpu.vector_load %arg12[%get3A_387, %get3A_388] {strides = array<i32>} : memref<128x128xf32, #tpu.memory_space<vmem>>, vector<1x16xf32>,
            %get3A_390 = vector.shape_cast %get3A_389 : vector<1x16xf32> to vector<16xf32>
            %add3A_391 = arith.addf %add3A_382, %get3A_390 : vector<16xf32>
            %add3A_392 = arith.constant 3 : i32
            %add3A_393 = arith.addi %mul3A_359, %add3A_392 : i32
            %mul3A_394 = arith.constant 16 : i32
            %mul3A_395 = arith.muli %scan3A_368, %mul3A_394 : i32
            %get3A_396 = arith.index_cast %add3A_393 : i32 to index
            %get3A_397 = arith.index_cast %mul3A_395 : i32 to index
            %get3A_398 = tpu.vector_load %arg12[%get3A_396, %get3A_397] {strides = array<i32>} : memref<128x128xf32, #tpu.memory_space<vmem>>, vector<1x16xf32>,
            %get3A_399 = vector.shape_cast %get3A_398 : vector<1x16xf32> to vector<16xf32>
            %add3A_400 = arith.addf %add3A_391, %get3A_399 : vector<16xf32>
            %add3A_401 = arith.constant 4 : i32
            %add3A_402 = arith.addi %mul3A_359, %add3A_401 : i32
            %mul3A_403 = arith.constant 16 : i32
            %mul3A_404 = arith.muli %scan3A_368, %mul3A_403 : i32
            %get3A_405 = arith.index_cast %add3A_402 : i32 to index
            %get3A_406 = arith.index_cast %mul3A_404 : i32 to index
            %get3A_407 = tpu.vector_load %arg12[%get3A_405, %get3A_406] {strides = array<i32>} : memref<128x128xf32, #tpu.memory_space<vmem>>, vector<1x16xf32>,
            %get3A_408 = vector.shape_cast %get3A_407 : vector<1x16xf32> to vector<16xf32>
            %add3A_409 = arith.addf %add3A_400, %get3A_408 : vector<16xf32>
            %add3A_410 = arith.constant 5 : i32
            %add3A_411 = arith.addi %mul3A_359, %add3A_410 : i32
            %mul3A_412 = arith.constant 16 : i32
            %mul3A_413 = arith.muli %scan3A_368, %mul3A_412 : i32
            %get3A_414 = arith.index_cast %add3A_411 : i32 to index
            %get3A_415 = arith.index_cast %mul3A_413 : i32 to index
            %get3A_416 = tpu.vector_load %arg12[%get3A_414, %get3A_415] {strides = array<i32>} : memref<128x128xf32, #tpu.memory_space<vmem>>, vector<1x16xf32>,
            %get3A_417 = vector.shape_cast %get3A_416 : vector<1x16xf32> to vector<16xf32>
            %add3A_418 = arith.addf %add3A_409, %get3A_417 : vector<16xf32>
            %add3A_419 = arith.constant 6 : i32
            %add3A_420 = arith.addi %mul3A_359, %add3A_419 : i32
            %mul3A_421 = arith.constant 16 : i32
            %mul3A_422 = arith.muli %scan3A_368, %mul3A_421 : i32
            %get3A_423 = arith.index_cast %add3A_420 : i32 to index
            %get3A_424 = arith.index_cast %mul3A_422 : i32 to index
            %get3A_425 = tpu.vector_load %arg12[%get3A_423, %get3A_424] {strides = array<i32>} : memref<128x128xf32, #tpu.memory_space<vmem>>, vector<1x16xf32>,
            %get3A_426 = vector.shape_cast %get3A_425 : vector<1x16xf32> to vector<16xf32>
            %add3A_427 = arith.addf %add3A_418, %get3A_426 : vector<16xf32>
            %add3A_428 = arith.constant 7 : i32
            %add3A_429 = arith.addi %mul3A_359, %add3A_428 : i32
            %mul3A_430 = arith.constant 16 : i32
            %mul3A_431 = arith.muli %scan3A_368, %mul3A_430 : i32
            %get3A_432 = arith.index_cast %add3A_429 : i32 to index
            %get3A_433 = arith.index_cast %mul3A_431 : i32 to index
            %get3A_434 = tpu.vector_load %arg12[%get3A_432, %get3A_433] {strides = array<i32>} : memref<128x128xf32, #tpu.memory_space<vmem>>, vector<1x16xf32>,
            %get3A_435 = vector.shape_cast %get3A_434 : vector<1x16xf32> to vector<16xf32>
            %add3A_436 = arith.addf %add3A_427, %get3A_435 : vector<16xf32>
            %add3A_437 = arith.constant 8 : i32
            %add3A_438 = arith.addi %mul3A_359, %add3A_437 : i32
            %mul3A_439 = arith.constant 16 : i32
            %mul3A_440 = arith.muli %scan3A_368, %mul3A_439 : i32
            %get3A_441 = arith.index_cast %add3A_438 : i32 to index
            %get3A_442 = arith.index_cast %mul3A_440 : i32 to index
            %get3A_443 = tpu.vector_load %arg12[%get3A_441, %get3A_442] {strides = array<i32>} : memref<128x128xf32, #tpu.memory_space<vmem>>, vector<1x16xf32>,
            %get3A_444 = vector.shape_cast %get3A_443 : vector<1x16xf32> to vector<16xf32>
            %add3A_445 = arith.addf %add3A_436, %get3A_444 : vector<16xf32>
            %add3A_446 = arith.constant 9 : i32
            %add3A_447 = arith.addi %mul3A_359, %add3A_446 : i32
            %mul3A_448 = arith.constant 16 : i32
            %mul3A_449 = arith.muli %scan3A_368, %mul3A_448 : i32
            %get3A_450 = arith.index_cast %add3A_447 : i32 to index
            %get3A_451 = arith.index_cast %mul3A_449 : i32 to index
            %get3A_452 = tpu.vector_load %arg12[%get3A_450, %get3A_451] {strides = array<i32>} : memref<128x128xf32, #tpu.memory_space<vmem>>, vector<1x16xf32>,
            %get3A_453 = vector.shape_cast %get3A_452 : vector<1x16xf32> to vector<16xf32>
            %add3A_454 = arith.addf %add3A_445, %get3A_453 : vector<16xf32>
            %add3A_455 = arith.constant 10 : i32
            %add3A_456 = arith.addi %mul3A_359, %add3A_455 : i32
            %mul3A_457 = arith.constant 16 : i32
            %mul3A_458 = arith.muli %scan3A_368, %mul3A_457 : i32
            %get3A_459 = arith.index_cast %add3A_456 : i32 to index
            %get3A_460 = arith.index_cast %mul3A_458 : i32 to index
            %get3A_461 = tpu.vector_load %arg12[%get3A_459, %get3A_460] {strides = array<i32>} : memref<128x128xf32, #tpu.memory_space<vmem>>, vector<1x16xf32>,
            %get3A_462 = vector.shape_cast %get3A_461 : vector<1x16xf32> to vector<16xf32>
            %add3A_463 = arith.addf %add3A_454, %get3A_462 : vector<16xf32>
            %add3A_464 = arith.constant 11 : i32
            %add3A_465 = arith.addi %mul3A_359, %add3A_464 : i32
            %mul3A_466 = arith.constant 16 : i32
            %mul3A_467 = arith.muli %scan3A_368, %mul3A_466 : i32
            %get3A_468 = arith.index_cast %add3A_465 : i32 to index
            %get3A_469 = arith.index_cast %mul3A_467 : i32 to index
            %get3A_470 = tpu.vector_load %arg12[%get3A_468, %get3A_469] {strides = array<i32>} : memref<128x128xf32, #tpu.memory_space<vmem>>, vector<1x16xf32>,
            %get3A_471 = vector.shape_cast %get3A_470 : vector<1x16xf32> to vector<16xf32>
            %add3A_472 = arith.addf %add3A_463, %get3A_471 : vector<16xf32>
            %add3A_473 = arith.constant 12 : i32
            %add3A_474 = arith.addi %mul3A_359, %add3A_473 : i32
            %mul3A_475 = arith.constant 16 : i32
            %mul3A_476 = arith.muli %scan3A_368, %mul3A_475 : i32
            %get3A_477 = arith.index_cast %add3A_474 : i32 to index
            %get3A_478 = arith.index_cast %mul3A_476 : i32 to index
            %get3A_479 = tpu.vector_load %arg12[%get3A_477, %get3A_478] {strides = array<i32>} : memref<128x128xf32, #tpu.memory_space<vmem>>, vector<1x16xf32>,
            %get3A_480 = vector.shape_cast %get3A_479 : vector<1x16xf32> to vector<16xf32>
            %add3A_481 = arith.addf %add3A_472, %get3A_480 : vector<16xf32>
            %add3A_482 = arith.constant 13 : i32
            %add3A_483 = arith.addi %mul3A_359, %add3A_482 : i32
            %mul3A_484 = arith.constant 16 : i32
            %mul3A_485 = arith.muli %scan3A_368, %mul3A_484 : i32
            %get3A_486 = arith.index_cast %add3A_483 : i32 to index
            %get3A_487 = arith.index_cast %mul3A_485 : i32 to index
            %get3A_488 = tpu.vector_load %arg12[%get3A_486, %get3A_487] {strides = array<i32>} : memref<128x128xf32, #tpu.memory_space<vmem>>, vector<1x16xf32>,
            %get3A_489 = vector.shape_cast %get3A_488 : vector<1x16xf32> to vector<16xf32>
            %add3A_490 = arith.addf %add3A_481, %get3A_489 : vector<16xf32>
            %add3A_491 = arith.constant 14 : i32
            %add3A_492 = arith.addi %mul3A_359, %add3A_491 : i32
            %mul3A_493 = arith.constant 16 : i32
            %mul3A_494 = arith.muli %scan3A_368, %mul3A_493 : i32
            %get3A_495 = arith.index_cast %add3A_492 : i32 to index
            %get3A_496 = arith.index_cast %mul3A_494 : i32 to index
            %get3A_497 = tpu.vector_load %arg12[%get3A_495, %get3A_496] {strides = array<i32>} : memref<128x128xf32, #tpu.memory_space<vmem>>, vector<1x16xf32>,
            %get3A_498 = vector.shape_cast %get3A_497 : vector<1x16xf32> to vector<16xf32>
            %add3A_499 = arith.addf %add3A_490, %get3A_498 : vector<16xf32>
            %add3A_500 = arith.constant 15 : i32
            %add3A_501 = arith.addi %mul3A_359, %add3A_500 : i32
            %mul3A_502 = arith.constant 16 : i32
            %mul3A_503 = arith.muli %scan3A_368, %mul3A_502 : i32
            %get3A_504 = arith.index_cast %add3A_501 : i32 to index
            %get3A_505 = arith.index_cast %mul3A_503 : i32 to index
            %get3A_506 = tpu.vector_load %arg12[%get3A_504, %get3A_505] {strides = array<i32>} : memref<128x128xf32, #tpu.memory_space<vmem>>, vector<1x16xf32>,
            %get3A_507 = vector.shape_cast %get3A_506 : vector<1x16xf32> to vector<16xf32>
            %add3A_508 = arith.addf %add3A_499, %get3A_507 : vector<16xf32>
            %mul3A_509 = arith.constant 16 : i32
            %mul3A_510 = arith.muli %scan3A_368, %mul3A_509 : i32
            %swap3A = arith.index_cast %add3A_362 : i32 to index
            %swap3A_511 = arith.index_cast %mul3A_510 : i32 to index
            %swap3A_512 = tpu.vector_load %arg15[%swap3A, %swap3A_511] {strides = array<i32>} : memref<64x128xf32, #tpu.memory_space<vmem>>, vector<1x16xf32>,
            %swap3A_513 = vector.shape_cast %swap3A_512 : vector<1x16xf32> to vector<16xf32>
            %swap3A_514 = vector.shape_cast %add3A_508 : vector<16xf32> to vector<1x16xf32>
            tpu.vector_store %arg15[%swap3A, %swap3A_511], %swap3A_514 {strides = array<i32>} : memref<64x128xf32, #tpu.memory_space<vmem>>, vector<1x16xf32>,
          }
          %scan3A_367 = arith.constant 8 : i32
        }
        %scan3A_339 = arith.constant 8 : i32
        %mul3A_340 = arith.constant 8 : i32
        %mul3A_341 = arith.muli %add3A_143, %mul3A_340 : i32
        %mul3A_342 = arith.constant 4 : i32
        %mul3A_343 = arith.muli %scan3A_228, %mul3A_342 : i32
        %add3A_344 = arith.addi %mul3A_341, %mul3A_343 : i32
        %add3A_345 = arith.constant 3 : i32
        %add3A_346 = arith.addi %add3A_344, %add3A_345 : i32
        %add3A_347 = arith.constant 4 : i32
        %add3A_348 = arith.addi %add3A_346, %add3A_347 : i32
        %min3A_349 = arith.constant 79 : i32
        %min3A_350 = arith.minsi %add3A_348, %min3A_349 : i32
        %mul3A_351 = arith.constant 128 : i32
        %mul3A_352 = arith.muli %min3A_350, %mul3A_351 : i32
        %dma_start3A_353 = tpu.memref_slice %arg8[%mul3A_352] : memref<10240xi32, #tpu.memory_space<vmem>> -> memref<128xi32, #tpu.memory_space<vmem>>
        %dma_start3A_354 = arith.constant 0 : i32
        %dma_start3A_355 = arith.constant 0 : i32
        %dma_start3A_356 = tpu.memref_slice %arg4[%dma_start3A_354, %dma_start3A_355] : memref<100000x128xf32, #tpu.memory_space<hbm>> -> memref<100000x128xf32, #tpu.memory_space<hbm>>
        tpu.enqueue_indirect_dma source(%dma_start3A_356 : memref<100000x128xf32, #tpu.memory_space<hbm>>) target(%arg12 : memref<128x128xf32, #tpu.memory_space<vmem>>) offsets(%dma_start3A_353 : memref<128xi32, #tpu.memory_space<vmem>>) semaphore(%arg20 : memref<!tpu.dma_semaphore, #tpu.memory_space<semaphore_mem>>)
      }
      %scan3A_167 = arith.constant 2 : i32
      %dma_wait3A_168 = arith.constant 0 : i32
      %dma_wait3A_169 = tpu.memref_slice %arg7[%dma_wait3A_168] : memref<640xi32, #tpu.memory_space<vmem>> -> memref<64xi32, #tpu.memory_space<vmem>>
      %dma_wait3A_170 = arith.constant 0 : i32
      %dma_wait3A_171 = arith.constant 0 : i32
      %dma_wait3A_172 = tpu.memref_slice %arg4[%dma_wait3A_170, %dma_wait3A_171] : memref<100000x128xf32, #tpu.memory_space<hbm>> -> memref<100000x128xf32, #tpu.memory_space<hbm>>
      tpu.wait_indirect_dma semaphore(%arg21 : memref<!tpu.dma_semaphore, #tpu.memory_space<semaphore_mem>>) src(%dma_wait3A_172 : memref<100000x128xf32, #tpu.memory_space<hbm>>) dst(%arg13 : memref<64x128xf32, #tpu.memory_space<vmem>>)
      %mul3A_173 = arith.constant 64 : i32
      %mul3A_174 = arith.muli %add3A_143, %mul3A_173 : i32
      %add3A_175 = arith.addi %mul3A_2, %mul3A_174 : i32
      %dma_start3A_176 = arith.constant 0 : i32
      %dma_start3A_177 = tpu.memref_slice %arg6[%add3A_175, %dma_start3A_176] : memref<20480x128xf32, #tpu.memory_space<hbm>> -> memref<64x128xf32, #tpu.memory_space<hbm>>
      %dma_start3A_178 = arith.constant 0 : i32
      %dma_start3A_179 = tpu.memref_slice %arg6[%add3A_175, %dma_start3A_178] : memref<20480x128xf32, #tpu.memory_space<hbm>> -> memref<64x128xf32, #tpu.memory_space<hbm>>
      tpu.enqueue_dma source(%arg15 : memref<64x128xf32, #tpu.memory_space<vmem>>) target(%dma_start3A_179 : memref<64x128xf32, #tpu.memory_space<hbm>>) target_semaphore(%arg23 : memref<!tpu.dma_semaphore, #tpu.memory_space<semaphore_mem>>)
      %dma_start3A_180 = arith.constant 0 : i32
      %dma_start3A_181 = tpu.memref_slice %arg5[%add3A_175, %dma_start3A_180] : memref<20480x128xf32, #tpu.memory_space<hbm>> -> memref<64x128xf32, #tpu.memory_space<hbm>>
      %dma_start3A_182 = arith.constant 0 : i32
      %dma_start3A_183 = tpu.memref_slice %arg5[%add3A_175, %dma_start3A_182] : memref<20480x128xf32, #tpu.memory_space<hbm>> -> memref<64x128xf32, #tpu.memory_space<hbm>>
      tpu.enqueue_dma source(%arg13 : memref<64x128xf32, #tpu.memory_space<vmem>>) target(%dma_start3A_183 : memref<64x128xf32, #tpu.memory_space<hbm>>) target_semaphore(%arg23 : memref<!tpu.dma_semaphore, #tpu.memory_space<semaphore_mem>>)
      %mul3A_184 = arith.constant 2 : i32
      %mul3A_185 = arith.muli %mul3A_184, %scan3A_139 : i32
      %add3A_186 = arith.constant 1 : i32
      %add3A_187 = arith.addi %mul3A_185, %add3A_186 : i32
      %dma_wait3A_188 = arith.constant 0 : i32
      %dma_wait3A_189 = arith.constant 0 : i32
      %dma_wait3A_190 = tpu.memref_slice %arg6[%dma_wait3A_188, %dma_wait3A_189] : memref<20480x128xf32, #tpu.memory_space<hbm>> -> memref<64x128xf32, #tpu.memory_space<hbm>>
      %dma_wait3A_191 = arith.constant 0 : i32
      %dma_wait3A_192 = arith.constant 0 : i32
      %dma_wait3A_193 = tpu.memref_slice %arg6[%dma_wait3A_191, %dma_wait3A_192] : memref<20480x128xf32, #tpu.memory_space<hbm>> -> memref<64x128xf32, #tpu.memory_space<hbm>>
      tpu.wait_dma2 semaphore(%arg24 : memref<!tpu.dma_semaphore, #tpu.memory_space<semaphore_mem>>) src(%arg16 : memref<64x128xf32, #tpu.memory_space<vmem>>) dst(%dma_wait3A_193 : memref<64x128xf32, #tpu.memory_space<hbm>>)
      %dma_wait3A_194 = arith.constant 0 : i32
      %dma_wait3A_195 = arith.constant 0 : i32
      %dma_wait3A_196 = tpu.memref_slice %arg5[%dma_wait3A_194, %dma_wait3A_195] : memref<20480x128xf32, #tpu.memory_space<hbm>> -> memref<64x128xf32, #tpu.memory_space<hbm>>
      %dma_wait3A_197 = arith.constant 0 : i32
      %dma_wait3A_198 = arith.constant 0 : i32
      %dma_wait3A_199 = tpu.memref_slice %arg5[%dma_wait3A_197, %dma_wait3A_198] : memref<20480x128xf32, #tpu.memory_space<hbm>> -> memref<64x128xf32, #tpu.memory_space<hbm>>
      tpu.wait_dma2 semaphore(%arg24 : memref<!tpu.dma_semaphore, #tpu.memory_space<semaphore_mem>>) src(%arg14 : memref<64x128xf32, #tpu.memory_space<vmem>>) dst(%dma_wait3A_199 : memref<64x128xf32, #tpu.memory_space<hbm>>)
      %mul3A_200 = arith.constant 64 : i32
      %mul3A_201 = arith.muli %add3A_187, %mul3A_200 : i32
      %dma_start3A_202 = tpu.memref_slice %arg7[%mul3A_201] : memref<640xi32, #tpu.memory_space<vmem>> -> memref<64xi32, #tpu.memory_space<vmem>>
      %dma_start3A_203 = arith.constant 0 : i32
      %dma_start3A_204 = arith.constant 0 : i32
      %dma_start3A_205 = tpu.memref_slice %arg4[%dma_start3A_203, %dma_start3A_204] : memref<100000x128xf32, #tpu.memory_space<hbm>> -> memref<100000x128xf32, #tpu.memory_space<hbm>>
      tpu.enqueue_indirect_dma source(%dma_start3A_205 : memref<100000x128xf32, #tpu.memory_space<hbm>>) target(%arg14 : memref<64x128xf32, #tpu.memory_space<vmem>>) offsets(%dma_start3A_202 : memref<64xi32, #tpu.memory_space<vmem>>) semaphore(%arg22 : memref<!tpu.dma_semaphore, #tpu.memory_space<semaphore_mem>>)
      %scan3A_206 = arith.constant 0 : i32
      %scan3A_207 = arith.constant 0 : i32
      %scan3A_208 = arith.constant 2 : i32
      %scan3A_209 = arith.addi %scan3A_207, %scan3A_208 : i32
      %scan3A_210 = arith.constant 1 : i32
      scf.for %scan3A_228 = %scan3A_207 to %scan3A_209 step %scan3A_210  : i32 {
        %dma_wait3A_229 = arith.constant 0 : i32
        %dma_wait3A_230 = tpu.memref_slice %arg8[%dma_wait3A_229] : memref<10240xi32, #tpu.memory_space<vmem>> -> memref<128xi32, #tpu.memory_space<vmem>>
        %dma_wait3A_231 = arith.constant 0 : i32
        %dma_wait3A_232 = arith.constant 0 : i32
        %dma_wait3A_233 = tpu.memref_slice %arg4[%dma_wait3A_231, %dma_wait3A_232] : memref<100000x128xf32, #tpu.memory_space<hbm>> -> memref<100000x128xf32, #tpu.memory_space<hbm>>
        tpu.wait_indirect_dma semaphore(%arg17 : memref<!tpu.dma_semaphore, #tpu.memory_space<semaphore_mem>>) src(%dma_wait3A_233 : memref<100000x128xf32, #tpu.memory_space<hbm>>) dst(%arg9 : memref<128x128xf32, #tpu.memory_space<vmem>>)
        %mul3A_234 = arith.constant 4 : i32
        %mul3A_235 = arith.muli %scan3A_228, %mul3A_234 : i32
        %add3A_236 = arith.constant 0 : i32
        %add3A_237 = arith.addi %mul3A_235, %add3A_236 : i32
        %scan3A_238 = arith.constant 0 : i32
        %scan3A_239 = arith.constant 0 : i32
        %scan3A_240 = arith.constant 8 : i32
        %scan3A_241 = arith.addi %scan3A_239, %scan3A_240 : i32
        %scan3A_242 = arith.constant 1 : i32
        scf.for %scan3A_357 = %scan3A_239 to %scan3A_241 step %scan3A_242  : i32 {
          %mul3A_358 = arith.constant 16 : i32
          %mul3A_359 = arith.muli %scan3A_357, %mul3A_358 : i32
          %mul3A_360 = arith.constant 8 : i32
          %mul3A_361 = arith.muli %add3A_237, %mul3A_360 : i32
          %add3A_362 = arith.addi %mul3A_361, %scan3A_357 : i32
          %scan3A_363 = arith.constant 0 : i32
          %scan3A_364 = arith.constant 8 : i32
          %scan3A_365 = arith.addi %scan3A_363, %scan3A_364 : i32
          %scan3A_366 = arith.constant 1 : i32
          scf.for %scan3A_368 = %scan3A_363 to %scan3A_365 step %scan3A_366  : i32 {
            %mul3A_369 = arith.constant 16 : i32
            %mul3A_370 = arith.muli %scan3A_368, %mul3A_369 : i32
            %get3A = arith.index_cast %mul3A_359 : i32 to index
            %get3A_371 = arith.index_cast %mul3A_370 : i32 to index
            %get3A_372 = tpu.vector_load %arg9[%get3A, %get3A_371] {strides = array<i32>} : memref<128x128xf32, #tpu.memory_space<vmem>>, vector<1x16xf32>,
            %get3A_373 = vector.shape_cast %get3A_372 : vector<1x16xf32> to vector<16xf32>
            %add3A_374 = arith.constant 1 : i32
            %add3A_375 = arith.addi %mul3A_359, %add3A_374 : i32
            %mul3A_376 = arith.constant 16 : i32
            %mul3A_377 = arith.muli %scan3A_368, %mul3A_376 : i32
            %get3A_378 = arith.index_cast %add3A_375 : i32 to index
            %get3A_379 = arith.index_cast %mul3A_377 : i32 to index
            %get3A_380 = tpu.vector_load %arg9[%get3A_378, %get3A_379] {strides = array<i32>} : memref<128x128xf32, #tpu.memory_space<vmem>>, vector<1x16xf32>,
            %get3A_381 = vector.shape_cast %get3A_380 : vector<1x16xf32> to vector<16xf32>
            %add3A_382 = arith.addf %get3A_373, %get3A_381 : vector<16xf32>
            %add3A_383 = arith.constant 2 : i32
            %add3A_384 = arith.addi %mul3A_359, %add3A_383 : i32
            %mul3A_385 = arith.constant 16 : i32
            %mul3A_386 = arith.muli %scan3A_368, %mul3A_385 : i32
            %get3A_387 = arith.index_cast %add3A_384 : i32 to index
            %get3A_388 = arith.index_cast %mul3A_386 : i32 to index
            %get3A_389 = tpu.vector_load %arg9[%get3A_387, %get3A_388] {strides = array<i32>} : memref<128x128xf32, #tpu.memory_space<vmem>>, vector<1x16xf32>,
            %get3A_390 = vector.shape_cast %get3A_389 : vector<1x16xf32> to vector<16xf32>
            %add3A_391 = arith.addf %add3A_382, %get3A_390 : vector<16xf32>
            %add3A_392 = arith.constant 3 : i32
            %add3A_393 = arith.addi %mul3A_359, %add3A_392 : i32
            %mul3A_394 = arith.constant 16 : i32
            %mul3A_395 = arith.muli %scan3A_368, %mul3A_394 : i32
            %get3A_396 = arith.index_cast %add3A_393 : i32 to index
            %get3A_397 = arith.index_cast %mul3A_395 : i32 to index
            %get3A_398 = tpu.vector_load %arg9[%get3A_396, %get3A_397] {strides = array<i32>} : memref<128x128xf32, #tpu.memory_space<vmem>>, vector<1x16xf32>,
            %get3A_399 = vector.shape_cast %get3A_398 : vector<1x16xf32> to vector<16xf32>
            %add3A_400 = arith.addf %add3A_391, %get3A_399 : vector<16xf32>
            %add3A_401 = arith.constant 4 : i32
            %add3A_402 = arith.addi %mul3A_359, %add3A_401 : i32
            %mul3A_403 = arith.constant 16 : i32
            %mul3A_404 = arith.muli %scan3A_368, %mul3A_403 : i32
            %get3A_405 = arith.index_cast %add3A_402 : i32 to index
            %get3A_406 = arith.index_cast %mul3A_404 : i32 to index
            %get3A_407 = tpu.vector_load %arg9[%get3A_405, %get3A_406] {strides = array<i32>} : memref<128x128xf32, #tpu.memory_space<vmem>>, vector<1x16xf32>,
            %get3A_408 = vector.shape_cast %get3A_407 : vector<1x16xf32> to vector<16xf32>
            %add3A_409 = arith.addf %add3A_400, %get3A_408 : vector<16xf32>
            %add3A_410 = arith.constant 5 : i32
            %add3A_411 = arith.addi %mul3A_359, %add3A_410 : i32
            %mul3A_412 = arith.constant 16 : i32
            %mul3A_413 = arith.muli %scan3A_368, %mul3A_412 : i32
            %get3A_414 = arith.index_cast %add3A_411 : i32 to index
            %get3A_415 = arith.index_cast %mul3A_413 : i32 to index
            %get3A_416 = tpu.vector_load %arg9[%get3A_414, %get3A_415] {strides = array<i32>} : memref<128x128xf32, #tpu.memory_space<vmem>>, vector<1x16xf32>,
            %get3A_417 = vector.shape_cast %get3A_416 : vector<1x16xf32> to vector<16xf32>
            %add3A_418 = arith.addf %add3A_409, %get3A_417 : vector<16xf32>
            %add3A_419 = arith.constant 6 : i32
            %add3A_420 = arith.addi %mul3A_359, %add3A_419 : i32
            %mul3A_421 = arith.constant 16 : i32
            %mul3A_422 = arith.muli %scan3A_368, %mul3A_421 : i32
            %get3A_423 = arith.index_cast %add3A_420 : i32 to index
            %get3A_424 = arith.index_cast %mul3A_422 : i32 to index
            %get3A_425 = tpu.vector_load %arg9[%get3A_423, %get3A_424] {strides = array<i32>} : memref<128x128xf32, #tpu.memory_space<vmem>>, vector<1x16xf32>,
            %get3A_426 = vector.shape_cast %get3A_425 : vector<1x16xf32> to vector<16xf32>
            %add3A_427 = arith.addf %add3A_418, %get3A_426 : vector<16xf32>
            %add3A_428 = arith.constant 7 : i32
            %add3A_429 = arith.addi %mul3A_359, %add3A_428 : i32
            %mul3A_430 = arith.constant 16 : i32
            %mul3A_431 = arith.muli %scan3A_368, %mul3A_430 : i32
            %get3A_432 = arith.index_cast %add3A_429 : i32 to index
            %get3A_433 = arith.index_cast %mul3A_431 : i32 to index
            %get3A_434 = tpu.vector_load %arg9[%get3A_432, %get3A_433] {strides = array<i32>} : memref<128x128xf32, #tpu.memory_space<vmem>>, vector<1x16xf32>,
            %get3A_435 = vector.shape_cast %get3A_434 : vector<1x16xf32> to vector<16xf32>
            %add3A_436 = arith.addf %add3A_427, %get3A_435 : vector<16xf32>
            %add3A_437 = arith.constant 8 : i32
            %add3A_438 = arith.addi %mul3A_359, %add3A_437 : i32
            %mul3A_439 = arith.constant 16 : i32
            %mul3A_440 = arith.muli %scan3A_368, %mul3A_439 : i32
            %get3A_441 = arith.index_cast %add3A_438 : i32 to index
            %get3A_442 = arith.index_cast %mul3A_440 : i32 to index
            %get3A_443 = tpu.vector_load %arg9[%get3A_441, %get3A_442] {strides = array<i32>} : memref<128x128xf32, #tpu.memory_space<vmem>>, vector<1x16xf32>,
            %get3A_444 = vector.shape_cast %get3A_443 : vector<1x16xf32> to vector<16xf32>
            %add3A_445 = arith.addf %add3A_436, %get3A_444 : vector<16xf32>
            %add3A_446 = arith.constant 9 : i32
            %add3A_447 = arith.addi %mul3A_359, %add3A_446 : i32
            %mul3A_448 = arith.constant 16 : i32
            %mul3A_449 = arith.muli %scan3A_368, %mul3A_448 : i32
            %get3A_450 = arith.index_cast %add3A_447 : i32 to index
            %get3A_451 = arith.index_cast %mul3A_449 : i32 to index
            %get3A_452 = tpu.vector_load %arg9[%get3A_450, %get3A_451] {strides = array<i32>} : memref<128x128xf32, #tpu.memory_space<vmem>>, vector<1x16xf32>,
            %get3A_453 = vector.shape_cast %get3A_452 : vector<1x16xf32> to vector<16xf32>
            %add3A_454 = arith.addf %add3A_445, %get3A_453 : vector<16xf32>
            %add3A_455 = arith.constant 10 : i32
            %add3A_456 = arith.addi %mul3A_359, %add3A_455 : i32
            %mul3A_457 = arith.constant 16 : i32
            %mul3A_458 = arith.muli %scan3A_368, %mul3A_457 : i32
            %get3A_459 = arith.index_cast %add3A_456 : i32 to index
            %get3A_460 = arith.index_cast %mul3A_458 : i32 to index
            %get3A_461 = tpu.vector_load %arg9[%get3A_459, %get3A_460] {strides = array<i32>} : memref<128x128xf32, #tpu.memory_space<vmem>>, vector<1x16xf32>,
            %get3A_462 = vector.shape_cast %get3A_461 : vector<1x16xf32> to vector<16xf32>
            %add3A_463 = arith.addf %add3A_454, %get3A_462 : vector<16xf32>
            %add3A_464 = arith.constant 11 : i32
            %add3A_465 = arith.addi %mul3A_359, %add3A_464 : i32
            %mul3A_466 = arith.constant 16 : i32
            %mul3A_467 = arith.muli %scan3A_368, %mul3A_466 : i32
            %get3A_468 = arith.index_cast %add3A_465 : i32 to index
            %get3A_469 = arith.index_cast %mul3A_467 : i32 to index
            %get3A_470 = tpu.vector_load %arg9[%get3A_468, %get3A_469] {strides = array<i32>} : memref<128x128xf32, #tpu.memory_space<vmem>>, vector<1x16xf32>,
            %get3A_471 = vector.shape_cast %get3A_470 : vector<1x16xf32> to vector<16xf32>
            %add3A_472 = arith.addf %add3A_463, %get3A_471 : vector<16xf32>
            %add3A_473 = arith.constant 12 : i32
            %add3A_474 = arith.addi %mul3A_359, %add3A_473 : i32
            %mul3A_475 = arith.constant 16 : i32
            %mul3A_476 = arith.muli %scan3A_368, %mul3A_475 : i32
            %get3A_477 = arith.index_cast %add3A_474 : i32 to index
            %get3A_478 = arith.index_cast %mul3A_476 : i32 to index
            %get3A_479 = tpu.vector_load %arg9[%get3A_477, %get3A_478] {strides = array<i32>} : memref<128x128xf32, #tpu.memory_space<vmem>>, vector<1x16xf32>,
            %get3A_480 = vector.shape_cast %get3A_479 : vector<1x16xf32> to vector<16xf32>
            %add3A_481 = arith.addf %add3A_472, %get3A_480 : vector<16xf32>
            %add3A_482 = arith.constant 13 : i32
            %add3A_483 = arith.addi %mul3A_359, %add3A_482 : i32
            %mul3A_484 = arith.constant 16 : i32
            %mul3A_485 = arith.muli %scan3A_368, %mul3A_484 : i32
            %get3A_486 = arith.index_cast %add3A_483 : i32 to index
            %get3A_487 = arith.index_cast %mul3A_485 : i32 to index
            %get3A_488 = tpu.vector_load %arg9[%get3A_486, %get3A_487] {strides = array<i32>} : memref<128x128xf32, #tpu.memory_space<vmem>>, vector<1x16xf32>,
            %get3A_489 = vector.shape_cast %get3A_488 : vector<1x16xf32> to vector<16xf32>
            %add3A_490 = arith.addf %add3A_481, %get3A_489 : vector<16xf32>
            %add3A_491 = arith.constant 14 : i32
            %add3A_492 = arith.addi %mul3A_359, %add3A_491 : i32
            %mul3A_493 = arith.constant 16 : i32
            %mul3A_494 = arith.muli %scan3A_368, %mul3A_493 : i32
            %get3A_495 = arith.index_cast %add3A_492 : i32 to index
            %get3A_496 = arith.index_cast %mul3A_494 : i32 to index
            %get3A_497 = tpu.vector_load %arg9[%get3A_495, %get3A_496] {strides = array<i32>} : memref<128x128xf32, #tpu.memory_space<vmem>>, vector<1x16xf32>,
            %get3A_498 = vector.shape_cast %get3A_497 : vector<1x16xf32> to vector<16xf32>
            %add3A_499 = arith.addf %add3A_490, %get3A_498 : vector<16xf32>
            %add3A_500 = arith.constant 15 : i32
            %add3A_501 = arith.addi %mul3A_359, %add3A_500 : i32
            %mul3A_502 = arith.constant 16 : i32
            %mul3A_503 = arith.muli %scan3A_368, %mul3A_502 : i32
            %get3A_504 = arith.index_cast %add3A_501 : i32 to index
            %get3A_505 = arith.index_cast %mul3A_503 : i32 to index
            %get3A_506 = tpu.vector_load %arg9[%get3A_504, %get3A_505] {strides = array<i32>} : memref<128x128xf32, #tpu.memory_space<vmem>>, vector<1x16xf32>,
            %get3A_507 = vector.shape_cast %get3A_506 : vector<1x16xf32> to vector<16xf32>
            %add3A_508 = arith.addf %add3A_499, %get3A_507 : vector<16xf32>
            %mul3A_509 = arith.constant 16 : i32
            %mul3A_510 = arith.muli %scan3A_368, %mul3A_509 : i32
            %swap3A = arith.index_cast %add3A_362 : i32 to index
            %swap3A_511 = arith.index_cast %mul3A_510 : i32 to index
            %swap3A_512 = tpu.vector_load %arg16[%swap3A, %swap3A_511] {strides = array<i32>} : memref<64x128xf32, #tpu.memory_space<vmem>>, vector<1x16xf32>,
            %swap3A_513 = vector.shape_cast %swap3A_512 : vector<1x16xf32> to vector<16xf32>
            %swap3A_514 = vector.shape_cast %add3A_508 : vector<16xf32> to vector<1x16xf32>
            tpu.vector_store %arg16[%swap3A, %swap3A_511], %swap3A_514 {strides = array<i32>} : memref<64x128xf32, #tpu.memory_space<vmem>>, vector<1x16xf32>,
          }
          %scan3A_367 = arith.constant 8 : i32
        }
        %scan3A_243 = arith.constant 8 : i32
        %mul3A_244 = arith.constant 8 : i32
        %mul3A_245 = arith.muli %add3A_187, %mul3A_244 : i32
        %mul3A_246 = arith.constant 4 : i32
        %mul3A_247 = arith.muli %scan3A_228, %mul3A_246 : i32
        %add3A_248 = arith.addi %mul3A_245, %mul3A_247 : i32
        %add3A_249 = arith.constant 0 : i32
        %add3A_250 = arith.addi %add3A_248, %add3A_249 : i32
        %add3A_251 = arith.constant 4 : i32
        %add3A_252 = arith.addi %add3A_250, %add3A_251 : i32
        %min3A_253 = arith.constant 79 : i32
        %min3A_254 = arith.minsi %add3A_252, %min3A_253 : i32
        %mul3A_255 = arith.constant 128 : i32
        %mul3A_256 = arith.muli %min3A_254, %mul3A_255 : i32
        %dma_start3A_257 = tpu.memref_slice %arg8[%mul3A_256] : memref<10240xi32, #tpu.memory_space<vmem>> -> memref<128xi32, #tpu.memory_space<vmem>>
        %dma_start3A_258 = arith.constant 0 : i32
        %dma_start3A_259 = arith.constant 0 : i32
        %dma_start3A_260 = tpu.memref_slice %arg4[%dma_start3A_258, %dma_start3A_259] : memref<100000x128xf32, #tpu.memory_space<hbm>> -> memref<100000x128xf32, #tpu.memory_space<hbm>>
        tpu.enqueue_indirect_dma source(%dma_start3A_260 : memref<100000x128xf32, #tpu.memory_space<hbm>>) target(%arg9 : memref<128x128xf32, #tpu.memory_space<vmem>>) offsets(%dma_start3A_257 : memref<128xi32, #tpu.memory_space<vmem>>) semaphore(%arg17 : memref<!tpu.dma_semaphore, #tpu.memory_space<semaphore_mem>>)
        %dma_wait3A_261 = arith.constant 0 : i32
        %dma_wait3A_262 = tpu.memref_slice %arg8[%dma_wait3A_261] : memref<10240xi32, #tpu.memory_space<vmem>> -> memref<128xi32, #tpu.memory_space<vmem>>
        %dma_wait3A_263 = arith.constant 0 : i32
        %dma_wait3A_264 = arith.constant 0 : i32
        %dma_wait3A_265 = tpu.memref_slice %arg4[%dma_wait3A_263, %dma_wait3A_264] : memref<100000x128xf32, #tpu.memory_space<hbm>> -> memref<100000x128xf32, #tpu.memory_space<hbm>>
        tpu.wait_indirect_dma semaphore(%arg18 : memref<!tpu.dma_semaphore, #tpu.memory_space<semaphore_mem>>) src(%dma_wait3A_265 : memref<100000x128xf32, #tpu.memory_space<hbm>>) dst(%arg10 : memref<128x128xf32, #tpu.memory_space<vmem>>)
        %mul3A_266 = arith.constant 4 : i32
        %mul3A_267 = arith.muli %scan3A_228, %mul3A_266 : i32
        %add3A_268 = arith.constant 1 : i32
        %add3A_269 = arith.addi %mul3A_267, %add3A_268 : i32
        %scan3A_270 = arith.constant 0 : i32
        %scan3A_271 = arith.constant 0 : i32
        %scan3A_272 = arith.constant 8 : i32
        %scan3A_273 = arith.addi %scan3A_271, %scan3A_272 : i32
        %scan3A_274 = arith.constant 1 : i32
        scf.for %scan3A_357 = %scan3A_271 to %scan3A_273 step %scan3A_274  : i32 {
          %mul3A_358 = arith.constant 16 : i32
          %mul3A_359 = arith.muli %scan3A_357, %mul3A_358 : i32
          %mul3A_360 = arith.constant 8 : i32
          %mul3A_361 = arith.muli %add3A_269, %mul3A_360 : i32
          %add3A_362 = arith.addi %mul3A_361, %scan3A_357 : i32
          %scan3A_363 = arith.constant 0 : i32
          %scan3A_364 = arith.constant 8 : i32
          %scan3A_365 = arith.addi %scan3A_363, %scan3A_364 : i32
          %scan3A_366 = arith.constant 1 : i32
          scf.for %scan3A_368 = %scan3A_363 to %scan3A_365 step %scan3A_366  : i32 {
            %mul3A_369 = arith.constant 16 : i32
            %mul3A_370 = arith.muli %scan3A_368, %mul3A_369 : i32
            %get3A = arith.index_cast %mul3A_359 : i32 to index
            %get3A_371 = arith.index_cast %mul3A_370 : i32 to index
            %get3A_372 = tpu.vector_load %arg10[%get3A, %get3A_371] {strides = array<i32>} : memref<128x128xf32, #tpu.memory_space<vmem>>, vector<1x16xf32>,
            %get3A_373 = vector.shape_cast %get3A_372 : vector<1x16xf32> to vector<16xf32>
            %add3A_374 = arith.constant 1 : i32
            %add3A_375 = arith.addi %mul3A_359, %add3A_374 : i32
            %mul3A_376 = arith.constant 16 : i32
            %mul3A_377 = arith.muli %scan3A_368, %mul3A_376 : i32
            %get3A_378 = arith.index_cast %add3A_375 : i32 to index
            %get3A_379 = arith.index_cast %mul3A_377 : i32 to index
            %get3A_380 = tpu.vector_load %arg10[%get3A_378, %get3A_379] {strides = array<i32>} : memref<128x128xf32, #tpu.memory_space<vmem>>, vector<1x16xf32>,
            %get3A_381 = vector.shape_cast %get3A_380 : vector<1x16xf32> to vector<16xf32>
            %add3A_382 = arith.addf %get3A_373, %get3A_381 : vector<16xf32>
            %add3A_383 = arith.constant 2 : i32
            %add3A_384 = arith.addi %mul3A_359, %add3A_383 : i32
            %mul3A_385 = arith.constant 16 : i32
            %mul3A_386 = arith.muli %scan3A_368, %mul3A_385 : i32
            %get3A_387 = arith.index_cast %add3A_384 : i32 to index
            %get3A_388 = arith.index_cast %mul3A_386 : i32 to index
            %get3A_389 = tpu.vector_load %arg10[%get3A_387, %get3A_388] {strides = array<i32>} : memref<128x128xf32, #tpu.memory_space<vmem>>, vector<1x16xf32>,
            %get3A_390 = vector.shape_cast %get3A_389 : vector<1x16xf32> to vector<16xf32>
            %add3A_391 = arith.addf %add3A_382, %get3A_390 : vector<16xf32>
            %add3A_392 = arith.constant 3 : i32
            %add3A_393 = arith.addi %mul3A_359, %add3A_392 : i32
            %mul3A_394 = arith.constant 16 : i32
            %mul3A_395 = arith.muli %scan3A_368, %mul3A_394 : i32
            %get3A_396 = arith.index_cast %add3A_393 : i32 to index
            %get3A_397 = arith.index_cast %mul3A_395 : i32 to index
            %get3A_398 = tpu.vector_load %arg10[%get3A_396, %get3A_397] {strides = array<i32>} : memref<128x128xf32, #tpu.memory_space<vmem>>, vector<1x16xf32>,
            %get3A_399 = vector.shape_cast %get3A_398 : vector<1x16xf32> to vector<16xf32>
            %add3A_400 = arith.addf %add3A_391, %get3A_399 : vector<16xf32>
            %add3A_401 = arith.constant 4 : i32
            %add3A_402 = arith.addi %mul3A_359, %add3A_401 : i32
            %mul3A_403 = arith.constant 16 : i32
            %mul3A_404 = arith.muli %scan3A_368, %mul3A_403 : i32
            %get3A_405 = arith.index_cast %add3A_402 : i32 to index
            %get3A_406 = arith.index_cast %mul3A_404 : i32 to index
            %get3A_407 = tpu.vector_load %arg10[%get3A_405, %get3A_406] {strides = array<i32>} : memref<128x128xf32, #tpu.memory_space<vmem>>, vector<1x16xf32>,
            %get3A_408 = vector.shape_cast %get3A_407 : vector<1x16xf32> to vector<16xf32>
            %add3A_409 = arith.addf %add3A_400, %get3A_408 : vector<16xf32>
            %add3A_410 = arith.constant 5 : i32
            %add3A_411 = arith.addi %mul3A_359, %add3A_410 : i32
            %mul3A_412 = arith.constant 16 : i32
            %mul3A_413 = arith.muli %scan3A_368, %mul3A_412 : i32
            %get3A_414 = arith.index_cast %add3A_411 : i32 to index
            %get3A_415 = arith.index_cast %mul3A_413 : i32 to index
            %get3A_416 = tpu.vector_load %arg10[%get3A_414, %get3A_415] {strides = array<i32>} : memref<128x128xf32, #tpu.memory_space<vmem>>, vector<1x16xf32>,
            %get3A_417 = vector.shape_cast %get3A_416 : vector<1x16xf32> to vector<16xf32>
            %add3A_418 = arith.addf %add3A_409, %get3A_417 : vector<16xf32>
            %add3A_419 = arith.constant 6 : i32
            %add3A_420 = arith.addi %mul3A_359, %add3A_419 : i32
            %mul3A_421 = arith.constant 16 : i32
            %mul3A_422 = arith.muli %scan3A_368, %mul3A_421 : i32
            %get3A_423 = arith.index_cast %add3A_420 : i32 to index
            %get3A_424 = arith.index_cast %mul3A_422 : i32 to index
            %get3A_425 = tpu.vector_load %arg10[%get3A_423, %get3A_424] {strides = array<i32>} : memref<128x128xf32, #tpu.memory_space<vmem>>, vector<1x16xf32>,
            %get3A_426 = vector.shape_cast %get3A_425 : vector<1x16xf32> to vector<16xf32>
            %add3A_427 = arith.addf %add3A_418, %get3A_426 : vector<16xf32>
            %add3A_428 = arith.constant 7 : i32
            %add3A_429 = arith.addi %mul3A_359, %add3A_428 : i32
            %mul3A_430 = arith.constant 16 : i32
            %mul3A_431 = arith.muli %scan3A_368, %mul3A_430 : i32
            %get3A_432 = arith.index_cast %add3A_429 : i32 to index
            %get3A_433 = arith.index_cast %mul3A_431 : i32 to index
            %get3A_434 = tpu.vector_load %arg10[%get3A_432, %get3A_433] {strides = array<i32>} : memref<128x128xf32, #tpu.memory_space<vmem>>, vector<1x16xf32>,
            %get3A_435 = vector.shape_cast %get3A_434 : vector<1x16xf32> to vector<16xf32>
            %add3A_436 = arith.addf %add3A_427, %get3A_435 : vector<16xf32>
            %add3A_437 = arith.constant 8 : i32
            %add3A_438 = arith.addi %mul3A_359, %add3A_437 : i32
            %mul3A_439 = arith.constant 16 : i32
            %mul3A_440 = arith.muli %scan3A_368, %mul3A_439 : i32
            %get3A_441 = arith.index_cast %add3A_438 : i32 to index
            %get3A_442 = arith.index_cast %mul3A_440 : i32 to index
            %get3A_443 = tpu.vector_load %arg10[%get3A_441, %get3A_442] {strides = array<i32>} : memref<128x128xf32, #tpu.memory_space<vmem>>, vector<1x16xf32>,
            %get3A_444 = vector.shape_cast %get3A_443 : vector<1x16xf32> to vector<16xf32>
            %add3A_445 = arith.addf %add3A_436, %get3A_444 : vector<16xf32>
            %add3A_446 = arith.constant 9 : i32
            %add3A_447 = arith.addi %mul3A_359, %add3A_446 : i32
            %mul3A_448 = arith.constant 16 : i32
            %mul3A_449 = arith.muli %scan3A_368, %mul3A_448 : i32
            %get3A_450 = arith.index_cast %add3A_447 : i32 to index
            %get3A_451 = arith.index_cast %mul3A_449 : i32 to index
            %get3A_452 = tpu.vector_load %arg10[%get3A_450, %get3A_451] {strides = array<i32>} : memref<128x128xf32, #tpu.memory_space<vmem>>, vector<1x16xf32>,
            %get3A_453 = vector.shape_cast %get3A_452 : vector<1x16xf32> to vector<16xf32>
            %add3A_454 = arith.addf %add3A_445, %get3A_453 : vector<16xf32>
            %add3A_455 = arith.constant 10 : i32
            %add3A_456 = arith.addi %mul3A_359, %add3A_455 : i32
            %mul3A_457 = arith.constant 16 : i32
            %mul3A_458 = arith.muli %scan3A_368, %mul3A_457 : i32
            %get3A_459 = arith.index_cast %add3A_456 : i32 to index
            %get3A_460 = arith.index_cast %mul3A_458 : i32 to index
            %get3A_461 = tpu.vector_load %arg10[%get3A_459, %get3A_460] {strides = array<i32>} : memref<128x128xf32, #tpu.memory_space<vmem>>, vector<1x16xf32>,
            %get3A_462 = vector.shape_cast %get3A_461 : vector<1x16xf32> to vector<16xf32>
            %add3A_463 = arith.addf %add3A_454, %get3A_462 : vector<16xf32>
            %add3A_464 = arith.constant 11 : i32
            %add3A_465 = arith.addi %mul3A_359, %add3A_464 : i32
            %mul3A_466 = arith.constant 16 : i32
            %mul3A_467 = arith.muli %scan3A_368, %mul3A_466 : i32
            %get3A_468 = arith.index_cast %add3A_465 : i32 to index
            %get3A_469 = arith.index_cast %mul3A_467 : i32 to index
            %get3A_470 = tpu.vector_load %arg10[%get3A_468, %get3A_469] {strides = array<i32>} : memref<128x128xf32, #tpu.memory_space<vmem>>, vector<1x16xf32>,
            %get3A_471 = vector.shape_cast %get3A_470 : vector<1x16xf32> to vector<16xf32>
            %add3A_472 = arith.addf %add3A_463, %get3A_471 : vector<16xf32>
            %add3A_473 = arith.constant 12 : i32
            %add3A_474 = arith.addi %mul3A_359, %add3A_473 : i32
            %mul3A_475 = arith.constant 16 : i32
            %mul3A_476 = arith.muli %scan3A_368, %mul3A_475 : i32
            %get3A_477 = arith.index_cast %add3A_474 : i32 to index
            %get3A_478 = arith.index_cast %mul3A_476 : i32 to index
            %get3A_479 = tpu.vector_load %arg10[%get3A_477, %get3A_478] {strides = array<i32>} : memref<128x128xf32, #tpu.memory_space<vmem>>, vector<1x16xf32>,
            %get3A_480 = vector.shape_cast %get3A_479 : vector<1x16xf32> to vector<16xf32>
            %add3A_481 = arith.addf %add3A_472, %get3A_480 : vector<16xf32>
            %add3A_482 = arith.constant 13 : i32
            %add3A_483 = arith.addi %mul3A_359, %add3A_482 : i32
            %mul3A_484 = arith.constant 16 : i32
            %mul3A_485 = arith.muli %scan3A_368, %mul3A_484 : i32
            %get3A_486 = arith.index_cast %add3A_483 : i32 to index
            %get3A_487 = arith.index_cast %mul3A_485 : i32 to index
            %get3A_488 = tpu.vector_load %arg10[%get3A_486, %get3A_487] {strides = array<i32>} : memref<128x128xf32, #tpu.memory_space<vmem>>, vector<1x16xf32>,
            %get3A_489 = vector.shape_cast %get3A_488 : vector<1x16xf32> to vector<16xf32>
            %add3A_490 = arith.addf %add3A_481, %get3A_489 : vector<16xf32>
            %add3A_491 = arith.constant 14 : i32
            %add3A_492 = arith.addi %mul3A_359, %add3A_491 : i32
            %mul3A_493 = arith.constant 16 : i32
            %mul3A_494 = arith.muli %scan3A_368, %mul3A_493 : i32
            %get3A_495 = arith.index_cast %add3A_492 : i32 to index
            %get3A_496 = arith.index_cast %mul3A_494 : i32 to index
            %get3A_497 = tpu.vector_load %arg10[%get3A_495, %get3A_496] {strides = array<i32>} : memref<128x128xf32, #tpu.memory_space<vmem>>, vector<1x16xf32>,
            %get3A_498 = vector.shape_cast %get3A_497 : vector<1x16xf32> to vector<16xf32>
            %add3A_499 = arith.addf %add3A_490, %get3A_498 : vector<16xf32>
            %add3A_500 = arith.constant 15 : i32
            %add3A_501 = arith.addi %mul3A_359, %add3A_500 : i32
            %mul3A_502 = arith.constant 16 : i32
            %mul3A_503 = arith.muli %scan3A_368, %mul3A_502 : i32
            %get3A_504 = arith.index_cast %add3A_501 : i32 to index
            %get3A_505 = arith.index_cast %mul3A_503 : i32 to index
            %get3A_506 = tpu.vector_load %arg10[%get3A_504, %get3A_505] {strides = array<i32>} : memref<128x128xf32, #tpu.memory_space<vmem>>, vector<1x16xf32>,
            %get3A_507 = vector.shape_cast %get3A_506 : vector<1x16xf32> to vector<16xf32>
            %add3A_508 = arith.addf %add3A_499, %get3A_507 : vector<16xf32>
            %mul3A_509 = arith.constant 16 : i32
            %mul3A_510 = arith.muli %scan3A_368, %mul3A_509 : i32
            %swap3A = arith.index_cast %add3A_362 : i32 to index
            %swap3A_511 = arith.index_cast %mul3A_510 : i32 to index
            %swap3A_512 = tpu.vector_load %arg16[%swap3A, %swap3A_511] {strides = array<i32>} : memref<64x128xf32, #tpu.memory_space<vmem>>, vector<1x16xf32>,
            %swap3A_513 = vector.shape_cast %swap3A_512 : vector<1x16xf32> to vector<16xf32>
            %swap3A_514 = vector.shape_cast %add3A_508 : vector<16xf32> to vector<1x16xf32>
            tpu.vector_store %arg16[%swap3A, %swap3A_511], %swap3A_514 {strides = array<i32>} : memref<64x128xf32, #tpu.memory_space<vmem>>, vector<1x16xf32>,
          }
          %scan3A_367 = arith.constant 8 : i32
        }
        %scan3A_275 = arith.constant 8 : i32
        %mul3A_276 = arith.constant 8 : i32
        %mul3A_277 = arith.muli %add3A_187, %mul3A_276 : i32
        %mul3A_278 = arith.constant 4 : i32
        %mul3A_279 = arith.muli %scan3A_228, %mul3A_278 : i32
        %add3A_280 = arith.addi %mul3A_277, %mul3A_279 : i32
        %add3A_281 = arith.constant 1 : i32
        %add3A_282 = arith.addi %add3A_280, %add3A_281 : i32
        %add3A_283 = arith.constant 4 : i32
        %add3A_284 = arith.addi %add3A_282, %add3A_283 : i32
        %min3A_285 = arith.constant 79 : i32
        %min3A_286 = arith.minsi %add3A_284, %min3A_285 : i32
        %mul3A_287 = arith.constant 128 : i32
        %mul3A_288 = arith.muli %min3A_286, %mul3A_287 : i32
        %dma_start3A_289 = tpu.memref_slice %arg8[%mul3A_288] : memref<10240xi32, #tpu.memory_space<vmem>> -> memref<128xi32, #tpu.memory_space<vmem>>
        %dma_start3A_290 = arith.constant 0 : i32
        %dma_start3A_291 = arith.constant 0 : i32
        %dma_start3A_292 = tpu.memref_slice %arg4[%dma_start3A_290, %dma_start3A_291] : memref<100000x128xf32, #tpu.memory_space<hbm>> -> memref<100000x128xf32, #tpu.memory_space<hbm>>
        tpu.enqueue_indirect_dma source(%dma_start3A_292 : memref<100000x128xf32, #tpu.memory_space<hbm>>) target(%arg10 : memref<128x128xf32, #tpu.memory_space<vmem>>) offsets(%dma_start3A_289 : memref<128xi32, #tpu.memory_space<vmem>>) semaphore(%arg18 : memref<!tpu.dma_semaphore, #tpu.memory_space<semaphore_mem>>)
        %dma_wait3A_293 = arith.constant 0 : i32
        %dma_wait3A_294 = tpu.memref_slice %arg8[%dma_wait3A_293] : memref<10240xi32, #tpu.memory_space<vmem>> -> memref<128xi32, #tpu.memory_space<vmem>>
        %dma_wait3A_295 = arith.constant 0 : i32
        %dma_wait3A_296 = arith.constant 0 : i32
        %dma_wait3A_297 = tpu.memref_slice %arg4[%dma_wait3A_295, %dma_wait3A_296] : memref<100000x128xf32, #tpu.memory_space<hbm>> -> memref<100000x128xf32, #tpu.memory_space<hbm>>
        tpu.wait_indirect_dma semaphore(%arg19 : memref<!tpu.dma_semaphore, #tpu.memory_space<semaphore_mem>>) src(%dma_wait3A_297 : memref<100000x128xf32, #tpu.memory_space<hbm>>) dst(%arg11 : memref<128x128xf32, #tpu.memory_space<vmem>>)
        %mul3A_298 = arith.constant 4 : i32
        %mul3A_299 = arith.muli %scan3A_228, %mul3A_298 : i32
        %add3A_300 = arith.constant 2 : i32
        %add3A_301 = arith.addi %mul3A_299, %add3A_300 : i32
        %scan3A_302 = arith.constant 0 : i32
        %scan3A_303 = arith.constant 0 : i32
        %scan3A_304 = arith.constant 8 : i32
        %scan3A_305 = arith.addi %scan3A_303, %scan3A_304 : i32
        %scan3A_306 = arith.constant 1 : i32
        scf.for %scan3A_357 = %scan3A_303 to %scan3A_305 step %scan3A_306  : i32 {
          %mul3A_358 = arith.constant 16 : i32
          %mul3A_359 = arith.muli %scan3A_357, %mul3A_358 : i32
          %mul3A_360 = arith.constant 8 : i32
          %mul3A_361 = arith.muli %add3A_301, %mul3A_360 : i32
          %add3A_362 = arith.addi %mul3A_361, %scan3A_357 : i32
          %scan3A_363 = arith.constant 0 : i32
          %scan3A_364 = arith.constant 8 : i32
          %scan3A_365 = arith.addi %scan3A_363, %scan3A_364 : i32
          %scan3A_366 = arith.constant 1 : i32
          scf.for %scan3A_368 = %scan3A_363 to %scan3A_365 step %scan3A_366  : i32 {
            %mul3A_369 = arith.constant 16 : i32
            %mul3A_370 = arith.muli %scan3A_368, %mul3A_369 : i32
            %get3A = arith.index_cast %mul3A_359 : i32 to index
            %get3A_371 = arith.index_cast %mul3A_370 : i32 to index
            %get3A_372 = tpu.vector_load %arg11[%get3A, %get3A_371] {strides = array<i32>} : memref<128x128xf32, #tpu.memory_space<vmem>>, vector<1x16xf32>,
            %get3A_373 = vector.shape_cast %get3A_372 : vector<1x16xf32> to vector<16xf32>
            %add3A_374 = arith.constant 1 : i32
            %add3A_375 = arith.addi %mul3A_359, %add3A_374 : i32
            %mul3A_376 = arith.constant 16 : i32
            %mul3A_377 = arith.muli %scan3A_368, %mul3A_376 : i32
            %get3A_378 = arith.index_cast %add3A_375 : i32 to index
            %get3A_379 = arith.index_cast %mul3A_377 : i32 to index
            %get3A_380 = tpu.vector_load %arg11[%get3A_378, %get3A_379] {strides = array<i32>} : memref<128x128xf32, #tpu.memory_space<vmem>>, vector<1x16xf32>,
            %get3A_381 = vector.shape_cast %get3A_380 : vector<1x16xf32> to vector<16xf32>
            %add3A_382 = arith.addf %get3A_373, %get3A_381 : vector<16xf32>
            %add3A_383 = arith.constant 2 : i32
            %add3A_384 = arith.addi %mul3A_359, %add3A_383 : i32
            %mul3A_385 = arith.constant 16 : i32
            %mul3A_386 = arith.muli %scan3A_368, %mul3A_385 : i32
            %get3A_387 = arith.index_cast %add3A_384 : i32 to index
            %get3A_388 = arith.index_cast %mul3A_386 : i32 to index
            %get3A_389 = tpu.vector_load %arg11[%get3A_387, %get3A_388] {strides = array<i32>} : memref<128x128xf32, #tpu.memory_space<vmem>>, vector<1x16xf32>,
            %get3A_390 = vector.shape_cast %get3A_389 : vector<1x16xf32> to vector<16xf32>
            %add3A_391 = arith.addf %add3A_382, %get3A_390 : vector<16xf32>
            %add3A_392 = arith.constant 3 : i32
            %add3A_393 = arith.addi %mul3A_359, %add3A_392 : i32
            %mul3A_394 = arith.constant 16 : i32
            %mul3A_395 = arith.muli %scan3A_368, %mul3A_394 : i32
            %get3A_396 = arith.index_cast %add3A_393 : i32 to index
            %get3A_397 = arith.index_cast %mul3A_395 : i32 to index
            %get3A_398 = tpu.vector_load %arg11[%get3A_396, %get3A_397] {strides = array<i32>} : memref<128x128xf32, #tpu.memory_space<vmem>>, vector<1x16xf32>,
            %get3A_399 = vector.shape_cast %get3A_398 : vector<1x16xf32> to vector<16xf32>
            %add3A_400 = arith.addf %add3A_391, %get3A_399 : vector<16xf32>
            %add3A_401 = arith.constant 4 : i32
            %add3A_402 = arith.addi %mul3A_359, %add3A_401 : i32
            %mul3A_403 = arith.constant 16 : i32
            %mul3A_404 = arith.muli %scan3A_368, %mul3A_403 : i32
            %get3A_405 = arith.index_cast %add3A_402 : i32 to index
            %get3A_406 = arith.index_cast %mul3A_404 : i32 to index
            %get3A_407 = tpu.vector_load %arg11[%get3A_405, %get3A_406] {strides = array<i32>} : memref<128x128xf32, #tpu.memory_space<vmem>>, vector<1x16xf32>,
            %get3A_408 = vector.shape_cast %get3A_407 : vector<1x16xf32> to vector<16xf32>
            %add3A_409 = arith.addf %add3A_400, %get3A_408 : vector<16xf32>
            %add3A_410 = arith.constant 5 : i32
            %add3A_411 = arith.addi %mul3A_359, %add3A_410 : i32
            %mul3A_412 = arith.constant 16 : i32
            %mul3A_413 = arith.muli %scan3A_368, %mul3A_412 : i32
            %get3A_414 = arith.index_cast %add3A_411 : i32 to index
            %get3A_415 = arith.index_cast %mul3A_413 : i32 to index
            %get3A_416 = tpu.vector_load %arg11[%get3A_414, %get3A_415] {strides = array<i32>} : memref<128x128xf32, #tpu.memory_space<vmem>>, vector<1x16xf32>,
            %get3A_417 = vector.shape_cast %get3A_416 : vector<1x16xf32> to vector<16xf32>
            %add3A_418 = arith.addf %add3A_409, %get3A_417 : vector<16xf32>
            %add3A_419 = arith.constant 6 : i32
            %add3A_420 = arith.addi %mul3A_359, %add3A_419 : i32
            %mul3A_421 = arith.constant 16 : i32
            %mul3A_422 = arith.muli %scan3A_368, %mul3A_421 : i32
            %get3A_423 = arith.index_cast %add3A_420 : i32 to index
            %get3A_424 = arith.index_cast %mul3A_422 : i32 to index
            %get3A_425 = tpu.vector_load %arg11[%get3A_423, %get3A_424] {strides = array<i32>} : memref<128x128xf32, #tpu.memory_space<vmem>>, vector<1x16xf32>,
            %get3A_426 = vector.shape_cast %get3A_425 : vector<1x16xf32> to vector<16xf32>
            %add3A_427 = arith.addf %add3A_418, %get3A_426 : vector<16xf32>
            %add3A_428 = arith.constant 7 : i32
            %add3A_429 = arith.addi %mul3A_359, %add3A_428 : i32
            %mul3A_430 = arith.constant 16 : i32
            %mul3A_431 = arith.muli %scan3A_368, %mul3A_430 : i32
            %get3A_432 = arith.index_cast %add3A_429 : i32 to index
            %get3A_433 = arith.index_cast %mul3A_431 : i32 to index
            %get3A_434 = tpu.vector_load %arg11[%get3A_432, %get3A_433] {strides = array<i32>} : memref<128x128xf32, #tpu.memory_space<vmem>>, vector<1x16xf32>,
            %get3A_435 = vector.shape_cast %get3A_434 : vector<1x16xf32> to vector<16xf32>
            %add3A_436 = arith.addf %add3A_427, %get3A_435 : vector<16xf32>
            %add3A_437 = arith.constant 8 : i32
            %add3A_438 = arith.addi %mul3A_359, %add3A_437 : i32
            %mul3A_439 = arith.constant 16 : i32
            %mul3A_440 = arith.muli %scan3A_368, %mul3A_439 : i32
            %get3A_441 = arith.index_cast %add3A_438 : i32 to index
            %get3A_442 = arith.index_cast %mul3A_440 : i32 to index
            %get3A_443 = tpu.vector_load %arg11[%get3A_441, %get3A_442] {strides = array<i32>} : memref<128x128xf32, #tpu.memory_space<vmem>>, vector<1x16xf32>,
            %get3A_444 = vector.shape_cast %get3A_443 : vector<1x16xf32> to vector<16xf32>
            %add3A_445 = arith.addf %add3A_436, %get3A_444 : vector<16xf32>
            %add3A_446 = arith.constant 9 : i32
            %add3A_447 = arith.addi %mul3A_359, %add3A_446 : i32
            %mul3A_448 = arith.constant 16 : i32
            %mul3A_449 = arith.muli %scan3A_368, %mul3A_448 : i32
            %get3A_450 = arith.index_cast %add3A_447 : i32 to index
            %get3A_451 = arith.index_cast %mul3A_449 : i32 to index
            %get3A_452 = tpu.vector_load %arg11[%get3A_450, %get3A_451] {strides = array<i32>} : memref<128x128xf32, #tpu.memory_space<vmem>>, vector<1x16xf32>,
            %get3A_453 = vector.shape_cast %get3A_452 : vector<1x16xf32> to vector<16xf32>
            %add3A_454 = arith.addf %add3A_445, %get3A_453 : vector<16xf32>
            %add3A_455 = arith.constant 10 : i32
            %add3A_456 = arith.addi %mul3A_359, %add3A_455 : i32
            %mul3A_457 = arith.constant 16 : i32
            %mul3A_458 = arith.muli %scan3A_368, %mul3A_457 : i32
            %get3A_459 = arith.index_cast %add3A_456 : i32 to index
            %get3A_460 = arith.index_cast %mul3A_458 : i32 to index
            %get3A_461 = tpu.vector_load %arg11[%get3A_459, %get3A_460] {strides = array<i32>} : memref<128x128xf32, #tpu.memory_space<vmem>>, vector<1x16xf32>,
            %get3A_462 = vector.shape_cast %get3A_461 : vector<1x16xf32> to vector<16xf32>
            %add3A_463 = arith.addf %add3A_454, %get3A_462 : vector<16xf32>
            %add3A_464 = arith.constant 11 : i32
            %add3A_465 = arith.addi %mul3A_359, %add3A_464 : i32
            %mul3A_466 = arith.constant 16 : i32
            %mul3A_467 = arith.muli %scan3A_368, %mul3A_466 : i32
            %get3A_468 = arith.index_cast %add3A_465 : i32 to index
            %get3A_469 = arith.index_cast %mul3A_467 : i32 to index
            %get3A_470 = tpu.vector_load %arg11[%get3A_468, %get3A_469] {strides = array<i32>} : memref<128x128xf32, #tpu.memory_space<vmem>>, vector<1x16xf32>,
            %get3A_471 = vector.shape_cast %get3A_470 : vector<1x16xf32> to vector<16xf32>
            %add3A_472 = arith.addf %add3A_463, %get3A_471 : vector<16xf32>
            %add3A_473 = arith.constant 12 : i32
            %add3A_474 = arith.addi %mul3A_359, %add3A_473 : i32
            %mul3A_475 = arith.constant 16 : i32
            %mul3A_476 = arith.muli %scan3A_368, %mul3A_475 : i32
            %get3A_477 = arith.index_cast %add3A_474 : i32 to index
            %get3A_478 = arith.index_cast %mul3A_476 : i32 to index
            %get3A_479 = tpu.vector_load %arg11[%get3A_477, %get3A_478] {strides = array<i32>} : memref<128x128xf32, #tpu.memory_space<vmem>>, vector<1x16xf32>,
            %get3A_480 = vector.shape_cast %get3A_479 : vector<1x16xf32> to vector<16xf32>
            %add3A_481 = arith.addf %add3A_472, %get3A_480 : vector<16xf32>
            %add3A_482 = arith.constant 13 : i32
            %add3A_483 = arith.addi %mul3A_359, %add3A_482 : i32
            %mul3A_484 = arith.constant 16 : i32
            %mul3A_485 = arith.muli %scan3A_368, %mul3A_484 : i32
            %get3A_486 = arith.index_cast %add3A_483 : i32 to index
            %get3A_487 = arith.index_cast %mul3A_485 : i32 to index
            %get3A_488 = tpu.vector_load %arg11[%get3A_486, %get3A_487] {strides = array<i32>} : memref<128x128xf32, #tpu.memory_space<vmem>>, vector<1x16xf32>,
            %get3A_489 = vector.shape_cast %get3A_488 : vector<1x16xf32> to vector<16xf32>
            %add3A_490 = arith.addf %add3A_481, %get3A_489 : vector<16xf32>
            %add3A_491 = arith.constant 14 : i32
            %add3A_492 = arith.addi %mul3A_359, %add3A_491 : i32
            %mul3A_493 = arith.constant 16 : i32
            %mul3A_494 = arith.muli %scan3A_368, %mul3A_493 : i32
            %get3A_495 = arith.index_cast %add3A_492 : i32 to index
            %get3A_496 = arith.index_cast %mul3A_494 : i32 to index
            %get3A_497 = tpu.vector_load %arg11[%get3A_495, %get3A_496] {strides = array<i32>} : memref<128x128xf32, #tpu.memory_space<vmem>>, vector<1x16xf32>,
            %get3A_498 = vector.shape_cast %get3A_497 : vector<1x16xf32> to vector<16xf32>
            %add3A_499 = arith.addf %add3A_490, %get3A_498 : vector<16xf32>
            %add3A_500 = arith.constant 15 : i32
            %add3A_501 = arith.addi %mul3A_359, %add3A_500 : i32
            %mul3A_502 = arith.constant 16 : i32
            %mul3A_503 = arith.muli %scan3A_368, %mul3A_502 : i32
            %get3A_504 = arith.index_cast %add3A_501 : i32 to index
            %get3A_505 = arith.index_cast %mul3A_503 : i32 to index
            %get3A_506 = tpu.vector_load %arg11[%get3A_504, %get3A_505] {strides = array<i32>} : memref<128x128xf32, #tpu.memory_space<vmem>>, vector<1x16xf32>,
            %get3A_507 = vector.shape_cast %get3A_506 : vector<1x16xf32> to vector<16xf32>
            %add3A_508 = arith.addf %add3A_499, %get3A_507 : vector<16xf32>
            %mul3A_509 = arith.constant 16 : i32
            %mul3A_510 = arith.muli %scan3A_368, %mul3A_509 : i32
            %swap3A = arith.index_cast %add3A_362 : i32 to index
            %swap3A_511 = arith.index_cast %mul3A_510 : i32 to index
            %swap3A_512 = tpu.vector_load %arg16[%swap3A, %swap3A_511] {strides = array<i32>} : memref<64x128xf32, #tpu.memory_space<vmem>>, vector<1x16xf32>,
            %swap3A_513 = vector.shape_cast %swap3A_512 : vector<1x16xf32> to vector<16xf32>
            %swap3A_514 = vector.shape_cast %add3A_508 : vector<16xf32> to vector<1x16xf32>
            tpu.vector_store %arg16[%swap3A, %swap3A_511], %swap3A_514 {strides = array<i32>} : memref<64x128xf32, #tpu.memory_space<vmem>>, vector<1x16xf32>,
          }
          %scan3A_367 = arith.constant 8 : i32
        }
        %scan3A_307 = arith.constant 8 : i32
        %mul3A_308 = arith.constant 8 : i32
        %mul3A_309 = arith.muli %add3A_187, %mul3A_308 : i32
        %mul3A_310 = arith.constant 4 : i32
        %mul3A_311 = arith.muli %scan3A_228, %mul3A_310 : i32
        %add3A_312 = arith.addi %mul3A_309, %mul3A_311 : i32
        %add3A_313 = arith.constant 2 : i32
        %add3A_314 = arith.addi %add3A_312, %add3A_313 : i32
        %add3A_315 = arith.constant 4 : i32
        %add3A_316 = arith.addi %add3A_314, %add3A_315 : i32
        %min3A_317 = arith.constant 79 : i32
        %min3A_318 = arith.minsi %add3A_316, %min3A_317 : i32
        %mul3A_319 = arith.constant 128 : i32
        %mul3A_320 = arith.muli %min3A_318, %mul3A_319 : i32
        %dma_start3A_321 = tpu.memref_slice %arg8[%mul3A_320] : memref<10240xi32, #tpu.memory_space<vmem>> -> memref<128xi32, #tpu.memory_space<vmem>>
        %dma_start3A_322 = arith.constant 0 : i32
        %dma_start3A_323 = arith.constant 0 : i32
        %dma_start3A_324 = tpu.memref_slice %arg4[%dma_start3A_322, %dma_start3A_323] : memref<100000x128xf32, #tpu.memory_space<hbm>> -> memref<100000x128xf32, #tpu.memory_space<hbm>>
        tpu.enqueue_indirect_dma source(%dma_start3A_324 : memref<100000x128xf32, #tpu.memory_space<hbm>>) target(%arg11 : memref<128x128xf32, #tpu.memory_space<vmem>>) offsets(%dma_start3A_321 : memref<128xi32, #tpu.memory_space<vmem>>) semaphore(%arg19 : memref<!tpu.dma_semaphore, #tpu.memory_space<semaphore_mem>>)
        %dma_wait3A_325 = arith.constant 0 : i32
        %dma_wait3A_326 = tpu.memref_slice %arg8[%dma_wait3A_325] : memref<10240xi32, #tpu.memory_space<vmem>> -> memref<128xi32, #tpu.memory_space<vmem>>
        %dma_wait3A_327 = arith.constant 0 : i32
        %dma_wait3A_328 = arith.constant 0 : i32
        %dma_wait3A_329 = tpu.memref_slice %arg4[%dma_wait3A_327, %dma_wait3A_328] : memref<100000x128xf32, #tpu.memory_space<hbm>> -> memref<100000x128xf32, #tpu.memory_space<hbm>>
        tpu.wait_indirect_dma semaphore(%arg20 : memref<!tpu.dma_semaphore, #tpu.memory_space<semaphore_mem>>) src(%dma_wait3A_329 : memref<100000x128xf32, #tpu.memory_space<hbm>>) dst(%arg12 : memref<128x128xf32, #tpu.memory_space<vmem>>)
        %mul3A_330 = arith.constant 4 : i32
        %mul3A_331 = arith.muli %scan3A_228, %mul3A_330 : i32
        %add3A_332 = arith.constant 3 : i32
        %add3A_333 = arith.addi %mul3A_331, %add3A_332 : i32
        %scan3A_334 = arith.constant 0 : i32
        %scan3A_335 = arith.constant 0 : i32
        %scan3A_336 = arith.constant 8 : i32
        %scan3A_337 = arith.addi %scan3A_335, %scan3A_336 : i32
        %scan3A_338 = arith.constant 1 : i32
        scf.for %scan3A_357 = %scan3A_335 to %scan3A_337 step %scan3A_338  : i32 {
          %mul3A_358 = arith.constant 16 : i32
          %mul3A_359 = arith.muli %scan3A_357, %mul3A_358 : i32
          %mul3A_360 = arith.constant 8 : i32
          %mul3A_361 = arith.muli %add3A_333, %mul3A_360 : i32
          %add3A_362 = arith.addi %mul3A_361, %scan3A_357 : i32
          %scan3A_363 = arith.constant 0 : i32
          %scan3A_364 = arith.constant 8 : i32
          %scan3A_365 = arith.addi %scan3A_363, %scan3A_364 : i32
          %scan3A_366 = arith.constant 1 : i32
          scf.for %scan3A_368 = %scan3A_363 to %scan3A_365 step %scan3A_366  : i32 {
            %mul3A_369 = arith.constant 16 : i32
            %mul3A_370 = arith.muli %scan3A_368, %mul3A_369 : i32
            %get3A = arith.index_cast %mul3A_359 : i32 to index
            %get3A_371 = arith.index_cast %mul3A_370 : i32 to index
            %get3A_372 = tpu.vector_load %arg12[%get3A, %get3A_371] {strides = array<i32>} : memref<128x128xf32, #tpu.memory_space<vmem>>, vector<1x16xf32>,
            %get3A_373 = vector.shape_cast %get3A_372 : vector<1x16xf32> to vector<16xf32>
            %add3A_374 = arith.constant 1 : i32
            %add3A_375 = arith.addi %mul3A_359, %add3A_374 : i32
            %mul3A_376 = arith.constant 16 : i32
            %mul3A_377 = arith.muli %scan3A_368, %mul3A_376 : i32
            %get3A_378 = arith.index_cast %add3A_375 : i32 to index
            %get3A_379 = arith.index_cast %mul3A_377 : i32 to index
            %get3A_380 = tpu.vector_load %arg12[%get3A_378, %get3A_379] {strides = array<i32>} : memref<128x128xf32, #tpu.memory_space<vmem>>, vector<1x16xf32>,
            %get3A_381 = vector.shape_cast %get3A_380 : vector<1x16xf32> to vector<16xf32>
            %add3A_382 = arith.addf %get3A_373, %get3A_381 : vector<16xf32>
            %add3A_383 = arith.constant 2 : i32
            %add3A_384 = arith.addi %mul3A_359, %add3A_383 : i32
            %mul3A_385 = arith.constant 16 : i32
            %mul3A_386 = arith.muli %scan3A_368, %mul3A_385 : i32
            %get3A_387 = arith.index_cast %add3A_384 : i32 to index
            %get3A_388 = arith.index_cast %mul3A_386 : i32 to index
            %get3A_389 = tpu.vector_load %arg12[%get3A_387, %get3A_388] {strides = array<i32>} : memref<128x128xf32, #tpu.memory_space<vmem>>, vector<1x16xf32>,
            %get3A_390 = vector.shape_cast %get3A_389 : vector<1x16xf32> to vector<16xf32>
            %add3A_391 = arith.addf %add3A_382, %get3A_390 : vector<16xf32>
            %add3A_392 = arith.constant 3 : i32
            %add3A_393 = arith.addi %mul3A_359, %add3A_392 : i32
            %mul3A_394 = arith.constant 16 : i32
            %mul3A_395 = arith.muli %scan3A_368, %mul3A_394 : i32
            %get3A_396 = arith.index_cast %add3A_393 : i32 to index
            %get3A_397 = arith.index_cast %mul3A_395 : i32 to index
            %get3A_398 = tpu.vector_load %arg12[%get3A_396, %get3A_397] {strides = array<i32>} : memref<128x128xf32, #tpu.memory_space<vmem>>, vector<1x16xf32>,
            %get3A_399 = vector.shape_cast %get3A_398 : vector<1x16xf32> to vector<16xf32>
            %add3A_400 = arith.addf %add3A_391, %get3A_399 : vector<16xf32>
            %add3A_401 = arith.constant 4 : i32
            %add3A_402 = arith.addi %mul3A_359, %add3A_401 : i32
            %mul3A_403 = arith.constant 16 : i32
            %mul3A_404 = arith.muli %scan3A_368, %mul3A_403 : i32
            %get3A_405 = arith.index_cast %add3A_402 : i32 to index
            %get3A_406 = arith.index_cast %mul3A_404 : i32 to index
            %get3A_407 = tpu.vector_load %arg12[%get3A_405, %get3A_406] {strides = array<i32>} : memref<128x128xf32, #tpu.memory_space<vmem>>, vector<1x16xf32>,
            %get3A_408 = vector.shape_cast %get3A_407 : vector<1x16xf32> to vector<16xf32>
            %add3A_409 = arith.addf %add3A_400, %get3A_408 : vector<16xf32>
            %add3A_410 = arith.constant 5 : i32
            %add3A_411 = arith.addi %mul3A_359, %add3A_410 : i32
            %mul3A_412 = arith.constant 16 : i32
            %mul3A_413 = arith.muli %scan3A_368, %mul3A_412 : i32
            %get3A_414 = arith.index_cast %add3A_411 : i32 to index
            %get3A_415 = arith.index_cast %mul3A_413 : i32 to index
            %get3A_416 = tpu.vector_load %arg12[%get3A_414, %get3A_415] {strides = array<i32>} : memref<128x128xf32, #tpu.memory_space<vmem>>, vector<1x16xf32>,
            %get3A_417 = vector.shape_cast %get3A_416 : vector<1x16xf32> to vector<16xf32>
            %add3A_418 = arith.addf %add3A_409, %get3A_417 : vector<16xf32>
            %add3A_419 = arith.constant 6 : i32
            %add3A_420 = arith.addi %mul3A_359, %add3A_419 : i32
            %mul3A_421 = arith.constant 16 : i32
            %mul3A_422 = arith.muli %scan3A_368, %mul3A_421 : i32
            %get3A_423 = arith.index_cast %add3A_420 : i32 to index
            %get3A_424 = arith.index_cast %mul3A_422 : i32 to index
            %get3A_425 = tpu.vector_load %arg12[%get3A_423, %get3A_424] {strides = array<i32>} : memref<128x128xf32, #tpu.memory_space<vmem>>, vector<1x16xf32>,
            %get3A_426 = vector.shape_cast %get3A_425 : vector<1x16xf32> to vector<16xf32>
            %add3A_427 = arith.addf %add3A_418, %get3A_426 : vector<16xf32>
            %add3A_428 = arith.constant 7 : i32
            %add3A_429 = arith.addi %mul3A_359, %add3A_428 : i32
            %mul3A_430 = arith.constant 16 : i32
            %mul3A_431 = arith.muli %scan3A_368, %mul3A_430 : i32
            %get3A_432 = arith.index_cast %add3A_429 : i32 to index
            %get3A_433 = arith.index_cast %mul3A_431 : i32 to index
            %get3A_434 = tpu.vector_load %arg12[%get3A_432, %get3A_433] {strides = array<i32>} : memref<128x128xf32, #tpu.memory_space<vmem>>, vector<1x16xf32>,
            %get3A_435 = vector.shape_cast %get3A_434 : vector<1x16xf32> to vector<16xf32>
            %add3A_436 = arith.addf %add3A_427, %get3A_435 : vector<16xf32>
            %add3A_437 = arith.constant 8 : i32
            %add3A_438 = arith.addi %mul3A_359, %add3A_437 : i32
            %mul3A_439 = arith.constant 16 : i32
            %mul3A_440 = arith.muli %scan3A_368, %mul3A_439 : i32
            %get3A_441 = arith.index_cast %add3A_438 : i32 to index
            %get3A_442 = arith.index_cast %mul3A_440 : i32 to index
            %get3A_443 = tpu.vector_load %arg12[%get3A_441, %get3A_442] {strides = array<i32>} : memref<128x128xf32, #tpu.memory_space<vmem>>, vector<1x16xf32>,
            %get3A_444 = vector.shape_cast %get3A_443 : vector<1x16xf32> to vector<16xf32>
            %add3A_445 = arith.addf %add3A_436, %get3A_444 : vector<16xf32>
            %add3A_446 = arith.constant 9 : i32
            %add3A_447 = arith.addi %mul3A_359, %add3A_446 : i32
            %mul3A_448 = arith.constant 16 : i32
            %mul3A_449 = arith.muli %scan3A_368, %mul3A_448 : i32
            %get3A_450 = arith.index_cast %add3A_447 : i32 to index
            %get3A_451 = arith.index_cast %mul3A_449 : i32 to index
            %get3A_452 = tpu.vector_load %arg12[%get3A_450, %get3A_451] {strides = array<i32>} : memref<128x128xf32, #tpu.memory_space<vmem>>, vector<1x16xf32>,
            %get3A_453 = vector.shape_cast %get3A_452 : vector<1x16xf32> to vector<16xf32>
            %add3A_454 = arith.addf %add3A_445, %get3A_453 : vector<16xf32>
            %add3A_455 = arith.constant 10 : i32
            %add3A_456 = arith.addi %mul3A_359, %add3A_455 : i32
            %mul3A_457 = arith.constant 16 : i32
            %mul3A_458 = arith.muli %scan3A_368, %mul3A_457 : i32
            %get3A_459 = arith.index_cast %add3A_456 : i32 to index
            %get3A_460 = arith.index_cast %mul3A_458 : i32 to index
            %get3A_461 = tpu.vector_load %arg12[%get3A_459, %get3A_460] {strides = array<i32>} : memref<128x128xf32, #tpu.memory_space<vmem>>, vector<1x16xf32>,
            %get3A_462 = vector.shape_cast %get3A_461 : vector<1x16xf32> to vector<16xf32>
            %add3A_463 = arith.addf %add3A_454, %get3A_462 : vector<16xf32>
            %add3A_464 = arith.constant 11 : i32
            %add3A_465 = arith.addi %mul3A_359, %add3A_464 : i32
            %mul3A_466 = arith.constant 16 : i32
            %mul3A_467 = arith.muli %scan3A_368, %mul3A_466 : i32
            %get3A_468 = arith.index_cast %add3A_465 : i32 to index
            %get3A_469 = arith.index_cast %mul3A_467 : i32 to index
            %get3A_470 = tpu.vector_load %arg12[%get3A_468, %get3A_469] {strides = array<i32>} : memref<128x128xf32, #tpu.memory_space<vmem>>, vector<1x16xf32>,
            %get3A_471 = vector.shape_cast %get3A_470 : vector<1x16xf32> to vector<16xf32>
            %add3A_472 = arith.addf %add3A_463, %get3A_471 : vector<16xf32>
            %add3A_473 = arith.constant 12 : i32
            %add3A_474 = arith.addi %mul3A_359, %add3A_473 : i32
            %mul3A_475 = arith.constant 16 : i32
            %mul3A_476 = arith.muli %scan3A_368, %mul3A_475 : i32
            %get3A_477 = arith.index_cast %add3A_474 : i32 to index
            %get3A_478 = arith.index_cast %mul3A_476 : i32 to index
            %get3A_479 = tpu.vector_load %arg12[%get3A_477, %get3A_478] {strides = array<i32>} : memref<128x128xf32, #tpu.memory_space<vmem>>, vector<1x16xf32>,
            %get3A_480 = vector.shape_cast %get3A_479 : vector<1x16xf32> to vector<16xf32>
            %add3A_481 = arith.addf %add3A_472, %get3A_480 : vector<16xf32>
            %add3A_482 = arith.constant 13 : i32
            %add3A_483 = arith.addi %mul3A_359, %add3A_482 : i32
            %mul3A_484 = arith.constant 16 : i32
            %mul3A_485 = arith.muli %scan3A_368, %mul3A_484 : i32
            %get3A_486 = arith.index_cast %add3A_483 : i32 to index
            %get3A_487 = arith.index_cast %mul3A_485 : i32 to index
            %get3A_488 = tpu.vector_load %arg12[%get3A_486, %get3A_487] {strides = array<i32>} : memref<128x128xf32, #tpu.memory_space<vmem>>, vector<1x16xf32>,
            %get3A_489 = vector.shape_cast %get3A_488 : vector<1x16xf32> to vector<16xf32>
            %add3A_490 = arith.addf %add3A_481, %get3A_489 : vector<16xf32>
            %add3A_491 = arith.constant 14 : i32
            %add3A_492 = arith.addi %mul3A_359, %add3A_491 : i32
            %mul3A_493 = arith.constant 16 : i32
            %mul3A_494 = arith.muli %scan3A_368, %mul3A_493 : i32
            %get3A_495 = arith.index_cast %add3A_492 : i32 to index
            %get3A_496 = arith.index_cast %mul3A_494 : i32 to index
            %get3A_497 = tpu.vector_load %arg12[%get3A_495, %get3A_496] {strides = array<i32>} : memref<128x128xf32, #tpu.memory_space<vmem>>, vector<1x16xf32>,
            %get3A_498 = vector.shape_cast %get3A_497 : vector<1x16xf32> to vector<16xf32>
            %add3A_499 = arith.addf %add3A_490, %get3A_498 : vector<16xf32>
            %add3A_500 = arith.constant 15 : i32
            %add3A_501 = arith.addi %mul3A_359, %add3A_500 : i32
            %mul3A_502 = arith.constant 16 : i32
            %mul3A_503 = arith.muli %scan3A_368, %mul3A_502 : i32
            %get3A_504 = arith.index_cast %add3A_501 : i32 to index
            %get3A_505 = arith.index_cast %mul3A_503 : i32 to index
            %get3A_506 = tpu.vector_load %arg12[%get3A_504, %get3A_505] {strides = array<i32>} : memref<128x128xf32, #tpu.memory_space<vmem>>, vector<1x16xf32>,
            %get3A_507 = vector.shape_cast %get3A_506 : vector<1x16xf32> to vector<16xf32>
            %add3A_508 = arith.addf %add3A_499, %get3A_507 : vector<16xf32>
            %mul3A_509 = arith.constant 16 : i32
            %mul3A_510 = arith.muli %scan3A_368, %mul3A_509 : i32
            %swap3A = arith.index_cast %add3A_362 : i32 to index
            %swap3A_511 = arith.index_cast %mul3A_510 : i32 to index
            %swap3A_512 = tpu.vector_load %arg16[%swap3A, %swap3A_511] {strides = array<i32>} : memref<64x128xf32, #tpu.memory_space<vmem>>, vector<1x16xf32>,
            %swap3A_513 = vector.shape_cast %swap3A_512 : vector<1x16xf32> to vector<16xf32>
            %swap3A_514 = vector.shape_cast %add3A_508 : vector<16xf32> to vector<1x16xf32>
            tpu.vector_store %arg16[%swap3A, %swap3A_511], %swap3A_514 {strides = array<i32>} : memref<64x128xf32, #tpu.memory_space<vmem>>, vector<1x16xf32>,
          }
          %scan3A_367 = arith.constant 8 : i32
        }
        %scan3A_339 = arith.constant 8 : i32
        %mul3A_340 = arith.constant 8 : i32
        %mul3A_341 = arith.muli %add3A_187, %mul3A_340 : i32
        %mul3A_342 = arith.constant 4 : i32
        %mul3A_343 = arith.muli %scan3A_228, %mul3A_342 : i32
        %add3A_344 = arith.addi %mul3A_341, %mul3A_343 : i32
        %add3A_345 = arith.constant 3 : i32
        %add3A_346 = arith.addi %add3A_344, %add3A_345 : i32
        %add3A_347 = arith.constant 4 : i32
        %add3A_348 = arith.addi %add3A_346, %add3A_347 : i32
        %min3A_349 = arith.constant 79 : i32
        %min3A_350 = arith.minsi %add3A_348, %min3A_349 : i32
        %mul3A_351 = arith.constant 128 : i32
        %mul3A_352 = arith.muli %min3A_350, %mul3A_351 : i32
        %dma_start3A_353 = tpu.memref_slice %arg8[%mul3A_352] : memref<10240xi32, #tpu.memory_space<vmem>> -> memref<128xi32, #tpu.memory_space<vmem>>
        %dma_start3A_354 = arith.constant 0 : i32
        %dma_start3A_355 = arith.constant 0 : i32
        %dma_start3A_356 = tpu.memref_slice %arg4[%dma_start3A_354, %dma_start3A_355] : memref<100000x128xf32, #tpu.memory_space<hbm>> -> memref<100000x128xf32, #tpu.memory_space<hbm>>
        tpu.enqueue_indirect_dma source(%dma_start3A_356 : memref<100000x128xf32, #tpu.memory_space<hbm>>) target(%arg12 : memref<128x128xf32, #tpu.memory_space<vmem>>) offsets(%dma_start3A_353 : memref<128xi32, #tpu.memory_space<vmem>>) semaphore(%arg20 : memref<!tpu.dma_semaphore, #tpu.memory_space<semaphore_mem>>)
      }
      %scan3A_211 = arith.constant 2 : i32
      %dma_wait3A_212 = arith.constant 0 : i32
      %dma_wait3A_213 = tpu.memref_slice %arg7[%dma_wait3A_212] : memref<640xi32, #tpu.memory_space<vmem>> -> memref<64xi32, #tpu.memory_space<vmem>>
      %dma_wait3A_214 = arith.constant 0 : i32
      %dma_wait3A_215 = arith.constant 0 : i32
      %dma_wait3A_216 = tpu.memref_slice %arg4[%dma_wait3A_214, %dma_wait3A_215] : memref<100000x128xf32, #tpu.memory_space<hbm>> -> memref<100000x128xf32, #tpu.memory_space<hbm>>
      tpu.wait_indirect_dma semaphore(%arg22 : memref<!tpu.dma_semaphore, #tpu.memory_space<semaphore_mem>>) src(%dma_wait3A_216 : memref<100000x128xf32, #tpu.memory_space<hbm>>) dst(%arg14 : memref<64x128xf32, #tpu.memory_space<vmem>>)
      %mul3A_217 = arith.constant 64 : i32
      %mul3A_218 = arith.muli %add3A_187, %mul3A_217 : i32
      %add3A_219 = arith.addi %mul3A_2, %mul3A_218 : i32
      %dma_start3A_220 = arith.constant 0 : i32
      %dma_start3A_221 = tpu.memref_slice %arg6[%add3A_219, %dma_start3A_220] : memref<20480x128xf32, #tpu.memory_space<hbm>> -> memref<64x128xf32, #tpu.memory_space<hbm>>
      %dma_start3A_222 = arith.constant 0 : i32
      %dma_start3A_223 = tpu.memref_slice %arg6[%add3A_219, %dma_start3A_222] : memref<20480x128xf32, #tpu.memory_space<hbm>> -> memref<64x128xf32, #tpu.memory_space<hbm>>
      tpu.enqueue_dma source(%arg16 : memref<64x128xf32, #tpu.memory_space<vmem>>) target(%dma_start3A_223 : memref<64x128xf32, #tpu.memory_space<hbm>>) target_semaphore(%arg24 : memref<!tpu.dma_semaphore, #tpu.memory_space<semaphore_mem>>)
      %dma_start3A_224 = arith.constant 0 : i32
      %dma_start3A_225 = tpu.memref_slice %arg5[%add3A_219, %dma_start3A_224] : memref<20480x128xf32, #tpu.memory_space<hbm>> -> memref<64x128xf32, #tpu.memory_space<hbm>>
      %dma_start3A_226 = arith.constant 0 : i32
      %dma_start3A_227 = tpu.memref_slice %arg5[%add3A_219, %dma_start3A_226] : memref<20480x128xf32, #tpu.memory_space<hbm>> -> memref<64x128xf32, #tpu.memory_space<hbm>>
      tpu.enqueue_dma source(%arg14 : memref<64x128xf32, #tpu.memory_space<vmem>>) target(%dma_start3A_227 : memref<64x128xf32, #tpu.memory_space<hbm>>) target_semaphore(%arg24 : memref<!tpu.dma_semaphore, #tpu.memory_space<semaphore_mem>>)
    }
    %scan3A_94 = arith.constant 4 : i32
    %dma_wait3A_95 = arith.constant 0 : i32
    %dma_wait3A_96 = tpu.memref_slice %arg8[%dma_wait3A_95] : memref<10240xi32, #tpu.memory_space<vmem>> -> memref<128xi32, #tpu.memory_space<vmem>>
    %dma_wait3A_97 = arith.constant 0 : i32
    %dma_wait3A_98 = arith.constant 0 : i32
    %dma_wait3A_99 = tpu.memref_slice %arg4[%dma_wait3A_97, %dma_wait3A_98] : memref<100000x128xf32, #tpu.memory_space<hbm>> -> memref<100000x128xf32, #tpu.memory_space<hbm>>
    tpu.wait_indirect_dma semaphore(%arg17 : memref<!tpu.dma_semaphore, #tpu.memory_space<semaphore_mem>>) src(%dma_wait3A_99 : memref<100000x128xf32, #tpu.memory_space<hbm>>) dst(%arg9 : memref<128x128xf32, #tpu.memory_space<vmem>>)
    %dma_wait3A_100 = arith.constant 0 : i32
    %dma_wait3A_101 = tpu.memref_slice %arg8[%dma_wait3A_100] : memref<10240xi32, #tpu.memory_space<vmem>> -> memref<128xi32, #tpu.memory_space<vmem>>
    %dma_wait3A_102 = arith.constant 0 : i32
    %dma_wait3A_103 = arith.constant 0 : i32
    %dma_wait3A_104 = tpu.memref_slice %arg4[%dma_wait3A_102, %dma_wait3A_103] : memref<100000x128xf32, #tpu.memory_space<hbm>> -> memref<100000x128xf32, #tpu.memory_space<hbm>>
    tpu.wait_indirect_dma semaphore(%arg18 : memref<!tpu.dma_semaphore, #tpu.memory_space<semaphore_mem>>) src(%dma_wait3A_104 : memref<100000x128xf32, #tpu.memory_space<hbm>>) dst(%arg10 : memref<128x128xf32, #tpu.memory_space<vmem>>)
    %dma_wait3A_105 = arith.constant 0 : i32
    %dma_wait3A_106 = tpu.memref_slice %arg8[%dma_wait3A_105] : memref<10240xi32, #tpu.memory_space<vmem>> -> memref<128xi32, #tpu.memory_space<vmem>>
    %dma_wait3A_107 = arith.constant 0 : i32
    %dma_wait3A_108 = arith.constant 0 : i32
    %dma_wait3A_109 = tpu.memref_slice %arg4[%dma_wait3A_107, %dma_wait3A_108] : memref<100000x128xf32, #tpu.memory_space<hbm>> -> memref<100000x128xf32, #tpu.memory_space<hbm>>
    tpu.wait_indirect_dma semaphore(%arg19 : memref<!tpu.dma_semaphore, #tpu.memory_space<semaphore_mem>>) src(%dma_wait3A_109 : memref<100000x128xf32, #tpu.memory_space<hbm>>) dst(%arg11 : memref<128x128xf32, #tpu.memory_space<vmem>>)
    %dma_wait3A_110 = arith.constant 0 : i32
    %dma_wait3A_111 = tpu.memref_slice %arg8[%dma_wait3A_110] : memref<10240xi32, #tpu.memory_space<vmem>> -> memref<128xi32, #tpu.memory_space<vmem>>
    %dma_wait3A_112 = arith.constant 0 : i32
    %dma_wait3A_113 = arith.constant 0 : i32
    %dma_wait3A_114 = tpu.memref_slice %arg4[%dma_wait3A_112, %dma_wait3A_113] : memref<100000x128xf32, #tpu.memory_space<hbm>> -> memref<100000x128xf32, #tpu.memory_space<hbm>>
    tpu.wait_indirect_dma semaphore(%arg20 : memref<!tpu.dma_semaphore, #tpu.memory_space<semaphore_mem>>) src(%dma_wait3A_114 : memref<100000x128xf32, #tpu.memory_space<hbm>>) dst(%arg12 : memref<128x128xf32, #tpu.memory_space<vmem>>)
    %dma_wait3A_115 = arith.constant 0 : i32
    %dma_wait3A_116 = arith.constant 0 : i32
    %dma_wait3A_117 = tpu.memref_slice %arg6[%dma_wait3A_115, %dma_wait3A_116] : memref<20480x128xf32, #tpu.memory_space<hbm>> -> memref<64x128xf32, #tpu.memory_space<hbm>>
    %dma_wait3A_118 = arith.constant 0 : i32
    %dma_wait3A_119 = arith.constant 0 : i32
    %dma_wait3A_120 = tpu.memref_slice %arg6[%dma_wait3A_118, %dma_wait3A_119] : memref<20480x128xf32, #tpu.memory_space<hbm>> -> memref<64x128xf32, #tpu.memory_space<hbm>>
    tpu.wait_dma2 semaphore(%arg23 : memref<!tpu.dma_semaphore, #tpu.memory_space<semaphore_mem>>) src(%arg15 : memref<64x128xf32, #tpu.memory_space<vmem>>) dst(%dma_wait3A_120 : memref<64x128xf32, #tpu.memory_space<hbm>>)
    %dma_wait3A_121 = arith.constant 0 : i32
    %dma_wait3A_122 = arith.constant 0 : i32
    %dma_wait3A_123 = tpu.memref_slice %arg5[%dma_wait3A_121, %dma_wait3A_122] : memref<20480x128xf32, #tpu.memory_space<hbm>> -> memref<64x128xf32, #tpu.memory_space<hbm>>
    %dma_wait3A_124 = arith.constant 0 : i32
    %dma_wait3A_125 = arith.constant 0 : i32
    %dma_wait3A_126 = tpu.memref_slice %arg5[%dma_wait3A_124, %dma_wait3A_125] : memref<20480x128xf32, #tpu.memory_space<hbm>> -> memref<64x128xf32, #tpu.memory_space<hbm>>
    tpu.wait_dma2 semaphore(%arg23 : memref<!tpu.dma_semaphore, #tpu.memory_space<semaphore_mem>>) src(%arg13 : memref<64x128xf32, #tpu.memory_space<vmem>>) dst(%dma_wait3A_126 : memref<64x128xf32, #tpu.memory_space<hbm>>)
    %dma_wait3A_127 = arith.constant 0 : i32
    %dma_wait3A_128 = arith.constant 0 : i32
    %dma_wait3A_129 = tpu.memref_slice %arg6[%dma_wait3A_127, %dma_wait3A_128] : memref<20480x128xf32, #tpu.memory_space<hbm>> -> memref<64x128xf32, #tpu.memory_space<hbm>>
    %dma_wait3A_130 = arith.constant 0 : i32
    %dma_wait3A_131 = arith.constant 0 : i32
    %dma_wait3A_132 = tpu.memref_slice %arg6[%dma_wait3A_130, %dma_wait3A_131] : memref<20480x128xf32, #tpu.memory_space<hbm>> -> memref<64x128xf32, #tpu.memory_space<hbm>>
    tpu.wait_dma2 semaphore(%arg24 : memref<!tpu.dma_semaphore, #tpu.memory_space<semaphore_mem>>) src(%arg16 : memref<64x128xf32, #tpu.memory_space<vmem>>) dst(%dma_wait3A_132 : memref<64x128xf32, #tpu.memory_space<hbm>>)
    %dma_wait3A_133 = arith.constant 0 : i32
    %dma_wait3A_134 = arith.constant 0 : i32
    %dma_wait3A_135 = tpu.memref_slice %arg5[%dma_wait3A_133, %dma_wait3A_134] : memref<20480x128xf32, #tpu.memory_space<hbm>> -> memref<64x128xf32, #tpu.memory_space<hbm>>
    %dma_wait3A_136 = arith.constant 0 : i32
    %dma_wait3A_137 = arith.constant 0 : i32
    %dma_wait3A_138 = tpu.memref_slice %arg5[%dma_wait3A_136, %dma_wait3A_137] : memref<20480x128xf32, #tpu.memory_space<hbm>> -> memref<64x128xf32, #tpu.memory_space<hbm>>
    tpu.wait_dma2 semaphore(%arg24 : memref<!tpu.dma_semaphore, #tpu.memory_space<semaphore_mem>>) src(%arg14 : memref<64x128xf32, #tpu.memory_space<vmem>>) dst(%dma_wait3A_138 : memref<64x128xf32, #tpu.memory_space<hbm>>)
    return
  }
}

module attributes {stable_mosaic.version = 14 : i64} {
  func.func @_mm_body(%arg0: i32, %arg1: memref<2048x128xf32, #tpu.memory_space<vmem>>, %arg2: memref<2048x128xf32, #tpu.memory_space<vmem>>, %arg3: memref<128x128xf32, #tpu.memory_space<vmem>>, %arg4: memref<128x128xf32, #tpu.memory_space<vmem>>, %arg5: memref<2048x128xf32, #tpu.memory_space<vmem>>) attributes {dimension_semantics = [#tpu.dimension_semantics<arbitrary>], iteration_bounds = array<i64: 10>, scalar_prefetch = 0 : i64, scratch_operands = 0 : i64, tpu.core_type = #tpu.core_type<tc>, window_params = [{transform_indices = @transform_0, window_bounds = array<i64: 2048, 128>}, {transform_indices = @transform_1, window_bounds = array<i64: 2048, 128>}, {pipeline_mode = #tpu.pipeline_mode<synchronous>, transform_indices = @transform_2, window_bounds = array<i64: 128, 128>}, {pipeline_mode = #tpu.pipeline_mode<synchronous>, transform_indices = @transform_3, window_bounds = array<i64: 128, 128>}, {transform_indices = @transform_4, window_bounds = array<i64: 2048, 128>}]} {
    %get3A = arith.constant 0 : index
    %get3A_0 = arith.constant 0 : index
    %get3A_1 = vector.load %arg1[%get3A, %get3A_0] : memref<2048x128xf32, #tpu.memory_space<vmem>>, vector<2048x128xf32>
    %get3A_2 = arith.constant 0 : index
    %get3A_3 = arith.constant 0 : index
    %get3A_4 = vector.load %arg3[%get3A_2, %get3A_3] : memref<128x128xf32, #tpu.memory_space<vmem>>, vector<128x128xf32>
    %dot_general3A = arith.constant dense<0.000000e+00> : vector<2048x128xf32>
    %dot_general3A_5 = tpu.matmul %get3A_1, %get3A_4, %dot_general3A {dimension_numbers = #tpu.dot_dimension_numbers<[1], [0], [0], [1], [0, 0, 1, 1], [], []>, transpose_lhs_hint = false} : vector<2048x128xf32>, vector<128x128xf32>, vector<2048x128xf32> -> vector<2048x128xf32>
    %get3A_6 = arith.constant 0 : index
    %get3A_7 = arith.constant 0 : index
    %get3A_8 = vector.load %arg2[%get3A_6, %get3A_7] : memref<2048x128xf32, #tpu.memory_space<vmem>>, vector<2048x128xf32>
    %get3A_9 = arith.constant 0 : index
    %get3A_10 = arith.constant 0 : index
    %get3A_11 = vector.load %arg4[%get3A_9, %get3A_10] : memref<128x128xf32, #tpu.memory_space<vmem>>, vector<128x128xf32>
    %mul3A = arith.constant 6.250000e-02 : f32
    %mul3A_12 = vector.broadcast %mul3A : f32 to vector<128x128xf32>
    %mul3A_13 = arith.mulf %get3A_11, %mul3A_12 : vector<128x128xf32>
    %dot_general3A_14 = arith.constant dense<0.000000e+00> : vector<2048x128xf32>
    %dot_general3A_15 = tpu.matmul %get3A_8, %mul3A_13, %dot_general3A_14 {dimension_numbers = #tpu.dot_dimension_numbers<[1], [0], [0], [1], [0, 0, 1, 1], [], []>, transpose_lhs_hint = false} : vector<2048x128xf32>, vector<128x128xf32>, vector<2048x128xf32> -> vector<2048x128xf32>
    %add3A = arith.addf %dot_general3A_5, %dot_general3A_15 : vector<2048x128xf32>
    %max3A = arith.constant 0.000000e+00 : f32
    %max3A_16 = vector.broadcast %max3A : f32 to vector<2048x128xf32>
    %max3A_17 = arith.maximumf %add3A, %max3A_16 : vector<2048x128xf32>
    %swap3A = arith.constant 0 : index
    %swap3A_18 = arith.constant 0 : index
    %swap3A_19 = vector.load %arg5[%swap3A, %swap3A_18] : memref<2048x128xf32, #tpu.memory_space<vmem>>, vector<2048x128xf32>
    tpu.vector_store %arg5[%swap3A, %swap3A_18], %max3A_17 {strides = array<i32>} : memref<2048x128xf32, #tpu.memory_space<vmem>>, vector<2048x128xf32>,
    return
  }
  func.func @transform_0(%arg0: i32) -> (i32, i32) {
    %c0_i32 = arith.constant 0 : i32
    %c0_i32_0 = arith.constant 0 : i32
    return %arg0, %c0_i32 : i32, i32
  }
  func.func @transform_1(%arg0: i32) -> (i32, i32) {
    %c0_i32 = arith.constant 0 : i32
    %c0_i32_0 = arith.constant 0 : i32
    return %arg0, %c0_i32 : i32, i32
  }
  func.func @transform_2(%arg0: i32) -> (i32, i32) {
    %c0_i32 = arith.constant 0 : i32
    %c0_i32_0 = arith.constant 0 : i32
    %c0_i32_1 = arith.constant 0 : i32
    return %c0_i32, %c0_i32_0 : i32, i32
  }
  func.func @transform_3(%arg0: i32) -> (i32, i32) {
    %c0_i32 = arith.constant 0 : i32
    %c0_i32_0 = arith.constant 0 : i32
    %c0_i32_1 = arith.constant 0 : i32
    return %c0_i32, %c0_i32_0 : i32, i32
  }
  func.func @transform_4(%arg0: i32) -> (i32, i32) {
    %c0_i32 = arith.constant 0 : i32
    %c0_i32_0 = arith.constant 0 : i32
    return %arg0, %c0_i32 : i32, i32
  }
}

</mosaic_0001>

<sc_bundles>
// kernel: kernel.4.cloned.1.call-start
scs
__scs_entry_jumppad:
0x0: {  	(pc) =	sbr.rel $0x88, $3  }
0x1: {  	(tag) =	ssettag $0x0;
	lr =	simm.s32 $0x1  }
0x2: {  	[smem:$0x3F9C] =	sst lr;
	_ =	strace $0xD0000000  }
0x3: {  	_ = 	snop  }
0x4: {  	_ = 	snop  }
0x5: {  	_ = 	snop  }
0x6: {  	_ = 	snop  }
0x7: {  	_ = 	snop  }
__scs_overlays_trampoline_lowered:
0x8: {  	[smem:$0x3FAB] =	sst s0  }
0x9: {  	[smem:$0x3FAC] =	sst s1  }
0xa: {  	[smem:$0x3FAD] =	sst s2  }
0xb: {  	[smem:$0x3FAE] =	sst s3  }
0xc: {  	[smem:$0x3FAF] =	sst s4  }
0xd: {  	[smem:$0x3FB0] =	sst s5  }
0xe: {  	[smem:$0x3FB1] =	sst s6  }
0xf: {  	[smem:$0x3FB2] =	sst s7  }
0x10: {  	[smem:$0x3FB3] =	sst s8  }
0x11: {  	[smem:$0x3FB4] =	sst s9;
	s0 =	simm.s32 @!p0 $0x0  }
0x12: {  	s1 =	sld [smem:$0x3F9A];
	s0 =	simm.s32 @p0 $0x1  }
0x13: {  	[smem:$0x3FB5] =	sst s0;
	s0 =	simm.s32 @!p1 $0x0  }
0x14: {  	s2 =	sld [smem:$0x3F99];
	s0 =	simm.s32 @p1 $0x1  }
0x15: {  	[smem:$0x3FB6] =	sst s0;
	s0 =	simm.s32 @!p2 $0x0  }
0x16: {  	s3 =	sld [smem:$0x3FDB];
	s0 =	simm.s32 @p2 $0x1  }
0x17: {  	s4 =	simm.s32 $0x1BF5;
	[smem:$0x3FB8] =	sst s0  }
0x18: {  	s0 =	sld [smem:$0x3F9B];
	_ =	swait.ge [sflag:s4], $0x0  }
0x19: {  	s7 =	sld [smem:$0x3F9C]  }
0x1a: {  	s8 =	sadd.s32 $0xFFFFE003, lr  }
0x1b: {  	s9 =	sadd.s32 $0xFFFFFEF7, lr;
	s5 =	simm.s32 $0xFFFFFFFF;
	p2 =	slt.u32 s8, $0xFFFFF086  }
0x1c: {  	p1 =	slt.u32 s9, $0xF7A;
	s5 =	simm.s32 @!p2 $0x0  }
0x1d: {  	s5 =	simm.s32 @p1 $0x1;
	p0 =	seq.s32 s7, s2  }
0x1e: {  	s7 =	smul.u32 @!p0 $0xF7A, s2;
	p2 =	seq.s32 @!p0 s5, $0x0  }
0x1f: {  	s9 =	smul.u32 $0xF7A, s1;
	s8 =	simm.s32 @!p0 $0x1BF5;
	p2 =	por !p2, p0  }
0x20: {  	[sflag:s8] =	ssyncset.s32 @!p0 $0xFFFFF086;
	s6 =	sadd.s32 @!p0 s3, s7;
	s7 =	simm.s32 @!p0 $0x108  }
0x21: {  	s3 =	sadd.s32 s3, s9;
	s6 =	sadd.s32 @!p0 $0x88, s6;
	s7 =	simm.s32 @p2 $0x1082  }
0x22: {  	[simem:s7], [sflag:s8] =	dma.local @!p0 [hbm:s6], $0xF7A  }
0x23: {  	s9 =	sor.u32 $0xD0000000, s2;
	s6 =	simm.s32 $0x108;
	_ =	swait.ge @!p0 [sflag:s8], $0x0  }
0x24: {  	s3 =	sadd.s32 $0x88, s3;
	s6 =	simm.s32 @!p1 $0x1082;
	[sflag:s4] =	ssyncset.s32 $0xFFFFF086  }
0x25: {  	[simem:s6], [sflag:s4] =	dma.local [hbm:s3], $0xF7A  }
0x26: {  	[smem:$0x3F9C] =	sst s1;
	(tag) =	ssettag s2;
	_ =	strace s9  }
0x27: {  	s1 =	sld [smem:$0x3FAC]  }
0x28: {  	s2 =	sld [smem:$0x3FAD]  }
0x29: {  	s4 =	sld [smem:$0x3FAF]  }
0x2a: {  	p0 =	seq.s32 s5, $0x0;
	s5 =	sld [smem:$0x3FB0]  }
0x2b: {  	s6 =	sld [smem:$0x3FB1]  }
0x2c: {  	s7 =	sld [smem:$0x3FB2]  }
0x2d: {  	s3 =	simm.s32 $0x108;
	s8 =	sld [smem:$0x3FB3]  }
0x2e: {  	s3 =	simm.s32 @!p0 $0x1082;
	s9 =	sld [smem:$0x3FB4]  }
0x2f: {  	lr =	sadd.s32 s0, s3;
	s0 =	sld [smem:$0x3FAB]  }
0x30: {  	s3 =	sld [smem:$0x3FAE]  }
0x31: {  	[smem:$0x3FB7] =	sst s10  }
0x32: {  	s10 =	sld [smem:$0x3FB5];
	_ =	sdelay $0x3  }
0x33: {  	p0 =	seq.s32 s10, $0x1;
	s10 =	sld [smem:$0x3FB7];
	_ =	sdelay $0x3  }
0x34: {  	[smem:$0x3FB7] =	sst s10  }
0x35: {  	s10 =	sld [smem:$0x3FB6];
	_ =	sdelay $0x3  }
0x36: {  	p1 =	seq.s32 s10, $0x1;
	s10 =	sld [smem:$0x3FB7];
	_ =	sdelay $0x3  }
0x37: {  	[smem:$0x3FB7] =	sst s10  }
0x38: {  	s10 =	sld [smem:$0x3FB8]  }
0x39: {  	_ = 	snop;
	(pc) =	sbr.ind lr, $3  }
0x3a: {  	_ = 	snop  }
0x3b: {  	_ = 	snop  }
0x3c: {  	p2 =	seq.s32 s10, $0x1;
	s10 =	sld [smem:$0x3FB7]  }
0x3d: {  	_ =	shalt  }
0x3e: {  	_ =	shalt  }
0x3f: {  	_ =	shalt  }
0x40: {  	_ =	shalt  }
0x41: {  	_ =	shalt  }
0x42: {  	_ =	shalt  }
0x43: {  	_ =	shalt  }
0x44: {  	_ =	shalt  }
0x45: {  	_ =	shalt  }
0x46: {  	_ =	shalt  }
0x47: {  	_ =	shalt  }
0x48: {  	_ =	shalt  }
0x49: {  	_ =	shalt  }
0x4a: {  	_ =	shalt  }
0x4b: {  	_ =	shalt  }
0x4c: {  	_ =	shalt  }
0x4d: {  	_ =	shalt  }
0x4e: {  	_ =	shalt  }
0x4f: {  	_ =	shalt  }
0x50: {  	_ =	shalt  }
0x51: {  	_ =	shalt  }
0x52: {  	_ =	shalt  }
0x53: {  	_ =	shalt  }
0x54: {  	_ =	shalt  }
0x55: {  	_ =	shalt  }
0x56: {  	_ =	shalt  }
0x57: {  	_ =	shalt  }
0x58: {  	_ =	shalt  }
0x59: {  	_ =	shalt  }
0x5a: {  	_ =	shalt  }
0x5b: {  	_ =	shalt  }
0x5c: {  	_ =	shalt  }
0x5d: {  	_ =	shalt  }
0x5e: {  	_ =	shalt  }
0x5f: {  	_ =	shalt  }
0x60: {  	_ =	shalt  }
0x61: {  	_ =	shalt  }
0x62: {  	_ =	shalt  }
0x63: {  	_ =	shalt  }
0x64: {  	_ =	shalt  }
0x65: {  	_ =	shalt  }
0x66: {  	_ =	shalt  }
0x67: {  	_ =	shalt  }
0x68: {  	_ =	shalt  }
0x69: {  	_ =	shalt  }
0x6a: {  	_ =	shalt  }
0x6b: {  	_ =	shalt  }
0x6c: {  	_ =	shalt  }
0x6d: {  	_ =	shalt  }
0x6e: {  	_ =	shalt  }
0x6f: {  	_ =	shalt  }
0x70: {  	_ =	shalt  }
0x71: {  	_ =	shalt  }
0x72: {  	_ =	shalt  }
0x73: {  	_ =	shalt  }
0x74: {  	_ =	shalt  }
0x75: {  	_ =	shalt  }
0x76: {  	_ =	shalt  }
0x77: {  	_ =	shalt  }
0x78: {  	_ =	shalt  }
0x79: {  	_ =	shalt  }
0x7a: {  	_ =	shalt  }
0x7b: {  	_ =	shalt  }
0x7c: {  	_ =	shalt  }
0x7d: {  	_ =	shalt  }
0x7e: {  	_ =	shalt  }
0x7f: {  	_ =	shalt  }
0x80: {  	_ =	shalt  }
0x81: {  	_ =	shalt  }
0x82: {  	_ =	shalt  }
0x83: {  	_ =	shalt  }
0x84: {  	_ =	shalt  }
0x85: {  	_ =	shalt  }
0x86: {  	_ =	shalt  }
0x87: {  	_ =	shalt  }
.Lfunc_end0:
.L_simem_size_0:
called_computation_lowered:
.L_overlay_start_0:
0x88: {  	s2 =	sld [smem:$0x3FD9]  }
0x89: {  	s3 =	sld [smem:$0x3FFE];
	_ =	sdelay $0x1  }
0x8a: {  	s1 =	srdreg.scid  }
0x8b: {  	s0 =	sand.u32 $0x1, s1  }
0x8c: {  	s17 =	sshll.u32 s0, $0xA;
	s2 =	sadd.s32 s3, s2  }
0x8d: {  	s2 =	sadd.s32 s2, s17  }
0x8e: {  	[smem:$0x3FC3] =	sst s2  }
0x8f: {  	_ = 	snop  }
0x90: {  	s2 =	sld [smem:$0x3FC7]  }
0x91: {  	s18 =	sld [smem:$0x3FD0];
	(tm) =	ssettm $0x1  }
0x92: {  	s4 =	sld [smem:$0x3FFB];
	_ =	sdelay $0x3  }
0x93: {  	_ =	strace s4  }
0x94: {  	s4 =	sld [smem:$0x3FFC];
	_ =	sdelay $0x3  }
0x95: {  	_ =	strace s4  }
0x96: {  	s4 =	sld [smem:$0x3FFD];
	_ =	sdelay $0x3  }
0x97: {  	_ =	strace s4  }
0x98: {  	_ =	strace $0x8FFFFFFF  }
0x99: {  	s19 =	sld [smem:$0x3FDB];
	_ =	sdelay $0x1  }
0x9a: {  	s5 =	simm.s32 $_scs_section_size  }
0x9b: {  	s6 =	simm.s32 $_size__tile_overlayer_lowered;
	s7 =	simm.s32 $_tile_overlayer_lowered  }
0x9c: {  	s22 =	simm.s32 $0x1BFF;
	s21 =	sshll.u32 s7, $0x1;
	s4 =	sadd.s32 s5, s19  }
0x9d: {  	s8 =	simm.s32 $0x0;
	s20 =	sshll.u32 s6, $0x1;
	s6 =	sadd.s32 s21, s4  }
0x9e: {  	[timem:s8], [sflag:s22] =	dma.local [hbm:s6], s20  }
0x9f: {  	_ =	swait.ge [sflag:s22], s20  }
0xa0: {  	s5 =	ssub.s32 $0x0, s20;
	[sflag:s22] =	ssyncset.done $0x0  }
0xa1: {  	[sflag:s22] =	ssyncadd.s32 s5;
	_ =	sdelay $0x1  }
0xa2: {  	s23 =	simm.s32 $0x1B8B  }
0xa3: {  	_ =	swait.ge [sflag:s23], $0x1  }
0xa4: {  	[sflag:s23] =	ssyncset.done $0x0  }
0xa5: {  	s25 =	simm.s32 $0x1B8E;
	s24 =	sld [smem:$0x3FFE];
	[sflag:s23] =	ssyncadd.s32 $0xFFFFFFFF  }
0xa6: {  	s26 =	simm.s32 $execute0_lowered;
	[smem:$0x3FD2] =	sst s25  }
0xa7: {  	s6 =	sshll.u32 s26, $0x1;
	_ =	strace $0x80000046;
	[dreg:$0x1] =	wrdreg $0xFFFFFFFF  }
0xa8: {  	s28 =	simm.s32 $_size_execute0_lowered;
	s4 =	sadd.s32 s4, s6;
	[dreg:$0x0] =	wrdreg $0x0  }
0xa9: {  	s6 =	sshll.u32 s28, $0x1;
	[dreg:$0x2] =	wrdreg s4  }
0xaa: {  	[dreg:$0x3] =	wrdreg s6  }
0xab: {  	[dreg:$0x4] =	wrdreg $0xC0  }
0xac: {  	_ =	task [dreg:s8], $0x5FFFF  }
0xad: {  	[dreg:$0x1] =	wrdreg $0xFFFFFFFF  }
0xae: {  	[dreg:$0x0] =	wrdreg $0x60  }
0xaf: {  	[dreg:$0x2] =	wrdreg s24  }
0xb0: {  	[dreg:$0x3] =	wrdreg s18  }
0xb1: {  	[dreg:$0x4] =	wrdreg s2  }
0xb2: {  	[dreg:$0x5] =	wrdreg $0x9  }
0xb3: {  	_ =	task.clear_ibuf [dreg:s8], $0x6FFFF;
	_ =	strace $0x90000046  }
0xb4: {  	s29 =	simm.s32 $0x9;
	_ =	strace $0x80000048  }
0xb5: {  	_ =	swait.ge [sflag:s29], $0x1  }
0xb6: {  	[sflag:s29] =	ssyncadd.s32 $0xFFFFFFFF  }
0xb7: {  	_ =	strace $0x90000048  }
0xb8: {  	_ =	sfence  }
0xb9: {  	s30 =	sld [smem:$0x0];
	_ =	sdelay $0x2  }
0xba: {  	s31 =	sshll.u32 s1, $0xD;
	s1 =	sshrl.u32 s1, $0x2  }
0xbb: {  	s3 =	sand.u32 $0x4000, s31;
	s1 =	sadd.s32 s1, s30  }
0xbc: {  	s0 =	sor.u32 s3, s0;
	s1 =	sshll.u32 s1, $0x11  }
0xbd: {  	s0 =	sor.u32 s1, s0  }
0xbe: {  	s0 =	sadd.s32 $0x8F2B, s0  }
0xbf: {  	[sflag:s0] =	ssyncadd.remote.s32 $0x1  }
0xc0: {  	_ =	sfence.sel $0xFFFF  }
0xc1: {  	[dreg:$0x0] =	wrdreg $0xFFFFFFFF;
	(pc) =	sbr.abs _section_cstart, $3  }
0xc2: {  	[dreg:$0x1] =	wrdreg $0xFFFFFFFF  }
0xc3: {  	_ =	task.clear_ibuf [dreg:s8], $0x2FFFF;
	_ =	strace $0x9FFFFFFF  }
0xc4: {  	(tm) =	ssettm $0x7FFFFFFF  }
0xc5: {  	_ =	shalt  }
tec
execute0_lowered:
.L_overlay_start_1:
0x0: {  	(tag) =	ssettag $0x1  }
0x1: {  	s0 =	srdreg.scid;
	s1 =	rddreg [dreg:$0x0]  }
0x2: {  	s2 =	stileid.u32;
	s7 =	rddreg [dreg:$0x1];
	s4 =	simm.s32 $0x0  }
0x3: {  	s16 =	simm.s32 $0x80;
	s17 =	simm.s32 $0x2A80;
	s19 =	simm.s32 $0x6A80  }
0x4: {  	s28 =	simm.s32 $0x1;
	s29 =	simm.s32 $0x2;
	s30 =	simm.s32 $0x3  }
0x5: {  	s31 =	simm.s32 $0x4;
	s0 =	sand.u32 $0x1, s0;
	s2 =	sshll.u32 s2, $0x1  }
0x6: {  	s18 =	simm.s32 $0x6;
	s15 =	simm.s32 $0x8;
	s8 =	sor.u32 s0, s2  }
0x7: {  	[smem:$0x7FF] =	sst s4;
	s6 =	sadd.s32 $0x51A00, s1;
	s3 =	smul.u32 $0x280, s8  }
0x8: {  	s2 =	rddreg [dreg:$0x2];
	s0 =	ssub.s32 $0x2, s0;
	s10 =	smul.u32 $0x500, s8  }
0x9: {  	_ =	strace $0x80000047;
	s20 =	sshrl.u32 s0, $0x1;
	s8 =	smul.u32 $0x2800, s8  }
0xa: {  	s0 =	ssub.s32 s0, s20;
	s5 =	sshrl.u32 s3, $0x3;
	s22 =	sadd.s32 s7, s10  }
0xb: {  	s23 =	sadd.s32 s6, s8;
	s25 =	sor.u32 $0x400, s8;
	[dreg:$0x5] =	wrdreg s22  }
0xc: {  	s0 =	smax.u32 s0, $0x1;
	s7 =	simm.s32 $0x0;
	[dreg:$0x6] =	wrdreg s23  }
0xd: {  	s9 =	sadd.s32 s5, s1;
	s26 =	sadd.s32 s6, s25;
	[dreg:$0xa] =	wrdreg s0  }
0xe: {  	s5 =	sadd.s32 $0x1A00, s1;
	s21 =	sadd.s32 $0x1000, s9;
	[dreg:$0x8] =	wrdreg s26  }
0xf: {  	s23 =	simm.s32 $0xEA80;
	s24 =	sadd.s32 s5, s8;
	[dreg:$0x4] =	wrdreg s21  }
0x10: {  	s22 =	simm.s32 $0x7;
	s1 =	sadd.s32 s5, s25;
	[dreg:$0x7] =	wrdreg s24  }
0x11: {  	s25 =	simm.s32 $0x12A80;
	s26 =	simm.s32 $0x14A80;
	[dreg:$0x9] =	wrdreg s1  }
0x12: {  	s21 =	simm.s32 $0xAA80;
	s24 =	simm.s32 $0x40;
	s1 =	simm.s32 $0x5  }
.LBB2_1:
0x13: {  	[dreg:$0xb] =	wrdreg s7  }
0x14: {  	s0 =	rddreg [dreg:$0x4];
	s11 =	simm.s32 $0x9  }
0x15: {  	[tilespmem:s4], [sflag:$0x9] =	stream.linear.gather [hbm4b:s0+s4], $0x280, $0x38;
	[tilespmem:$0x1AA80] =	vst v63  }
0x16: {  	_ =	swait.ge [sflag:s11], $0x280  }
0x17: {  	[sflag:s11] =	ssyncset.done $0x0  }
0x18: {  	s8 =	simm.s32 $0x280;
	s12 =	rddreg [dreg:$0x5];
	[sflag:s11] =	ssyncadd.s32 $0xFFFFFD80  }
0x19: {  	[tilespmem:s8], [sflag:$0x9] =	stream.linear.gather [hbm4b:s12+s4], $0x2800, $0x38;
	[tilespmem:$0x1AA80] =	vst v63  }
0x1a: {  	_ =	swait.ge [sflag:s11], $0x2800  }
0x1b: {  	[sflag:s11] =	ssyncset.done $0x0  }
0x1c: {  	[sflag:s11] =	ssyncadd.s32 $0xFFFFD800  }
0x1d: {  	[tilespmem:s17], [sflag:$0x1] =	stream.indirect.gather [hbm4b:s2+s16], $0x80, s8, s16, $0xb8;
	[tilespmem:$0x1AA80] =	vst v63  }
0x1e: {  	s13 =	simm.s32 $0x300  }
0x1f: {  	[tilespmem:s19], [sflag:$0x2] =	stream.indirect.gather [hbm4b:s2+s16], $0x80, s13, s16, $0xb8;
	[tilespmem:$0x1AA80] =	vst v63  }
0x20: {  	s14 =	simm.s32 $0x380  }
0x21: {  	[tilespmem:s21], [sflag:$0x3] =	stream.indirect.gather [hbm4b:s2+s16], $0x80, s14, s16, $0xb8;
	[tilespmem:$0x1AA80] =	vst v63  }
0x22: {  	s20 =	simm.s32 $0x400  }
0x23: {  	[tilespmem:s23], [sflag:$0x4] =	stream.indirect.gather [hbm4b:s2+s16], $0x80, s20, s16, $0xb8;
	[tilespmem:$0x1AA80] =	vst v63  }
0x24: {  	_ = 	snop  }
0x25: {  	[tilespmem:s25], [sflag:$0x5] =	stream.indirect.gather [hbm4b:s2+s24], $0x80, s4, s24, $0xb8;
	[tilespmem:$0x1AA80] =	vst v63  }
0x26: {  	p1 =	por $0x1, $0x1;
	s9 =	simm.s32 $0x0  }
0x27: {  	[tilespmem:s26], [sflag:$0x6] =	stream.indirect.gather [hbm4b:s2+s24], $0x80, s24, s24, $0xb8;
	[tilespmem:$0x1AA80] =	vst v63  }
.LBB2_2:
0x28: {  	_ =	swait.ge [sflag:s28], $0x4000;
	s0 =	sshll.u32 s9, $0xE;
	p0 =	por p1, p1  }
0x29: {  	s11 =	simm.s32 $0x0;
	[sflag:s28] =	ssyncset.done $0x0;
	s8 =	sshra.s32 s0, $0x2  }
0x2a: {  	s12 =	simm.s32 $0x2E80;
	[sflag:s28] =	ssyncadd.s32 $0xFFFFC000;
	s10 =	sadd.s32 $0x16A80, s8  }
.LBB2_3:
0x2b: {  	v1 =	vmov s12;
	_ =	sdelay $0x3  }
0x2c: {  	s7 =	simm.s32 $0x0  }
0x2d: {  	v0 =	vmov s10;
	s0 =	simm.s32 $0x40;
	v2 =	vld.idx.msk [tilespmem:v1+s7+$0xFFFFFC80 ss:$0x1], $0xffff  }
.LBB2_4:
0x2e: {  	p1 =	sne.s32 s0, $0x1C0;
	v3 =	vld.idx.msk [tilespmem:v1+s7+$0xFFFFFC00 ss:$0x1], $0xffff;
	_ =	sdelay $0x1  }
0x2f: {  	v4 =	vld.idx.msk [tilespmem:v1+s7+$0xFFFFFD00 ss:$0x1], $0xffff;
	_ =	sdelay $0x1  }
0x30: {  	v5 =	vld.idx.msk [tilespmem:v1+s7+$0xFFFFFD80 ss:$0x1], $0xffff;
	_ =	sdelay $0x1  }
0x31: {  	v2 =	vadd.f32 v2, v3;
	v3 =	vld.idx.msk [tilespmem:v1+s7+$0xFFFFFE00 ss:$0x1], $0xffff;
	_ =	sdelay $0x1  }
0x32: {  	v2 =	vadd.f32 v4, v2;
	v4 =	vld.idx.msk [tilespmem:v1+s7+$0xFFFFFE80 ss:$0x1], $0xffff;
	_ =	sdelay $0x1  }
0x33: {  	v2 =	vadd.f32 v5, v2;
	v5 =	vld.idx.msk [tilespmem:v1+s7+$0xFFFFFF00 ss:$0x1], $0xffff;
	_ =	sdelay $0x1  }
0x34: {  	v2 =	vadd.f32 v3, v2;
	v3 =	vld.idx.msk [tilespmem:v1+s7+$0xFFFFFF80 ss:$0x1], $0xffff;
	_ =	sdelay $0x1  }
0x35: {  	v2 =	vadd.f32 v4, v2;
	v4 =	vld.idx.msk [tilespmem:v1+s7+$0x0 ss:$0x1], $0xffff;
	_ =	sdelay $0x1  }
0x36: {  	v2 =	vadd.f32 v5, v2;
	v5 =	vld.idx.msk [tilespmem:v1+s7+$0x80 ss:$0x1], $0xffff;
	_ =	sdelay $0x1  }
0x37: {  	v2 =	vadd.f32 v3, v2;
	v3 =	vld.idx.msk [tilespmem:v1+s7+$0x100 ss:$0x1], $0xffff;
	_ =	sdelay $0x1  }
0x38: {  	v2 =	vadd.f32 v4, v2;
	v4 =	vld.idx.msk [tilespmem:v1+s7+$0x180 ss:$0x1], $0xffff;
	_ =	sdelay $0x1  }
0x39: {  	v2 =	vadd.f32 v5, v2;
	v5 =	vld.idx.msk [tilespmem:v1+s7+$0x200 ss:$0x1], $0xffff;
	_ =	sdelay $0x1  }
0x3a: {  	v2 =	vadd.f32 v3, v2;
	v3 =	vld.idx.msk [tilespmem:v1+s7+$0x280 ss:$0x1], $0xffff;
	_ =	sdelay $0x1  }
0x3b: {  	v2 =	vadd.f32 v4, v2;
	v4 =	vld.idx.msk [tilespmem:v1+s7+$0x300 ss:$0x1], $0xffff;
	_ =	sdelay $0x1  }
0x3c: {  	v2 =	vadd.f32 v5, v2;
	v5 =	vld.idx.msk [tilespmem:v1+s7+$0x380 ss:$0x1], $0xffff;
	_ =	sdelay $0x1  }
0x3d: {  	v2 =	vadd.f32 v3, v2;
	_ =	sdelay $0x1  }
0x3e: {  	v2 =	vadd.f32 v4, v2  }
.Ltmp0:
0x3f: {  	(pc) =	sbr.rel @p1 .LBB2_4-.Ltmp0, $3  }
0x40: {  	v2 =	vadd.f32 v5, v2;
	_ =	sdelay $0x1  }
0x41: {  	[tilespmem:v0+s7+$0x0 ss:$0x1] =	vst.idx.msk $0xffff, v2;
	s7 =	sshra.s32 s0, $0x2  }
0x42: {  	s0 =	sadd.s32 $0x40, s0;
	v2 =	vld.idx.msk [tilespmem:v1+s7+$0xFFFFFC80 ss:$0x1], $0xffff  }
0x43: {  	_ =	sdelay $0x3  }
0x44: {  	v3 =	vld.idx.msk [tilespmem:v1+s7+$0xFFFFFC00 ss:$0x1], $0xffff;
	_ =	sdelay $0x1  }
0x45: {  	v4 =	vld.idx.msk [tilespmem:v1+s7+$0xFFFFFD00 ss:$0x1], $0xffff;
	_ =	sdelay $0x1  }
0x46: {  	v5 =	vld.idx.msk [tilespmem:v1+s7+$0xFFFFFD80 ss:$0x1], $0xffff  }
0x47: {  	v2 =	vadd.f32 v2, v3  }
0x48: {  	v52 =	vld.idx.msk [tilespmem:v1+s7+$0xFFFFFE00 ss:$0x1], $0xffff  }
0x49: {  	v2 =	vadd.f32 v4, v2  }
0x4a: {  	v53 =	vld.idx.msk [tilespmem:v1+s7+$0xFFFFFE80 ss:$0x1], $0xffff  }
0x4b: {  	v2 =	vadd.f32 v5, v2  }
0x4c: {  	v54 =	vld.idx.msk [tilespmem:v1+s7+$0xFFFFFF00 ss:$0x1], $0xffff  }
0x4d: {  	v2 =	vadd.f32 v52, v2  }
0x4e: {  	v55 =	vld.idx.msk [tilespmem:v1+s7+$0xFFFFFF80 ss:$0x1], $0xffff  }
0x4f: {  	v2 =	vadd.f32 v53, v2  }
0x50: {  	v56 =	vld.idx.msk [tilespmem:v1+s7+$0x0 ss:$0x1], $0xffff  }
0x51: {  	v2 =	vadd.f32 v54, v2  }
0x52: {  	v57 =	vld.idx.msk [tilespmem:v1+s7+$0x80 ss:$0x1], $0xffff  }
0x53: {  	v2 =	vadd.f32 v55, v2  }
0x54: {  	v58 =	vld.idx.msk [tilespmem:v1+s7+$0x100 ss:$0x1], $0xffff  }
0x55: {  	v2 =	vadd.f32 v56, v2  }
0x56: {  	v59 =	vld.idx.msk [tilespmem:v1+s7+$0x180 ss:$0x1], $0xffff  }
0x57: {  	v2 =	vadd.f32 v57, v2  }
0x58: {  	v60 =	vld.idx.msk [tilespmem:v1+s7+$0x200 ss:$0x1], $0xffff  }
0x59: {  	v2 =	vadd.f32 v58, v2  }
0x5a: {  	v61 =	vld.idx.msk [tilespmem:v1+s7+$0x280 ss:$0x1], $0xffff  }
0x5b: {  	v2 =	vadd.f32 v59, v2  }
0x5c: {  	v62 =	vld.idx.msk [tilespmem:v1+s7+$0x300 ss:$0x1], $0xffff  }
0x5d: {  	v2 =	vadd.f32 v60, v2  }
0x5e: {  	v63 =	vld.idx.msk [tilespmem:v1+s7+$0x380 ss:$0x1], $0xffff  }
0x5f: {  	s11 =	sadd.s32 $0x1, s11;
	v2 =	vadd.f32 v61, v2  }
0x60: {  	p1 =	sne.s32 s11, $0x8  }
.Ltmp1:
0x61: {  	v2 =	vadd.f32 v62, v2;
	(pc) =	sbr.rel @p1 .LBB2_3-.Ltmp1, $3  }
0x62: {  	_ = 	snop  }
0x63: {  	v1 =	vadd.f32 v63, v2;
	_ =	sdelay $0x1  }
0x64: {  	s10 =	sadd.s32 $0x80, s10;
	s12 =	sadd.s32 $0x800, s12;
	[tilespmem:v0+s7+$0x0 ss:$0x1] =	vst.idx.msk $0xffff, v1  }
0x65: {  	s0 =	sshll.u32 s9, $0x9  }
0x66: {  	s9 =	sand.u32 $0x3FFFFE00, s0  }
0x67: {  	s0 =	sadd.s32 $0x480, s9  }
0x68: {  	[tilespmem:s17], [sflag:$0x1] =	stream.indirect.gather [hbm4b:s2+s16], $0x80, s0, s16, $0xb8;
	[tilespmem:$0x1AA80] =	vst v63  }
0x69: {  	_ =	swait.ge [sflag:s29], $0x4000  }
0x6a: {  	s10 =	sadd.s32 $0x16E80, s8;
	[sflag:s29] =	ssyncset.done $0x0  }
0x6b: {  	s11 =	simm.s32 $0x0;
	s12 =	simm.s32 $0x6E80;
	[sflag:s29] =	ssyncadd.s32 $0xFFFFC000  }
.LBB2_7:
0x6c: {  	v1 =	vmov s12;
	_ =	sdelay $0x3  }
0x6d: {  	s7 =	simm.s32 $0x0  }
0x6e: {  	v0 =	vmov s10;
	s0 =	simm.s32 $0x40;
	v2 =	vld.idx.msk [tilespmem:v1+s7+$0xFFFFFC80 ss:$0x1], $0xffff  }
.LBB2_8:
0x6f: {  	p1 =	sne.s32 s0, $0x1C0;
	v3 =	vld.idx.msk [tilespmem:v1+s7+$0xFFFFFC00 ss:$0x1], $0xffff;
	_ =	sdelay $0x1  }
0x70: {  	v4 =	vld.idx.msk [tilespmem:v1+s7+$0xFFFFFD00 ss:$0x1], $0xffff;
	_ =	sdelay $0x1  }
0x71: {  	v5 =	vld.idx.msk [tilespmem:v1+s7+$0xFFFFFD80 ss:$0x1], $0xffff;
	_ =	sdelay $0x1  }
0x72: {  	v2 =	vadd.f32 v2, v3;
	v3 =	vld.idx.msk [tilespmem:v1+s7+$0xFFFFFE00 ss:$0x1], $0xffff;
	_ =	sdelay $0x1  }
0x73: {  	v2 =	vadd.f32 v4, v2;
	v4 =	vld.idx.msk [tilespmem:v1+s7+$0xFFFFFE80 ss:$0x1], $0xffff;
	_ =	sdelay $0x1  }
0x74: {  	v2 =	vadd.f32 v5, v2;
	v5 =	vld.idx.msk [tilespmem:v1+s7+$0xFFFFFF00 ss:$0x1], $0xffff;
	_ =	sdelay $0x1  }
0x75: {  	v2 =	vadd.f32 v3, v2;
	v3 =	vld.idx.msk [tilespmem:v1+s7+$0xFFFFFF80 ss:$0x1], $0xffff;
	_ =	sdelay $0x1  }
0x76: {  	v2 =	vadd.f32 v4, v2;
	v4 =	vld.idx.msk [tilespmem:v1+s7+$0x0 ss:$0x1], $0xffff;
	_ =	sdelay $0x1  }
0x77: {  	v2 =	vadd.f32 v5, v2;
	v5 =	vld.idx.msk [tilespmem:v1+s7+$0x80 ss:$0x1], $0xffff;
	_ =	sdelay $0x1  }
0x78: {  	v2 =	vadd.f32 v3, v2;
	v3 =	vld.idx.msk [tilespmem:v1+s7+$0x100 ss:$0x1], $0xffff;
	_ =	sdelay $0x1  }
0x79: {  	v2 =	vadd.f32 v4, v2;
	v4 =	vld.idx.msk [tilespmem:v1+s7+$0x180 ss:$0x1], $0xffff;
	_ =	sdelay $0x1  }
0x7a: {  	v2 =	vadd.f32 v5, v2;
	v5 =	vld.idx.msk [tilespmem:v1+s7+$0x200 ss:$0x1], $0xffff;
	_ =	sdelay $0x1  }
0x7b: {  	v2 =	vadd.f32 v3, v2;
	v3 =	vld.idx.msk [tilespmem:v1+s7+$0x280 ss:$0x1], $0xffff;
	_ =	sdelay $0x1  }
0x7c: {  	v2 =	vadd.f32 v4, v2;
	v4 =	vld.idx.msk [tilespmem:v1+s7+$0x300 ss:$0x1], $0xffff;
	_ =	sdelay $0x1  }
0x7d: {  	v2 =	vadd.f32 v5, v2;
	v5 =	vld.idx.msk [tilespmem:v1+s7+$0x380 ss:$0x1], $0xffff;
	_ =	sdelay $0x1  }
0x7e: {  	v2 =	vadd.f32 v3, v2;
	_ =	sdelay $0x1  }
0x7f: {  	v2 =	vadd.f32 v4, v2  }
.Ltmp2:
0x80: {  	(pc) =	sbr.rel @p1 .LBB2_8-.Ltmp2, $3  }
0x81: {  	v2 =	vadd.f32 v5, v2;
	_ =	sdelay $0x1  }
0x82: {  	[tilespmem:v0+s7+$0x0 ss:$0x1] =	vst.idx.msk $0xffff, v2;
	s7 =	sshra.s32 s0, $0x2  }
0x83: {  	s0 =	sadd.s32 $0x40, s0;
	v2 =	vld.idx.msk [tilespmem:v1+s7+$0xFFFFFC80 ss:$0x1], $0xffff  }
0x84: {  	_ =	sdelay $0x3  }
0x85: {  	v3 =	vld.idx.msk [tilespmem:v1+s7+$0xFFFFFC00 ss:$0x1], $0xffff;
	_ =	sdelay $0x1  }
0x86: {  	v4 =	vld.idx.msk [tilespmem:v1+s7+$0xFFFFFD00 ss:$0x1], $0xffff;
	_ =	sdelay $0x1  }
0x87: {  	v5 =	vld.idx.msk [tilespmem:v1+s7+$0xFFFFFD80 ss:$0x1], $0xffff  }
0x88: {  	v2 =	vadd.f32 v2, v3  }
0x89: {  	v52 =	vld.idx.msk [tilespmem:v1+s7+$0xFFFFFE00 ss:$0x1], $0xffff  }
0x8a: {  	v2 =	vadd.f32 v4, v2  }
0x8b: {  	v53 =	vld.idx.msk [tilespmem:v1+s7+$0xFFFFFE80 ss:$0x1], $0xffff  }
0x8c: {  	v2 =	vadd.f32 v5, v2  }
0x8d: {  	v54 =	vld.idx.msk [tilespmem:v1+s7+$0xFFFFFF00 ss:$0x1], $0xffff  }
0x8e: {  	v2 =	vadd.f32 v52, v2  }
0x8f: {  	v55 =	vld.idx.msk [tilespmem:v1+s7+$0xFFFFFF80 ss:$0x1], $0xffff  }
0x90: {  	v2 =	vadd.f32 v53, v2  }
0x91: {  	v56 =	vld.idx.msk [tilespmem:v1+s7+$0x0 ss:$0x1], $0xffff  }
0x92: {  	v2 =	vadd.f32 v54, v2  }
0x93: {  	v57 =	vld.idx.msk [tilespmem:v1+s7+$0x80 ss:$0x1], $0xffff  }
0x94: {  	v2 =	vadd.f32 v55, v2  }
0x95: {  	v58 =	vld.idx.msk [tilespmem:v1+s7+$0x100 ss:$0x1], $0xffff  }
0x96: {  	v2 =	vadd.f32 v56, v2  }
0x97: {  	v59 =	vld.idx.msk [tilespmem:v1+s7+$0x180 ss:$0x1], $0xffff  }
0x98: {  	v2 =	vadd.f32 v57, v2  }
0x99: {  	v60 =	vld.idx.msk [tilespmem:v1+s7+$0x200 ss:$0x1], $0xffff  }
0x9a: {  	v2 =	vadd.f32 v58, v2  }
0x9b: {  	v61 =	vld.idx.msk [tilespmem:v1+s7+$0x280 ss:$0x1], $0xffff  }
0x9c: {  	v2 =	vadd.f32 v59, v2  }
0x9d: {  	v62 =	vld.idx.msk [tilespmem:v1+s7+$0x300 ss:$0x1], $0xffff  }
0x9e: {  	v2 =	vadd.f32 v60, v2  }
0x9f: {  	v63 =	vld.idx.msk [tilespmem:v1+s7+$0x380 ss:$0x1], $0xffff  }
0xa0: {  	s11 =	sadd.s32 $0x1, s11;
	v2 =	vadd.f32 v61, v2  }
0xa1: {  	p1 =	sne.s32 s11, $0x8  }
.Ltmp3:
0xa2: {  	v2 =	vadd.f32 v62, v2;
	(pc) =	sbr.rel @p1 .LBB2_7-.Ltmp3, $3  }
0xa3: {  	_ = 	snop  }
0xa4: {  	v1 =	vadd.f32 v63, v2;
	_ =	sdelay $0x1  }
0xa5: {  	s10 =	sadd.s32 $0x80, s10;
	s12 =	sadd.s32 $0x800, s12;
	[tilespmem:v0+s7+$0x0 ss:$0x1] =	vst.idx.msk $0xffff, v1  }
0xa6: {  	s0 =	sadd.s32 $0x500, s9  }
0xa7: {  	[tilespmem:s19], [sflag:$0x2] =	stream.indirect.gather [hbm4b:s2+s16], $0x80, s0, s16, $0xb8;
	[tilespmem:$0x1AA80] =	vst v63  }
0xa8: {  	_ =	swait.ge [sflag:s30], $0x4000  }
0xa9: {  	s10 =	sadd.s32 $0x17280, s8;
	[sflag:s30] =	ssyncset.done $0x0  }
0xaa: {  	s11 =	simm.s32 $0x0;
	s12 =	simm.s32 $0xAE80;
	[sflag:s30] =	ssyncadd.s32 $0xFFFFC000  }
.LBB2_11:
0xab: {  	v1 =	vmov s12;
	_ =	sdelay $0x3  }
0xac: {  	s7 =	simm.s32 $0x0  }
0xad: {  	v0 =	vmov s10;
	s0 =	simm.s32 $0x40;
	v2 =	vld.idx.msk [tilespmem:v1+s7+$0xFFFFFC80 ss:$0x1], $0xffff  }
.LBB2_12:
0xae: {  	p1 =	sne.s32 s0, $0x1C0;
	v3 =	vld.idx.msk [tilespmem:v1+s7+$0xFFFFFC00 ss:$0x1], $0xffff;
	_ =	sdelay $0x1  }
0xaf: {  	v4 =	vld.idx.msk [tilespmem:v1+s7+$0xFFFFFD00 ss:$0x1], $0xffff;
	_ =	sdelay $0x1  }
0xb0: {  	v5 =	vld.idx.msk [tilespmem:v1+s7+$0xFFFFFD80 ss:$0x1], $0xffff;
	_ =	sdelay $0x1  }
0xb1: {  	v2 =	vadd.f32 v2, v3;
	v3 =	vld.idx.msk [tilespmem:v1+s7+$0xFFFFFE00 ss:$0x1], $0xffff;
	_ =	sdelay $0x1  }
0xb2: {  	v2 =	vadd.f32 v4, v2;
	v4 =	vld.idx.msk [tilespmem:v1+s7+$0xFFFFFE80 ss:$0x1], $0xffff;
	_ =	sdelay $0x1  }
0xb3: {  	v2 =	vadd.f32 v5, v2;
	v5 =	vld.idx.msk [tilespmem:v1+s7+$0xFFFFFF00 ss:$0x1], $0xffff;
	_ =	sdelay $0x1  }
0xb4: {  	v2 =	vadd.f32 v3, v2;
	v3 =	vld.idx.msk [tilespmem:v1+s7+$0xFFFFFF80 ss:$0x1], $0xffff;
	_ =	sdelay $0x1  }
0xb5: {  	v2 =	vadd.f32 v4, v2;
	v4 =	vld.idx.msk [tilespmem:v1+s7+$0x0 ss:$0x1], $0xffff;
	_ =	sdelay $0x1  }
0xb6: {  	v2 =	vadd.f32 v5, v2;
	v5 =	vld.idx.msk [tilespmem:v1+s7+$0x80 ss:$0x1], $0xffff;
	_ =	sdelay $0x1  }
0xb7: {  	v2 =	vadd.f32 v3, v2;
	v3 =	vld.idx.msk [tilespmem:v1+s7+$0x100 ss:$0x1], $0xffff;
	_ =	sdelay $0x1  }
0xb8: {  	v2 =	vadd.f32 v4, v2;
	v4 =	vld.idx.msk [tilespmem:v1+s7+$0x180 ss:$0x1], $0xffff;
	_ =	sdelay $0x1  }
0xb9: {  	v2 =	vadd.f32 v5, v2;
	v5 =	vld.idx.msk [tilespmem:v1+s7+$0x200 ss:$0x1], $0xffff;
	_ =	sdelay $0x1  }
0xba: {  	v2 =	vadd.f32 v3, v2;
	v3 =	vld.idx.msk [tilespmem:v1+s7+$0x280 ss:$0x1], $0xffff;
	_ =	sdelay $0x1  }
0xbb: {  	v2 =	vadd.f32 v4, v2;
	v4 =	vld.idx.msk [tilespmem:v1+s7+$0x300 ss:$0x1], $0xffff;
	_ =	sdelay $0x1  }
0xbc: {  	v2 =	vadd.f32 v5, v2;
	v5 =	vld.idx.msk [tilespmem:v1+s7+$0x380 ss:$0x1], $0xffff;
	_ =	sdelay $0x1  }
0xbd: {  	v2 =	vadd.f32 v3, v2;
	_ =	sdelay $0x1  }
0xbe: {  	v2 =	vadd.f32 v4, v2  }
.Ltmp4:
0xbf: {  	(pc) =	sbr.rel @p1 .LBB2_12-.Ltmp4, $3  }
0xc0: {  	v2 =	vadd.f32 v5, v2;
	_ =	sdelay $0x1  }
0xc1: {  	[tilespmem:v0+s7+$0x0 ss:$0x1] =	vst.idx.msk $0xffff, v2;
	s7 =	sshra.s32 s0, $0x2  }
0xc2: {  	s0 =	sadd.s32 $0x40, s0;
	v2 =	vld.idx.msk [tilespmem:v1+s7+$0xFFFFFC80 ss:$0x1], $0xffff  }
0xc3: {  	_ =	sdelay $0x3  }
0xc4: {  	v3 =	vld.idx.msk [tilespmem:v1+s7+$0xFFFFFC00 ss:$0x1], $0xffff;
	_ =	sdelay $0x1  }
0xc5: {  	v4 =	vld.idx.msk [tilespmem:v1+s7+$0xFFFFFD00 ss:$0x1], $0xffff;
	_ =	sdelay $0x1  }
0xc6: {  	v5 =	vld.idx.msk [tilespmem:v1+s7+$0xFFFFFD80 ss:$0x1], $0xffff  }
0xc7: {  	v2 =	vadd.f32 v2, v3  }
0xc8: {  	v52 =	vld.idx.msk [tilespmem:v1+s7+$0xFFFFFE00 ss:$0x1], $0xffff  }
0xc9: {  	v2 =	vadd.f32 v4, v2  }
0xca: {  	v53 =	vld.idx.msk [tilespmem:v1+s7+$0xFFFFFE80 ss:$0x1], $0xffff  }
0xcb: {  	v2 =	vadd.f32 v5, v2  }
0xcc: {  	v54 =	vld.idx.msk [tilespmem:v1+s7+$0xFFFFFF00 ss:$0x1], $0xffff  }
0xcd: {  	v2 =	vadd.f32 v52, v2  }
0xce: {  	v55 =	vld.idx.msk [tilespmem:v1+s7+$0xFFFFFF80 ss:$0x1], $0xffff  }
0xcf: {  	v2 =	vadd.f32 v53, v2  }
0xd0: {  	v56 =	vld.idx.msk [tilespmem:v1+s7+$0x0 ss:$0x1], $0xffff  }
0xd1: {  	v2 =	vadd.f32 v54, v2  }
0xd2: {  	v57 =	vld.idx.msk [tilespmem:v1+s7+$0x80 ss:$0x1], $0xffff  }
0xd3: {  	v2 =	vadd.f32 v55, v2  }
0xd4: {  	v58 =	vld.idx.msk [tilespmem:v1+s7+$0x100 ss:$0x1], $0xffff  }
0xd5: {  	v2 =	vadd.f32 v56, v2  }
0xd6: {  	v59 =	vld.idx.msk [tilespmem:v1+s7+$0x180 ss:$0x1], $0xffff  }
0xd7: {  	v2 =	vadd.f32 v57, v2  }
0xd8: {  	v60 =	vld.idx.msk [tilespmem:v1+s7+$0x200 ss:$0x1], $0xffff  }
0xd9: {  	v2 =	vadd.f32 v58, v2  }
0xda: {  	v61 =	vld.idx.msk [tilespmem:v1+s7+$0x280 ss:$0x1], $0xffff  }
0xdb: {  	v2 =	vadd.f32 v59, v2  }
0xdc: {  	v62 =	vld.idx.msk [tilespmem:v1+s7+$0x300 ss:$0x1], $0xffff  }
0xdd: {  	v2 =	vadd.f32 v60, v2  }
0xde: {  	v63 =	vld.idx.msk [tilespmem:v1+s7+$0x380 ss:$0x1], $0xffff  }
0xdf: {  	s11 =	sadd.s32 $0x1, s11;
	v2 =	vadd.f32 v61, v2  }
0xe0: {  	p1 =	sne.s32 s11, $0x8  }
.Ltmp5:
0xe1: {  	v2 =	vadd.f32 v62, v2;
	(pc) =	sbr.rel @p1 .LBB2_11-.Ltmp5, $3  }
0xe2: {  	_ = 	snop  }
0xe3: {  	v1 =	vadd.f32 v63, v2;
	_ =	sdelay $0x1  }
0xe4: {  	s10 =	sadd.s32 $0x80, s10;
	s12 =	sadd.s32 $0x800, s12;
	[tilespmem:v0+s7+$0x0 ss:$0x1] =	vst.idx.msk $0xffff, v1  }
0xe5: {  	s0 =	sadd.s32 $0x580, s9  }
0xe6: {  	[tilespmem:s21], [sflag:$0x3] =	stream.indirect.gather [hbm4b:s2+s16], $0x80, s0, s16, $0xb8;
	[tilespmem:$0x1AA80] =	vst v63  }
0xe7: {  	_ =	swait.ge [sflag:s31], $0x4000  }
0xe8: {  	s8 =	sadd.s32 $0x17680, s8;
	[sflag:s31] =	ssyncset.done $0x0  }
0xe9: {  	s10 =	simm.s32 $0x0;
	s11 =	simm.s32 $0xEE80;
	[sflag:s31] =	ssyncadd.s32 $0xFFFFC000  }
.LBB2_15:
0xea: {  	v1 =	vmov s11;
	_ =	sdelay $0x3  }
0xeb: {  	s7 =	simm.s32 $0x0  }
0xec: {  	v0 =	vmov s8;
	s0 =	simm.s32 $0x40;
	v2 =	vld.idx.msk [tilespmem:v1+s7+$0xFFFFFC80 ss:$0x1], $0xffff  }
.LBB2_16:
0xed: {  	p1 =	sne.s32 s0, $0x1C0;
	v3 =	vld.idx.msk [tilespmem:v1+s7+$0xFFFFFC00 ss:$0x1], $0xffff;
	_ =	sdelay $0x1  }
0xee: {  	v4 =	vld.idx.msk [tilespmem:v1+s7+$0xFFFFFD00 ss:$0x1], $0xffff;
	_ =	sdelay $0x1  }
0xef: {  	v5 =	vld.idx.msk [tilespmem:v1+s7+$0xFFFFFD80 ss:$0x1], $0xffff;
	_ =	sdelay $0x1  }
0xf0: {  	v2 =	vadd.f32 v2, v3;
	v3 =	vld.idx.msk [tilespmem:v1+s7+$0xFFFFFE00 ss:$0x1], $0xffff;
	_ =	sdelay $0x1  }
0xf1: {  	v2 =	vadd.f32 v4, v2;
	v4 =	vld.idx.msk [tilespmem:v1+s7+$0xFFFFFE80 ss:$0x1], $0xffff;
	_ =	sdelay $0x1  }
0xf2: {  	v2 =	vadd.f32 v5, v2;
	v5 =	vld.idx.msk [tilespmem:v1+s7+$0xFFFFFF00 ss:$0x1], $0xffff;
	_ =	sdelay $0x1  }
0xf3: {  	v2 =	vadd.f32 v3, v2;
	v3 =	vld.idx.msk [tilespmem:v1+s7+$0xFFFFFF80 ss:$0x1], $0xffff;
	_ =	sdelay $0x1  }
0xf4: {  	v2 =	vadd.f32 v4, v2;
	v4 =	vld.idx.msk [tilespmem:v1+s7+$0x0 ss:$0x1], $0xffff;
	_ =	sdelay $0x1  }
0xf5: {  	v2 =	vadd.f32 v5, v2;
	v5 =	vld.idx.msk [tilespmem:v1+s7+$0x80 ss:$0x1], $0xffff;
	_ =	sdelay $0x1  }
0xf6: {  	v2 =	vadd.f32 v3, v2;
	v3 =	vld.idx.msk [tilespmem:v1+s7+$0x100 ss:$0x1], $0xffff;
	_ =	sdelay $0x1  }
0xf7: {  	v2 =	vadd.f32 v4, v2;
	v4 =	vld.idx.msk [tilespmem:v1+s7+$0x180 ss:$0x1], $0xffff;
	_ =	sdelay $0x1  }
0xf8: {  	v2 =	vadd.f32 v5, v2;
	v5 =	vld.idx.msk [tilespmem:v1+s7+$0x200 ss:$0x1], $0xffff;
	_ =	sdelay $0x1  }
0xf9: {  	v2 =	vadd.f32 v3, v2;
	v3 =	vld.idx.msk [tilespmem:v1+s7+$0x280 ss:$0x1], $0xffff;
	_ =	sdelay $0x1  }
0xfa: {  	v2 =	vadd.f32 v4, v2;
	v4 =	vld.idx.msk [tilespmem:v1+s7+$0x300 ss:$0x1], $0xffff;
	_ =	sdelay $0x1  }
0xfb: {  	v2 =	vadd.f32 v5, v2;
	v5 =	vld.idx.msk [tilespmem:v1+s7+$0x380 ss:$0x1], $0xffff;
	_ =	sdelay $0x1  }
0xfc: {  	v2 =	vadd.f32 v3, v2;
	_ =	sdelay $0x1  }
0xfd: {  	v2 =	vadd.f32 v4, v2  }
.Ltmp6:
0xfe: {  	(pc) =	sbr.rel @p1 .LBB2_16-.Ltmp6, $3  }
0xff: {  	v2 =	vadd.f32 v5, v2;
	_ =	sdelay $0x1  }
0x100: {  	[tilespmem:v0+s7+$0x0 ss:$0x1] =	vst.idx.msk $0xffff, v2;
	s7 =	sshra.s32 s0, $0x2  }
0x101: {  	s0 =	sadd.s32 $0x40, s0;
	v2 =	vld.idx.msk [tilespmem:v1+s7+$0xFFFFFC80 ss:$0x1], $0xffff  }
0x102: {  	_ =	sdelay $0x3  }
0x103: {  	v3 =	vld.idx.msk [tilespmem:v1+s7+$0xFFFFFC00 ss:$0x1], $0xffff;
	_ =	sdelay $0x1  }
0x104: {  	v4 =	vld.idx.msk [tilespmem:v1+s7+$0xFFFFFD00 ss:$0x1], $0xffff;
	_ =	sdelay $0x1  }
0x105: {  	v5 =	vld.idx.msk [tilespmem:v1+s7+$0xFFFFFD80 ss:$0x1], $0xffff  }
0x106: {  	v2 =	vadd.f32 v2, v3  }
0x107: {  	v52 =	vld.idx.msk [tilespmem:v1+s7+$0xFFFFFE00 ss:$0x1], $0xffff  }
0x108: {  	v2 =	vadd.f32 v4, v2  }
0x109: {  	v53 =	vld.idx.msk [tilespmem:v1+s7+$0xFFFFFE80 ss:$0x1], $0xffff  }
0x10a: {  	v2 =	vadd.f32 v5, v2  }
0x10b: {  	v54 =	vld.idx.msk [tilespmem:v1+s7+$0xFFFFFF00 ss:$0x1], $0xffff  }
0x10c: {  	v2 =	vadd.f32 v52, v2  }
0x10d: {  	v55 =	vld.idx.msk [tilespmem:v1+s7+$0xFFFFFF80 ss:$0x1], $0xffff  }
0x10e: {  	v2 =	vadd.f32 v53, v2  }
0x10f: {  	v56 =	vld.idx.msk [tilespmem:v1+s7+$0x0 ss:$0x1], $0xffff  }
0x110: {  	v2 =	vadd.f32 v54, v2  }
0x111: {  	v57 =	vld.idx.msk [tilespmem:v1+s7+$0x80 ss:$0x1], $0xffff  }
0x112: {  	v2 =	vadd.f32 v55, v2  }
0x113: {  	v58 =	vld.idx.msk [tilespmem:v1+s7+$0x100 ss:$0x1], $0xffff  }
0x114: {  	v2 =	vadd.f32 v56, v2  }
0x115: {  	v59 =	vld.idx.msk [tilespmem:v1+s7+$0x180 ss:$0x1], $0xffff  }
0x116: {  	v2 =	vadd.f32 v57, v2  }
0x117: {  	v60 =	vld.idx.msk [tilespmem:v1+s7+$0x200 ss:$0x1], $0xffff  }
0x118: {  	v2 =	vadd.f32 v58, v2  }
0x119: {  	v61 =	vld.idx.msk [tilespmem:v1+s7+$0x280 ss:$0x1], $0xffff  }
0x11a: {  	v2 =	vadd.f32 v59, v2  }
0x11b: {  	v62 =	vld.idx.msk [tilespmem:v1+s7+$0x300 ss:$0x1], $0xffff  }
0x11c: {  	v2 =	vadd.f32 v60, v2  }
0x11d: {  	v63 =	vld.idx.msk [tilespmem:v1+s7+$0x380 ss:$0x1], $0xffff  }
0x11e: {  	s10 =	sadd.s32 $0x1, s10;
	v2 =	vadd.f32 v61, v2  }
0x11f: {  	p1 =	sne.s32 s10, $0x8  }
.Ltmp7:
0x120: {  	v2 =	vadd.f32 v62, v2;
	(pc) =	sbr.rel @p1 .LBB2_15-.Ltmp7, $3  }
0x121: {  	_ = 	snop  }
0x122: {  	v1 =	vadd.f32 v63, v2;
	_ =	sdelay $0x1  }
0x123: {  	s8 =	sadd.s32 $0x80, s8;
	s11 =	sadd.s32 $0x800, s11;
	[tilespmem:v0+s7+$0x0 ss:$0x1] =	vst.idx.msk $0xffff, v1  }
.Ltmp8:
0x124: {  	(pc) =	sbr.rel @p0 .LBB2_2-.Ltmp8, $3  }
0x125: {  	_ =	sdelay $0x1  }
0x126: {  	s0 =	sadd.s32 $0x600, s9;
	s9 =	simm.s32 $0x1;
	p1 =	por $0x0, $0x0  }
0x127: {  	[tilespmem:s23], [sflag:$0x4] =	stream.indirect.gather [hbm4b:s2+s16], $0x80, s0, s16, $0xb8;
	[tilespmem:$0x1AA80] =	vst v63  }
0x128: {  	_ =	swait.ge [sflag:s1], $0x2000  }
0x129: {  	s9 =	simm.s32 $0x0;
	[sflag:s1] =	ssyncset.done $0x0  }
0x12a: {  	s7 =	simm.s32 $0x16A80;
	s0 =	rddreg [dreg:$0x6];
	[sflag:s1] =	ssyncadd.s32 $0xFFFFE000  }
0x12b: {  	[hbm4b:s0+s9] =	stream.linear.scatter [tilespmem:s7], [sflag:$0x7], $0x2000, $0x38;
	[tilespmem:$0x1AA80] =	vst v63  }
0x12c: {  	p1 =	por $0x1, $0x1;
	s20 =	rddreg [dreg:$0x7]  }
0x12d: {  	[hbm4b:s20+s9] =	stream.linear.scatter [tilespmem:s25], [sflag:$0x7], $0x2000, $0x38;
	[tilespmem:$0x1AA80] =	vst v63  }
.LBB2_20:
0x12e: {  	_ =	swait.ge [sflag:s28], $0x4000;
	s0 =	sshll.u32 s9, $0xE;
	p0 =	por p1, p1  }
0x12f: {  	s11 =	simm.s32 $0x2E80;
	[sflag:s28] =	ssyncset.done $0x0;
	s8 =	sshra.s32 s0, $0x2  }
0x130: {  	s12 =	simm.s32 $0x0;
	[sflag:s28] =	ssyncadd.s32 $0xFFFFC000;
	s10 =	sadd.s32 $0x18A80, s8  }
.LBB2_21:
0x131: {  	v1 =	vmov s11;
	_ =	sdelay $0x3  }
0x132: {  	s7 =	simm.s32 $0x0  }
0x133: {  	v0 =	vmov s10;
	s0 =	simm.s32 $0x40;
	v2 =	vld.idx.msk [tilespmem:v1+s7+$0xFFFFFC80 ss:$0x1], $0xffff  }
.LBB2_22:
0x134: {  	p1 =	sne.s32 s0, $0x1C0;
	v3 =	vld.idx.msk [tilespmem:v1+s7+$0xFFFFFC00 ss:$0x1], $0xffff;
	_ =	sdelay $0x1  }
0x135: {  	v4 =	vld.idx.msk [tilespmem:v1+s7+$0xFFFFFD00 ss:$0x1], $0xffff;
	_ =	sdelay $0x1  }
0x136: {  	v5 =	vld.idx.msk [tilespmem:v1+s7+$0xFFFFFD80 ss:$0x1], $0xffff;
	_ =	sdelay $0x1  }
0x137: {  	v2 =	vadd.f32 v2, v3;
	v3 =	vld.idx.msk [tilespmem:v1+s7+$0xFFFFFE00 ss:$0x1], $0xffff;
	_ =	sdelay $0x1  }
0x138: {  	v2 =	vadd.f32 v4, v2;
	v4 =	vld.idx.msk [tilespmem:v1+s7+$0xFFFFFE80 ss:$0x1], $0xffff;
	_ =	sdelay $0x1  }
0x139: {  	v2 =	vadd.f32 v5, v2;
	v5 =	vld.idx.msk [tilespmem:v1+s7+$0xFFFFFF00 ss:$0x1], $0xffff;
	_ =	sdelay $0x1  }
0x13a: {  	v2 =	vadd.f32 v3, v2;
	v3 =	vld.idx.msk [tilespmem:v1+s7+$0xFFFFFF80 ss:$0x1], $0xffff;
	_ =	sdelay $0x1  }
0x13b: {  	v2 =	vadd.f32 v4, v2;
	v4 =	vld.idx.msk [tilespmem:v1+s7+$0x0 ss:$0x1], $0xffff;
	_ =	sdelay $0x1  }
0x13c: {  	v2 =	vadd.f32 v5, v2;
	v5 =	vld.idx.msk [tilespmem:v1+s7+$0x80 ss:$0x1], $0xffff;
	_ =	sdelay $0x1  }
0x13d: {  	v2 =	vadd.f32 v3, v2;
	v3 =	vld.idx.msk [tilespmem:v1+s7+$0x100 ss:$0x1], $0xffff;
	_ =	sdelay $0x1  }
0x13e: {  	v2 =	vadd.f32 v4, v2;
	v4 =	vld.idx.msk [tilespmem:v1+s7+$0x180 ss:$0x1], $0xffff;
	_ =	sdelay $0x1  }
0x13f: {  	v2 =	vadd.f32 v5, v2;
	v5 =	vld.idx.msk [tilespmem:v1+s7+$0x200 ss:$0x1], $0xffff;
	_ =	sdelay $0x1  }
0x140: {  	v2 =	vadd.f32 v3, v2;
	v3 =	vld.idx.msk [tilespmem:v1+s7+$0x280 ss:$0x1], $0xffff;
	_ =	sdelay $0x1  }
0x141: {  	v2 =	vadd.f32 v4, v2;
	v4 =	vld.idx.msk [tilespmem:v1+s7+$0x300 ss:$0x1], $0xffff;
	_ =	sdelay $0x1  }
0x142: {  	v2 =	vadd.f32 v5, v2;
	v5 =	vld.idx.msk [tilespmem:v1+s7+$0x380 ss:$0x1], $0xffff;
	_ =	sdelay $0x1  }
0x143: {  	v2 =	vadd.f32 v3, v2;
	_ =	sdelay $0x1  }
0x144: {  	v2 =	vadd.f32 v4, v2  }
.Ltmp9:
0x145: {  	(pc) =	sbr.rel @p1 .LBB2_22-.Ltmp9, $3  }
0x146: {  	v2 =	vadd.f32 v5, v2;
	_ =	sdelay $0x1  }
0x147: {  	[tilespmem:v0+s7+$0x0 ss:$0x1] =	vst.idx.msk $0xffff, v2;
	s7 =	sshra.s32 s0, $0x2  }
0x148: {  	s0 =	sadd.s32 $0x40, s0;
	v2 =	vld.idx.msk [tilespmem:v1+s7+$0xFFFFFC80 ss:$0x1], $0xffff  }
0x149: {  	_ =	sdelay $0x3  }
0x14a: {  	v3 =	vld.idx.msk [tilespmem:v1+s7+$0xFFFFFC00 ss:$0x1], $0xffff;
	_ =	sdelay $0x1  }
0x14b: {  	v4 =	vld.idx.msk [tilespmem:v1+s7+$0xFFFFFD00 ss:$0x1], $0xffff;
	_ =	sdelay $0x1  }
0x14c: {  	v5 =	vld.idx.msk [tilespmem:v1+s7+$0xFFFFFD80 ss:$0x1], $0xffff  }
0x14d: {  	v2 =	vadd.f32 v2, v3  }
0x14e: {  	v52 =	vld.idx.msk [tilespmem:v1+s7+$0xFFFFFE00 ss:$0x1], $0xffff  }
0x14f: {  	v2 =	vadd.f32 v4, v2  }
0x150: {  	v53 =	vld.idx.msk [tilespmem:v1+s7+$0xFFFFFE80 ss:$0x1], $0xffff  }
0x151: {  	v2 =	vadd.f32 v5, v2  }
0x152: {  	v54 =	vld.idx.msk [tilespmem:v1+s7+$0xFFFFFF00 ss:$0x1], $0xffff  }
0x153: {  	v2 =	vadd.f32 v52, v2  }
0x154: {  	v55 =	vld.idx.msk [tilespmem:v1+s7+$0xFFFFFF80 ss:$0x1], $0xffff  }
0x155: {  	v2 =	vadd.f32 v53, v2  }
0x156: {  	v56 =	vld.idx.msk [tilespmem:v1+s7+$0x0 ss:$0x1], $0xffff  }
0x157: {  	v2 =	vadd.f32 v54, v2  }
0x158: {  	v57 =	vld.idx.msk [tilespmem:v1+s7+$0x80 ss:$0x1], $0xffff  }
0x159: {  	v2 =	vadd.f32 v55, v2  }
0x15a: {  	v58 =	vld.idx.msk [tilespmem:v1+s7+$0x100 ss:$0x1], $0xffff  }
0x15b: {  	v2 =	vadd.f32 v56, v2  }
0x15c: {  	v59 =	vld.idx.msk [tilespmem:v1+s7+$0x180 ss:$0x1], $0xffff  }
0x15d: {  	v2 =	vadd.f32 v57, v2  }
0x15e: {  	v60 =	vld.idx.msk [tilespmem:v1+s7+$0x200 ss:$0x1], $0xffff  }
0x15f: {  	v2 =	vadd.f32 v58, v2  }
0x160: {  	v61 =	vld.idx.msk [tilespmem:v1+s7+$0x280 ss:$0x1], $0xffff  }
0x161: {  	v2 =	vadd.f32 v59, v2  }
0x162: {  	v62 =	vld.idx.msk [tilespmem:v1+s7+$0x300 ss:$0x1], $0xffff  }
0x163: {  	v2 =	vadd.f32 v60, v2  }
0x164: {  	v63 =	vld.idx.msk [tilespmem:v1+s7+$0x380 ss:$0x1], $0xffff  }
0x165: {  	s12 =	sadd.s32 $0x1, s12;
	v2 =	vadd.f32 v61, v2  }
0x166: {  	p1 =	sne.s32 s12, $0x8  }
.Ltmp10:
0x167: {  	v2 =	vadd.f32 v62, v2;
	(pc) =	sbr.rel @p1 .LBB2_21-.Ltmp10, $3  }
0x168: {  	_ = 	snop  }
0x169: {  	v1 =	vadd.f32 v63, v2;
	_ =	sdelay $0x1  }
0x16a: {  	s10 =	sadd.s32 $0x80, s10;
	s11 =	sadd.s32 $0x800, s11;
	[tilespmem:v0+s7+$0x0 ss:$0x1] =	vst.idx.msk $0xffff, v1  }
0x16b: {  	s0 =	sshll.u32 s9, $0x9  }
0x16c: {  	s9 =	sand.u32 $0x3FFFFE00, s0  }
0x16d: {  	s0 =	sadd.s32 $0x880, s9  }
0x16e: {  	[tilespmem:s17], [sflag:$0x1] =	stream.indirect.gather [hbm4b:s2+s16], $0x80, s0, s16, $0xb8;
	[tilespmem:$0x1AA80] =	vst v63  }
0x16f: {  	_ =	swait.ge [sflag:s29], $0x4000  }
0x170: {  	s10 =	sadd.s32 $0x18E80, s8;
	[sflag:s29] =	ssyncset.done $0x0  }
0x171: {  	s11 =	simm.s32 $0x0;
	s12 =	simm.s32 $0x6E80;
	[sflag:s29] =	ssyncadd.s32 $0xFFFFC000  }
.LBB2_25:
0x172: {  	v1 =	vmov s12;
	_ =	sdelay $0x3  }
0x173: {  	s7 =	simm.s32 $0x0  }
0x174: {  	v0 =	vmov s10;
	s0 =	simm.s32 $0x40;
	v2 =	vld.idx.msk [tilespmem:v1+s7+$0xFFFFFC80 ss:$0x1], $0xffff  }
.LBB2_26:
0x175: {  	p1 =	sne.s32 s0, $0x1C0;
	v3 =	vld.idx.msk [tilespmem:v1+s7+$0xFFFFFC00 ss:$0x1], $0xffff;
	_ =	sdelay $0x1  }
0x176: {  	v4 =	vld.idx.msk [tilespmem:v1+s7+$0xFFFFFD00 ss:$0x1], $0xffff;
	_ =	sdelay $0x1  }
0x177: {  	v5 =	vld.idx.msk [tilespmem:v1+s7+$0xFFFFFD80 ss:$0x1], $0xffff;
	_ =	sdelay $0x1  }
0x178: {  	v2 =	vadd.f32 v2, v3;
	v3 =	vld.idx.msk [tilespmem:v1+s7+$0xFFFFFE00 ss:$0x1], $0xffff;
	_ =	sdelay $0x1  }
0x179: {  	v2 =	vadd.f32 v4, v2;
	v4 =	vld.idx.msk [tilespmem:v1+s7+$0xFFFFFE80 ss:$0x1], $0xffff;
	_ =	sdelay $0x1  }
0x17a: {  	v2 =	vadd.f32 v5, v2;
	v5 =	vld.idx.msk [tilespmem:v1+s7+$0xFFFFFF00 ss:$0x1], $0xffff;
	_ =	sdelay $0x1  }
0x17b: {  	v2 =	vadd.f32 v3, v2;
	v3 =	vld.idx.msk [tilespmem:v1+s7+$0xFFFFFF80 ss:$0x1], $0xffff;
	_ =	sdelay $0x1  }
0x17c: {  	v2 =	vadd.f32 v4, v2;
	v4 =	vld.idx.msk [tilespmem:v1+s7+$0x0 ss:$0x1], $0xffff;
	_ =	sdelay $0x1  }
0x17d: {  	v2 =	vadd.f32 v5, v2;
	v5 =	vld.idx.msk [tilespmem:v1+s7+$0x80 ss:$0x1], $0xffff;
	_ =	sdelay $0x1  }
0x17e: {  	v2 =	vadd.f32 v3, v2;
	v3 =	vld.idx.msk [tilespmem:v1+s7+$0x100 ss:$0x1], $0xffff;
	_ =	sdelay $0x1  }
0x17f: {  	v2 =	vadd.f32 v4, v2;
	v4 =	vld.idx.msk [tilespmem:v1+s7+$0x180 ss:$0x1], $0xffff;
	_ =	sdelay $0x1  }
0x180: {  	v2 =	vadd.f32 v5, v2;
	v5 =	vld.idx.msk [tilespmem:v1+s7+$0x200 ss:$0x1], $0xffff;
	_ =	sdelay $0x1  }
0x181: {  	v2 =	vadd.f32 v3, v2;
	v3 =	vld.idx.msk [tilespmem:v1+s7+$0x280 ss:$0x1], $0xffff;
	_ =	sdelay $0x1  }
0x182: {  	v2 =	vadd.f32 v4, v2;
	v4 =	vld.idx.msk [tilespmem:v1+s7+$0x300 ss:$0x1], $0xffff;
	_ =	sdelay $0x1  }
0x183: {  	v2 =	vadd.f32 v5, v2;
	v5 =	vld.idx.msk [tilespmem:v1+s7+$0x380 ss:$0x1], $0xffff;
	_ =	sdelay $0x1  }
0x184: {  	v2 =	vadd.f32 v3, v2;
	_ =	sdelay $0x1  }
0x185: {  	v2 =	vadd.f32 v4, v2  }
.Ltmp11:
0x186: {  	(pc) =	sbr.rel @p1 .LBB2_26-.Ltmp11, $3  }
0x187: {  	v2 =	vadd.f32 v5, v2;
	_ =	sdelay $0x1  }
0x188: {  	[tilespmem:v0+s7+$0x0 ss:$0x1] =	vst.idx.msk $0xffff, v2;
	s7 =	sshra.s32 s0, $0x2  }
0x189: {  	s0 =	sadd.s32 $0x40, s0;
	v2 =	vld.idx.msk [tilespmem:v1+s7+$0xFFFFFC80 ss:$0x1], $0xffff  }
0x18a: {  	_ =	sdelay $0x3  }
0x18b: {  	v3 =	vld.idx.msk [tilespmem:v1+s7+$0xFFFFFC00 ss:$0x1], $0xffff;
	_ =	sdelay $0x1  }
0x18c: {  	v4 =	vld.idx.msk [tilespmem:v1+s7+$0xFFFFFD00 ss:$0x1], $0xffff;
	_ =	sdelay $0x1  }
0x18d: {  	v5 =	vld.idx.msk [tilespmem:v1+s7+$0xFFFFFD80 ss:$0x1], $0xffff  }
0x18e: {  	v2 =	vadd.f32 v2, v3  }
0x18f: {  	v52 =	vld.idx.msk [tilespmem:v1+s7+$0xFFFFFE00 ss:$0x1], $0xffff  }
0x190: {  	v2 =	vadd.f32 v4, v2  }
0x191: {  	v53 =	vld.idx.msk [tilespmem:v1+s7+$0xFFFFFE80 ss:$0x1], $0xffff  }
0x192: {  	v2 =	vadd.f32 v5, v2  }
0x193: {  	v54 =	vld.idx.msk [tilespmem:v1+s7+$0xFFFFFF00 ss:$0x1], $0xffff  }
0x194: {  	v2 =	vadd.f32 v52, v2  }
0x195: {  	v55 =	vld.idx.msk [tilespmem:v1+s7+$0xFFFFFF80 ss:$0x1], $0xffff  }
0x196: {  	v2 =	vadd.f32 v53, v2  }
0x197: {  	v56 =	vld.idx.msk [tilespmem:v1+s7+$0x0 ss:$0x1], $0xffff  }
0x198: {  	v2 =	vadd.f32 v54, v2  }
0x199: {  	v57 =	vld.idx.msk [tilespmem:v1+s7+$0x80 ss:$0x1], $0xffff  }
0x19a: {  	v2 =	vadd.f32 v55, v2  }
0x19b: {  	v58 =	vld.idx.msk [tilespmem:v1+s7+$0x100 ss:$0x1], $0xffff  }
0x19c: {  	v2 =	vadd.f32 v56, v2  }
0x19d: {  	v59 =	vld.idx.msk [tilespmem:v1+s7+$0x180 ss:$0x1], $0xffff  }
0x19e: {  	v2 =	vadd.f32 v57, v2  }
0x19f: {  	v60 =	vld.idx.msk [tilespmem:v1+s7+$0x200 ss:$0x1], $0xffff  }
0x1a0: {  	v2 =	vadd.f32 v58, v2  }
0x1a1: {  	v61 =	vld.idx.msk [tilespmem:v1+s7+$0x280 ss:$0x1], $0xffff  }
0x1a2: {  	v2 =	vadd.f32 v59, v2  }
0x1a3: {  	v62 =	vld.idx.msk [tilespmem:v1+s7+$0x300 ss:$0x1], $0xffff  }
0x1a4: {  	v2 =	vadd.f32 v60, v2  }
0x1a5: {  	v63 =	vld.idx.msk [tilespmem:v1+s7+$0x380 ss:$0x1], $0xffff  }
0x1a6: {  	s11 =	sadd.s32 $0x1, s11;
	v2 =	vadd.f32 v61, v2  }
0x1a7: {  	p1 =	sne.s32 s11, $0x8  }
.Ltmp12:
0x1a8: {  	v2 =	vadd.f32 v62, v2;
	(pc) =	sbr.rel @p1 .LBB2_25-.Ltmp12, $3  }
0x1a9: {  	_ = 	snop  }
0x1aa: {  	v1 =	vadd.f32 v63, v2;
	_ =	sdelay $0x1  }
0x1ab: {  	s10 =	sadd.s32 $0x80, s10;
	s12 =	sadd.s32 $0x800, s12;
	[tilespmem:v0+s7+$0x0 ss:$0x1] =	vst.idx.msk $0xffff, v1  }
0x1ac: {  	s0 =	sadd.s32 $0x900, s9  }
0x1ad: {  	[tilespmem:s19], [sflag:$0x2] =	stream.indirect.gather [hbm4b:s2+s16], $0x80, s0, s16, $0xb8;
	[tilespmem:$0x1AA80] =	vst v63  }
0x1ae: {  	_ =	swait.ge [sflag:s30], $0x4000  }
0x1af: {  	s10 =	sadd.s32 $0x19280, s8;
	[sflag:s30] =	ssyncset.done $0x0  }
0x1b0: {  	s11 =	simm.s32 $0x0;
	s12 =	simm.s32 $0xAE80;
	[sflag:s30] =	ssyncadd.s32 $0xFFFFC000  }
.LBB2_29:
0x1b1: {  	v1 =	vmov s12;
	_ =	sdelay $0x3  }
0x1b2: {  	s7 =	simm.s32 $0x0  }
0x1b3: {  	v0 =	vmov s10;
	s0 =	simm.s32 $0x40;
	v2 =	vld.idx.msk [tilespmem:v1+s7+$0xFFFFFC80 ss:$0x1], $0xffff  }
.LBB2_30:
0x1b4: {  	p1 =	sne.s32 s0, $0x1C0;
	v3 =	vld.idx.msk [tilespmem:v1+s7+$0xFFFFFC00 ss:$0x1], $0xffff;
	_ =	sdelay $0x1  }
0x1b5: {  	v4 =	vld.idx.msk [tilespmem:v1+s7+$0xFFFFFD00 ss:$0x1], $0xffff;
	_ =	sdelay $0x1  }
0x1b6: {  	v5 =	vld.idx.msk [tilespmem:v1+s7+$0xFFFFFD80 ss:$0x1], $0xffff;
	_ =	sdelay $0x1  }
0x1b7: {  	v2 =	vadd.f32 v2, v3;
	v3 =	vld.idx.msk [tilespmem:v1+s7+$0xFFFFFE00 ss:$0x1], $0xffff;
	_ =	sdelay $0x1  }
0x1b8: {  	v2 =	vadd.f32 v4, v2;
	v4 =	vld.idx.msk [tilespmem:v1+s7+$0xFFFFFE80 ss:$0x1], $0xffff;
	_ =	sdelay $0x1  }
0x1b9: {  	v2 =	vadd.f32 v5, v2;
	v5 =	vld.idx.msk [tilespmem:v1+s7+$0xFFFFFF00 ss:$0x1], $0xffff;
	_ =	sdelay $0x1  }
0x1ba: {  	v2 =	vadd.f32 v3, v2;
	v3 =	vld.idx.msk [tilespmem:v1+s7+$0xFFFFFF80 ss:$0x1], $0xffff;
	_ =	sdelay $0x1  }
0x1bb: {  	v2 =	vadd.f32 v4, v2;
	v4 =	vld.idx.msk [tilespmem:v1+s7+$0x0 ss:$0x1], $0xffff;
	_ =	sdelay $0x1  }
0x1bc: {  	v2 =	vadd.f32 v5, v2;
	v5 =	vld.idx.msk [tilespmem:v1+s7+$0x80 ss:$0x1], $0xffff;
	_ =	sdelay $0x1  }
0x1bd: {  	v2 =	vadd.f32 v3, v2;
	v3 =	vld.idx.msk [tilespmem:v1+s7+$0x100 ss:$0x1], $0xffff;
	_ =	sdelay $0x1  }
0x1be: {  	v2 =	vadd.f32 v4, v2;
	v4 =	vld.idx.msk [tilespmem:v1+s7+$0x180 ss:$0x1], $0xffff;
	_ =	sdelay $0x1  }
0x1bf: {  	v2 =	vadd.f32 v5, v2;
	v5 =	vld.idx.msk [tilespmem:v1+s7+$0x200 ss:$0x1], $0xffff;
	_ =	sdelay $0x1  }
0x1c0: {  	v2 =	vadd.f32 v3, v2;
	v3 =	vld.idx.msk [tilespmem:v1+s7+$0x280 ss:$0x1], $0xffff;
	_ =	sdelay $0x1  }
0x1c1: {  	v2 =	vadd.f32 v4, v2;
	v4 =	vld.idx.msk [tilespmem:v1+s7+$0x300 ss:$0x1], $0xffff;
	_ =	sdelay $0x1  }
0x1c2: {  	v2 =	vadd.f32 v5, v2;
	v5 =	vld.idx.msk [tilespmem:v1+s7+$0x380 ss:$0x1], $0xffff;
	_ =	sdelay $0x1  }
0x1c3: {  	v2 =	vadd.f32 v3, v2;
	_ =	sdelay $0x1  }
0x1c4: {  	v2 =	vadd.f32 v4, v2  }
.Ltmp13:
0x1c5: {  	(pc) =	sbr.rel @p1 .LBB2_30-.Ltmp13, $3  }
0x1c6: {  	v2 =	vadd.f32 v5, v2;
	_ =	sdelay $0x1  }
0x1c7: {  	[tilespmem:v0+s7+$0x0 ss:$0x1] =	vst.idx.msk $0xffff, v2;
	s7 =	sshra.s32 s0, $0x2  }
0x1c8: {  	s0 =	sadd.s32 $0x40, s0;
	v2 =	vld.idx.msk [tilespmem:v1+s7+$0xFFFFFC80 ss:$0x1], $0xffff  }
0x1c9: {  	_ =	sdelay $0x3  }
0x1ca: {  	v3 =	vld.idx.msk [tilespmem:v1+s7+$0xFFFFFC00 ss:$0x1], $0xffff;
	_ =	sdelay $0x1  }
0x1cb: {  	v4 =	vld.idx.msk [tilespmem:v1+s7+$0xFFFFFD00 ss:$0x1], $0xffff;
	_ =	sdelay $0x1  }
0x1cc: {  	v5 =	vld.idx.msk [tilespmem:v1+s7+$0xFFFFFD80 ss:$0x1], $0xffff  }
0x1cd: {  	v2 =	vadd.f32 v2, v3  }
0x1ce: {  	v52 =	vld.idx.msk [tilespmem:v1+s7+$0xFFFFFE00 ss:$0x1], $0xffff  }
0x1cf: {  	v2 =	vadd.f32 v4, v2  }
0x1d0: {  	v53 =	vld.idx.msk [tilespmem:v1+s7+$0xFFFFFE80 ss:$0x1], $0xffff  }
0x1d1: {  	v2 =	vadd.f32 v5, v2  }
0x1d2: {  	v54 =	vld.idx.msk [tilespmem:v1+s7+$0xFFFFFF00 ss:$0x1], $0xffff  }
0x1d3: {  	v2 =	vadd.f32 v52, v2  }
0x1d4: {  	v55 =	vld.idx.msk [tilespmem:v1+s7+$0xFFFFFF80 ss:$0x1], $0xffff  }
0x1d5: {  	v2 =	vadd.f32 v53, v2  }
0x1d6: {  	v56 =	vld.idx.msk [tilespmem:v1+s7+$0x0 ss:$0x1], $0xffff  }
0x1d7: {  	v2 =	vadd.f32 v54, v2  }
0x1d8: {  	v57 =	vld.idx.msk [tilespmem:v1+s7+$0x80 ss:$0x1], $0xffff  }
0x1d9: {  	v2 =	vadd.f32 v55, v2  }
0x1da: {  	v58 =	vld.idx.msk [tilespmem:v1+s7+$0x100 ss:$0x1], $0xffff  }
0x1db: {  	v2 =	vadd.f32 v56, v2  }
0x1dc: {  	v59 =	vld.idx.msk [tilespmem:v1+s7+$0x180 ss:$0x1], $0xffff  }
0x1dd: {  	v2 =	vadd.f32 v57, v2  }
0x1de: {  	v60 =	vld.idx.msk [tilespmem:v1+s7+$0x200 ss:$0x1], $0xffff  }
0x1df: {  	v2 =	vadd.f32 v58, v2  }
0x1e0: {  	v61 =	vld.idx.msk [tilespmem:v1+s7+$0x280 ss:$0x1], $0xffff  }
0x1e1: {  	v2 =	vadd.f32 v59, v2  }
0x1e2: {  	v62 =	vld.idx.msk [tilespmem:v1+s7+$0x300 ss:$0x1], $0xffff  }
0x1e3: {  	v2 =	vadd.f32 v60, v2  }
0x1e4: {  	v63 =	vld.idx.msk [tilespmem:v1+s7+$0x380 ss:$0x1], $0xffff  }
0x1e5: {  	s11 =	sadd.s32 $0x1, s11;
	v2 =	vadd.f32 v61, v2  }
0x1e6: {  	p1 =	sne.s32 s11, $0x8  }
.Ltmp14:
0x1e7: {  	v2 =	vadd.f32 v62, v2;
	(pc) =	sbr.rel @p1 .LBB2_29-.Ltmp14, $3  }
0x1e8: {  	_ = 	snop  }
0x1e9: {  	v1 =	vadd.f32 v63, v2;
	_ =	sdelay $0x1  }
0x1ea: {  	s10 =	sadd.s32 $0x80, s10;
	s12 =	sadd.s32 $0x800, s12;
	[tilespmem:v0+s7+$0x0 ss:$0x1] =	vst.idx.msk $0xffff, v1  }
0x1eb: {  	s0 =	sadd.s32 $0x980, s9  }
0x1ec: {  	[tilespmem:s21], [sflag:$0x3] =	stream.indirect.gather [hbm4b:s2+s16], $0x80, s0, s16, $0xb8;
	[tilespmem:$0x1AA80] =	vst v63  }
0x1ed: {  	_ =	swait.ge [sflag:s31], $0x4000  }
0x1ee: {  	s8 =	sadd.s32 $0x19680, s8;
	[sflag:s31] =	ssyncset.done $0x0  }
0x1ef: {  	s10 =	simm.s32 $0x0;
	s11 =	simm.s32 $0xEE80;
	[sflag:s31] =	ssyncadd.s32 $0xFFFFC000  }
.LBB2_33:
0x1f0: {  	v1 =	vmov s11;
	_ =	sdelay $0x3  }
0x1f1: {  	s7 =	simm.s32 $0x0  }
0x1f2: {  	v0 =	vmov s8;
	s0 =	simm.s32 $0x40;
	v2 =	vld.idx.msk [tilespmem:v1+s7+$0xFFFFFC80 ss:$0x1], $0xffff  }
.LBB2_34:
0x1f3: {  	p1 =	sne.s32 s0, $0x1C0;
	v3 =	vld.idx.msk [tilespmem:v1+s7+$0xFFFFFC00 ss:$0x1], $0xffff;
	_ =	sdelay $0x1  }
0x1f4: {  	v4 =	vld.idx.msk [tilespmem:v1+s7+$0xFFFFFD00 ss:$0x1], $0xffff;
	_ =	sdelay $0x1  }
0x1f5: {  	v5 =	vld.idx.msk [tilespmem:v1+s7+$0xFFFFFD80 ss:$0x1], $0xffff;
	_ =	sdelay $0x1  }
0x1f6: {  	v2 =	vadd.f32 v2, v3;
	v3 =	vld.idx.msk [tilespmem:v1+s7+$0xFFFFFE00 ss:$0x1], $0xffff;
	_ =	sdelay $0x1  }
0x1f7: {  	v2 =	vadd.f32 v4, v2;
	v4 =	vld.idx.msk [tilespmem:v1+s7+$0xFFFFFE80 ss:$0x1], $0xffff;
	_ =	sdelay $0x1  }
0x1f8: {  	v2 =	vadd.f32 v5, v2;
	v5 =	vld.idx.msk [tilespmem:v1+s7+$0xFFFFFF00 ss:$0x1], $0xffff;
	_ =	sdelay $0x1  }
0x1f9: {  	v2 =	vadd.f32 v3, v2;
	v3 =	vld.idx.msk [tilespmem:v1+s7+$0xFFFFFF80 ss:$0x1], $0xffff;
	_ =	sdelay $0x1  }
0x1fa: {  	v2 =	vadd.f32 v4, v2;
	v4 =	vld.idx.msk [tilespmem:v1+s7+$0x0 ss:$0x1], $0xffff;
	_ =	sdelay $0x1  }
0x1fb: {  	v2 =	vadd.f32 v5, v2;
	v5 =	vld.idx.msk [tilespmem:v1+s7+$0x80 ss:$0x1], $0xffff;
	_ =	sdelay $0x1  }
0x1fc: {  	v2 =	vadd.f32 v3, v2;
	v3 =	vld.idx.msk [tilespmem:v1+s7+$0x100 ss:$0x1], $0xffff;
	_ =	sdelay $0x1  }
0x1fd: {  	v2 =	vadd.f32 v4, v2;
	v4 =	vld.idx.msk [tilespmem:v1+s7+$0x180 ss:$0x1], $0xffff;
	_ =	sdelay $0x1  }
0x1fe: {  	v2 =	vadd.f32 v5, v2;
	v5 =	vld.idx.msk [tilespmem:v1+s7+$0x200 ss:$0x1], $0xffff;
	_ =	sdelay $0x1  }
0x1ff: {  	v2 =	vadd.f32 v3, v2;
	v3 =	vld.idx.msk [tilespmem:v1+s7+$0x280 ss:$0x1], $0xffff;
	_ =	sdelay $0x1  }
0x200: {  	v2 =	vadd.f32 v4, v2;
	v4 =	vld.idx.msk [tilespmem:v1+s7+$0x300 ss:$0x1], $0xffff;
	_ =	sdelay $0x1  }
0x201: {  	v2 =	vadd.f32 v5, v2;
	v5 =	vld.idx.msk [tilespmem:v1+s7+$0x380 ss:$0x1], $0xffff;
	_ =	sdelay $0x1  }
0x202: {  	v2 =	vadd.f32 v3, v2;
	_ =	sdelay $0x1  }
0x203: {  	v2 =	vadd.f32 v4, v2  }
.Ltmp15:
0x204: {  	(pc) =	sbr.rel @p1 .LBB2_34-.Ltmp15, $3  }
0x205: {  	v2 =	vadd.f32 v5, v2;
	_ =	sdelay $0x1  }
0x206: {  	[tilespmem:v0+s7+$0x0 ss:$0x1] =	vst.idx.msk $0xffff, v2;
	s7 =	sshra.s32 s0, $0x2  }
0x207: {  	s0 =	sadd.s32 $0x40, s0;
	v2 =	vld.idx.msk [tilespmem:v1+s7+$0xFFFFFC80 ss:$0x1], $0xffff  }
0x208: {  	_ =	sdelay $0x3  }
0x209: {  	v3 =	vld.idx.msk [tilespmem:v1+s7+$0xFFFFFC00 ss:$0x1], $0xffff;
	_ =	sdelay $0x1  }
0x20a: {  	v4 =	vld.idx.msk [tilespmem:v1+s7+$0xFFFFFD00 ss:$0x1], $0xffff;
	_ =	sdelay $0x1  }
0x20b: {  	v5 =	vld.idx.msk [tilespmem:v1+s7+$0xFFFFFD80 ss:$0x1], $0xffff  }
0x20c: {  	v2 =	vadd.f32 v2, v3  }
0x20d: {  	v52 =	vld.idx.msk [tilespmem:v1+s7+$0xFFFFFE00 ss:$0x1], $0xffff  }
0x20e: {  	v2 =	vadd.f32 v4, v2  }
0x20f: {  	v53 =	vld.idx.msk [tilespmem:v1+s7+$0xFFFFFE80 ss:$0x1], $0xffff  }
0x210: {  	v2 =	vadd.f32 v5, v2  }
0x211: {  	v54 =	vld.idx.msk [tilespmem:v1+s7+$0xFFFFFF00 ss:$0x1], $0xffff  }
0x212: {  	v2 =	vadd.f32 v52, v2  }
0x213: {  	v55 =	vld.idx.msk [tilespmem:v1+s7+$0xFFFFFF80 ss:$0x1], $0xffff  }
0x214: {  	v2 =	vadd.f32 v53, v2  }
0x215: {  	v56 =	vld.idx.msk [tilespmem:v1+s7+$0x0 ss:$0x1], $0xffff  }
0x216: {  	v2 =	vadd.f32 v54, v2  }
0x217: {  	v57 =	vld.idx.msk [tilespmem:v1+s7+$0x80 ss:$0x1], $0xffff  }
0x218: {  	v2 =	vadd.f32 v55, v2  }
0x219: {  	v58 =	vld.idx.msk [tilespmem:v1+s7+$0x100 ss:$0x1], $0xffff  }
0x21a: {  	v2 =	vadd.f32 v56, v2  }
0x21b: {  	v59 =	vld.idx.msk [tilespmem:v1+s7+$0x180 ss:$0x1], $0xffff  }
0x21c: {  	v2 =	vadd.f32 v57, v2  }
0x21d: {  	v60 =	vld.idx.msk [tilespmem:v1+s7+$0x200 ss:$0x1], $0xffff  }
0x21e: {  	v2 =	vadd.f32 v58, v2  }
0x21f: {  	v61 =	vld.idx.msk [tilespmem:v1+s7+$0x280 ss:$0x1], $0xffff  }
0x220: {  	v2 =	vadd.f32 v59, v2  }
0x221: {  	v62 =	vld.idx.msk [tilespmem:v1+s7+$0x300 ss:$0x1], $0xffff  }
0x222: {  	v2 =	vadd.f32 v60, v2  }
0x223: {  	v63 =	vld.idx.msk [tilespmem:v1+s7+$0x380 ss:$0x1], $0xffff  }
0x224: {  	s10 =	sadd.s32 $0x1, s10;
	v2 =	vadd.f32 v61, v2  }
0x225: {  	p1 =	sne.s32 s10, $0x8  }
.Ltmp16:
0x226: {  	v2 =	vadd.f32 v62, v2;
	(pc) =	sbr.rel @p1 .LBB2_33-.Ltmp16, $3  }
0x227: {  	_ = 	snop  }
0x228: {  	v1 =	vadd.f32 v63, v2;
	_ =	sdelay $0x1  }
0x229: {  	s8 =	sadd.s32 $0x80, s8;
	s11 =	sadd.s32 $0x800, s11;
	[tilespmem:v0+s7+$0x0 ss:$0x1] =	vst.idx.msk $0xffff, v1  }
.Ltmp17:
0x22a: {  	(pc) =	sbr.rel @p0 .LBB2_20-.Ltmp17, $3  }
0x22b: {  	_ =	sdelay $0x1  }
0x22c: {  	s0 =	sadd.s32 $0xA00, s9;
	s9 =	simm.s32 $0x1;
	p1 =	por $0x0, $0x0  }
0x22d: {  	[tilespmem:s23], [sflag:$0x4] =	stream.indirect.gather [hbm4b:s2+s16], $0x80, s0, s16, $0xb8;
	[tilespmem:$0x1AA80] =	vst v63  }
0x22e: {  	_ =	swait.ge [sflag:s18], $0x2000  }
0x22f: {  	[sflag:s18] =	ssyncset.done $0x0  }
0x230: {  	s7 =	simm.s32 $0x18A80;
	s0 =	rddreg [dreg:$0x8];
	[sflag:s18] =	ssyncadd.s32 $0xFFFFE000  }
0x231: {  	[hbm4b:s0+s4] =	stream.linear.scatter [tilespmem:s7], [sflag:$0x8], $0x2000, $0x38;
	[tilespmem:$0x1AA80] =	vst v63  }
0x232: {  	s8 =	simm.s32 $0x1;
	s20 =	rddreg [dreg:$0x9]  }
0x233: {  	[hbm4b:s20+s4] =	stream.linear.scatter [tilespmem:s26], [sflag:$0x8], $0x2000, $0x38;
	[tilespmem:$0x1AA80] =	vst v63  }
.LBB2_38:
0x234: {  	_ =	swait.ge [sflag:s22], $0x2000  }
0x235: {  	[sflag:s22] =	ssyncset.done $0x0  }
0x236: {  	[sflag:s22] =	ssyncadd.s32 $0xFFFFE000  }
0x237: {  	s9 =	sshll.u32 s8, $0x7;
	s0 =	sshll.u32 s8, $0xD;
	_ =	swait.ge [sflag:s22], $0x2000  }
0x238: {  	s12 =	simm.s32 $0x0;
	s0 =	sshra.s32 s0, $0x2;
	[sflag:s22] =	ssyncset.done $0x0  }
0x239: {  	p1 =	por $0x1, $0x1;
	s10 =	sor.u32 $0x280, s0;
	[sflag:s22] =	ssyncadd.s32 $0xFFFFE000  }
0x23a: {  	[tilespmem:s25], [sflag:$0x5] =	stream.indirect.gather [hbm4b:s2+s24], $0x80, s9, s24, $0xb8;
	[tilespmem:$0x1AA80] =	vst v63  }
.LBB2_39:
0x23b: {  	_ =	swait.ge [sflag:s28], $0x4000;
	s0 =	sshll.u32 s12, $0xE;
	p0 =	por p1, p1  }
0x23c: {  	s14 =	simm.s32 $0x2E80;
	[sflag:s28] =	ssyncset.done $0x0;
	s11 =	sshra.s32 s0, $0x2  }
0x23d: {  	s7 =	simm.s32 $0x0;
	[sflag:s28] =	ssyncadd.s32 $0xFFFFC000;
	s13 =	sadd.s32 $0x16A80, s11  }
.LBB2_40:
0x23e: {  	v1 =	vmov s14;
	_ =	sdelay $0x3  }
0x23f: {  	s0 =	simm.s32 $0x0  }
0x240: {  	v0 =	vmov s13;
	s20 =	simm.s32 $0x40;
	v2 =	vld.idx.msk [tilespmem:v1+s0+$0xFFFFFC80 ss:$0x1], $0xffff  }
.LBB2_41:
0x241: {  	p1 =	sne.s32 s20, $0x1C0;
	v3 =	vld.idx.msk [tilespmem:v1+s0+$0xFFFFFC00 ss:$0x1], $0xffff;
	_ =	sdelay $0x1  }
0x242: {  	v4 =	vld.idx.msk [tilespmem:v1+s0+$0xFFFFFD00 ss:$0x1], $0xffff;
	_ =	sdelay $0x1  }
0x243: {  	v5 =	vld.idx.msk [tilespmem:v1+s0+$0xFFFFFD80 ss:$0x1], $0xffff;
	_ =	sdelay $0x1  }
0x244: {  	v2 =	vadd.f32 v2, v3;
	v3 =	vld.idx.msk [tilespmem:v1+s0+$0xFFFFFE00 ss:$0x1], $0xffff;
	_ =	sdelay $0x1  }
0x245: {  	v2 =	vadd.f32 v4, v2;
	v4 =	vld.idx.msk [tilespmem:v1+s0+$0xFFFFFE80 ss:$0x1], $0xffff;
	_ =	sdelay $0x1  }
0x246: {  	v2 =	vadd.f32 v5, v2;
	v5 =	vld.idx.msk [tilespmem:v1+s0+$0xFFFFFF00 ss:$0x1], $0xffff;
	_ =	sdelay $0x1  }
0x247: {  	v2 =	vadd.f32 v3, v2;
	v3 =	vld.idx.msk [tilespmem:v1+s0+$0xFFFFFF80 ss:$0x1], $0xffff;
	_ =	sdelay $0x1  }
0x248: {  	v2 =	vadd.f32 v4, v2;
	v4 =	vld.idx.msk [tilespmem:v1+s0+$0x0 ss:$0x1], $0xffff;
	_ =	sdelay $0x1  }
0x249: {  	v2 =	vadd.f32 v5, v2;
	v5 =	vld.idx.msk [tilespmem:v1+s0+$0x80 ss:$0x1], $0xffff;
	_ =	sdelay $0x1  }
0x24a: {  	v2 =	vadd.f32 v3, v2;
	v3 =	vld.idx.msk [tilespmem:v1+s0+$0x100 ss:$0x1], $0xffff;
	_ =	sdelay $0x1  }
0x24b: {  	v2 =	vadd.f32 v4, v2;
	v4 =	vld.idx.msk [tilespmem:v1+s0+$0x180 ss:$0x1], $0xffff;
	_ =	sdelay $0x1  }
0x24c: {  	v2 =	vadd.f32 v5, v2;
	v5 =	vld.idx.msk [tilespmem:v1+s0+$0x200 ss:$0x1], $0xffff;
	_ =	sdelay $0x1  }
0x24d: {  	v2 =	vadd.f32 v3, v2;
	v3 =	vld.idx.msk [tilespmem:v1+s0+$0x280 ss:$0x1], $0xffff;
	_ =	sdelay $0x1  }
0x24e: {  	v2 =	vadd.f32 v4, v2;
	v4 =	vld.idx.msk [tilespmem:v1+s0+$0x300 ss:$0x1], $0xffff;
	_ =	sdelay $0x1  }
0x24f: {  	v2 =	vadd.f32 v5, v2;
	v5 =	vld.idx.msk [tilespmem:v1+s0+$0x380 ss:$0x1], $0xffff;
	_ =	sdelay $0x1  }
0x250: {  	v2 =	vadd.f32 v3, v2;
	_ =	sdelay $0x1  }
0x251: {  	v2 =	vadd.f32 v4, v2  }
.Ltmp18:
0x252: {  	(pc) =	sbr.rel @p1 .LBB2_41-.Ltmp18, $3  }
0x253: {  	v2 =	vadd.f32 v5, v2;
	_ =	sdelay $0x1  }
0x254: {  	[tilespmem:v0+s0+$0x0 ss:$0x1] =	vst.idx.msk $0xffff, v2;
	s0 =	sshra.s32 s20, $0x2  }
0x255: {  	s20 =	sadd.s32 $0x40, s20;
	v2 =	vld.idx.msk [tilespmem:v1+s0+$0xFFFFFC80 ss:$0x1], $0xffff  }
0x256: {  	_ =	sdelay $0x3  }
0x257: {  	v3 =	vld.idx.msk [tilespmem:v1+s0+$0xFFFFFC00 ss:$0x1], $0xffff;
	_ =	sdelay $0x1  }
0x258: {  	v4 =	vld.idx.msk [tilespmem:v1+s0+$0xFFFFFD00 ss:$0x1], $0xffff;
	_ =	sdelay $0x1  }
0x259: {  	v5 =	vld.idx.msk [tilespmem:v1+s0+$0xFFFFFD80 ss:$0x1], $0xffff  }
0x25a: {  	v2 =	vadd.f32 v2, v3  }
0x25b: {  	v52 =	vld.idx.msk [tilespmem:v1+s0+$0xFFFFFE00 ss:$0x1], $0xffff  }
0x25c: {  	v2 =	vadd.f32 v4, v2  }
0x25d: {  	v53 =	vld.idx.msk [tilespmem:v1+s0+$0xFFFFFE80 ss:$0x1], $0xffff  }
0x25e: {  	v2 =	vadd.f32 v5, v2  }
0x25f: {  	v54 =	vld.idx.msk [tilespmem:v1+s0+$0xFFFFFF00 ss:$0x1], $0xffff  }
0x260: {  	v2 =	vadd.f32 v52, v2  }
0x261: {  	v55 =	vld.idx.msk [tilespmem:v1+s0+$0xFFFFFF80 ss:$0x1], $0xffff  }
0x262: {  	v2 =	vadd.f32 v53, v2  }
0x263: {  	v56 =	vld.idx.msk [tilespmem:v1+s0+$0x0 ss:$0x1], $0xffff  }
0x264: {  	v2 =	vadd.f32 v54, v2  }
0x265: {  	v57 =	vld.idx.msk [tilespmem:v1+s0+$0x80 ss:$0x1], $0xffff  }
0x266: {  	v2 =	vadd.f32 v55, v2  }
0x267: {  	v58 =	vld.idx.msk [tilespmem:v1+s0+$0x100 ss:$0x1], $0xffff  }
0x268: {  	v2 =	vadd.f32 v56, v2  }
0x269: {  	v59 =	vld.idx.msk [tilespmem:v1+s0+$0x180 ss:$0x1], $0xffff  }
0x26a: {  	v2 =	vadd.f32 v57, v2  }
0x26b: {  	v60 =	vld.idx.msk [tilespmem:v1+s0+$0x200 ss:$0x1], $0xffff  }
0x26c: {  	v2 =	vadd.f32 v58, v2  }
0x26d: {  	v61 =	vld.idx.msk [tilespmem:v1+s0+$0x280 ss:$0x1], $0xffff  }
0x26e: {  	v2 =	vadd.f32 v59, v2  }
0x26f: {  	v62 =	vld.idx.msk [tilespmem:v1+s0+$0x300 ss:$0x1], $0xffff  }
0x270: {  	v2 =	vadd.f32 v60, v2  }
0x271: {  	v63 =	vld.idx.msk [tilespmem:v1+s0+$0x380 ss:$0x1], $0xffff  }
0x272: {  	s7 =	sadd.s32 $0x1, s7;
	v2 =	vadd.f32 v61, v2  }
0x273: {  	p1 =	sne.s32 s7, $0x8  }
.Ltmp19:
0x274: {  	v2 =	vadd.f32 v62, v2;
	(pc) =	sbr.rel @p1 .LBB2_40-.Ltmp19, $3  }
0x275: {  	_ = 	snop  }
0x276: {  	v1 =	vadd.f32 v63, v2;
	_ =	sdelay $0x1  }
0x277: {  	s13 =	sadd.s32 $0x80, s13;
	s14 =	sadd.s32 $0x800, s14;
	[tilespmem:v0+s0+$0x0 ss:$0x1] =	vst.idx.msk $0xffff, v1  }
0x278: {  	s0 =	sshll.u32 s12, $0x9  }
0x279: {  	s0 =	sand.u32 $0x3FFFFE00, s0  }
0x27a: {  	s12 =	sadd.s32 s0, s10  }
0x27b: {  	s0 =	sadd.s32 $0x200, s12  }
0x27c: {  	[tilespmem:s17], [sflag:$0x1] =	stream.indirect.gather [hbm4b:s2+s16], $0x80, s0, s16, $0xb8;
	[tilespmem:$0x1AA80] =	vst v63  }
0x27d: {  	_ =	swait.ge [sflag:s29], $0x4000  }
0x27e: {  	s13 =	sadd.s32 $0x16E80, s11;
	[sflag:s29] =	ssyncset.done $0x0  }
0x27f: {  	s14 =	simm.s32 $0x0;
	s7 =	simm.s32 $0x6E80;
	[sflag:s29] =	ssyncadd.s32 $0xFFFFC000  }
.LBB2_44:
0x280: {  	v1 =	vmov s7;
	_ =	sdelay $0x3  }
0x281: {  	s0 =	simm.s32 $0x0  }
0x282: {  	v0 =	vmov s13;
	s20 =	simm.s32 $0x40;
	v2 =	vld.idx.msk [tilespmem:v1+s0+$0xFFFFFC80 ss:$0x1], $0xffff  }
.LBB2_45:
0x283: {  	p1 =	sne.s32 s20, $0x1C0;
	v3 =	vld.idx.msk [tilespmem:v1+s0+$0xFFFFFC00 ss:$0x1], $0xffff;
	_ =	sdelay $0x1  }
0x284: {  	v4 =	vld.idx.msk [tilespmem:v1+s0+$0xFFFFFD00 ss:$0x1], $0xffff;
	_ =	sdelay $0x1  }
0x285: {  	v5 =	vld.idx.msk [tilespmem:v1+s0+$0xFFFFFD80 ss:$0x1], $0xffff;
	_ =	sdelay $0x1  }
0x286: {  	v2 =	vadd.f32 v2, v3;
	v3 =	vld.idx.msk [tilespmem:v1+s0+$0xFFFFFE00 ss:$0x1], $0xffff;
	_ =	sdelay $0x1  }
0x287: {  	v2 =	vadd.f32 v4, v2;
	v4 =	vld.idx.msk [tilespmem:v1+s0+$0xFFFFFE80 ss:$0x1], $0xffff;
	_ =	sdelay $0x1  }
0x288: {  	v2 =	vadd.f32 v5, v2;
	v5 =	vld.idx.msk [tilespmem:v1+s0+$0xFFFFFF00 ss:$0x1], $0xffff;
	_ =	sdelay $0x1  }
0x289: {  	v2 =	vadd.f32 v3, v2;
	v3 =	vld.idx.msk [tilespmem:v1+s0+$0xFFFFFF80 ss:$0x1], $0xffff;
	_ =	sdelay $0x1  }
0x28a: {  	v2 =	vadd.f32 v4, v2;
	v4 =	vld.idx.msk [tilespmem:v1+s0+$0x0 ss:$0x1], $0xffff;
	_ =	sdelay $0x1  }
0x28b: {  	v2 =	vadd.f32 v5, v2;
	v5 =	vld.idx.msk [tilespmem:v1+s0+$0x80 ss:$0x1], $0xffff;
	_ =	sdelay $0x1  }
0x28c: {  	v2 =	vadd.f32 v3, v2;
	v3 =	vld.idx.msk [tilespmem:v1+s0+$0x100 ss:$0x1], $0xffff;
	_ =	sdelay $0x1  }
0x28d: {  	v2 =	vadd.f32 v4, v2;
	v4 =	vld.idx.msk [tilespmem:v1+s0+$0x180 ss:$0x1], $0xffff;
	_ =	sdelay $0x1  }
0x28e: {  	v2 =	vadd.f32 v5, v2;
	v5 =	vld.idx.msk [tilespmem:v1+s0+$0x200 ss:$0x1], $0xffff;
	_ =	sdelay $0x1  }
0x28f: {  	v2 =	vadd.f32 v3, v2;
	v3 =	vld.idx.msk [tilespmem:v1+s0+$0x280 ss:$0x1], $0xffff;
	_ =	sdelay $0x1  }
0x290: {  	v2 =	vadd.f32 v4, v2;
	v4 =	vld.idx.msk [tilespmem:v1+s0+$0x300 ss:$0x1], $0xffff;
	_ =	sdelay $0x1  }
0x291: {  	v2 =	vadd.f32 v5, v2;
	v5 =	vld.idx.msk [tilespmem:v1+s0+$0x380 ss:$0x1], $0xffff;
	_ =	sdelay $0x1  }
0x292: {  	v2 =	vadd.f32 v3, v2;
	_ =	sdelay $0x1  }
0x293: {  	v2 =	vadd.f32 v4, v2  }
.Ltmp20:
0x294: {  	(pc) =	sbr.rel @p1 .LBB2_45-.Ltmp20, $3  }
0x295: {  	v2 =	vadd.f32 v5, v2;
	_ =	sdelay $0x1  }
0x296: {  	[tilespmem:v0+s0+$0x0 ss:$0x1] =	vst.idx.msk $0xffff, v2;
	s0 =	sshra.s32 s20, $0x2  }
0x297: {  	s20 =	sadd.s32 $0x40, s20;
	v2 =	vld.idx.msk [tilespmem:v1+s0+$0xFFFFFC80 ss:$0x1], $0xffff  }
0x298: {  	_ =	sdelay $0x3  }
0x299: {  	v3 =	vld.idx.msk [tilespmem:v1+s0+$0xFFFFFC00 ss:$0x1], $0xffff;
	_ =	sdelay $0x1  }
0x29a: {  	v4 =	vld.idx.msk [tilespmem:v1+s0+$0xFFFFFD00 ss:$0x1], $0xffff;
	_ =	sdelay $0x1  }
0x29b: {  	v5 =	vld.idx.msk [tilespmem:v1+s0+$0xFFFFFD80 ss:$0x1], $0xffff  }
0x29c: {  	v2 =	vadd.f32 v2, v3  }
0x29d: {  	v52 =	vld.idx.msk [tilespmem:v1+s0+$0xFFFFFE00 ss:$0x1], $0xffff  }
0x29e: {  	v2 =	vadd.f32 v4, v2  }
0x29f: {  	v53 =	vld.idx.msk [tilespmem:v1+s0+$0xFFFFFE80 ss:$0x1], $0xffff  }
0x2a0: {  	v2 =	vadd.f32 v5, v2  }
0x2a1: {  	v54 =	vld.idx.msk [tilespmem:v1+s0+$0xFFFFFF00 ss:$0x1], $0xffff  }
0x2a2: {  	v2 =	vadd.f32 v52, v2  }
0x2a3: {  	v55 =	vld.idx.msk [tilespmem:v1+s0+$0xFFFFFF80 ss:$0x1], $0xffff  }
0x2a4: {  	v2 =	vadd.f32 v53, v2  }
0x2a5: {  	v56 =	vld.idx.msk [tilespmem:v1+s0+$0x0 ss:$0x1], $0xffff  }
0x2a6: {  	v2 =	vadd.f32 v54, v2  }
0x2a7: {  	v57 =	vld.idx.msk [tilespmem:v1+s0+$0x80 ss:$0x1], $0xffff  }
0x2a8: {  	v2 =	vadd.f32 v55, v2  }
0x2a9: {  	v58 =	vld.idx.msk [tilespmem:v1+s0+$0x100 ss:$0x1], $0xffff  }
0x2aa: {  	v2 =	vadd.f32 v56, v2  }
0x2ab: {  	v59 =	vld.idx.msk [tilespmem:v1+s0+$0x180 ss:$0x1], $0xffff  }
0x2ac: {  	v2 =	vadd.f32 v57, v2  }
0x2ad: {  	v60 =	vld.idx.msk [tilespmem:v1+s0+$0x200 ss:$0x1], $0xffff  }
0x2ae: {  	v2 =	vadd.f32 v58, v2  }
0x2af: {  	v61 =	vld.idx.msk [tilespmem:v1+s0+$0x280 ss:$0x1], $0xffff  }
0x2b0: {  	v2 =	vadd.f32 v59, v2  }
0x2b1: {  	v62 =	vld.idx.msk [tilespmem:v1+s0+$0x300 ss:$0x1], $0xffff  }
0x2b2: {  	v2 =	vadd.f32 v60, v2  }
0x2b3: {  	v63 =	vld.idx.msk [tilespmem:v1+s0+$0x380 ss:$0x1], $0xffff  }
0x2b4: {  	s14 =	sadd.s32 $0x1, s14;
	v2 =	vadd.f32 v61, v2  }
0x2b5: {  	p1 =	sne.s32 s14, $0x8  }
.Ltmp21:
0x2b6: {  	v2 =	vadd.f32 v62, v2;
	(pc) =	sbr.rel @p1 .LBB2_44-.Ltmp21, $3  }
0x2b7: {  	_ = 	snop  }
0x2b8: {  	v1 =	vadd.f32 v63, v2;
	_ =	sdelay $0x1  }
0x2b9: {  	s13 =	sadd.s32 $0x80, s13;
	s7 =	sadd.s32 $0x800, s7;
	[tilespmem:v0+s0+$0x0 ss:$0x1] =	vst.idx.msk $0xffff, v1  }
0x2ba: {  	s0 =	sadd.s32 $0x280, s12  }
0x2bb: {  	[tilespmem:s19], [sflag:$0x2] =	stream.indirect.gather [hbm4b:s2+s16], $0x80, s0, s16, $0xb8;
	[tilespmem:$0x1AA80] =	vst v63  }
0x2bc: {  	_ =	swait.ge [sflag:s30], $0x4000  }
0x2bd: {  	s13 =	sadd.s32 $0x17280, s11;
	[sflag:s30] =	ssyncset.done $0x0  }
0x2be: {  	s14 =	simm.s32 $0x0;
	s7 =	simm.s32 $0xAE80;
	[sflag:s30] =	ssyncadd.s32 $0xFFFFC000  }
.LBB2_48:
0x2bf: {  	v1 =	vmov s7;
	_ =	sdelay $0x3  }
0x2c0: {  	s0 =	simm.s32 $0x0  }
0x2c1: {  	v0 =	vmov s13;
	s20 =	simm.s32 $0x40;
	v2 =	vld.idx.msk [tilespmem:v1+s0+$0xFFFFFC80 ss:$0x1], $0xffff  }
.LBB2_49:
0x2c2: {  	p1 =	sne.s32 s20, $0x1C0;
	v3 =	vld.idx.msk [tilespmem:v1+s0+$0xFFFFFC00 ss:$0x1], $0xffff;
	_ =	sdelay $0x1  }
0x2c3: {  	v4 =	vld.idx.msk [tilespmem:v1+s0+$0xFFFFFD00 ss:$0x1], $0xffff;
	_ =	sdelay $0x1  }
0x2c4: {  	v5 =	vld.idx.msk [tilespmem:v1+s0+$0xFFFFFD80 ss:$0x1], $0xffff;
	_ =	sdelay $0x1  }
0x2c5: {  	v2 =	vadd.f32 v2, v3;
	v3 =	vld.idx.msk [tilespmem:v1+s0+$0xFFFFFE00 ss:$0x1], $0xffff;
	_ =	sdelay $0x1  }
0x2c6: {  	v2 =	vadd.f32 v4, v2;
	v4 =	vld.idx.msk [tilespmem:v1+s0+$0xFFFFFE80 ss:$0x1], $0xffff;
	_ =	sdelay $0x1  }
0x2c7: {  	v2 =	vadd.f32 v5, v2;
	v5 =	vld.idx.msk [tilespmem:v1+s0+$0xFFFFFF00 ss:$0x1], $0xffff;
	_ =	sdelay $0x1  }
0x2c8: {  	v2 =	vadd.f32 v3, v2;
	v3 =	vld.idx.msk [tilespmem:v1+s0+$0xFFFFFF80 ss:$0x1], $0xffff;
	_ =	sdelay $0x1  }
0x2c9: {  	v2 =	vadd.f32 v4, v2;
	v4 =	vld.idx.msk [tilespmem:v1+s0+$0x0 ss:$0x1], $0xffff;
	_ =	sdelay $0x1  }
0x2ca: {  	v2 =	vadd.f32 v5, v2;
	v5 =	vld.idx.msk [tilespmem:v1+s0+$0x80 ss:$0x1], $0xffff;
	_ =	sdelay $0x1  }
0x2cb: {  	v2 =	vadd.f32 v3, v2;
	v3 =	vld.idx.msk [tilespmem:v1+s0+$0x100 ss:$0x1], $0xffff;
	_ =	sdelay $0x1  }
0x2cc: {  	v2 =	vadd.f32 v4, v2;
	v4 =	vld.idx.msk [tilespmem:v1+s0+$0x180 ss:$0x1], $0xffff;
	_ =	sdelay $0x1  }
0x2cd: {  	v2 =	vadd.f32 v5, v2;
	v5 =	vld.idx.msk [tilespmem:v1+s0+$0x200 ss:$0x1], $0xffff;
	_ =	sdelay $0x1  }
0x2ce: {  	v2 =	vadd.f32 v3, v2;
	v3 =	vld.idx.msk [tilespmem:v1+s0+$0x280 ss:$0x1], $0xffff;
	_ =	sdelay $0x1  }
0x2cf: {  	v2 =	vadd.f32 v4, v2;
	v4 =	vld.idx.msk [tilespmem:v1+s0+$0x300 ss:$0x1], $0xffff;
	_ =	sdelay $0x1  }
0x2d0: {  	v2 =	vadd.f32 v5, v2;
	v5 =	vld.idx.msk [tilespmem:v1+s0+$0x380 ss:$0x1], $0xffff;
	_ =	sdelay $0x1  }
0x2d1: {  	v2 =	vadd.f32 v3, v2;
	_ =	sdelay $0x1  }
0x2d2: {  	v2 =	vadd.f32 v4, v2  }
.Ltmp22:
0x2d3: {  	(pc) =	sbr.rel @p1 .LBB2_49-.Ltmp22, $3  }
0x2d4: {  	v2 =	vadd.f32 v5, v2;
	_ =	sdelay $0x1  }
0x2d5: {  	[tilespmem:v0+s0+$0x0 ss:$0x1] =	vst.idx.msk $0xffff, v2;
	s0 =	sshra.s32 s20, $0x2  }
0x2d6: {  	s20 =	sadd.s32 $0x40, s20;
	v2 =	vld.idx.msk [tilespmem:v1+s0+$0xFFFFFC80 ss:$0x1], $0xffff  }
0x2d7: {  	_ =	sdelay $0x3  }
0x2d8: {  	v3 =	vld.idx.msk [tilespmem:v1+s0+$0xFFFFFC00 ss:$0x1], $0xffff;
	_ =	sdelay $0x1  }
0x2d9: {  	v4 =	vld.idx.msk [tilespmem:v1+s0+$0xFFFFFD00 ss:$0x1], $0xffff;
	_ =	sdelay $0x1  }
0x2da: {  	v5 =	vld.idx.msk [tilespmem:v1+s0+$0xFFFFFD80 ss:$0x1], $0xffff  }
0x2db: {  	v2 =	vadd.f32 v2, v3  }
0x2dc: {  	v52 =	vld.idx.msk [tilespmem:v1+s0+$0xFFFFFE00 ss:$0x1], $0xffff  }
0x2dd: {  	v2 =	vadd.f32 v4, v2  }
0x2de: {  	v53 =	vld.idx.msk [tilespmem:v1+s0+$0xFFFFFE80 ss:$0x1], $0xffff  }
0x2df: {  	v2 =	vadd.f32 v5, v2  }
0x2e0: {  	v54 =	vld.idx.msk [tilespmem:v1+s0+$0xFFFFFF00 ss:$0x1], $0xffff  }
0x2e1: {  	v2 =	vadd.f32 v52, v2  }
0x2e2: {  	v55 =	vld.idx.msk [tilespmem:v1+s0+$0xFFFFFF80 ss:$0x1], $0xffff  }
0x2e3: {  	v2 =	vadd.f32 v53, v2  }
0x2e4: {  	v56 =	vld.idx.msk [tilespmem:v1+s0+$0x0 ss:$0x1], $0xffff  }
0x2e5: {  	v2 =	vadd.f32 v54, v2  }
0x2e6: {  	v57 =	vld.idx.msk [tilespmem:v1+s0+$0x80 ss:$0x1], $0xffff  }
0x2e7: {  	v2 =	vadd.f32 v55, v2  }
0x2e8: {  	v58 =	vld.idx.msk [tilespmem:v1+s0+$0x100 ss:$0x1], $0xffff  }
0x2e9: {  	v2 =	vadd.f32 v56, v2  }
0x2ea: {  	v59 =	vld.idx.msk [tilespmem:v1+s0+$0x180 ss:$0x1], $0xffff  }
0x2eb: {  	v2 =	vadd.f32 v57, v2  }
0x2ec: {  	v60 =	vld.idx.msk [tilespmem:v1+s0+$0x200 ss:$0x1], $0xffff  }
0x2ed: {  	v2 =	vadd.f32 v58, v2  }
0x2ee: {  	v61 =	vld.idx.msk [tilespmem:v1+s0+$0x280 ss:$0x1], $0xffff  }
0x2ef: {  	v2 =	vadd.f32 v59, v2  }
0x2f0: {  	v62 =	vld.idx.msk [tilespmem:v1+s0+$0x300 ss:$0x1], $0xffff  }
0x2f1: {  	v2 =	vadd.f32 v60, v2  }
0x2f2: {  	v63 =	vld.idx.msk [tilespmem:v1+s0+$0x380 ss:$0x1], $0xffff  }
0x2f3: {  	s14 =	sadd.s32 $0x1, s14;
	v2 =	vadd.f32 v61, v2  }
0x2f4: {  	p1 =	sne.s32 s14, $0x8  }
.Ltmp23:
0x2f5: {  	v2 =	vadd.f32 v62, v2;
	(pc) =	sbr.rel @p1 .LBB2_48-.Ltmp23, $3  }
0x2f6: {  	_ = 	snop  }
0x2f7: {  	v1 =	vadd.f32 v63, v2;
	_ =	sdelay $0x1  }
0x2f8: {  	s13 =	sadd.s32 $0x80, s13;
	s7 =	sadd.s32 $0x800, s7;
	[tilespmem:v0+s0+$0x0 ss:$0x1] =	vst.idx.msk $0xffff, v1  }
0x2f9: {  	s0 =	sadd.s32 $0x300, s12  }
0x2fa: {  	[tilespmem:s21], [sflag:$0x3] =	stream.indirect.gather [hbm4b:s2+s16], $0x80, s0, s16, $0xb8;
	[tilespmem:$0x1AA80] =	vst v63  }
0x2fb: {  	_ =	swait.ge [sflag:s31], $0x4000  }
0x2fc: {  	s11 =	sadd.s32 $0x17680, s11;
	[sflag:s31] =	ssyncset.done $0x0  }
0x2fd: {  	s13 =	simm.s32 $0x0;
	s7 =	simm.s32 $0xEE80;
	[sflag:s31] =	ssyncadd.s32 $0xFFFFC000  }
.LBB2_52:
0x2fe: {  	v1 =	vmov s7;
	_ =	sdelay $0x3  }
0x2ff: {  	s0 =	simm.s32 $0x0  }
0x300: {  	v0 =	vmov s11;
	s14 =	simm.s32 $0x40;
	v2 =	vld.idx.msk [tilespmem:v1+s0+$0xFFFFFC80 ss:$0x1], $0xffff  }
.LBB2_53:
0x301: {  	p1 =	sne.s32 s14, $0x1C0;
	v3 =	vld.idx.msk [tilespmem:v1+s0+$0xFFFFFC00 ss:$0x1], $0xffff;
	_ =	sdelay $0x1  }
0x302: {  	v4 =	vld.idx.msk [tilespmem:v1+s0+$0xFFFFFD00 ss:$0x1], $0xffff;
	_ =	sdelay $0x1  }
0x303: {  	v5 =	vld.idx.msk [tilespmem:v1+s0+$0xFFFFFD80 ss:$0x1], $0xffff;
	_ =	sdelay $0x1  }
0x304: {  	v2 =	vadd.f32 v2, v3;
	v3 =	vld.idx.msk [tilespmem:v1+s0+$0xFFFFFE00 ss:$0x1], $0xffff;
	_ =	sdelay $0x1  }
0x305: {  	v2 =	vadd.f32 v4, v2;
	v4 =	vld.idx.msk [tilespmem:v1+s0+$0xFFFFFE80 ss:$0x1], $0xffff;
	_ =	sdelay $0x1  }
0x306: {  	v2 =	vadd.f32 v5, v2;
	v5 =	vld.idx.msk [tilespmem:v1+s0+$0xFFFFFF00 ss:$0x1], $0xffff;
	_ =	sdelay $0x1  }
0x307: {  	v2 =	vadd.f32 v3, v2;
	v3 =	vld.idx.msk [tilespmem:v1+s0+$0xFFFFFF80 ss:$0x1], $0xffff;
	_ =	sdelay $0x1  }
0x308: {  	v2 =	vadd.f32 v4, v2;
	v4 =	vld.idx.msk [tilespmem:v1+s0+$0x0 ss:$0x1], $0xffff;
	_ =	sdelay $0x1  }
0x309: {  	v2 =	vadd.f32 v5, v2;
	v5 =	vld.idx.msk [tilespmem:v1+s0+$0x80 ss:$0x1], $0xffff;
	_ =	sdelay $0x1  }
0x30a: {  	v2 =	vadd.f32 v3, v2;
	v3 =	vld.idx.msk [tilespmem:v1+s0+$0x100 ss:$0x1], $0xffff;
	_ =	sdelay $0x1  }
0x30b: {  	v2 =	vadd.f32 v4, v2;
	v4 =	vld.idx.msk [tilespmem:v1+s0+$0x180 ss:$0x1], $0xffff;
	_ =	sdelay $0x1  }
0x30c: {  	v2 =	vadd.f32 v5, v2;
	v5 =	vld.idx.msk [tilespmem:v1+s0+$0x200 ss:$0x1], $0xffff;
	_ =	sdelay $0x1  }
0x30d: {  	v2 =	vadd.f32 v3, v2;
	v3 =	vld.idx.msk [tilespmem:v1+s0+$0x280 ss:$0x1], $0xffff;
	_ =	sdelay $0x1  }
0x30e: {  	v2 =	vadd.f32 v4, v2;
	v4 =	vld.idx.msk [tilespmem:v1+s0+$0x300 ss:$0x1], $0xffff;
	_ =	sdelay $0x1  }
0x30f: {  	v2 =	vadd.f32 v5, v2;
	v5 =	vld.idx.msk [tilespmem:v1+s0+$0x380 ss:$0x1], $0xffff;
	_ =	sdelay $0x1  }
0x310: {  	v2 =	vadd.f32 v3, v2;
	_ =	sdelay $0x1  }
0x311: {  	v2 =	vadd.f32 v4, v2  }
.Ltmp24:
0x312: {  	(pc) =	sbr.rel @p1 .LBB2_53-.Ltmp24, $3  }
0x313: {  	v2 =	vadd.f32 v5, v2;
	_ =	sdelay $0x1  }
0x314: {  	[tilespmem:v0+s0+$0x0 ss:$0x1] =	vst.idx.msk $0xffff, v2;
	s0 =	sshra.s32 s14, $0x2  }
0x315: {  	s14 =	sadd.s32 $0x40, s14;
	v2 =	vld.idx.msk [tilespmem:v1+s0+$0xFFFFFC80 ss:$0x1], $0xffff  }
0x316: {  	_ =	sdelay $0x3  }
0x317: {  	v3 =	vld.idx.msk [tilespmem:v1+s0+$0xFFFFFC00 ss:$0x1], $0xffff;
	_ =	sdelay $0x1  }
0x318: {  	v4 =	vld.idx.msk [tilespmem:v1+s0+$0xFFFFFD00 ss:$0x1], $0xffff;
	_ =	sdelay $0x1  }
0x319: {  	v5 =	vld.idx.msk [tilespmem:v1+s0+$0xFFFFFD80 ss:$0x1], $0xffff  }
0x31a: {  	v2 =	vadd.f32 v2, v3  }
0x31b: {  	v52 =	vld.idx.msk [tilespmem:v1+s0+$0xFFFFFE00 ss:$0x1], $0xffff  }
0x31c: {  	v2 =	vadd.f32 v4, v2  }
0x31d: {  	v53 =	vld.idx.msk [tilespmem:v1+s0+$0xFFFFFE80 ss:$0x1], $0xffff  }
0x31e: {  	v2 =	vadd.f32 v5, v2  }
0x31f: {  	v54 =	vld.idx.msk [tilespmem:v1+s0+$0xFFFFFF00 ss:$0x1], $0xffff  }
0x320: {  	v2 =	vadd.f32 v52, v2  }
0x321: {  	v55 =	vld.idx.msk [tilespmem:v1+s0+$0xFFFFFF80 ss:$0x1], $0xffff  }
0x322: {  	v2 =	vadd.f32 v53, v2  }
0x323: {  	v56 =	vld.idx.msk [tilespmem:v1+s0+$0x0 ss:$0x1], $0xffff  }
0x324: {  	v2 =	vadd.f32 v54, v2  }
0x325: {  	v57 =	vld.idx.msk [tilespmem:v1+s0+$0x80 ss:$0x1], $0xffff  }
0x326: {  	v2 =	vadd.f32 v55, v2  }
0x327: {  	v58 =	vld.idx.msk [tilespmem:v1+s0+$0x100 ss:$0x1], $0xffff  }
0x328: {  	v2 =	vadd.f32 v56, v2  }
0x329: {  	v59 =	vld.idx.msk [tilespmem:v1+s0+$0x180 ss:$0x1], $0xffff  }
0x32a: {  	v2 =	vadd.f32 v57, v2  }
0x32b: {  	v60 =	vld.idx.msk [tilespmem:v1+s0+$0x200 ss:$0x1], $0xffff  }
0x32c: {  	v2 =	vadd.f32 v58, v2  }
0x32d: {  	v61 =	vld.idx.msk [tilespmem:v1+s0+$0x280 ss:$0x1], $0xffff  }
0x32e: {  	v2 =	vadd.f32 v59, v2  }
0x32f: {  	v62 =	vld.idx.msk [tilespmem:v1+s0+$0x300 ss:$0x1], $0xffff  }
0x330: {  	v2 =	vadd.f32 v60, v2  }
0x331: {  	v63 =	vld.idx.msk [tilespmem:v1+s0+$0x380 ss:$0x1], $0xffff  }
0x332: {  	s13 =	sadd.s32 $0x1, s13;
	v2 =	vadd.f32 v61, v2  }
0x333: {  	p1 =	sne.s32 s13, $0x8  }
.Ltmp25:
0x334: {  	v2 =	vadd.f32 v62, v2;
	(pc) =	sbr.rel @p1 .LBB2_52-.Ltmp25, $3  }
0x335: {  	_ = 	snop  }
0x336: {  	v1 =	vadd.f32 v63, v2;
	_ =	sdelay $0x1  }
0x337: {  	s11 =	sadd.s32 $0x80, s11;
	s7 =	sadd.s32 $0x800, s7;
	[tilespmem:v0+s0+$0x0 ss:$0x1] =	vst.idx.msk $0xffff, v1  }
.Ltmp26:
0x338: {  	(pc) =	sbr.rel @p0 .LBB2_39-.Ltmp26, $3  }
0x339: {  	_ =	sdelay $0x1  }
0x33a: {  	s0 =	sadd.s32 $0x380, s12;
	s12 =	simm.s32 $0x1;
	p1 =	por $0x0, $0x0  }
0x33b: {  	[tilespmem:s23], [sflag:$0x4] =	stream.indirect.gather [hbm4b:s2+s16], $0x80, s0, s16, $0xb8;
	[tilespmem:$0x1AA80] =	vst v63  }
0x33c: {  	_ =	swait.ge [sflag:s1], $0x2000;
	s0 =	sadd.s32 s3, s9  }
0x33d: {  	s12 =	simm.s32 $0x0;
	[sflag:s1] =	ssyncset.done $0x0;
	s0 =	sshll.u32 s0, $0x4  }
0x33e: {  	s14 =	simm.s32 $0x16A80;
	[sflag:s1] =	ssyncadd.s32 $0xFFFFE000;
	s7 =	sadd.s32 s6, s0  }
0x33f: {  	[hbm4b:s7+s12] =	stream.linear.scatter [tilespmem:s14], [sflag:$0x7], $0x2000, $0x38;
	[tilespmem:$0x1AA80] =	vst v63  }
0x340: {  	s0 =	sadd.s32 s5, s0  }
0x341: {  	[hbm4b:s0+s12] =	stream.linear.scatter [tilespmem:s25], [sflag:$0x7], $0x2000, $0x38;
	[tilespmem:$0x1AA80] =	vst v63  }
0x342: {  	_ =	swait.ge [sflag:s15], $0x2000  }
0x343: {  	[sflag:s15] =	ssyncset.done $0x0  }
0x344: {  	[sflag:s15] =	ssyncadd.s32 $0xFFFFE000  }
0x345: {  	_ =	swait.ge [sflag:s15], $0x2000  }
0x346: {  	s20 =	sshllo.u32 s8, $0x1;
	p1 =	por $0x1, $0x1;
	[sflag:s15] =	ssyncset.done $0x0  }
0x347: {  	s9 =	sshll.u32 s20, $0x6;
	s10 =	sshll.u32 s20, $0x3;
	[sflag:s15] =	ssyncadd.s32 $0xFFFFE000  }
0x348: {  	[tilespmem:s26], [sflag:$0x6] =	stream.indirect.gather [hbm4b:s2+s24], $0x80, s9, s24, $0xb8;
	[tilespmem:$0x1AA80] =	vst v63  }
.LBB2_57:
0x349: {  	_ =	swait.ge [sflag:s28], $0x4000;
	s0 =	sshll.u32 s12, $0xE;
	p0 =	por p1, p1  }
0x34a: {  	s14 =	simm.s32 $0x2E80;
	[sflag:s28] =	ssyncset.done $0x0;
	s11 =	sshra.s32 s0, $0x2  }
0x34b: {  	s7 =	simm.s32 $0x0;
	[sflag:s28] =	ssyncadd.s32 $0xFFFFC000;
	s13 =	sadd.s32 $0x18A80, s11  }
.LBB2_58:
0x34c: {  	v1 =	vmov s14;
	_ =	sdelay $0x3  }
0x34d: {  	s0 =	simm.s32 $0x0  }
0x34e: {  	v0 =	vmov s13;
	s20 =	simm.s32 $0x40;
	v2 =	vld.idx.msk [tilespmem:v1+s0+$0xFFFFFC80 ss:$0x1], $0xffff  }
.LBB2_59:
0x34f: {  	p1 =	sne.s32 s20, $0x1C0;
	v3 =	vld.idx.msk [tilespmem:v1+s0+$0xFFFFFC00 ss:$0x1], $0xffff;
	_ =	sdelay $0x1  }
0x350: {  	v4 =	vld.idx.msk [tilespmem:v1+s0+$0xFFFFFD00 ss:$0x1], $0xffff;
	_ =	sdelay $0x1  }
0x351: {  	v5 =	vld.idx.msk [tilespmem:v1+s0+$0xFFFFFD80 ss:$0x1], $0xffff;
	_ =	sdelay $0x1  }
0x352: {  	v2 =	vadd.f32 v2, v3;
	v3 =	vld.idx.msk [tilespmem:v1+s0+$0xFFFFFE00 ss:$0x1], $0xffff;
	_ =	sdelay $0x1  }
0x353: {  	v2 =	vadd.f32 v4, v2;
	v4 =	vld.idx.msk [tilespmem:v1+s0+$0xFFFFFE80 ss:$0x1], $0xffff;
	_ =	sdelay $0x1  }
0x354: {  	v2 =	vadd.f32 v5, v2;
	v5 =	vld.idx.msk [tilespmem:v1+s0+$0xFFFFFF00 ss:$0x1], $0xffff;
	_ =	sdelay $0x1  }
0x355: {  	v2 =	vadd.f32 v3, v2;
	v3 =	vld.idx.msk [tilespmem:v1+s0+$0xFFFFFF80 ss:$0x1], $0xffff;
	_ =	sdelay $0x1  }
0x356: {  	v2 =	vadd.f32 v4, v2;
	v4 =	vld.idx.msk [tilespmem:v1+s0+$0x0 ss:$0x1], $0xffff;
	_ =	sdelay $0x1  }
0x357: {  	v2 =	vadd.f32 v5, v2;
	v5 =	vld.idx.msk [tilespmem:v1+s0+$0x80 ss:$0x1], $0xffff;
	_ =	sdelay $0x1  }
0x358: {  	v2 =	vadd.f32 v3, v2;
	v3 =	vld.idx.msk [tilespmem:v1+s0+$0x100 ss:$0x1], $0xffff;
	_ =	sdelay $0x1  }
0x359: {  	v2 =	vadd.f32 v4, v2;
	v4 =	vld.idx.msk [tilespmem:v1+s0+$0x180 ss:$0x1], $0xffff;
	_ =	sdelay $0x1  }
0x35a: {  	v2 =	vadd.f32 v5, v2;
	v5 =	vld.idx.msk [tilespmem:v1+s0+$0x200 ss:$0x1], $0xffff;
	_ =	sdelay $0x1  }
0x35b: {  	v2 =	vadd.f32 v3, v2;
	v3 =	vld.idx.msk [tilespmem:v1+s0+$0x280 ss:$0x1], $0xffff;
	_ =	sdelay $0x1  }
0x35c: {  	v2 =	vadd.f32 v4, v2;
	v4 =	vld.idx.msk [tilespmem:v1+s0+$0x300 ss:$0x1], $0xffff;
	_ =	sdelay $0x1  }
0x35d: {  	v2 =	vadd.f32 v5, v2;
	v5 =	vld.idx.msk [tilespmem:v1+s0+$0x380 ss:$0x1], $0xffff;
	_ =	sdelay $0x1  }
0x35e: {  	v2 =	vadd.f32 v3, v2;
	_ =	sdelay $0x1  }
0x35f: {  	v2 =	vadd.f32 v4, v2  }
.Ltmp27:
0x360: {  	(pc) =	sbr.rel @p1 .LBB2_59-.Ltmp27, $3  }
0x361: {  	v2 =	vadd.f32 v5, v2;
	_ =	sdelay $0x1  }
0x362: {  	[tilespmem:v0+s0+$0x0 ss:$0x1] =	vst.idx.msk $0xffff, v2;
	s0 =	sshra.s32 s20, $0x2  }
0x363: {  	s20 =	sadd.s32 $0x40, s20;
	v2 =	vld.idx.msk [tilespmem:v1+s0+$0xFFFFFC80 ss:$0x1], $0xffff  }
0x364: {  	_ =	sdelay $0x3  }
0x365: {  	v3 =	vld.idx.msk [tilespmem:v1+s0+$0xFFFFFC00 ss:$0x1], $0xffff;
	_ =	sdelay $0x1  }
0x366: {  	v4 =	vld.idx.msk [tilespmem:v1+s0+$0xFFFFFD00 ss:$0x1], $0xffff;
	_ =	sdelay $0x1  }
0x367: {  	v5 =	vld.idx.msk [tilespmem:v1+s0+$0xFFFFFD80 ss:$0x1], $0xffff  }
0x368: {  	v2 =	vadd.f32 v2, v3  }
0x369: {  	v52 =	vld.idx.msk [tilespmem:v1+s0+$0xFFFFFE00 ss:$0x1], $0xffff  }
0x36a: {  	v2 =	vadd.f32 v4, v2  }
0x36b: {  	v53 =	vld.idx.msk [tilespmem:v1+s0+$0xFFFFFE80 ss:$0x1], $0xffff  }
0x36c: {  	v2 =	vadd.f32 v5, v2  }
0x36d: {  	v54 =	vld.idx.msk [tilespmem:v1+s0+$0xFFFFFF00 ss:$0x1], $0xffff  }
0x36e: {  	v2 =	vadd.f32 v52, v2  }
0x36f: {  	v55 =	vld.idx.msk [tilespmem:v1+s0+$0xFFFFFF80 ss:$0x1], $0xffff  }
0x370: {  	v2 =	vadd.f32 v53, v2  }
0x371: {  	v56 =	vld.idx.msk [tilespmem:v1+s0+$0x0 ss:$0x1], $0xffff  }
0x372: {  	v2 =	vadd.f32 v54, v2  }
0x373: {  	v57 =	vld.idx.msk [tilespmem:v1+s0+$0x80 ss:$0x1], $0xffff  }
0x374: {  	v2 =	vadd.f32 v55, v2  }
0x375: {  	v58 =	vld.idx.msk [tilespmem:v1+s0+$0x100 ss:$0x1], $0xffff  }
0x376: {  	v2 =	vadd.f32 v56, v2  }
0x377: {  	v59 =	vld.idx.msk [tilespmem:v1+s0+$0x180 ss:$0x1], $0xffff  }
0x378: {  	v2 =	vadd.f32 v57, v2  }
0x379: {  	v60 =	vld.idx.msk [tilespmem:v1+s0+$0x200 ss:$0x1], $0xffff  }
0x37a: {  	v2 =	vadd.f32 v58, v2  }
0x37b: {  	v61 =	vld.idx.msk [tilespmem:v1+s0+$0x280 ss:$0x1], $0xffff  }
0x37c: {  	v2 =	vadd.f32 v59, v2  }
0x37d: {  	v62 =	vld.idx.msk [tilespmem:v1+s0+$0x300 ss:$0x1], $0xffff  }
0x37e: {  	v2 =	vadd.f32 v60, v2  }
0x37f: {  	v63 =	vld.idx.msk [tilespmem:v1+s0+$0x380 ss:$0x1], $0xffff  }
0x380: {  	s7 =	sadd.s32 $0x1, s7;
	v2 =	vadd.f32 v61, v2  }
0x381: {  	p1 =	sne.s32 s7, $0x8  }
.Ltmp28:
0x382: {  	v2 =	vadd.f32 v62, v2;
	(pc) =	sbr.rel @p1 .LBB2_58-.Ltmp28, $3  }
0x383: {  	_ = 	snop  }
0x384: {  	v1 =	vadd.f32 v63, v2;
	_ =	sdelay $0x1  }
0x385: {  	s13 =	sadd.s32 $0x80, s13;
	s14 =	sadd.s32 $0x800, s14;
	[tilespmem:v0+s0+$0x0 ss:$0x1] =	vst.idx.msk $0xffff, v1  }
0x386: {  	s0 =	sshll.u32 s12, $0x2  }
0x387: {  	s12 =	sor.u32 s10, s0  }
0x388: {  	s0 =	smin.u32 s12, $0x4B  }
0x389: {  	s0 =	sshll.u32 s0, $0x7  }
0x38a: {  	s0 =	sadd.s32 $0x480, s0  }
0x38b: {  	[tilespmem:s17], [sflag:$0x1] =	stream.indirect.gather [hbm4b:s2+s16], $0x80, s0, s16, $0xb8;
	[tilespmem:$0x1AA80] =	vst v63  }
0x38c: {  	_ =	swait.ge [sflag:s29], $0x4000  }
0x38d: {  	s13 =	sadd.s32 $0x18E80, s11;
	[sflag:s29] =	ssyncset.done $0x0  }
0x38e: {  	s14 =	simm.s32 $0x0;
	s7 =	simm.s32 $0x6E80;
	[sflag:s29] =	ssyncadd.s32 $0xFFFFC000  }
.LBB2_62:
0x38f: {  	v1 =	vmov s7;
	_ =	sdelay $0x3  }
0x390: {  	s0 =	simm.s32 $0x0  }
0x391: {  	v0 =	vmov s13;
	s20 =	simm.s32 $0x40;
	v2 =	vld.idx.msk [tilespmem:v1+s0+$0xFFFFFC80 ss:$0x1], $0xffff  }
.LBB2_63:
0x392: {  	p1 =	sne.s32 s20, $0x1C0;
	v3 =	vld.idx.msk [tilespmem:v1+s0+$0xFFFFFC00 ss:$0x1], $0xffff;
	_ =	sdelay $0x1  }
0x393: {  	v4 =	vld.idx.msk [tilespmem:v1+s0+$0xFFFFFD00 ss:$0x1], $0xffff;
	_ =	sdelay $0x1  }
0x394: {  	v5 =	vld.idx.msk [tilespmem:v1+s0+$0xFFFFFD80 ss:$0x1], $0xffff;
	_ =	sdelay $0x1  }
0x395: {  	v2 =	vadd.f32 v2, v3;
	v3 =	vld.idx.msk [tilespmem:v1+s0+$0xFFFFFE00 ss:$0x1], $0xffff;
	_ =	sdelay $0x1  }
0x396: {  	v2 =	vadd.f32 v4, v2;
	v4 =	vld.idx.msk [tilespmem:v1+s0+$0xFFFFFE80 ss:$0x1], $0xffff;
	_ =	sdelay $0x1  }
0x397: {  	v2 =	vadd.f32 v5, v2;
	v5 =	vld.idx.msk [tilespmem:v1+s0+$0xFFFFFF00 ss:$0x1], $0xffff;
	_ =	sdelay $0x1  }
0x398: {  	v2 =	vadd.f32 v3, v2;
	v3 =	vld.idx.msk [tilespmem:v1+s0+$0xFFFFFF80 ss:$0x1], $0xffff;
	_ =	sdelay $0x1  }
0x399: {  	v2 =	vadd.f32 v4, v2;
	v4 =	vld.idx.msk [tilespmem:v1+s0+$0x0 ss:$0x1], $0xffff;
	_ =	sdelay $0x1  }
0x39a: {  	v2 =	vadd.f32 v5, v2;
	v5 =	vld.idx.msk [tilespmem:v1+s0+$0x80 ss:$0x1], $0xffff;
	_ =	sdelay $0x1  }
0x39b: {  	v2 =	vadd.f32 v3, v2;
	v3 =	vld.idx.msk [tilespmem:v1+s0+$0x100 ss:$0x1], $0xffff;
	_ =	sdelay $0x1  }
0x39c: {  	v2 =	vadd.f32 v4, v2;
	v4 =	vld.idx.msk [tilespmem:v1+s0+$0x180 ss:$0x1], $0xffff;
	_ =	sdelay $0x1  }
0x39d: {  	v2 =	vadd.f32 v5, v2;
	v5 =	vld.idx.msk [tilespmem:v1+s0+$0x200 ss:$0x1], $0xffff;
	_ =	sdelay $0x1  }
0x39e: {  	v2 =	vadd.f32 v3, v2;
	v3 =	vld.idx.msk [tilespmem:v1+s0+$0x280 ss:$0x1], $0xffff;
	_ =	sdelay $0x1  }
0x39f: {  	v2 =	vadd.f32 v4, v2;
	v4 =	vld.idx.msk [tilespmem:v1+s0+$0x300 ss:$0x1], $0xffff;
	_ =	sdelay $0x1  }
0x3a0: {  	v2 =	vadd.f32 v5, v2;
	v5 =	vld.idx.msk [tilespmem:v1+s0+$0x380 ss:$0x1], $0xffff;
	_ =	sdelay $0x1  }
0x3a1: {  	v2 =	vadd.f32 v3, v2;
	_ =	sdelay $0x1  }
0x3a2: {  	v2 =	vadd.f32 v4, v2  }
.Ltmp29:
0x3a3: {  	(pc) =	sbr.rel @p1 .LBB2_63-.Ltmp29, $3  }
0x3a4: {  	v2 =	vadd.f32 v5, v2;
	_ =	sdelay $0x1  }
0x3a5: {  	[tilespmem:v0+s0+$0x0 ss:$0x1] =	vst.idx.msk $0xffff, v2;
	s0 =	sshra.s32 s20, $0x2  }
0x3a6: {  	s20 =	sadd.s32 $0x40, s20;
	v2 =	vld.idx.msk [tilespmem:v1+s0+$0xFFFFFC80 ss:$0x1], $0xffff  }
0x3a7: {  	_ =	sdelay $0x3  }
0x3a8: {  	v3 =	vld.idx.msk [tilespmem:v1+s0+$0xFFFFFC00 ss:$0x1], $0xffff;
	_ =	sdelay $0x1  }
0x3a9: {  	v4 =	vld.idx.msk [tilespmem:v1+s0+$0xFFFFFD00 ss:$0x1], $0xffff;
	_ =	sdelay $0x1  }
0x3aa: {  	v5 =	vld.idx.msk [tilespmem:v1+s0+$0xFFFFFD80 ss:$0x1], $0xffff  }
0x3ab: {  	v2 =	vadd.f32 v2, v3  }
0x3ac: {  	v52 =	vld.idx.msk [tilespmem:v1+s0+$0xFFFFFE00 ss:$0x1], $0xffff  }
0x3ad: {  	v2 =	vadd.f32 v4, v2  }
0x3ae: {  	v53 =	vld.idx.msk [tilespmem:v1+s0+$0xFFFFFE80 ss:$0x1], $0xffff  }
0x3af: {  	v2 =	vadd.f32 v5, v2  }
0x3b0: {  	v54 =	vld.idx.msk [tilespmem:v1+s0+$0xFFFFFF00 ss:$0x1], $0xffff  }
0x3b1: {  	v2 =	vadd.f32 v52, v2  }
0x3b2: {  	v55 =	vld.idx.msk [tilespmem:v1+s0+$0xFFFFFF80 ss:$0x1], $0xffff  }
0x3b3: {  	v2 =	vadd.f32 v53, v2  }
0x3b4: {  	v56 =	vld.idx.msk [tilespmem:v1+s0+$0x0 ss:$0x1], $0xffff  }
0x3b5: {  	v2 =	vadd.f32 v54, v2  }
0x3b6: {  	v57 =	vld.idx.msk [tilespmem:v1+s0+$0x80 ss:$0x1], $0xffff  }
0x3b7: {  	v2 =	vadd.f32 v55, v2  }
0x3b8: {  	v58 =	vld.idx.msk [tilespmem:v1+s0+$0x100 ss:$0x1], $0xffff  }
0x3b9: {  	v2 =	vadd.f32 v56, v2  }
0x3ba: {  	v59 =	vld.idx.msk [tilespmem:v1+s0+$0x180 ss:$0x1], $0xffff  }
0x3bb: {  	v2 =	vadd.f32 v57, v2  }
0x3bc: {  	v60 =	vld.idx.msk [tilespmem:v1+s0+$0x200 ss:$0x1], $0xffff  }
0x3bd: {  	v2 =	vadd.f32 v58, v2  }
0x3be: {  	v61 =	vld.idx.msk [tilespmem:v1+s0+$0x280 ss:$0x1], $0xffff  }
0x3bf: {  	v2 =	vadd.f32 v59, v2  }
0x3c0: {  	v62 =	vld.idx.msk [tilespmem:v1+s0+$0x300 ss:$0x1], $0xffff  }
0x3c1: {  	v2 =	vadd.f32 v60, v2  }
0x3c2: {  	v63 =	vld.idx.msk [tilespmem:v1+s0+$0x380 ss:$0x1], $0xffff  }
0x3c3: {  	s14 =	sadd.s32 $0x1, s14;
	v2 =	vadd.f32 v61, v2  }
0x3c4: {  	p1 =	sne.s32 s14, $0x8  }
.Ltmp30:
0x3c5: {  	v2 =	vadd.f32 v62, v2;
	(pc) =	sbr.rel @p1 .LBB2_62-.Ltmp30, $3  }
0x3c6: {  	_ = 	snop  }
0x3c7: {  	v1 =	vadd.f32 v63, v2;
	_ =	sdelay $0x1  }
0x3c8: {  	s13 =	sadd.s32 $0x80, s13;
	s7 =	sadd.s32 $0x800, s7;
	[tilespmem:v0+s0+$0x0 ss:$0x1] =	vst.idx.msk $0xffff, v1  }
0x3c9: {  	s0 =	smin.u32 s12, $0x4A  }
0x3ca: {  	s0 =	sshll.u32 s0, $0x7  }
0x3cb: {  	s0 =	sadd.s32 $0x500, s0  }
0x3cc: {  	[tilespmem:s19], [sflag:$0x2] =	stream.indirect.gather [hbm4b:s2+s16], $0x80, s0, s16, $0xb8;
	[tilespmem:$0x1AA80] =	vst v63  }
0x3cd: {  	_ =	swait.ge [sflag:s30], $0x4000  }
0x3ce: {  	s13 =	sadd.s32 $0x19280, s11;
	[sflag:s30] =	ssyncset.done $0x0  }
0x3cf: {  	s14 =	simm.s32 $0x0;
	s7 =	simm.s32 $0xAE80;
	[sflag:s30] =	ssyncadd.s32 $0xFFFFC000  }
.LBB2_66:
0x3d0: {  	v1 =	vmov s7;
	_ =	sdelay $0x3  }
0x3d1: {  	s0 =	simm.s32 $0x0  }
0x3d2: {  	v0 =	vmov s13;
	s20 =	simm.s32 $0x40;
	v2 =	vld.idx.msk [tilespmem:v1+s0+$0xFFFFFC80 ss:$0x1], $0xffff  }
.LBB2_67:
0x3d3: {  	p1 =	sne.s32 s20, $0x1C0;
	v3 =	vld.idx.msk [tilespmem:v1+s0+$0xFFFFFC00 ss:$0x1], $0xffff;
	_ =	sdelay $0x1  }
0x3d4: {  	v4 =	vld.idx.msk [tilespmem:v1+s0+$0xFFFFFD00 ss:$0x1], $0xffff;
	_ =	sdelay $0x1  }
0x3d5: {  	v5 =	vld.idx.msk [tilespmem:v1+s0+$0xFFFFFD80 ss:$0x1], $0xffff;
	_ =	sdelay $0x1  }
0x3d6: {  	v2 =	vadd.f32 v2, v3;
	v3 =	vld.idx.msk [tilespmem:v1+s0+$0xFFFFFE00 ss:$0x1], $0xffff;
	_ =	sdelay $0x1  }
0x3d7: {  	v2 =	vadd.f32 v4, v2;
	v4 =	vld.idx.msk [tilespmem:v1+s0+$0xFFFFFE80 ss:$0x1], $0xffff;
	_ =	sdelay $0x1  }
0x3d8: {  	v2 =	vadd.f32 v5, v2;
	v5 =	vld.idx.msk [tilespmem:v1+s0+$0xFFFFFF00 ss:$0x1], $0xffff;
	_ =	sdelay $0x1  }
0x3d9: {  	v2 =	vadd.f32 v3, v2;
	v3 =	vld.idx.msk [tilespmem:v1+s0+$0xFFFFFF80 ss:$0x1], $0xffff;
	_ =	sdelay $0x1  }
0x3da: {  	v2 =	vadd.f32 v4, v2;
	v4 =	vld.idx.msk [tilespmem:v1+s0+$0x0 ss:$0x1], $0xffff;
	_ =	sdelay $0x1  }
0x3db: {  	v2 =	vadd.f32 v5, v2;
	v5 =	vld.idx.msk [tilespmem:v1+s0+$0x80 ss:$0x1], $0xffff;
	_ =	sdelay $0x1  }
0x3dc: {  	v2 =	vadd.f32 v3, v2;
	v3 =	vld.idx.msk [tilespmem:v1+s0+$0x100 ss:$0x1], $0xffff;
	_ =	sdelay $0x1  }
0x3dd: {  	v2 =	vadd.f32 v4, v2;
	v4 =	vld.idx.msk [tilespmem:v1+s0+$0x180 ss:$0x1], $0xffff;
	_ =	sdelay $0x1  }
0x3de: {  	v2 =	vadd.f32 v5, v2;
	v5 =	vld.idx.msk [tilespmem:v1+s0+$0x200 ss:$0x1], $0xffff;
	_ =	sdelay $0x1  }
0x3df: {  	v2 =	vadd.f32 v3, v2;
	v3 =	vld.idx.msk [tilespmem:v1+s0+$0x280 ss:$0x1], $0xffff;
	_ =	sdelay $0x1  }
0x3e0: {  	v2 =	vadd.f32 v4, v2;
	v4 =	vld.idx.msk [tilespmem:v1+s0+$0x300 ss:$0x1], $0xffff;
	_ =	sdelay $0x1  }
0x3e1: {  	v2 =	vadd.f32 v5, v2;
	v5 =	vld.idx.msk [tilespmem:v1+s0+$0x380 ss:$0x1], $0xffff;
	_ =	sdelay $0x1  }
0x3e2: {  	v2 =	vadd.f32 v3, v2;
	_ =	sdelay $0x1  }
0x3e3: {  	v2 =	vadd.f32 v4, v2  }
.Ltmp31:
0x3e4: {  	(pc) =	sbr.rel @p1 .LBB2_67-.Ltmp31, $3  }
0x3e5: {  	v2 =	vadd.f32 v5, v2;
	_ =	sdelay $0x1  }
0x3e6: {  	[tilespmem:v0+s0+$0x0 ss:$0x1] =	vst.idx.msk $0xffff, v2;
	s0 =	sshra.s32 s20, $0x2  }
0x3e7: {  	s20 =	sadd.s32 $0x40, s20;
	v2 =	vld.idx.msk [tilespmem:v1+s0+$0xFFFFFC80 ss:$0x1], $0xffff  }
0x3e8: {  	_ =	sdelay $0x3  }
0x3e9: {  	v3 =	vld.idx.msk [tilespmem:v1+s0+$0xFFFFFC00 ss:$0x1], $0xffff;
	_ =	sdelay $0x1  }
0x3ea: {  	v4 =	vld.idx.msk [tilespmem:v1+s0+$0xFFFFFD00 ss:$0x1], $0xffff;
	_ =	sdelay $0x1  }
0x3eb: {  	v5 =	vld.idx.msk [tilespmem:v1+s0+$0xFFFFFD80 ss:$0x1], $0xffff  }
0x3ec: {  	v2 =	vadd.f32 v2, v3  }
0x3ed: {  	v52 =	vld.idx.msk [tilespmem:v1+s0+$0xFFFFFE00 ss:$0x1], $0xffff  }
0x3ee: {  	v2 =	vadd.f32 v4, v2  }
0x3ef: {  	v53 =	vld.idx.msk [tilespmem:v1+s0+$0xFFFFFE80 ss:$0x1], $0xffff  }
0x3f0: {  	v2 =	vadd.f32 v5, v2  }
0x3f1: {  	v54 =	vld.idx.msk [tilespmem:v1+s0+$0xFFFFFF00 ss:$0x1], $0xffff  }
0x3f2: {  	v2 =	vadd.f32 v52, v2  }
0x3f3: {  	v55 =	vld.idx.msk [tilespmem:v1+s0+$0xFFFFFF80 ss:$0x1], $0xffff  }
0x3f4: {  	v2 =	vadd.f32 v53, v2  }
0x3f5: {  	v56 =	vld.idx.msk [tilespmem:v1+s0+$0x0 ss:$0x1], $0xffff  }
0x3f6: {  	v2 =	vadd.f32 v54, v2  }
0x3f7: {  	v57 =	vld.idx.msk [tilespmem:v1+s0+$0x80 ss:$0x1], $0xffff  }
0x3f8: {  	v2 =	vadd.f32 v55, v2  }
0x3f9: {  	v58 =	vld.idx.msk [tilespmem:v1+s0+$0x100 ss:$0x1], $0xffff  }
0x3fa: {  	v2 =	vadd.f32 v56, v2  }
0x3fb: {  	v59 =	vld.idx.msk [tilespmem:v1+s0+$0x180 ss:$0x1], $0xffff  }
0x3fc: {  	v2 =	vadd.f32 v57, v2  }
0x3fd: {  	v60 =	vld.idx.msk [tilespmem:v1+s0+$0x200 ss:$0x1], $0xffff  }
0x3fe: {  	v2 =	vadd.f32 v58, v2  }
0x3ff: {  	v61 =	vld.idx.msk [tilespmem:v1+s0+$0x280 ss:$0x1], $0xffff  }
0x400: {  	v2 =	vadd.f32 v59, v2  }
0x401: {  	v62 =	vld.idx.msk [tilespmem:v1+s0+$0x300 ss:$0x1], $0xffff  }
0x402: {  	v2 =	vadd.f32 v60, v2  }
0x403: {  	v63 =	vld.idx.msk [tilespmem:v1+s0+$0x380 ss:$0x1], $0xffff  }
0x404: {  	s14 =	sadd.s32 $0x1, s14;
	v2 =	vadd.f32 v61, v2  }
0x405: {  	p1 =	sne.s32 s14, $0x8  }
.Ltmp32:
0x406: {  	v2 =	vadd.f32 v62, v2;
	(pc) =	sbr.rel @p1 .LBB2_66-.Ltmp32, $3  }
0x407: {  	_ = 	snop  }
0x408: {  	v1 =	vadd.f32 v63, v2;
	_ =	sdelay $0x1  }
0x409: {  	s13 =	sadd.s32 $0x80, s13;
	s7 =	sadd.s32 $0x800, s7;
	[tilespmem:v0+s0+$0x0 ss:$0x1] =	vst.idx.msk $0xffff, v1  }
0x40a: {  	s0 =	smin.u32 s12, $0x49  }
0x40b: {  	s0 =	sshll.u32 s0, $0x7  }
0x40c: {  	s0 =	sadd.s32 $0x580, s0  }
0x40d: {  	[tilespmem:s21], [sflag:$0x3] =	stream.indirect.gather [hbm4b:s2+s16], $0x80, s0, s16, $0xb8;
	[tilespmem:$0x1AA80] =	vst v63  }
0x40e: {  	_ =	swait.ge [sflag:s31], $0x4000  }
0x40f: {  	s11 =	sadd.s32 $0x19680, s11;
	[sflag:s31] =	ssyncset.done $0x0  }
0x410: {  	s13 =	simm.s32 $0x0;
	s7 =	simm.s32 $0xEE80;
	[sflag:s31] =	ssyncadd.s32 $0xFFFFC000  }
.LBB2_70:
0x411: {  	v1 =	vmov s7;
	_ =	sdelay $0x3  }
0x412: {  	s0 =	simm.s32 $0x0  }
0x413: {  	v0 =	vmov s11;
	s14 =	simm.s32 $0x40;
	v2 =	vld.idx.msk [tilespmem:v1+s0+$0xFFFFFC80 ss:$0x1], $0xffff  }
.LBB2_71:
0x414: {  	p1 =	sne.s32 s14, $0x1C0;
	v3 =	vld.idx.msk [tilespmem:v1+s0+$0xFFFFFC00 ss:$0x1], $0xffff;
	_ =	sdelay $0x1  }
0x415: {  	v4 =	vld.idx.msk [tilespmem:v1+s0+$0xFFFFFD00 ss:$0x1], $0xffff;
	_ =	sdelay $0x1  }
0x416: {  	v5 =	vld.idx.msk [tilespmem:v1+s0+$0xFFFFFD80 ss:$0x1], $0xffff;
	_ =	sdelay $0x1  }
0x417: {  	v2 =	vadd.f32 v2, v3;
	v3 =	vld.idx.msk [tilespmem:v1+s0+$0xFFFFFE00 ss:$0x1], $0xffff;
	_ =	sdelay $0x1  }
0x418: {  	v2 =	vadd.f32 v4, v2;
	v4 =	vld.idx.msk [tilespmem:v1+s0+$0xFFFFFE80 ss:$0x1], $0xffff;
	_ =	sdelay $0x1  }
0x419: {  	v2 =	vadd.f32 v5, v2;
	v5 =	vld.idx.msk [tilespmem:v1+s0+$0xFFFFFF00 ss:$0x1], $0xffff;
	_ =	sdelay $0x1  }
0x41a: {  	v2 =	vadd.f32 v3, v2;
	v3 =	vld.idx.msk [tilespmem:v1+s0+$0xFFFFFF80 ss:$0x1], $0xffff;
	_ =	sdelay $0x1  }
0x41b: {  	v2 =	vadd.f32 v4, v2;
	v4 =	vld.idx.msk [tilespmem:v1+s0+$0x0 ss:$0x1], $0xffff;
	_ =	sdelay $0x1  }
0x41c: {  	v2 =	vadd.f32 v5, v2;
	v5 =	vld.idx.msk [tilespmem:v1+s0+$0x80 ss:$0x1], $0xffff;
	_ =	sdelay $0x1  }
0x41d: {  	v2 =	vadd.f32 v3, v2;
	v3 =	vld.idx.msk [tilespmem:v1+s0+$0x100 ss:$0x1], $0xffff;
	_ =	sdelay $0x1  }
0x41e: {  	v2 =	vadd.f32 v4, v2;
	v4 =	vld.idx.msk [tilespmem:v1+s0+$0x180 ss:$0x1], $0xffff;
	_ =	sdelay $0x1  }
0x41f: {  	v2 =	vadd.f32 v5, v2;
	v5 =	vld.idx.msk [tilespmem:v1+s0+$0x200 ss:$0x1], $0xffff;
	_ =	sdelay $0x1  }
0x420: {  	v2 =	vadd.f32 v3, v2;
	v3 =	vld.idx.msk [tilespmem:v1+s0+$0x280 ss:$0x1], $0xffff;
	_ =	sdelay $0x1  }
0x421: {  	v2 =	vadd.f32 v4, v2;
	v4 =	vld.idx.msk [tilespmem:v1+s0+$0x300 ss:$0x1], $0xffff;
	_ =	sdelay $0x1  }
0x422: {  	v2 =	vadd.f32 v5, v2;
	v5 =	vld.idx.msk [tilespmem:v1+s0+$0x380 ss:$0x1], $0xffff;
	_ =	sdelay $0x1  }
0x423: {  	v2 =	vadd.f32 v3, v2;
	_ =	sdelay $0x1  }
0x424: {  	v2 =	vadd.f32 v4, v2  }
.Ltmp33:
0x425: {  	(pc) =	sbr.rel @p1 .LBB2_71-.Ltmp33, $3  }
0x426: {  	v2 =	vadd.f32 v5, v2;
	_ =	sdelay $0x1  }
0x427: {  	[tilespmem:v0+s0+$0x0 ss:$0x1] =	vst.idx.msk $0xffff, v2;
	s0 =	sshra.s32 s14, $0x2  }
0x428: {  	s14 =	sadd.s32 $0x40, s14;
	v2 =	vld.idx.msk [tilespmem:v1+s0+$0xFFFFFC80 ss:$0x1], $0xffff  }
0x429: {  	_ =	sdelay $0x3  }
0x42a: {  	v3 =	vld.idx.msk [tilespmem:v1+s0+$0xFFFFFC00 ss:$0x1], $0xffff;
	_ =	sdelay $0x1  }
0x42b: {  	v4 =	vld.idx.msk [tilespmem:v1+s0+$0xFFFFFD00 ss:$0x1], $0xffff;
	_ =	sdelay $0x1  }
0x42c: {  	v5 =	vld.idx.msk [tilespmem:v1+s0+$0xFFFFFD80 ss:$0x1], $0xffff  }
0x42d: {  	v2 =	vadd.f32 v2, v3  }
0x42e: {  	v52 =	vld.idx.msk [tilespmem:v1+s0+$0xFFFFFE00 ss:$0x1], $0xffff  }
0x42f: {  	v2 =	vadd.f32 v4, v2  }
0x430: {  	v53 =	vld.idx.msk [tilespmem:v1+s0+$0xFFFFFE80 ss:$0x1], $0xffff  }
0x431: {  	v2 =	vadd.f32 v5, v2  }
0x432: {  	v54 =	vld.idx.msk [tilespmem:v1+s0+$0xFFFFFF00 ss:$0x1], $0xffff  }
0x433: {  	v2 =	vadd.f32 v52, v2  }
0x434: {  	v55 =	vld.idx.msk [tilespmem:v1+s0+$0xFFFFFF80 ss:$0x1], $0xffff  }
0x435: {  	v2 =	vadd.f32 v53, v2  }
0x436: {  	v56 =	vld.idx.msk [tilespmem:v1+s0+$0x0 ss:$0x1], $0xffff  }
0x437: {  	v2 =	vadd.f32 v54, v2  }
0x438: {  	v57 =	vld.idx.msk [tilespmem:v1+s0+$0x80 ss:$0x1], $0xffff  }
0x439: {  	v2 =	vadd.f32 v55, v2  }
0x43a: {  	v58 =	vld.idx.msk [tilespmem:v1+s0+$0x100 ss:$0x1], $0xffff  }
0x43b: {  	v2 =	vadd.f32 v56, v2  }
0x43c: {  	v59 =	vld.idx.msk [tilespmem:v1+s0+$0x180 ss:$0x1], $0xffff  }
0x43d: {  	v2 =	vadd.f32 v57, v2  }
0x43e: {  	v60 =	vld.idx.msk [tilespmem:v1+s0+$0x200 ss:$0x1], $0xffff  }
0x43f: {  	v2 =	vadd.f32 v58, v2  }
0x440: {  	v61 =	vld.idx.msk [tilespmem:v1+s0+$0x280 ss:$0x1], $0xffff  }
0x441: {  	v2 =	vadd.f32 v59, v2  }
0x442: {  	v62 =	vld.idx.msk [tilespmem:v1+s0+$0x300 ss:$0x1], $0xffff  }
0x443: {  	v2 =	vadd.f32 v60, v2  }
0x444: {  	v63 =	vld.idx.msk [tilespmem:v1+s0+$0x380 ss:$0x1], $0xffff  }
0x445: {  	s13 =	sadd.s32 $0x1, s13;
	v2 =	vadd.f32 v61, v2  }
0x446: {  	p1 =	sne.s32 s13, $0x8  }
.Ltmp34:
0x447: {  	v2 =	vadd.f32 v62, v2;
	(pc) =	sbr.rel @p1 .LBB2_70-.Ltmp34, $3  }
0x448: {  	_ = 	snop  }
0x449: {  	v1 =	vadd.f32 v63, v2;
	_ =	sdelay $0x1  }
0x44a: {  	s11 =	sadd.s32 $0x80, s11;
	s7 =	sadd.s32 $0x800, s7;
	[tilespmem:v0+s0+$0x0 ss:$0x1] =	vst.idx.msk $0xffff, v1  }
.Ltmp35:
0x44b: {  	(pc) =	sbr.rel @p0 .LBB2_57-.Ltmp35, $4  }
0x44c: {  	s0 =	smin.u32 s12, $0x48  }
0x44d: {  	s0 =	sshll.u32 s0, $0x7  }
0x44e: {  	s12 =	simm.s32 $0x1;
	p1 =	por $0x0, $0x0;
	s0 =	sadd.s32 $0x600, s0  }
0x44f: {  	[tilespmem:s23], [sflag:$0x4] =	stream.indirect.gather [hbm4b:s2+s16], $0x80, s0, s16, $0xb8;
	[tilespmem:$0x1AA80] =	vst v63  }
0x450: {  	s8 =	sadd.s32 $0x1, s8  }
0x451: {  	_ =	swait.ge [sflag:s18], $0x2000;
	s0 =	sadd.s32 s3, s9;
	p0 =	sne.s32 s8, $0x5  }
.Ltmp36:
0x452: {  	[sflag:s18] =	ssyncset.done $0x0;
	s0 =	sshll.u32 s0, $0x4;
	(pc) =	sbr.rel @p0 .LBB2_38-.Ltmp36, $4  }
0x453: {  	s20 =	simm.s32 $0x18A80;
	[sflag:s18] =	ssyncadd.s32 $0xFFFFE000;
	s7 =	sadd.s32 s6, s0  }
0x454: {  	[hbm4b:s7+s4] =	stream.linear.scatter [tilespmem:s20], [sflag:$0x8], $0x2000, $0x38;
	[tilespmem:$0x1AA80] =	vst v63  }
0x455: {  	s0 =	sadd.s32 s5, s0  }
0x456: {  	[hbm4b:s0+s4] =	stream.linear.scatter [tilespmem:s26], [sflag:$0x8], $0x2000, $0x38;
	[tilespmem:$0x1AA80] =	vst v63  }
0x457: {  	_ =	swait.ge [sflag:s28], $0x4000  }
0x458: {  	[sflag:s28] =	ssyncset.done $0x0  }
0x459: {  	[sflag:s28] =	ssyncadd.s32 $0xFFFFC000  }
0x45a: {  	_ =	swait.ge [sflag:s29], $0x4000  }
0x45b: {  	[sflag:s29] =	ssyncset.done $0x0  }
0x45c: {  	[sflag:s29] =	ssyncadd.s32 $0xFFFFC000  }
0x45d: {  	_ =	swait.ge [sflag:s30], $0x4000  }
0x45e: {  	[sflag:s30] =	ssyncset.done $0x0  }
0x45f: {  	[sflag:s30] =	ssyncadd.s32 $0xFFFFC000  }
0x460: {  	_ =	swait.ge [sflag:s31], $0x4000  }
0x461: {  	[sflag:s31] =	ssyncset.done $0x0  }
0x462: {  	[sflag:s31] =	ssyncadd.s32 $0xFFFFC000  }
0x463: {  	_ =	swait.ge [sflag:s22], $0x2000  }
0x464: {  	[sflag:s22] =	ssyncset.done $0x0  }
0x465: {  	[sflag:s22] =	ssyncadd.s32 $0xFFFFE000  }
0x466: {  	_ =	swait.ge [sflag:s22], $0x2000  }
0x467: {  	[sflag:s22] =	ssyncset.done $0x0  }
0x468: {  	[sflag:s22] =	ssyncadd.s32 $0xFFFFE000  }
0x469: {  	_ =	swait.ge [sflag:s15], $0x2000  }
0x46a: {  	[sflag:s15] =	ssyncset.done $0x0  }
0x46b: {  	[sflag:s15] =	ssyncadd.s32 $0xFFFFE000  }
0x46c: {  	_ =	swait.ge [sflag:s15], $0x2000  }
0x46d: {  	s7 =	rddreg [dreg:$0xb]  }
0x46e: {  	s0 =	rddreg [dreg:$0xa];
	s7 =	sadd.s32 $0x1, s7  }
0x46f: {  	p0 =	sne.s32 s7, s0  }
.Ltmp37:
0x470: {  	_ = 	snop;
	(pc) =	sbr.rel @p0 .LBB2_1-.Ltmp37, $3  }
0x471: {  	_ =	sdelay $0x1  }
0x472: {  	[sflag:s15] =	ssyncset.done $0x0  }
0x473: {  	[sflag:s15] =	ssyncadd.s32 $0xFFFFE000  }
0x474: {  	_ =	sfence.sel $0x180000  }
0x475: {  	[bflag:$0x0] =	sbarrier.arrive $0xFFFF  }
0x476: {  	_ =	strace $0x90000047  }
0x477: {  	s0 =	stileid.u32;
	[bflag:$0x2] =	sbarrier.arrive $0xFFFF  }
0x478: {  	p0 =	sne.s32 s0, $0x0;
	s0 =	rddreg [dreg:$0x3]  }
0x479: {  	s0 =	sadd.s32 @!p0 $0x100000, s0  }
0x47a: {  	[sflag:s0] =	ssyncadd.tile.s32 @!p0 $0x1;
	_ =	shalt  }
.Lfunc_end2:
_tile_overlayer_lowered:
.L_overlay_start_2:
0x47b: {  	(tag) =	ssettag $0x2  }
0x47c: {  	s0 =	rddreg [dreg:$0x0];
	s2 =	stileid.u32  }
0x47d: {  	s1 =	rddreg [dreg:$0x1];
	p0 =	sne.s32 s2, $0x0  }
0x47e: {  	s3 =	rddreg [dreg:$0x2];
	[bflag:$0x3] =	sbarrier.arrive $0xFFFF;
	s2 =	simm.s32 @!p0 $0x1C09  }
0x47f: {  	[timem:s3], [sflag:s2] =	dma.local @!p0 [hbm:s0], s1  }
0x480: {  	s0 =	simm.s32 @!p0 $0x9  }
0x481: {  	_ =	swait.ge @!p0 [sflag:s0], s1  }
0x482: {  	s1 =	ssub.s32 @!p0 $0x0, s1;
	[sflag:s0] =	ssyncset.done @!p0 $0x0  }
0x483: {  	[sflag:s0] =	ssyncadd.s32 @!p0 s1  }
0x484: {  	[bflag:$0x3] =	sbarrier.arrive $0xFFFF  }
0x485: {  	_ =	shalt  }

</sc_bundles>
